<compile_context>
chip_gen: v7x
topology: tpu7x:2x2x1
jax: 0.10.2.dev20260603
libtpu: 0.0.44.dev20260713+nightly
codegen_flags: <defaults>
</compile_context>

<pallas_src>
import functools

import jax
import jax.numpy as jnp
from jax import lax
from jax.experimental import pallas as pl
from jax.experimental.pallas import tpu as pltpu
from jax.experimental.pallas import tpu_sc as plsc

N = 50000
E = 800000
D = 64
H = D // 2

N_PAD = 50176
E_PAD = 802816
N_EXTRA = E_PAD - E
IDX_ROWS = E_PAD // 128
ROWS_PER_TILE = IDX_ROWS // 16
NODE_ROWS_PER_TILE = N_PAD // 16

AGG_ICHUNK = 4
AGG_NCHUNK = ROWS_PER_TILE // AGG_ICHUNK
ZROWS = 28
NZCOPY = NODE_ROWS_PER_TILE // ZROWS
CORORS = 112
NCOCOPY = NODE_ROWS_PER_TILE // CORORS

DEG_ICHUNK = 8
DEG_NCHUNK = ROWS_PER_TILE // DEG_ICHUNK

_SC_MESH = plsc.VectorSubcoreMesh(core_axis_name="c", subcore_axis_name="s")


@functools.partial(
    pl.kernel,
    out_type=[
        jax.ShapeDtypeStruct((N_PAD,), jnp.float32),
        jax.ShapeDtypeStruct((N_PAD,), jnp.float32),
    ],
    mesh=_SC_MESH,
    compiler_params=pltpu.CompilerParams(use_tc_tiling_on_sc=False),
    scratch_types=[
        pltpu.VMEM((3, DEG_ICHUNK, 128), jnp.int32),
        pltpu.VMEM((128,), jnp.float32),
        pltpu.VMEM((NODE_ROWS_PER_TILE,), jnp.float32),
        pltpu.VMEM_SHARED((N_PAD,), jnp.float32),
        pltpu.SemaphoreType.DMA,
        pltpu.SemaphoreType.DMA,
        pltpu.SemaphoreType.DMA,
        pltpu.SemaphoreType.DMA,
    ],
)
def _deg_kernel(src_hbm, dst_hbm, dego_hbm, degi_hbm, idx_v, ones_v, z_v, acc,
                isem, ssem0, ssem1, ssem2):
    c = lax.axis_index("c")
    s = lax.axis_index("s")
    n_rows = ROWS_PER_TILE

    @pl.loop(0, 8)
    def _fill_ones(i):
        ones_v[pl.ds(i * 16, 16)] = jnp.ones((16,), jnp.float32)

    @pl.loop(0, NODE_ROWS_PER_TILE // 16)
    def _fill_zeros(i):
        z_v[pl.ds(i * 16, 16)] = jnp.zeros((16,), jnp.float32)

    pltpu.sync_copy(z_v, acc.at[pl.ds(s * NODE_ROWS_PER_TILE, NODE_ROWS_PER_TILE)])

    @pl.when(c == 0)
    def _():
        pltpu.sync_copy(src_hbm.at[pl.ds(s * n_rows, DEG_ICHUNK)], idx_v.at[0])

    @pl.when(c == 1)
    def _():
        pltpu.sync_copy(dst_hbm.at[pl.ds(s * n_rows, DEG_ICHUNK)], idx_v.at[0])

    plsc.subcore_barrier()

    def _wait_scatter(m):
        def _w(sem):
            pltpu.make_async_copy(ones_v, acc.at[idx_v.at[0, 0]], sem).wait()

        @pl.when(m == 0)
        def _():
            _w(ssem0)

        @pl.when(m == 1)
        def _():
            _w(ssem1)

        @pl.when(m == 2)
        def _():
            _w(ssem2)

    @pl.loop(0, n_rows)
    def _edges(r):
        g = r // DEG_ICHUNK
        j = r % DEG_ICHUNK
        slot = g % 3

        @pl.when(j == 0)
        def _():
            @pl.when(g > 0)
            def _():
                pltpu.make_async_copy(
                    src_hbm.at[pl.ds(0, DEG_ICHUNK)], idx_v.at[0], isem
                ).wait()

            @pl.when(g < DEG_NCHUNK - 1)
            def _():
                nslot = (g + 1) % 3
                base = s * n_rows + (g + 1) * DEG_ICHUNK

                @pl.when(c == 0)
                def _():
                    pltpu.async_copy(
                        src_hbm.at[pl.ds(base, DEG_ICHUNK)], idx_v.at[nslot], isem
                    )

                @pl.when(c == 1)
                def _():
                    pltpu.async_copy(
                        dst_hbm.at[pl.ds(base, DEG_ICHUNK)], idx_v.at[nslot], isem
                    )

        @pl.when(r >= 3)
        def _():
            _wait_scatter(r % 3)

        def _fire(sem):
            pltpu.async_copy(ones_v, acc.at[idx_v.at[slot, j]], sem, add=True)

        @pl.when(r % 3 == 0)
        def _():
            _fire(ssem0)

        @pl.when(r % 3 == 1)
        def _():
            _fire(ssem1)

        @pl.when(r % 3 == 2)
        def _():
            _fire(ssem2)

    _wait_scatter(0)
    _wait_scatter(1)
    _wait_scatter(2)
    plsc.subcore_barrier()

    pltpu.sync_copy(acc.at[pl.ds(s * NODE_ROWS_PER_TILE, NODE_ROWS_PER_TILE)], z_v)

    @pl.when(jnp.logical_and(c == 0, s == 0))
    def _():
        head = z_v[pl.ds(0, 16)]
        corr = jnp.where(
            lax.iota(jnp.int32, 16) == 0, jnp.float32(N_EXTRA), jnp.float32(0.0)
        )
        z_v[pl.ds(0, 16)] = head - corr

    @pl.when(c == 0)
    def _():
        pltpu.sync_copy(
            z_v, dego_hbm.at[pl.ds(s * NODE_ROWS_PER_TILE, NODE_ROWS_PER_TILE)]
        )

    @pl.when(c == 1)
    def _():
        pltpu.sync_copy(
            z_v, degi_hbm.at[pl.ds(s * NODE_ROWS_PER_TILE, NODE_ROWS_PER_TILE)]
        )


@functools.partial(
    pl.kernel,
    out_type=[
        jax.ShapeDtypeStruct((N_PAD, H), jnp.float32),
        jax.ShapeDtypeStruct((N_PAD, H), jnp.float32),
        jax.ShapeDtypeStruct((N_PAD, H), jnp.float32),
        jax.ShapeDtypeStruct((N_PAD, H), jnp.float32),
    ],
    mesh=_SC_MESH,
    compiler_params=pltpu.CompilerParams(
        use_tc_tiling_on_sc=False, needs_layout_passes=False
    ),
    scratch_types=[
        pltpu.VMEM((4, AGG_ICHUNK, 128), jnp.int32),
        pltpu.VMEM((4, AGG_ICHUNK, 128), jnp.int32),
        pltpu.VMEM((6, 128, H), jnp.float32),
        pltpu.VMEM((ZROWS, H), jnp.float32),
        pltpu.VMEM((CORORS,), jnp.float32),
        pltpu.VMEM((CORORS,), jnp.float32),
        pltpu.VMEM((CORORS,), jnp.float32),
        pltpu.VMEM((CORORS,), jnp.float32),
        pltpu.VMEM((1, H), jnp.float32),
        pltpu.VMEM_SHARED((N_PAD, H), jnp.float32),
        pltpu.SemaphoreType.DMA,
        pltpu.SemaphoreType.DMA,
        pltpu.SemaphoreType.DMA,
        pltpu.SemaphoreType.DMA,
        pltpu.SemaphoreType.DMA,
        pltpu.SemaphoreType.DMA,
        pltpu.SemaphoreType.DMA,
        pltpu.SemaphoreType.DMA,
    ],
)
def _mega_kernel(ylo_hbm, yhi_hbm, src_hbm, dst_hbm, dego_hbm, degi_hbm, b1_hbm,
                 y2lo_hbm, y2hi_hbm, alo_hbm, ahi_hbm,
                 sidx, didx, rows, z_v, dob, dib, sob, sib, bbuf, acc,
                 zsem, isem, gsem0, gsem1, gsem2, ssem0, ssem1, ssem2):
    c = lax.axis_index("c")
    s = lax.axis_index("s")
    n_rows = ROWS_PER_TILE

    @pl.loop(0, ZROWS)
    def _fill_zeros(i):
        @pl.loop(0, H // 16)
        def _inner(j):
            z_v[i, pl.ds(j * 16, 16)] = jnp.zeros((16,), jnp.float32)

    @pl.loop(0, NZCOPY // 8)
    def _zero_batch(kb):
        @pl.loop(0, 8)
        def _zero_fire(k):
            pltpu.async_copy(
                z_v,
                acc.at[pl.ds(s * NODE_ROWS_PER_TILE + (kb * 8 + k) * ZROWS, ZROWS)],
                zsem,
            )

        @pl.loop(0, 8)
        def _zero_drain(k):
            pltpu.make_async_copy(z_v, acc.at[pl.ds(0, ZROWS)], zsem).wait()

    def _prime_idx():
        pltpu.sync_copy(src_hbm.at[pl.ds(s * n_rows, AGG_ICHUNK)], sidx.at[0])
        pltpu.sync_copy(dst_hbm.at[pl.ds(s * n_rows, AGG_ICHUNK)], didx.at[0])
        pltpu.async_copy(
            src_hbm.at[pl.ds(s * n_rows + AGG_ICHUNK, AGG_ICHUNK)], sidx.at[1], isem
        )
        pltpu.async_copy(
            dst_hbm.at[pl.ds(s * n_rows + AGG_ICHUNK, AGG_ICHUNK)], didx.at[1], isem
        )

    _prime_idx()
    plsc.subcore_barrier()

    def _gsem(m, fn):
        @pl.when(m == 0)
        def _():
            fn(gsem0)

        @pl.when(m == 1)
        def _():
            fn(gsem1)

        @pl.when(m == 2)
        def _():
            fn(gsem2)

    def _ssem(m, fn):
        @pl.when(m == 0)
        def _():
            fn(ssem0)

        @pl.when(m == 1)
        def _():
            fn(ssem1)

        @pl.when(m == 2)
        def _():
            fn(ssem2)

    def _wait_iload():
        pltpu.make_async_copy(src_hbm.at[pl.ds(0, AGG_ICHUNK)], sidx.at[0], isem).wait()
        pltpu.make_async_copy(dst_hbm.at[pl.ds(0, AGG_ICHUNK)], didx.at[0], isem).wait()

    def _agg_pass(tlo, thi):

        def _fire_gather(r):
            slot = (r // AGG_ICHUNK) % 4
            j = r % AGG_ICHUNK
            buf = r % 6

            def _do(sem):
                @pl.when(c == 0)
                def _():
                    pltpu.async_copy(tlo.at[sidx.at[slot, j]], rows.at[buf], sem)

                @pl.when(c == 1)
                def _():
                    pltpu.async_copy(thi.at[sidx.at[slot, j]], rows.at[buf], sem)

            _gsem(r % 3, _do)

        def _wait_gather(r):
            def _do(sem):
                pltpu.make_async_copy(tlo.at[sidx.at[0, 0]], rows.at[0], sem).wait()

            _gsem(r % 3, _do)

        def _fire_scatter(r):
            slot = (r // AGG_ICHUNK) % 4
            j = r % AGG_ICHUNK
            buf = r % 6

            def _do(sem):
                pltpu.async_copy(rows.at[buf], acc.at[didx.at[slot, j]], sem, add=True)

            _ssem(r % 3, _do)

        def _wait_scatter(r):
            def _do(sem):
                pltpu.make_async_copy(rows.at[0], acc.at[didx.at[0, 0]], sem).wait()

            _ssem(r % 3, _do)

        _fire_gather(0)
        _fire_gather(1)
        _fire_gather(2)

        @pl.loop(0, n_rows)
        def _edges(r):
            g = r // AGG_ICHUNK
            j = r % AGG_ICHUNK

            @pl.when(j == 0)
            def _():
                @pl.when(g < AGG_NCHUNK - 1)
                def _():
                    _wait_iload()

                @pl.when(g < AGG_NCHUNK - 2)
                def _():
                    nslot = (g + 2) % 4
                    base = s * n_rows + (g + 2) * AGG_ICHUNK
                    pltpu.async_copy(src_hbm.at[pl.ds(base, AGG_ICHUNK)], sidx.at[nslot], isem)
                    pltpu.async_copy(dst_hbm.at[pl.ds(base, AGG_ICHUNK)], didx.at[nslot], isem)

            _wait_gather(r)

            @pl.when(r >= 3)
            def _():
                _wait_scatter(r % 3)

            @pl.when(r < n_rows - 3)
            def _():
                _fire_gather(r + 3)

            _fire_scatter(r)

        _wait_scatter(0)
        _wait_scatter(1)
        _wait_scatter(2)

    _agg_pass(ylo_hbm, yhi_hbm)
    plsc.subcore_barrier()

    def _vrsqrt(x):
        i = plsc.bitcast(x, jnp.int32)
        y = plsc.bitcast(jnp.int32(0x5F3759DF) - (i >> 1), jnp.float32)
        for _ in range(3):
            y = y * (1.5 - 0.5 * x * y * y)
        return y

    pltpu.sync_copy(b1_hbm.at[pl.ds(c, 1)], bbuf)
    b_a = bbuf[0, pl.ds(0, 16)]
    b_b = bbuf[0, pl.ds(16, 16)]

    @pl.loop(0, NCOCOPY)
    def _phase_b(k):
        b = k % 2
        row0 = s * NODE_ROWS_PER_TILE + k * CORORS
        chunk = pl.ds(row0, CORORS)

        @pl.when(k >= 2)
        def _():
            def _d(sem):
                pltpu.make_async_copy(
                    rows.at[0].at[pl.ds(0, CORORS)], y2lo_hbm.at[pl.ds(0, CORORS)], sem
                ).wait()

            @pl.when(b == 0)
            def _():
                _d(gsem0)

            @pl.when(b == 1)
            def _():
                _d(gsem1)

        pltpu.sync_copy(acc.at[chunk], rows.at[b].at[pl.ds(0, CORORS)])
        pltpu.sync_copy(dego_hbm.at[chunk], dob)
        pltpu.sync_copy(degi_hbm.at[chunk], dib)

        @pl.loop(0, CORORS // 16)
        def _rsq(t):
            sl = pl.ds(t * 16, 16)
            sob[sl] = _vrsqrt(jnp.maximum(dob[sl], 1.0))
            sib[sl] = _vrsqrt(jnp.maximum(dib[sl], 1.0))

        @pl.loop(0, CORORS // 16)
        def _rowgrp(t):
            sivec = sib[pl.ds(t * 16, 16)]
            sovec = sob[pl.ds(t * 16, 16)]
            for q in range(16):
                i = t * 16 + q
                si = sivec[q]
                so = sovec[q]
                va = rows[b, i, pl.ds(0, 16)]
                vb = rows[b, i, pl.ds(16, 16)]
                rows[b, i, pl.ds(0, 16)] = jnp.maximum(va * si + b_a, 0.0) * so
                rows[b, i, pl.ds(16, 16)] = jnp.maximum(vb * si + b_b, 0.0) * so

        def _f(sem):
            @pl.when(c == 0)
            def _():
                pltpu.async_copy(rows.at[b].at[pl.ds(0, CORORS)], y2lo_hbm.at[chunk], sem)

            @pl.when(c == 1)
            def _():
                pltpu.async_copy(rows.at[b].at[pl.ds(0, CORORS)], y2hi_hbm.at[chunk], sem)

        @pl.when(b == 0)
        def _():
            _f(gsem0)

        @pl.when(b == 1)
        def _():
            _f(gsem1)

        @pl.when(k >= 1)
        def _():
            @pl.loop(0, 4)
            def _zw(q):
                pltpu.make_async_copy(z_v, acc.at[pl.ds(0, ZROWS)], zsem).wait()

        @pl.loop(0, 4)
        def _zf(q):
            pltpu.async_copy(z_v, acc.at[pl.ds(row0 + q * ZROWS, ZROWS)], zsem)

    def _drain_y2(sem):
        pltpu.make_async_copy(
            rows.at[0].at[pl.ds(0, CORORS)], y2lo_hbm.at[pl.ds(0, CORORS)], sem
        ).wait()

    _drain_y2(gsem0)
    _drain_y2(gsem1)

    @pl.loop(0, 4)
    def _zw_last(q):
        pltpu.make_async_copy(z_v, acc.at[pl.ds(0, ZROWS)], zsem).wait()

    _prime_idx()
    plsc.subcore_barrier()

    _agg_pass(y2lo_hbm, y2hi_hbm)
    plsc.subcore_barrier()

    @pl.loop(0, NCOCOPY)
    def _copy_out(k):
        b = k % 2
        chunk = pl.ds(s * NODE_ROWS_PER_TILE + k * CORORS, CORORS)

        @pl.when(k >= 2)
        def _():
            def _d(sem):
                pltpu.make_async_copy(
                    rows.at[0].at[pl.ds(0, CORORS)], alo_hbm.at[pl.ds(0, CORORS)], sem
                ).wait()

            @pl.when(b == 0)
            def _():
                _d(gsem0)

            @pl.when(b == 1)
            def _():
                _d(gsem1)

        pltpu.sync_copy(acc.at[chunk], rows.at[b].at[pl.ds(0, CORORS)])

        def _f(sem):
            @pl.when(c == 0)
            def _():
                pltpu.async_copy(rows.at[b].at[pl.ds(0, CORORS)], alo_hbm.at[chunk], sem)

            @pl.when(c == 1)
            def _():
                pltpu.async_copy(rows.at[b].at[pl.ds(0, CORORS)], ahi_hbm.at[chunk], sem)

        @pl.when(b == 0)
        def _():
            _f(gsem0)

        @pl.when(b == 1)
        def _():
            _f(gsem1)

    def _drain(sem):
        pltpu.make_async_copy(
            rows.at[0].at[pl.ds(0, CORORS)], alo_hbm.at[pl.ds(0, CORORS)], sem
        ).wait()

    _drain(gsem0)
    _drain(gsem1)


_RB = N_PAD // 8


def _tc0_body(x_ref, w_ref, dego_ref, ylo_ref, yhi_ref):
    i = pl.program_id(0)
    so = lax.rsqrt(jnp.maximum(dego_ref[pl.ds(i * _RB, _RB)], 1.0))[:, None]
    y = jnp.dot(x_ref[...], w_ref[...], preferred_element_type=jnp.float32) * so
    ylo_ref[...] = y[:, :H]
    yhi_ref[...] = y[:, H:]


def _tc2_body(alo_ref, ahi_ref, degi_ref, b_ref, w_ref, out_ref):
    i = pl.program_id(0)
    si = lax.rsqrt(jnp.maximum(degi_ref[pl.ds(i * _RB, _RB)], 1.0))[:, None]
    out_ref[...] = (
        jnp.dot(alo_ref[...] * si, w_ref[:H, :], preferred_element_type=jnp.float32)
        + jnp.dot(ahi_ref[...] * si, w_ref[H:, :], preferred_element_type=jnp.float32)
        + b_ref[...]
    )


def _row_spec(cols):
    return pl.BlockSpec((_RB, cols), lambda i: (i, 0))


def _vec_spec():
    return pl.BlockSpec((N_PAD,), lambda i: (0,))


def _full_spec(r, cols):
    return pl.BlockSpec((r, cols), lambda i: (0, 0))


_tc0 = pl.pallas_call(
    _tc0_body,
    grid=(8,),
    in_specs=[_row_spec(D), _full_spec(D, D), _vec_spec()],
    out_specs=[_row_spec(H), _row_spec(H)],
    out_shape=[
        jax.ShapeDtypeStruct((N_PAD, H), jnp.float32),
        jax.ShapeDtypeStruct((N_PAD, H), jnp.float32),
    ],
)

_tc2 = pl.pallas_call(
    _tc2_body,
    grid=(8,),
    in_specs=[
        _row_spec(H), _row_spec(H), _vec_spec(), _full_spec(1, D),
        _full_spec(D, D),
    ],
    out_specs=pl.BlockSpec((_RB, D), lambda i: (i, 0)),
    out_shape=jax.ShapeDtypeStruct((N, D), jnp.float32),
)


def kernel(edge_index, node_embeddings, W1, b1, W2, b2):
    src = edge_index[0].astype(jnp.int32)
    dst = edge_index[1].astype(jnp.int32)
    srcp = jnp.concatenate(
        [src, jnp.zeros((N_EXTRA,), jnp.int32)]
    ).reshape(IDX_ROWS, 128)
    dstp = jnp.concatenate(
        [dst, jnp.full((N_EXTRA,), N, jnp.int32)]
    ).reshape(IDX_ROWS, 128)

    dego, degi = _deg_kernel(srcp, dstp)

    ylo, yhi = _tc0(node_embeddings, W1, dego)
    _y2lo, _y2hi, a2lo, a2hi = _mega_kernel(
        ylo, yhi, srcp, dstp, dego, degi, b1.reshape(2, H)
    )
    out = _tc2(a2lo, a2hi, degi, b2.reshape(1, D), W2)
    return out

# --- scband reference (transcript-rebuilt; emitter-appended) ---
"""Pipeline reference for scband-hgcn-9019431321776 (READ-ONLY COPY).

The authoritative reference and input builder live on the scoring server;
editing this copy changes nothing except your own understanding.
"""

import jax, jax.numpy as jnp
import numpy as np

N = 50000
E = 800000
D = 64


def setup_inputs(seed: int = 0) -> dict:
    key = jax.random.key(seed)
    k1, k2, k3, k4 = jax.random.split(key, 4)
    edge_index = jax.random.randint(k1, (2, E), 0, N)
    node_embeddings = jax.random.normal(k2, (N, D), dtype=jnp.float32)
    # GraphConv weights (glorot-ish scale) and biases
    W1 = jax.random.normal(k3, (D, D), dtype=jnp.float32) * (1.0 / np.sqrt(D))
    b1 = jnp.zeros((D,), dtype=jnp.float32)
    W2 = jax.random.normal(k4, (D, D), dtype=jnp.float32) * (1.0 / np.sqrt(D))
    b2 = jnp.zeros((D,), dtype=jnp.float32)
    return {
        "edge_index": edge_index,
        "node_embeddings": node_embeddings,
        "W1": W1,
        "b1": b1,
        "W2": W2,
        "b2": b2,
    }


def _graph_conv(x, edge_index, W, b, activation=None):
    # DGL GraphConv with norm='both':
    #   h = D_in^{-1/2} * A^T * (D_out^{-1/2} * x) * W + b
    src = edge_index[0]
    dst = edge_index[1]
    deg_out = jnp.clip(jnp.bincount(src, length=N), 1, None).astype(x.dtype)
    deg_in = jnp.clip(jnp.bincount(dst, length=N), 1, None).astype(x.dtype)
    h = x * (deg_out ** -0.5)[:, None]
    msg = h[src]  # gather over edges
    agg = jax.ops.segment_sum(msg, dst, num_segments=N)  # scatter-add
    h = agg * (deg_in ** -0.5)[:, None]
    h = h @ W + b
    if activation is not None:
        h = activation(h)
    return h


def reference(edge_index, node_embeddings, W1, b1, W2, b2):
    # HGCN.forward: two stacked GraphConv layers over learned node embeddings.
    # (Poincare ball / curvature is re-instantiated but does not affect forward output.)
    h = _graph_conv(node_embeddings, edge_index, W1, b1, activation=jax.nn.relu)
    h = _graph_conv(h, edge_index, W2, b2, activation=None)
    return h

if __name__ == "__main__":
    import jax
    _d = setup_inputs()
    print(jax.jit(kernel)(*tuple(_d.values())))

</pallas_src>

<mosaic_0001>
#map = affine_map<(d0, d1) -> (0, 0)>
#map1 = affine_map<(d0, d1) -> (0)>
module attributes {stable_mosaic.version = 14 : i64} {
  func.func @_deg_kernel(%arg0: i32, %arg1: i32, %arg2: memref<6272x128xi32, #tpu.memory_space<hbm>>, %arg3: memref<6272x128xi32, #tpu.memory_space<hbm>>, %arg4: memref<50176xf32, #tpu.memory_space<hbm>>, %arg5: memref<50176xf32, #tpu.memory_space<hbm>>, %arg6: memref<3x8x128xi32, #tpu.memory_space<vmem>>, %arg7: memref<128xf32, #tpu.memory_space<vmem>>, %arg8: memref<3136xf32, #tpu.memory_space<vmem>>, %arg9: memref<50176xf32, #tpu.memory_space<vmem_shared>>, %arg10: memref<!tpu.dma_semaphore, #tpu.memory_space<semaphore_mem>>, %arg11: memref<!tpu.dma_semaphore, #tpu.memory_space<semaphore_mem>>, %arg12: memref<!tpu.dma_semaphore, #tpu.memory_space<semaphore_mem>>, %arg13: memref<!tpu.dma_semaphore, #tpu.memory_space<semaphore_mem>>) attributes {dimension_semantics = [#tpu.dimension_semantics<core_parallel>, #tpu.dimension_semantics<subcore_parallel>], iteration_bounds = array<i64: 2, 16>, scalar_prefetch = 0 : i64, scratch_operands = 8 : i64, tpu.core_type = #tpu.core_type<sc_vector_subcore>, window_params = [{transform_indices = #map}, {transform_indices = #map}, {transform_indices = #map1}, {transform_indices = #map1}]} {
    %scan3A = arith.constant 0 : i32
    %scan3A_0 = arith.constant 8 : i32
    %scan3A_1 = arith.addi %scan3A, %scan3A_0 : i32
    %scan3A_2 = arith.constant 1 : i32
    scf.for %scan3A_62 = %scan3A to %scan3A_1 step %scan3A_2  : i32 {
      %mul3A_63 = arith.constant 1 : i32
      %mul3A_64 = arith.muli %scan3A_62, %mul3A_63 : i32
      %add3A = arith.constant 0 : i32
      %add3A_65 = arith.addi %add3A, %mul3A_64 : i32
      %broadcast_in_dim3A = arith.constant 1.000000e+00 : f32
      %broadcast_in_dim3A_66 = vector.broadcast %broadcast_in_dim3A : f32 to vector<16xf32>
      %mul3A_67 = arith.constant 16 : i32
      %mul3A_68 = arith.muli %add3A_65, %mul3A_67 : i32
      %swap3A = arith.index_cast %mul3A_68 : i32 to index
      %swap3A_69 = tpu.vector_load %arg7[%swap3A] {strides = array<i32>} : memref<128xf32, #tpu.memory_space<vmem>>, vector<16xf32>,
      %swap3A_70 = vector.shape_cast %swap3A_69 : vector<16xf32> to vector<16xf32>
      %swap3A_71 = vector.shape_cast %broadcast_in_dim3A_66 : vector<16xf32> to vector<16xf32>
      tpu.vector_store %arg7[%swap3A], %swap3A_71 {strides = array<i32>} : memref<128xf32, #tpu.memory_space<vmem>>, vector<16xf32>,
    }
    %scan3A_3 = arith.constant 8 : i32
    %scan3A_4 = arith.constant 0 : i32
    %scan3A_5 = arith.constant 196 : i32
    %scan3A_6 = arith.addi %scan3A_4, %scan3A_5 : i32
    %scan3A_7 = arith.constant 1 : i32
    scf.for %scan3A_62 = %scan3A_4 to %scan3A_6 step %scan3A_7  : i32 {
      %mul3A_63 = arith.constant 1 : i32
      %mul3A_64 = arith.muli %scan3A_62, %mul3A_63 : i32
      %add3A = arith.constant 0 : i32
      %add3A_65 = arith.addi %add3A, %mul3A_64 : i32
      %broadcast_in_dim3A = arith.constant 0.000000e+00 : f32
      %broadcast_in_dim3A_66 = vector.broadcast %broadcast_in_dim3A : f32 to vector<16xf32>
      %mul3A_67 = arith.constant 16 : i32
      %mul3A_68 = arith.muli %add3A_65, %mul3A_67 : i32
      %swap3A = arith.index_cast %mul3A_68 : i32 to index
      %swap3A_69 = tpu.vector_load %arg8[%swap3A] {strides = array<i32>} : memref<3136xf32, #tpu.memory_space<vmem>>, vector<16xf32>,
      %swap3A_70 = vector.shape_cast %swap3A_69 : vector<16xf32> to vector<16xf32>
      %swap3A_71 = vector.shape_cast %broadcast_in_dim3A_66 : vector<16xf32> to vector<16xf32>
      tpu.vector_store %arg8[%swap3A], %swap3A_71 {strides = array<i32>} : memref<3136xf32, #tpu.memory_space<vmem>>, vector<16xf32>,
    }
    %scan3A_8 = arith.constant 196 : i32
    %mul3A = arith.constant 3136 : i32
    %mul3A_9 = arith.muli %arg1, %mul3A : i32
    "tpu.region"() ({
      %run_scoped3A = tpu.sem_alloc : memref<!tpu.dma_semaphore, #tpu.memory_space<semaphore_mem>>
      %dma_start3A = tpu.memref_slice %arg9[%mul3A_9] : memref<50176xf32, #tpu.memory_space<vmem_shared>> -> memref<3136xf32, #tpu.memory_space<vmem_shared>>
      %dma_start3A_62 = tpu.memref_slice %arg9[%mul3A_9] : memref<50176xf32, #tpu.memory_space<vmem_shared>> -> memref<3136xf32, #tpu.memory_space<vmem_shared>>
      tpu.enqueue_dma source(%arg8 : memref<3136xf32, #tpu.memory_space<vmem>>) target(%dma_start3A_62 : memref<3136xf32, #tpu.memory_space<vmem_shared>>) target_semaphore(%run_scoped3A : memref<!tpu.dma_semaphore, #tpu.memory_space<semaphore_mem>>)
      %dma_wait3A_63 = tpu.memref_slice %arg9[%mul3A_9] : memref<50176xf32, #tpu.memory_space<vmem_shared>> -> memref<3136xf32, #tpu.memory_space<vmem_shared>>
      %dma_wait3A_64 = tpu.memref_slice %arg9[%mul3A_9] : memref<50176xf32, #tpu.memory_space<vmem_shared>> -> memref<3136xf32, #tpu.memory_space<vmem_shared>>
      tpu.wait_dma2 semaphore(%run_scoped3A : memref<!tpu.dma_semaphore, #tpu.memory_space<semaphore_mem>>) src(%arg8 : memref<3136xf32, #tpu.memory_space<vmem>>) dst(%dma_wait3A_64 : memref<3136xf32, #tpu.memory_space<vmem_shared>>)
      tpu.yield
    }) : () -> ()
    %eq3A = arith.constant 0 : i32
    %eq3A_10 = arith.cmpi eq, %arg0, %eq3A : i32
    %convert_element_type3A = arith.extui %eq3A_10 : i1 to i32
    %cond3A = arith.constant 0 : i32
    %cond3A_11 = arith.cmpi ne, %convert_element_type3A, %cond3A : i32
    scf.if %cond3A_11 {
      %mul3A_62 = arith.constant 392 : i32
      %mul3A_63 = arith.muli %arg1, %mul3A_62 : i32
      %run_scoped3A = arith.constant 0 : i32
      "tpu.region"() ({
        %run_scoped3A_64 = tpu.sem_alloc : memref<!tpu.dma_semaphore, #tpu.memory_space<semaphore_mem>>
        %dma_start3A = arith.constant 0 : i32
        %dma_start3A_65 = arith.constant 0 : i32
        %dma_start3A_66 = tpu.memref_slice %arg6[%run_scoped3A, %dma_start3A, %dma_start3A_65] : memref<3x8x128xi32, #tpu.memory_space<vmem>> -> memref<1x8x128xi32, #tpu.memory_space<vmem>>
        %dma_start3A_67 = tpu.memref_squeeze %dma_start3A_66 : memref<1x8x128xi32, #tpu.memory_space<vmem>> -> memref<8x128xi32, #tpu.memory_space<vmem>>
        %dma_start3A_68 = arith.constant 0 : i32
        %dma_start3A_69 = tpu.memref_slice %arg2[%mul3A_63, %dma_start3A_68] : memref<6272x128xi32, #tpu.memory_space<hbm>> -> memref<8x128xi32, #tpu.memory_space<hbm>>
        %dma_start3A_70 = arith.constant 0 : i32
        %dma_start3A_71 = arith.constant 0 : i32
        %dma_start3A_72 = tpu.memref_slice %arg6[%run_scoped3A, %dma_start3A_70, %dma_start3A_71] : memref<3x8x128xi32, #tpu.memory_space<vmem>> -> memref<1x8x128xi32, #tpu.memory_space<vmem>>
        %dma_start3A_73 = tpu.memref_squeeze %dma_start3A_72 : memref<1x8x128xi32, #tpu.memory_space<vmem>> -> memref<8x128xi32, #tpu.memory_space<vmem>>
        %dma_start3A_74 = arith.constant 0 : i32
        %dma_start3A_75 = tpu.memref_slice %arg2[%mul3A_63, %dma_start3A_74] : memref<6272x128xi32, #tpu.memory_space<hbm>> -> memref<8x128xi32, #tpu.memory_space<hbm>>
        tpu.enqueue_dma source(%dma_start3A_75 : memref<8x128xi32, #tpu.memory_space<hbm>>) target(%dma_start3A_73 : memref<8x128xi32, #tpu.memory_space<vmem>>) target_semaphore(%run_scoped3A_64 : memref<!tpu.dma_semaphore, #tpu.memory_space<semaphore_mem>>)
        %dma_wait3A_76 = arith.constant 0 : i32
        %dma_wait3A_77 = arith.constant 0 : i32
        %dma_wait3A_78 = tpu.memref_slice %arg6[%run_scoped3A, %dma_wait3A_76, %dma_wait3A_77] : memref<3x8x128xi32, #tpu.memory_space<vmem>> -> memref<1x8x128xi32, #tpu.memory_space<vmem>>
        %dma_wait3A_79 = tpu.memref_squeeze %dma_wait3A_78 : memref<1x8x128xi32, #tpu.memory_space<vmem>> -> memref<8x128xi32, #tpu.memory_space<vmem>>
        %dma_wait3A_80 = arith.constant 0 : i32
        %dma_wait3A_81 = tpu.memref_slice %arg2[%mul3A_63, %dma_wait3A_80] : memref<6272x128xi32, #tpu.memory_space<hbm>> -> memref<8x128xi32, #tpu.memory_space<hbm>>
        %dma_wait3A_82 = arith.constant 0 : i32
        %dma_wait3A_83 = arith.constant 0 : i32
        %dma_wait3A_84 = tpu.memref_slice %arg6[%run_scoped3A, %dma_wait3A_82, %dma_wait3A_83] : memref<3x8x128xi32, #tpu.memory_space<vmem>> -> memref<1x8x128xi32, #tpu.memory_space<vmem>>
        %dma_wait3A_85 = tpu.memref_squeeze %dma_wait3A_84 : memref<1x8x128xi32, #tpu.memory_space<vmem>> -> memref<8x128xi32, #tpu.memory_space<vmem>>
        %dma_wait3A_86 = arith.constant 0 : i32
        %dma_wait3A_87 = tpu.memref_slice %arg2[%mul3A_63, %dma_wait3A_86] : memref<6272x128xi32, #tpu.memory_space<hbm>> -> memref<8x128xi32, #tpu.memory_space<hbm>>
        tpu.wait_dma2 semaphore(%run_scoped3A_64 : memref<!tpu.dma_semaphore, #tpu.memory_space<semaphore_mem>>) src(%dma_wait3A_87 : memref<8x128xi32, #tpu.memory_space<hbm>>) dst(%dma_wait3A_85 : memref<8x128xi32, #tpu.memory_space<vmem>>)
        tpu.yield
      }) : () -> ()
    } else {
    }
    %eq3A_12 = arith.constant 1 : i32
    %eq3A_13 = arith.cmpi eq, %arg0, %eq3A_12 : i32
    %convert_element_type3A_14 = arith.extui %eq3A_13 : i1 to i32
    %cond3A_15 = arith.constant 0 : i32
    %cond3A_16 = arith.cmpi ne, %convert_element_type3A_14, %cond3A_15 : i32
    scf.if %cond3A_16 {
      %mul3A_62 = arith.constant 392 : i32
      %mul3A_63 = arith.muli %arg1, %mul3A_62 : i32
      %run_scoped3A = arith.constant 0 : i32
      "tpu.region"() ({
        %run_scoped3A_64 = tpu.sem_alloc : memref<!tpu.dma_semaphore, #tpu.memory_space<semaphore_mem>>
        %dma_start3A = arith.constant 0 : i32
        %dma_start3A_65 = arith.constant 0 : i32
        %dma_start3A_66 = tpu.memref_slice %arg6[%run_scoped3A, %dma_start3A, %dma_start3A_65] : memref<3x8x128xi32, #tpu.memory_space<vmem>> -> memref<1x8x128xi32, #tpu.memory_space<vmem>>
        %dma_start3A_67 = tpu.memref_squeeze %dma_start3A_66 : memref<1x8x128xi32, #tpu.memory_space<vmem>> -> memref<8x128xi32, #tpu.memory_space<vmem>>
        %dma_start3A_68 = arith.constant 0 : i32
        %dma_start3A_69 = tpu.memref_slice %arg3[%mul3A_63, %dma_start3A_68] : memref<6272x128xi32, #tpu.memory_space<hbm>> -> memref<8x128xi32, #tpu.memory_space<hbm>>
        %dma_start3A_70 = arith.constant 0 : i32
        %dma_start3A_71 = arith.constant 0 : i32
        %dma_start3A_72 = tpu.memref_slice %arg6[%run_scoped3A, %dma_start3A_70, %dma_start3A_71] : memref<3x8x128xi32, #tpu.memory_space<vmem>> -> memref<1x8x128xi32, #tpu.memory_space<vmem>>
        %dma_start3A_73 = tpu.memref_squeeze %dma_start3A_72 : memref<1x8x128xi32, #tpu.memory_space<vmem>> -> memref<8x128xi32, #tpu.memory_space<vmem>>
        %dma_start3A_74 = arith.constant 0 : i32
        %dma_start3A_75 = tpu.memref_slice %arg3[%mul3A_63, %dma_start3A_74] : memref<6272x128xi32, #tpu.memory_space<hbm>> -> memref<8x128xi32, #tpu.memory_space<hbm>>
        tpu.enqueue_dma source(%dma_start3A_75 : memref<8x128xi32, #tpu.memory_space<hbm>>) target(%dma_start3A_73 : memref<8x128xi32, #tpu.memory_space<vmem>>) target_semaphore(%run_scoped3A_64 : memref<!tpu.dma_semaphore, #tpu.memory_space<semaphore_mem>>)
        %dma_wait3A_76 = arith.constant 0 : i32
        %dma_wait3A_77 = arith.constant 0 : i32
        %dma_wait3A_78 = tpu.memref_slice %arg6[%run_scoped3A, %dma_wait3A_76, %dma_wait3A_77] : memref<3x8x128xi32, #tpu.memory_space<vmem>> -> memref<1x8x128xi32, #tpu.memory_space<vmem>>
        %dma_wait3A_79 = tpu.memref_squeeze %dma_wait3A_78 : memref<1x8x128xi32, #tpu.memory_space<vmem>> -> memref<8x128xi32, #tpu.memory_space<vmem>>
        %dma_wait3A_80 = arith.constant 0 : i32
        %dma_wait3A_81 = tpu.memref_slice %arg3[%mul3A_63, %dma_wait3A_80] : memref<6272x128xi32, #tpu.memory_space<hbm>> -> memref<8x128xi32, #tpu.memory_space<hbm>>
        %dma_wait3A_82 = arith.constant 0 : i32
        %dma_wait3A_83 = arith.constant 0 : i32
        %dma_wait3A_84 = tpu.memref_slice %arg6[%run_scoped3A, %dma_wait3A_82, %dma_wait3A_83] : memref<3x8x128xi32, #tpu.memory_space<vmem>> -> memref<1x8x128xi32, #tpu.memory_space<vmem>>
        %dma_wait3A_85 = tpu.memref_squeeze %dma_wait3A_84 : memref<1x8x128xi32, #tpu.memory_space<vmem>> -> memref<8x128xi32, #tpu.memory_space<vmem>>
        %dma_wait3A_86 = arith.constant 0 : i32
        %dma_wait3A_87 = tpu.memref_slice %arg3[%mul3A_63, %dma_wait3A_86] : memref<6272x128xi32, #tpu.memory_space<hbm>> -> memref<8x128xi32, #tpu.memory_space<hbm>>
        tpu.wait_dma2 semaphore(%run_scoped3A_64 : memref<!tpu.dma_semaphore, #tpu.memory_space<semaphore_mem>>) src(%dma_wait3A_87 : memref<8x128xi32, #tpu.memory_space<hbm>>) dst(%dma_wait3A_85 : memref<8x128xi32, #tpu.memory_space<vmem>>)
        tpu.yield
      }) : () -> ()
    } else {
    }
    %barrier3A = arith.constant 0 : index
    tpu.barrier barrier_id(%barrier3A)
    %scan3A_17 = arith.constant 0 : i32
    %scan3A_18 = arith.constant 392 : i32
    %scan3A_19 = arith.addi %scan3A_17, %scan3A_18 : i32
    %scan3A_20 = arith.constant 1 : i32
    scf.for %scan3A_62 = %scan3A_17 to %scan3A_19 step %scan3A_20  : i32 {
      %mul3A_63 = arith.constant 1 : i32
      %mul3A_64 = arith.muli %scan3A_62, %mul3A_63 : i32
      %add3A = arith.constant 0 : i32
      %add3A_65 = arith.addi %add3A, %mul3A_64 : i32
      %jit3A = arith.constant 8 : i32
      %div3A = arith.divsi %add3A_65, %jit3A : i32
      %sign3A = arith.constant 0 : i32
      %sign3A_66 = arith.cmpi sgt, %add3A_65, %sign3A : i32
      %sign3A_67 = arith.extui %sign3A_66 : i1 to i32
      %sign3A_68 = arith.constant 0 : i32
      %sign3A_69 = arith.cmpi slt, %add3A_65, %sign3A_68 : i32
      %sign3A_70 = arith.extui %sign3A_69 : i1 to i32
      %sign3A_71 = arith.subi %sign3A_67, %sign3A_70 : i32
      %sign3A_72 = arith.constant 0 : i32
      %sign3A_73 = arith.cmpi sgt, %jit3A, %sign3A_72 : i32
      %sign3A_74 = arith.extui %sign3A_73 : i1 to i32
      %sign3A_75 = arith.constant 0 : i32
      %sign3A_76 = arith.cmpi slt, %jit3A, %sign3A_75 : i32
      %sign3A_77 = arith.extui %sign3A_76 : i1 to i32
      %sign3A_78 = arith.subi %sign3A_74, %sign3A_77 : i32
      %ne3A = arith.cmpi ne, %sign3A_71, %sign3A_78 : i32
      %rem3A = arith.remsi %add3A_65, %jit3A : i32
      %ne3A_79 = arith.constant 0 : i32
      %ne3A_80 = arith.cmpi ne, %rem3A, %ne3A_79 : i32
      %and3A_81 = arith.andi %ne3A, %ne3A_80 : i1
      %sub3A = arith.constant 1 : i32
      %sub3A_82 = arith.subi %div3A, %sub3A : i32
      %select_n3A = arith.select %and3A_81, %sub3A_82, %div3A : i32
      %jit3A_83 = arith.constant 8 : i32
      %eq3A_84 = arith.constant 0 : i32
      %eq3A_85 = arith.cmpi eq, %jit3A_83, %eq3A_84 : i32
      %jit3A_86 = arith.constant 1 : i32
      %select_n3A_87 = arith.select %eq3A_85, %jit3A_86, %jit3A_83 : i32
      %rem3A_88 = arith.remsi %add3A_65, %select_n3A_87 : i32
      %ne3A_89 = arith.constant 0 : i32
      %ne3A_90 = arith.cmpi ne, %rem3A_88, %ne3A_89 : i32
      %lt3A = arith.constant 0 : i32
      %lt3A_91 = arith.cmpi slt, %rem3A_88, %lt3A : i32
      %lt3A_92 = arith.constant 0 : i32
      %lt3A_93 = arith.cmpi slt, %select_n3A_87, %lt3A_92 : i32
      %ne3A_94 = arith.xori %lt3A_91, %lt3A_93 : i1
      %and3A_95 = arith.andi %ne3A_94, %ne3A_90 : i1
      %add3A_96 = arith.addi %rem3A_88, %select_n3A_87 : i32
      %select_n3A_97 = arith.select %and3A_95, %add3A_96, %rem3A_88 : i32
      %jit3A_98 = arith.constant 3 : i32
      %eq3A_99 = arith.constant 0 : i32
      %eq3A_100 = arith.cmpi eq, %jit3A_98, %eq3A_99 : i32
      %jit3A_101 = arith.constant 1 : i32
      %select_n3A_102 = arith.select %eq3A_100, %jit3A_101, %jit3A_98 : i32
      %rem3A_103 = arith.remsi %select_n3A, %select_n3A_102 : i32
      %ne3A_104 = arith.constant 0 : i32
      %ne3A_105 = arith.cmpi ne, %rem3A_103, %ne3A_104 : i32
      %lt3A_106 = arith.constant 0 : i32
      %lt3A_107 = arith.cmpi slt, %rem3A_103, %lt3A_106 : i32
      %lt3A_108 = arith.constant 0 : i32
      %lt3A_109 = arith.cmpi slt, %select_n3A_102, %lt3A_108 : i32
      %ne3A_110 = arith.xori %lt3A_107, %lt3A_109 : i1
      %and3A_111 = arith.andi %ne3A_110, %ne3A_105 : i1
      %add3A_112 = arith.addi %rem3A_103, %select_n3A_102 : i32
      %select_n3A_113 = arith.select %and3A_111, %add3A_112, %rem3A_103 : i32
      %eq3A_114 = arith.constant 0 : i32
      %eq3A_115 = arith.cmpi eq, %select_n3A_97, %eq3A_114 : i32
      %convert_element_type3A_116 = arith.extui %eq3A_115 : i1 to i32
      %cond3A_117 = arith.constant 0 : i32
      %cond3A_118 = arith.cmpi ne, %convert_element_type3A_116, %cond3A_117 : i32
      scf.if %cond3A_118 {
        %gt3A = arith.constant 0 : i32
        %gt3A_186 = arith.cmpi sgt, %select_n3A, %gt3A : i32
        %convert_element_type3A_187 = arith.extui %gt3A_186 : i1 to i32
        %cond3A_188 = arith.constant 0 : i32
        %cond3A_189 = arith.cmpi ne, %convert_element_type3A_187, %cond3A_188 : i32
        scf.if %cond3A_189 {
          %dma_wait3A_195 = arith.constant 0 : i32
          %dma_wait3A_196 = arith.constant 0 : i32
          %dma_wait3A_197 = arith.constant 0 : i32
          %dma_wait3A_198 = tpu.memref_slice %arg6[%dma_wait3A_195, %dma_wait3A_196, %dma_wait3A_197] : memref<3x8x128xi32, #tpu.memory_space<vmem>> -> memref<1x8x128xi32, #tpu.memory_space<vmem>>
          %dma_wait3A_199 = tpu.memref_squeeze %dma_wait3A_198 : memref<1x8x128xi32, #tpu.memory_space<vmem>> -> memref<8x128xi32, #tpu.memory_space<vmem>>
          %dma_wait3A_200 = arith.constant 0 : i32
          %dma_wait3A_201 = arith.constant 0 : i32
          %dma_wait3A_202 = tpu.memref_slice %arg2[%dma_wait3A_200, %dma_wait3A_201] : memref<6272x128xi32, #tpu.memory_space<hbm>> -> memref<8x128xi32, #tpu.memory_space<hbm>>
          %dma_wait3A_203 = arith.constant 0 : i32
          %dma_wait3A_204 = arith.constant 0 : i32
          %dma_wait3A_205 = tpu.memref_slice %arg6[%dma_wait3A_195, %dma_wait3A_203, %dma_wait3A_204] : memref<3x8x128xi32, #tpu.memory_space<vmem>> -> memref<1x8x128xi32, #tpu.memory_space<vmem>>
          %dma_wait3A_206 = tpu.memref_squeeze %dma_wait3A_205 : memref<1x8x128xi32, #tpu.memory_space<vmem>> -> memref<8x128xi32, #tpu.memory_space<vmem>>
          %dma_wait3A_207 = arith.constant 0 : i32
          %dma_wait3A_208 = arith.constant 0 : i32
          %dma_wait3A_209 = tpu.memref_slice %arg2[%dma_wait3A_207, %dma_wait3A_208] : memref<6272x128xi32, #tpu.memory_space<hbm>> -> memref<8x128xi32, #tpu.memory_space<hbm>>
          tpu.wait_dma2 semaphore(%arg10 : memref<!tpu.dma_semaphore, #tpu.memory_space<semaphore_mem>>) src(%dma_wait3A_209 : memref<8x128xi32, #tpu.memory_space<hbm>>) dst(%dma_wait3A_206 : memref<8x128xi32, #tpu.memory_space<vmem>>)
        } else {
        }
        %lt3A_190 = arith.constant 48 : i32
        %lt3A_191 = arith.cmpi slt, %select_n3A, %lt3A_190 : i32
        %convert_element_type3A_192 = arith.extui %lt3A_191 : i1 to i32
        %cond3A_193 = arith.constant 0 : i32
        %cond3A_194 = arith.cmpi ne, %convert_element_type3A_192, %cond3A_193 : i32
        scf.if %cond3A_194 {
          %add3A_195 = arith.constant 1 : i32
          %add3A_196 = arith.addi %select_n3A, %add3A_195 : i32
          %jit3A_197 = arith.constant 3 : i32
          %eq3A_198 = arith.constant 0 : i32
          %eq3A_199 = arith.cmpi eq, %jit3A_197, %eq3A_198 : i32
          %jit3A_200 = arith.constant 1 : i32
          %select_n3A_201 = arith.select %eq3A_199, %jit3A_200, %jit3A_197 : i32
          %rem3A_202 = arith.remsi %add3A_196, %select_n3A_201 : i32
          %ne3A_203 = arith.constant 0 : i32
          %ne3A_204 = arith.cmpi ne, %rem3A_202, %ne3A_203 : i32
          %lt3A_205 = arith.constant 0 : i32
          %lt3A_206 = arith.cmpi slt, %rem3A_202, %lt3A_205 : i32
          %lt3A_207 = arith.constant 0 : i32
          %lt3A_208 = arith.cmpi slt, %select_n3A_201, %lt3A_207 : i32
          %ne3A_209 = arith.xori %lt3A_206, %lt3A_208 : i1
          %and3A_210 = arith.andi %ne3A_209, %ne3A_204 : i1
          %add3A_211 = arith.addi %rem3A_202, %select_n3A_201 : i32
          %select_n3A_212 = arith.select %and3A_210, %add3A_211, %rem3A_202 : i32
          %mul3A_213 = arith.constant 392 : i32
          %mul3A_214 = arith.muli %arg1, %mul3A_213 : i32
          %add3A_215 = arith.constant 1 : i32
          %add3A_216 = arith.addi %select_n3A, %add3A_215 : i32
          %mul3A_217 = arith.constant 8 : i32
          %mul3A_218 = arith.muli %add3A_216, %mul3A_217 : i32
          %add3A_219 = arith.addi %mul3A_214, %mul3A_218 : i32
          %eq3A_220 = arith.constant 0 : i32
          %eq3A_221 = arith.cmpi eq, %arg0, %eq3A_220 : i32
          %convert_element_type3A_222 = arith.extui %eq3A_221 : i1 to i32
          %cond3A_223 = arith.constant 0 : i32
          %cond3A_224 = arith.cmpi ne, %convert_element_type3A_222, %cond3A_223 : i32
          scf.if %cond3A_224 {
            %dma_start3A = arith.constant 0 : i32
            %dma_start3A_230 = arith.constant 0 : i32
            %dma_start3A_231 = tpu.memref_slice %arg6[%select_n3A_212, %dma_start3A, %dma_start3A_230] : memref<3x8x128xi32, #tpu.memory_space<vmem>> -> memref<1x8x128xi32, #tpu.memory_space<vmem>>
            %dma_start3A_232 = tpu.memref_squeeze %dma_start3A_231 : memref<1x8x128xi32, #tpu.memory_space<vmem>> -> memref<8x128xi32, #tpu.memory_space<vmem>>
            %dma_start3A_233 = arith.constant 0 : i32
            %dma_start3A_234 = tpu.memref_slice %arg2[%add3A_219, %dma_start3A_233] : memref<6272x128xi32, #tpu.memory_space<hbm>> -> memref<8x128xi32, #tpu.memory_space<hbm>>
            %dma_start3A_235 = arith.constant 0 : i32
            %dma_start3A_236 = arith.constant 0 : i32
            %dma_start3A_237 = tpu.memref_slice %arg6[%select_n3A_212, %dma_start3A_235, %dma_start3A_236] : memref<3x8x128xi32, #tpu.memory_space<vmem>> -> memref<1x8x128xi32, #tpu.memory_space<vmem>>
            %dma_start3A_238 = tpu.memref_squeeze %dma_start3A_237 : memref<1x8x128xi32, #tpu.memory_space<vmem>> -> memref<8x128xi32, #tpu.memory_space<vmem>>
            %dma_start3A_239 = arith.constant 0 : i32
            %dma_start3A_240 = tpu.memref_slice %arg2[%add3A_219, %dma_start3A_239] : memref<6272x128xi32, #tpu.memory_space<hbm>> -> memref<8x128xi32, #tpu.memory_space<hbm>>
            tpu.enqueue_dma source(%dma_start3A_240 : memref<8x128xi32, #tpu.memory_space<hbm>>) target(%dma_start3A_238 : memref<8x128xi32, #tpu.memory_space<vmem>>) target_semaphore(%arg10 : memref<!tpu.dma_semaphore, #tpu.memory_space<semaphore_mem>>)
          } else {
          }
          %eq3A_225 = arith.constant 1 : i32
          %eq3A_226 = arith.cmpi eq, %arg0, %eq3A_225 : i32
          %convert_element_type3A_227 = arith.extui %eq3A_226 : i1 to i32
          %cond3A_228 = arith.constant 0 : i32
          %cond3A_229 = arith.cmpi ne, %convert_element_type3A_227, %cond3A_228 : i32
          scf.if %cond3A_229 {
            %dma_start3A = arith.constant 0 : i32
            %dma_start3A_230 = arith.constant 0 : i32
            %dma_start3A_231 = tpu.memref_slice %arg6[%select_n3A_212, %dma_start3A, %dma_start3A_230] : memref<3x8x128xi32, #tpu.memory_space<vmem>> -> memref<1x8x128xi32, #tpu.memory_space<vmem>>
            %dma_start3A_232 = tpu.memref_squeeze %dma_start3A_231 : memref<1x8x128xi32, #tpu.memory_space<vmem>> -> memref<8x128xi32, #tpu.memory_space<vmem>>
            %dma_start3A_233 = arith.constant 0 : i32
            %dma_start3A_234 = tpu.memref_slice %arg3[%add3A_219, %dma_start3A_233] : memref<6272x128xi32, #tpu.memory_space<hbm>> -> memref<8x128xi32, #tpu.memory_space<hbm>>
            %dma_start3A_235 = arith.constant 0 : i32
            %dma_start3A_236 = arith.constant 0 : i32
            %dma_start3A_237 = tpu.memref_slice %arg6[%select_n3A_212, %dma_start3A_235, %dma_start3A_236] : memref<3x8x128xi32, #tpu.memory_space<vmem>> -> memref<1x8x128xi32, #tpu.memory_space<vmem>>
            %dma_start3A_238 = tpu.memref_squeeze %dma_start3A_237 : memref<1x8x128xi32, #tpu.memory_space<vmem>> -> memref<8x128xi32, #tpu.memory_space<vmem>>
            %dma_start3A_239 = arith.constant 0 : i32
            %dma_start3A_240 = tpu.memref_slice %arg3[%add3A_219, %dma_start3A_239] : memref<6272x128xi32, #tpu.memory_space<hbm>> -> memref<8x128xi32, #tpu.memory_space<hbm>>
            tpu.enqueue_dma source(%dma_start3A_240 : memref<8x128xi32, #tpu.memory_space<hbm>>) target(%dma_start3A_238 : memref<8x128xi32, #tpu.memory_space<vmem>>) target_semaphore(%arg10 : memref<!tpu.dma_semaphore, #tpu.memory_space<semaphore_mem>>)
          } else {
          }
        } else {
        }
      } else {
      }
      %ge3A = arith.constant 3 : i32
      %ge3A_119 = arith.cmpi sge, %add3A_65, %ge3A : i32
      %convert_element_type3A_120 = arith.extui %ge3A_119 : i1 to i32
      %cond3A_121 = arith.constant 0 : i32
      %cond3A_122 = arith.cmpi ne, %convert_element_type3A_120, %cond3A_121 : i32
      scf.if %cond3A_122 {
        %jit3A_186 = arith.constant 3 : i32
        %eq3A_187 = arith.constant 0 : i32
        %eq3A_188 = arith.cmpi eq, %jit3A_186, %eq3A_187 : i32
        %jit3A_189 = arith.constant 1 : i32
        %select_n3A_190 = arith.select %eq3A_188, %jit3A_189, %jit3A_186 : i32
        %rem3A_191 = arith.remsi %add3A_65, %select_n3A_190 : i32
        %ne3A_192 = arith.constant 0 : i32
        %ne3A_193 = arith.cmpi ne, %rem3A_191, %ne3A_192 : i32
        %lt3A_194 = arith.constant 0 : i32
        %lt3A_195 = arith.cmpi slt, %rem3A_191, %lt3A_194 : i32
        %lt3A_196 = arith.constant 0 : i32
        %lt3A_197 = arith.cmpi slt, %select_n3A_190, %lt3A_196 : i32
        %ne3A_198 = arith.xori %lt3A_195, %lt3A_197 : i1
        %and3A_199 = arith.andi %ne3A_198, %ne3A_193 : i1
        %add3A_200 = arith.addi %rem3A_191, %select_n3A_190 : i32
        %select_n3A_201 = arith.select %and3A_199, %add3A_200, %rem3A_191 : i32
        %eq3A_202 = arith.constant 0 : i32
        %eq3A_203 = arith.cmpi eq, %select_n3A_201, %eq3A_202 : i32
        %convert_element_type3A_204 = arith.extui %eq3A_203 : i1 to i32
        %cond3A_205 = arith.constant 0 : i32
        %cond3A_206 = arith.cmpi ne, %convert_element_type3A_204, %cond3A_205 : i32
        scf.if %cond3A_206 {
          %dma_wait3A_217 = arith.constant 0 : i32
          %dma_wait3A_218 = arith.constant 0 : i32
          %dma_wait3A_219 = arith.constant 0 : i32
          %dma_wait3A_220 = tpu.memref_slice %arg6[%dma_wait3A_217, %dma_wait3A_218, %dma_wait3A_219] : memref<3x8x128xi32, #tpu.memory_space<vmem>> -> memref<1x1x128xi32, #tpu.memory_space<vmem>>
          %dma_wait3A_221 = tpu.memref_squeeze %dma_wait3A_220 : memref<1x1x128xi32, #tpu.memory_space<vmem>> -> memref<128xi32, #tpu.memory_space<vmem>>
          %dma_wait3A_222 = arith.constant 0 : i32
          %dma_wait3A_223 = tpu.memref_slice %arg9[%dma_wait3A_222] : memref<50176xf32, #tpu.memory_space<vmem_shared>> -> memref<50176xf32, #tpu.memory_space<vmem_shared>>
          tpu.wait_indirect_dma semaphore(%arg11 : memref<!tpu.dma_semaphore, #tpu.memory_space<semaphore_mem>>) src(%arg7 : memref<128xf32, #tpu.memory_space<vmem>>) dst(%dma_wait3A_223 : memref<50176xf32, #tpu.memory_space<vmem_shared>>)
        } else {
        }
        %eq3A_207 = arith.constant 1 : i32
        %eq3A_208 = arith.cmpi eq, %select_n3A_201, %eq3A_207 : i32
        %convert_element_type3A_209 = arith.extui %eq3A_208 : i1 to i32
        %cond3A_210 = arith.constant 0 : i32
        %cond3A_211 = arith.cmpi ne, %convert_element_type3A_209, %cond3A_210 : i32
        scf.if %cond3A_211 {
          %dma_wait3A_217 = arith.constant 0 : i32
          %dma_wait3A_218 = arith.constant 0 : i32
          %dma_wait3A_219 = arith.constant 0 : i32
          %dma_wait3A_220 = tpu.memref_slice %arg6[%dma_wait3A_217, %dma_wait3A_218, %dma_wait3A_219] : memref<3x8x128xi32, #tpu.memory_space<vmem>> -> memref<1x1x128xi32, #tpu.memory_space<vmem>>
          %dma_wait3A_221 = tpu.memref_squeeze %dma_wait3A_220 : memref<1x1x128xi32, #tpu.memory_space<vmem>> -> memref<128xi32, #tpu.memory_space<vmem>>
          %dma_wait3A_222 = arith.constant 0 : i32
          %dma_wait3A_223 = tpu.memref_slice %arg9[%dma_wait3A_222] : memref<50176xf32, #tpu.memory_space<vmem_shared>> -> memref<50176xf32, #tpu.memory_space<vmem_shared>>
          tpu.wait_indirect_dma semaphore(%arg12 : memref<!tpu.dma_semaphore, #tpu.memory_space<semaphore_mem>>) src(%arg7 : memref<128xf32, #tpu.memory_space<vmem>>) dst(%dma_wait3A_223 : memref<50176xf32, #tpu.memory_space<vmem_shared>>)
        } else {
        }
        %eq3A_212 = arith.constant 2 : i32
        %eq3A_213 = arith.cmpi eq, %select_n3A_201, %eq3A_212 : i32
        %convert_element_type3A_214 = arith.extui %eq3A_213 : i1 to i32
        %cond3A_215 = arith.constant 0 : i32
        %cond3A_216 = arith.cmpi ne, %convert_element_type3A_214, %cond3A_215 : i32
        scf.if %cond3A_216 {
          %dma_wait3A_217 = arith.constant 0 : i32
          %dma_wait3A_218 = arith.constant 0 : i32
          %dma_wait3A_219 = arith.constant 0 : i32
          %dma_wait3A_220 = tpu.memref_slice %arg6[%dma_wait3A_217, %dma_wait3A_218, %dma_wait3A_219] : memref<3x8x128xi32, #tpu.memory_space<vmem>> -> memref<1x1x128xi32, #tpu.memory_space<vmem>>
          %dma_wait3A_221 = tpu.memref_squeeze %dma_wait3A_220 : memref<1x1x128xi32, #tpu.memory_space<vmem>> -> memref<128xi32, #tpu.memory_space<vmem>>
          %dma_wait3A_222 = arith.constant 0 : i32
          %dma_wait3A_223 = tpu.memref_slice %arg9[%dma_wait3A_222] : memref<50176xf32, #tpu.memory_space<vmem_shared>> -> memref<50176xf32, #tpu.memory_space<vmem_shared>>
          tpu.wait_indirect_dma semaphore(%arg13 : memref<!tpu.dma_semaphore, #tpu.memory_space<semaphore_mem>>) src(%arg7 : memref<128xf32, #tpu.memory_space<vmem>>) dst(%dma_wait3A_223 : memref<50176xf32, #tpu.memory_space<vmem_shared>>)
        } else {
        }
      } else {
      }
      %jit3A_123 = arith.constant 3 : i32
      %eq3A_124 = arith.constant 0 : i32
      %eq3A_125 = arith.cmpi eq, %jit3A_123, %eq3A_124 : i32
      %jit3A_126 = arith.constant 1 : i32
      %select_n3A_127 = arith.select %eq3A_125, %jit3A_126, %jit3A_123 : i32
      %rem3A_128 = arith.remsi %add3A_65, %select_n3A_127 : i32
      %ne3A_129 = arith.constant 0 : i32
      %ne3A_130 = arith.cmpi ne, %rem3A_128, %ne3A_129 : i32
      %lt3A_131 = arith.constant 0 : i32
      %lt3A_132 = arith.cmpi slt, %rem3A_128, %lt3A_131 : i32
      %lt3A_133 = arith.constant 0 : i32
      %lt3A_134 = arith.cmpi slt, %select_n3A_127, %lt3A_133 : i32
      %ne3A_135 = arith.xori %lt3A_132, %lt3A_134 : i1
      %and3A_136 = arith.andi %ne3A_135, %ne3A_130 : i1
      %add3A_137 = arith.addi %rem3A_128, %select_n3A_127 : i32
      %select_n3A_138 = arith.select %and3A_136, %add3A_137, %rem3A_128 : i32
      %eq3A_139 = arith.constant 0 : i32
      %eq3A_140 = arith.cmpi eq, %select_n3A_138, %eq3A_139 : i32
      %convert_element_type3A_141 = arith.extui %eq3A_140 : i1 to i32
      %cond3A_142 = arith.constant 0 : i32
      %cond3A_143 = arith.cmpi ne, %convert_element_type3A_141, %cond3A_142 : i32
      scf.if %cond3A_143 {
        %dma_start3A = arith.constant 0 : i32
        %dma_start3A_186 = tpu.memref_slice %arg6[%select_n3A_113, %select_n3A_97, %dma_start3A] : memref<3x8x128xi32, #tpu.memory_space<vmem>> -> memref<1x1x128xi32, #tpu.memory_space<vmem>>
        %dma_start3A_187 = tpu.memref_squeeze %dma_start3A_186 : memref<1x1x128xi32, #tpu.memory_space<vmem>> -> memref<128xi32, #tpu.memory_space<vmem>>
        %dma_start3A_188 = arith.constant 0 : i32
        %dma_start3A_189 = tpu.memref_slice %arg9[%dma_start3A_188] : memref<50176xf32, #tpu.memory_space<vmem_shared>> -> memref<50176xf32, #tpu.memory_space<vmem_shared>>
        tpu.enqueue_indirect_dma source(%arg7 : memref<128xf32, #tpu.memory_space<vmem>>) target(%dma_start3A_189 : memref<50176xf32, #tpu.memory_space<vmem_shared>>) offsets(%dma_start3A_187 : memref<128xi32, #tpu.memory_space<vmem>>) semaphore(%arg11 : memref<!tpu.dma_semaphore, #tpu.memory_space<semaphore_mem>>) {add = true}
      } else {
      }
      %jit3A_144 = arith.constant 3 : i32
      %eq3A_145 = arith.constant 0 : i32
      %eq3A_146 = arith.cmpi eq, %jit3A_144, %eq3A_145 : i32
      %jit3A_147 = arith.constant 1 : i32
      %select_n3A_148 = arith.select %eq3A_146, %jit3A_147, %jit3A_144 : i32
      %rem3A_149 = arith.remsi %add3A_65, %select_n3A_148 : i32
      %ne3A_150 = arith.constant 0 : i32
      %ne3A_151 = arith.cmpi ne, %rem3A_149, %ne3A_150 : i32
      %lt3A_152 = arith.constant 0 : i32
      %lt3A_153 = arith.cmpi slt, %rem3A_149, %lt3A_152 : i32
      %lt3A_154 = arith.constant 0 : i32
      %lt3A_155 = arith.cmpi slt, %select_n3A_148, %lt3A_154 : i32
      %ne3A_156 = arith.xori %lt3A_153, %lt3A_155 : i1
      %and3A_157 = arith.andi %ne3A_156, %ne3A_151 : i1
      %add3A_158 = arith.addi %rem3A_149, %select_n3A_148 : i32
      %select_n3A_159 = arith.select %and3A_157, %add3A_158, %rem3A_149 : i32
      %eq3A_160 = arith.constant 1 : i32
      %eq3A_161 = arith.cmpi eq, %select_n3A_159, %eq3A_160 : i32
      %convert_element_type3A_162 = arith.extui %eq3A_161 : i1 to i32
      %cond3A_163 = arith.constant 0 : i32
      %cond3A_164 = arith.cmpi ne, %convert_element_type3A_162, %cond3A_163 : i32
      scf.if %cond3A_164 {
        %dma_start3A = arith.constant 0 : i32
        %dma_start3A_186 = tpu.memref_slice %arg6[%select_n3A_113, %select_n3A_97, %dma_start3A] : memref<3x8x128xi32, #tpu.memory_space<vmem>> -> memref<1x1x128xi32, #tpu.memory_space<vmem>>
        %dma_start3A_187 = tpu.memref_squeeze %dma_start3A_186 : memref<1x1x128xi32, #tpu.memory_space<vmem>> -> memref<128xi32, #tpu.memory_space<vmem>>
        %dma_start3A_188 = arith.constant 0 : i32
        %dma_start3A_189 = tpu.memref_slice %arg9[%dma_start3A_188] : memref<50176xf32, #tpu.memory_space<vmem_shared>> -> memref<50176xf32, #tpu.memory_space<vmem_shared>>
        tpu.enqueue_indirect_dma source(%arg7 : memref<128xf32, #tpu.memory_space<vmem>>) target(%dma_start3A_189 : memref<50176xf32, #tpu.memory_space<vmem_shared>>) offsets(%dma_start3A_187 : memref<128xi32, #tpu.memory_space<vmem>>) semaphore(%arg12 : memref<!tpu.dma_semaphore, #tpu.memory_space<semaphore_mem>>) {add = true}
      } else {
      }
      %jit3A_165 = arith.constant 3 : i32
      %eq3A_166 = arith.constant 0 : i32
      %eq3A_167 = arith.cmpi eq, %jit3A_165, %eq3A_166 : i32
      %jit3A_168 = arith.constant 1 : i32
      %select_n3A_169 = arith.select %eq3A_167, %jit3A_168, %jit3A_165 : i32
      %rem3A_170 = arith.remsi %add3A_65, %select_n3A_169 : i32
      %ne3A_171 = arith.constant 0 : i32
      %ne3A_172 = arith.cmpi ne, %rem3A_170, %ne3A_171 : i32
      %lt3A_173 = arith.constant 0 : i32
      %lt3A_174 = arith.cmpi slt, %rem3A_170, %lt3A_173 : i32
      %lt3A_175 = arith.constant 0 : i32
      %lt3A_176 = arith.cmpi slt, %select_n3A_169, %lt3A_175 : i32
      %ne3A_177 = arith.xori %lt3A_174, %lt3A_176 : i1
      %and3A_178 = arith.andi %ne3A_177, %ne3A_172 : i1
      %add3A_179 = arith.addi %rem3A_170, %select_n3A_169 : i32
      %select_n3A_180 = arith.select %and3A_178, %add3A_179, %rem3A_170 : i32
      %eq3A_181 = arith.constant 2 : i32
      %eq3A_182 = arith.cmpi eq, %select_n3A_180, %eq3A_181 : i32
      %convert_element_type3A_183 = arith.extui %eq3A_182 : i1 to i32
      %cond3A_184 = arith.constant 0 : i32
      %cond3A_185 = arith.cmpi ne, %convert_element_type3A_183, %cond3A_184 : i32
      scf.if %cond3A_185 {
        %dma_start3A = arith.constant 0 : i32
        %dma_start3A_186 = tpu.memref_slice %arg6[%select_n3A_113, %select_n3A_97, %dma_start3A] : memref<3x8x128xi32, #tpu.memory_space<vmem>> -> memref<1x1x128xi32, #tpu.memory_space<vmem>>
        %dma_start3A_187 = tpu.memref_squeeze %dma_start3A_186 : memref<1x1x128xi32, #tpu.memory_space<vmem>> -> memref<128xi32, #tpu.memory_space<vmem>>
        %dma_start3A_188 = arith.constant 0 : i32
        %dma_start3A_189 = tpu.memref_slice %arg9[%dma_start3A_188] : memref<50176xf32, #tpu.memory_space<vmem_shared>> -> memref<50176xf32, #tpu.memory_space<vmem_shared>>
        tpu.enqueue_indirect_dma source(%arg7 : memref<128xf32, #tpu.memory_space<vmem>>) target(%dma_start3A_189 : memref<50176xf32, #tpu.memory_space<vmem_shared>>) offsets(%dma_start3A_187 : memref<128xi32, #tpu.memory_space<vmem>>) semaphore(%arg13 : memref<!tpu.dma_semaphore, #tpu.memory_space<semaphore_mem>>) {add = true}
      } else {
      }
    }
    %scan3A_21 = arith.constant 392 : i32
    %dma_wait3A = arith.constant 0 : i32
    %dma_wait3A_22 = arith.constant 0 : i32
    %dma_wait3A_23 = arith.constant 0 : i32
    %dma_wait3A_24 = tpu.memref_slice %arg6[%dma_wait3A, %dma_wait3A_22, %dma_wait3A_23] : memref<3x8x128xi32, #tpu.memory_space<vmem>> -> memref<1x1x128xi32, #tpu.memory_space<vmem>>
    %dma_wait3A_25 = tpu.memref_squeeze %dma_wait3A_24 : memref<1x1x128xi32, #tpu.memory_space<vmem>> -> memref<128xi32, #tpu.memory_space<vmem>>
    %dma_wait3A_26 = arith.constant 0 : i32
    %dma_wait3A_27 = tpu.memref_slice %arg9[%dma_wait3A_26] : memref<50176xf32, #tpu.memory_space<vmem_shared>> -> memref<50176xf32, #tpu.memory_space<vmem_shared>>
    tpu.wait_indirect_dma semaphore(%arg11 : memref<!tpu.dma_semaphore, #tpu.memory_space<semaphore_mem>>) src(%arg7 : memref<128xf32, #tpu.memory_space<vmem>>) dst(%dma_wait3A_27 : memref<50176xf32, #tpu.memory_space<vmem_shared>>)
    %dma_wait3A_28 = arith.constant 0 : i32
    %dma_wait3A_29 = arith.constant 0 : i32
    %dma_wait3A_30 = arith.constant 0 : i32
    %dma_wait3A_31 = tpu.memref_slice %arg6[%dma_wait3A_28, %dma_wait3A_29, %dma_wait3A_30] : memref<3x8x128xi32, #tpu.memory_space<vmem>> -> memref<1x1x128xi32, #tpu.memory_space<vmem>>
    %dma_wait3A_32 = tpu.memref_squeeze %dma_wait3A_31 : memref<1x1x128xi32, #tpu.memory_space<vmem>> -> memref<128xi32, #tpu.memory_space<vmem>>
    %dma_wait3A_33 = arith.constant 0 : i32
    %dma_wait3A_34 = tpu.memref_slice %arg9[%dma_wait3A_33] : memref<50176xf32, #tpu.memory_space<vmem_shared>> -> memref<50176xf32, #tpu.memory_space<vmem_shared>>
    tpu.wait_indirect_dma semaphore(%arg12 : memref<!tpu.dma_semaphore, #tpu.memory_space<semaphore_mem>>) src(%arg7 : memref<128xf32, #tpu.memory_space<vmem>>) dst(%dma_wait3A_34 : memref<50176xf32, #tpu.memory_space<vmem_shared>>)
    %dma_wait3A_35 = arith.constant 0 : i32
    %dma_wait3A_36 = arith.constant 0 : i32
    %dma_wait3A_37 = arith.constant 0 : i32
    %dma_wait3A_38 = tpu.memref_slice %arg6[%dma_wait3A_35, %dma_wait3A_36, %dma_wait3A_37] : memref<3x8x128xi32, #tpu.memory_space<vmem>> -> memref<1x1x128xi32, #tpu.memory_space<vmem>>
    %dma_wait3A_39 = tpu.memref_squeeze %dma_wait3A_38 : memref<1x1x128xi32, #tpu.memory_space<vmem>> -> memref<128xi32, #tpu.memory_space<vmem>>
    %dma_wait3A_40 = arith.constant 0 : i32
    %dma_wait3A_41 = tpu.memref_slice %arg9[%dma_wait3A_40] : memref<50176xf32, #tpu.memory_space<vmem_shared>> -> memref<50176xf32, #tpu.memory_space<vmem_shared>>
    tpu.wait_indirect_dma semaphore(%arg13 : memref<!tpu.dma_semaphore, #tpu.memory_space<semaphore_mem>>) src(%arg7 : memref<128xf32, #tpu.memory_space<vmem>>) dst(%dma_wait3A_41 : memref<50176xf32, #tpu.memory_space<vmem_shared>>)
    %barrier3A_42 = arith.constant 0 : index
    tpu.barrier barrier_id(%barrier3A_42)
    %mul3A_43 = arith.constant 3136 : i32
    %mul3A_44 = arith.muli %arg1, %mul3A_43 : i32
    "tpu.region"() ({
      %run_scoped3A = tpu.sem_alloc : memref<!tpu.dma_semaphore, #tpu.memory_space<semaphore_mem>>
      %dma_start3A = tpu.memref_slice %arg9[%mul3A_44] : memref<50176xf32, #tpu.memory_space<vmem_shared>> -> memref<3136xf32, #tpu.memory_space<vmem_shared>>
      %dma_start3A_62 = tpu.memref_slice %arg9[%mul3A_44] : memref<50176xf32, #tpu.memory_space<vmem_shared>> -> memref<3136xf32, #tpu.memory_space<vmem_shared>>
      tpu.enqueue_dma source(%dma_start3A_62 : memref<3136xf32, #tpu.memory_space<vmem_shared>>) target(%arg8 : memref<3136xf32, #tpu.memory_space<vmem>>) target_semaphore(%run_scoped3A : memref<!tpu.dma_semaphore, #tpu.memory_space<semaphore_mem>>)
      %dma_wait3A_63 = tpu.memref_slice %arg9[%mul3A_44] : memref<50176xf32, #tpu.memory_space<vmem_shared>> -> memref<3136xf32, #tpu.memory_space<vmem_shared>>
      %dma_wait3A_64 = tpu.memref_slice %arg9[%mul3A_44] : memref<50176xf32, #tpu.memory_space<vmem_shared>> -> memref<3136xf32, #tpu.memory_space<vmem_shared>>
      tpu.wait_dma2 semaphore(%run_scoped3A : memref<!tpu.dma_semaphore, #tpu.memory_space<semaphore_mem>>) src(%dma_wait3A_64 : memref<3136xf32, #tpu.memory_space<vmem_shared>>) dst(%arg8 : memref<3136xf32, #tpu.memory_space<vmem>>)
      tpu.yield
    }) : () -> ()
    %eq3A_45 = arith.constant 0 : i32
    %eq3A_46 = arith.cmpi eq, %arg0, %eq3A_45 : i32
    %eq3A_47 = arith.constant 0 : i32
    %eq3A_48 = arith.cmpi eq, %arg1, %eq3A_47 : i32
    %and3A = arith.andi %eq3A_46, %eq3A_48 : i1
    %convert_element_type3A_49 = arith.extui %and3A : i1 to i32
    %cond3A_50 = arith.constant 0 : i32
    %cond3A_51 = arith.cmpi ne, %convert_element_type3A_49, %cond3A_50 : i32
    scf.if %cond3A_51 {
      %get3A = arith.constant 0 : index
      %get3A_62 = tpu.vector_load %arg8[%get3A] {strides = array<i32>} : memref<3136xf32, #tpu.memory_space<vmem>>, vector<16xf32>,
      %get3A_63 = vector.shape_cast %get3A_62 : vector<16xf32> to vector<16xf32>
      %iota3A = tpu.iota {dimensions = array<i32: 0>} : vector<16xi32>
      %eq3A_64 = arith.constant 0 : i32
      %eq3A_65 = vector.broadcast %eq3A_64 : i32 to vector<16xi32>
      %eq3A_66 = arith.cmpi eq, %iota3A, %eq3A_65 : vector<16xi32>
      %jit3A = arith.constant 2.816000e+03 : f32
      %jit3A_67 = arith.constant 0.000000e+00 : f32
      %broadcast_in_dim3A = vector.broadcast %jit3A : f32 to vector<16xf32>
      %broadcast_in_dim3A_68 = vector.broadcast %jit3A_67 : f32 to vector<16xf32>
      %select_n3A = arith.select %eq3A_66, %broadcast_in_dim3A, %broadcast_in_dim3A_68 : vector<16xi1>, vector<16xf32>
      %sub3A = arith.subf %get3A_63, %select_n3A : vector<16xf32>
      %swap3A = arith.constant 0 : index
      %swap3A_69 = tpu.vector_load %arg8[%swap3A] {strides = array<i32>} : memref<3136xf32, #tpu.memory_space<vmem>>, vector<16xf32>,
      %swap3A_70 = vector.shape_cast %swap3A_69 : vector<16xf32> to vector<16xf32>
      %swap3A_71 = vector.shape_cast %sub3A : vector<16xf32> to vector<16xf32>
      tpu.vector_store %arg8[%swap3A], %swap3A_71 {strides = array<i32>} : memref<3136xf32, #tpu.memory_space<vmem>>, vector<16xf32>,
    } else {
    }
    %eq3A_52 = arith.constant 0 : i32
    %eq3A_53 = arith.cmpi eq, %arg0, %eq3A_52 : i32
    %convert_element_type3A_54 = arith.extui %eq3A_53 : i1 to i32
    %cond3A_55 = arith.constant 0 : i32
    %cond3A_56 = arith.cmpi ne, %convert_element_type3A_54, %cond3A_55 : i32
    scf.if %cond3A_56 {
      %mul3A_62 = arith.constant 3136 : i32
      %mul3A_63 = arith.muli %arg1, %mul3A_62 : i32
      "tpu.region"() ({
        %run_scoped3A = tpu.sem_alloc : memref<!tpu.dma_semaphore, #tpu.memory_space<semaphore_mem>>
        %dma_start3A = tpu.memref_slice %arg4[%mul3A_63] : memref<50176xf32, #tpu.memory_space<hbm>> -> memref<3136xf32, #tpu.memory_space<hbm>>
        %dma_start3A_64 = tpu.memref_slice %arg4[%mul3A_63] : memref<50176xf32, #tpu.memory_space<hbm>> -> memref<3136xf32, #tpu.memory_space<hbm>>
        tpu.enqueue_dma source(%arg8 : memref<3136xf32, #tpu.memory_space<vmem>>) target(%dma_start3A_64 : memref<3136xf32, #tpu.memory_space<hbm>>) target_semaphore(%run_scoped3A : memref<!tpu.dma_semaphore, #tpu.memory_space<semaphore_mem>>)
        %dma_wait3A_65 = tpu.memref_slice %arg4[%mul3A_63] : memref<50176xf32, #tpu.memory_space<hbm>> -> memref<3136xf32, #tpu.memory_space<hbm>>
        %dma_wait3A_66 = tpu.memref_slice %arg4[%mul3A_63] : memref<50176xf32, #tpu.memory_space<hbm>> -> memref<3136xf32, #tpu.memory_space<hbm>>
        tpu.wait_dma2 semaphore(%run_scoped3A : memref<!tpu.dma_semaphore, #tpu.memory_space<semaphore_mem>>) src(%arg8 : memref<3136xf32, #tpu.memory_space<vmem>>) dst(%dma_wait3A_66 : memref<3136xf32, #tpu.memory_space<hbm>>)
        tpu.yield
      }) : () -> ()
    } else {
    }
    %eq3A_57 = arith.constant 1 : i32
    %eq3A_58 = arith.cmpi eq, %arg0, %eq3A_57 : i32
    %convert_element_type3A_59 = arith.extui %eq3A_58 : i1 to i32
    %cond3A_60 = arith.constant 0 : i32
    %cond3A_61 = arith.cmpi ne, %convert_element_type3A_59, %cond3A_60 : i32
    scf.if %cond3A_61 {
      %mul3A_62 = arith.constant 3136 : i32
      %mul3A_63 = arith.muli %arg1, %mul3A_62 : i32
      "tpu.region"() ({
        %run_scoped3A = tpu.sem_alloc : memref<!tpu.dma_semaphore, #tpu.memory_space<semaphore_mem>>
        %dma_start3A = tpu.memref_slice %arg5[%mul3A_63] : memref<50176xf32, #tpu.memory_space<hbm>> -> memref<3136xf32, #tpu.memory_space<hbm>>
        %dma_start3A_64 = tpu.memref_slice %arg5[%mul3A_63] : memref<50176xf32, #tpu.memory_space<hbm>> -> memref<3136xf32, #tpu.memory_space<hbm>>
        tpu.enqueue_dma source(%arg8 : memref<3136xf32, #tpu.memory_space<vmem>>) target(%dma_start3A_64 : memref<3136xf32, #tpu.memory_space<hbm>>) target_semaphore(%run_scoped3A : memref<!tpu.dma_semaphore, #tpu.memory_space<semaphore_mem>>)
        %dma_wait3A_65 = tpu.memref_slice %arg5[%mul3A_63] : memref<50176xf32, #tpu.memory_space<hbm>> -> memref<3136xf32, #tpu.memory_space<hbm>>
        %dma_wait3A_66 = tpu.memref_slice %arg5[%mul3A_63] : memref<50176xf32, #tpu.memory_space<hbm>> -> memref<3136xf32, #tpu.memory_space<hbm>>
        tpu.wait_dma2 semaphore(%run_scoped3A : memref<!tpu.dma_semaphore, #tpu.memory_space<semaphore_mem>>) src(%arg8 : memref<3136xf32, #tpu.memory_space<vmem>>) dst(%dma_wait3A_66 : memref<3136xf32, #tpu.memory_space<hbm>>)
        tpu.yield
      }) : () -> ()
    } else {
    }
    return
  }
}

#map = affine_map<(d0, d1) -> (0, 0)>
#map1 = affine_map<(d0, d1) -> (0)>
module attributes {stable_mosaic.version = 14 : i64} {
  func.func @_mega_kernel(%arg0: i32, %arg1: i32, %arg2: memref<50176x32xf32, #tpu.memory_space<hbm>>, %arg3: memref<50176x32xf32, #tpu.memory_space<hbm>>, %arg4: memref<6272x128xi32, #tpu.memory_space<hbm>>, %arg5: memref<6272x128xi32, #tpu.memory_space<hbm>>, %arg6: memref<50176xf32, #tpu.memory_space<hbm>>, %arg7: memref<50176xf32, #tpu.memory_space<hbm>>, %arg8: memref<2x32xf32, #tpu.memory_space<hbm>>, %arg9: memref<50176x32xf32, #tpu.memory_space<hbm>>, %arg10: memref<50176x32xf32, #tpu.memory_space<hbm>>, %arg11: memref<50176x32xf32, #tpu.memory_space<hbm>>, %arg12: memref<50176x32xf32, #tpu.memory_space<hbm>>, %arg13: memref<4x4x128xi32, #tpu.memory_space<vmem>>, %arg14: memref<4x4x128xi32, #tpu.memory_space<vmem>>, %arg15: memref<6x128x32xf32, #tpu.memory_space<vmem>>, %arg16: memref<28x32xf32, #tpu.memory_space<vmem>>, %arg17: memref<112xf32, #tpu.memory_space<vmem>>, %arg18: memref<112xf32, #tpu.memory_space<vmem>>, %arg19: memref<112xf32, #tpu.memory_space<vmem>>, %arg20: memref<112xf32, #tpu.memory_space<vmem>>, %arg21: memref<1x32xf32, #tpu.memory_space<vmem>>, %arg22: memref<50176x32xf32, #tpu.memory_space<vmem_shared>>, %arg23: memref<!tpu.dma_semaphore, #tpu.memory_space<semaphore_mem>>, %arg24: memref<!tpu.dma_semaphore, #tpu.memory_space<semaphore_mem>>, %arg25: memref<!tpu.dma_semaphore, #tpu.memory_space<semaphore_mem>>, %arg26: memref<!tpu.dma_semaphore, #tpu.memory_space<semaphore_mem>>, %arg27: memref<!tpu.dma_semaphore, #tpu.memory_space<semaphore_mem>>, %arg28: memref<!tpu.dma_semaphore, #tpu.memory_space<semaphore_mem>>, %arg29: memref<!tpu.dma_semaphore, #tpu.memory_space<semaphore_mem>>, %arg30: memref<!tpu.dma_semaphore, #tpu.memory_space<semaphore_mem>>) attributes {dimension_semantics = [#tpu.dimension_semantics<core_parallel>, #tpu.dimension_semantics<subcore_parallel>], iteration_bounds = array<i64: 2, 16>, scalar_prefetch = 0 : i64, scratch_operands = 18 : i64, tpu.core_type = #tpu.core_type<sc_vector_subcore>, window_params = [{transform_indices = #map}, {transform_indices = #map}, {transform_indices = #map}, {transform_indices = #map}, {transform_indices = #map1}, {transform_indices = #map1}, {transform_indices = #map}, {transform_indices = #map}, {transform_indices = #map}, {transform_indices = #map}, {transform_indices = #map}]} {
    %scan3A = arith.constant 0 : i32
    %scan3A_0 = arith.constant 28 : i32
    %scan3A_1 = arith.addi %scan3A, %scan3A_0 : i32
    %scan3A_2 = arith.constant 1 : i32
    scf.for %scan3A_338 = %scan3A to %scan3A_1 step %scan3A_2  : i32 {
      %mul3A_339 = arith.constant 1 : i32
      %mul3A_340 = arith.muli %scan3A_338, %mul3A_339 : i32
      %add3A_341 = arith.constant 0 : i32
      %add3A_342 = arith.addi %add3A_341, %mul3A_340 : i32
      %scan3A_343 = arith.constant 0 : i32
      %scan3A_344 = arith.constant 2 : i32
      %scan3A_345 = arith.addi %scan3A_343, %scan3A_344 : i32
      %scan3A_346 = arith.constant 1 : i32
      scf.for %scan3A_348 = %scan3A_343 to %scan3A_345 step %scan3A_346  : i32 {
        %mul3A_349 = arith.constant 1 : i32
        %mul3A_350 = arith.muli %scan3A_348, %mul3A_349 : i32
        %add3A_351 = arith.constant 0 : i32
        %add3A_352 = arith.addi %add3A_351, %mul3A_350 : i32
        %broadcast_in_dim3A = arith.constant 0.000000e+00 : f32
        %broadcast_in_dim3A_353 = vector.broadcast %broadcast_in_dim3A : f32 to vector<16xf32>
        %mul3A_354 = arith.constant 16 : i32
        %mul3A_355 = arith.muli %add3A_352, %mul3A_354 : i32
        %swap3A = arith.index_cast %add3A_342 : i32 to index
        %swap3A_356 = arith.index_cast %mul3A_355 : i32 to index
        %swap3A_357 = tpu.vector_load %arg16[%swap3A, %swap3A_356] {strides = array<i32>} : memref<28x32xf32, #tpu.memory_space<vmem>>, vector<16xf32>,
        tpu.vector_store %arg16[%swap3A, %swap3A_356], %broadcast_in_dim3A_353 {strides = array<i32>} : memref<28x32xf32, #tpu.memory_space<vmem>>, vector<16xf32>,
      }
      %scan3A_347 = arith.constant 2 : i32
    }
    %scan3A_3 = arith.constant 28 : i32
    %scan3A_4 = arith.constant 0 : i32
    %scan3A_5 = arith.constant 14 : i32
    %scan3A_6 = arith.addi %scan3A_4, %scan3A_5 : i32
    %scan3A_7 = arith.constant 1 : i32
    scf.for %scan3A_338 = %scan3A_4 to %scan3A_6 step %scan3A_7  : i32 {
      %mul3A_339 = arith.constant 1 : i32
      %mul3A_340 = arith.muli %scan3A_338, %mul3A_339 : i32
      %add3A_341 = arith.constant 0 : i32
      %add3A_342 = arith.addi %add3A_341, %mul3A_340 : i32
      %scan3A_343 = arith.constant 0 : i32
      %scan3A_344 = arith.constant 8 : i32
      %scan3A_345 = arith.addi %scan3A_343, %scan3A_344 : i32
      %scan3A_346 = arith.constant 1 : i32
      scf.for %scan3A_353 = %scan3A_343 to %scan3A_345 step %scan3A_346  : i32 {
        %mul3A_354 = arith.constant 1 : i32
        %mul3A_355 = arith.muli %scan3A_353, %mul3A_354 : i32
        %add3A_356 = arith.constant 0 : i32
        %add3A_357 = arith.addi %add3A_356, %mul3A_355 : i32
        %mul3A_358 = arith.constant 3136 : i32
        %mul3A_359 = arith.muli %arg1, %mul3A_358 : i32
        %mul3A_360 = arith.constant 8 : i32
        %mul3A_361 = arith.muli %add3A_342, %mul3A_360 : i32
        %add3A_362 = arith.addi %mul3A_361, %add3A_357 : i32
        %mul3A_363 = arith.constant 28 : i32
        %mul3A_364 = arith.muli %add3A_362, %mul3A_363 : i32
        %add3A_365 = arith.addi %mul3A_359, %mul3A_364 : i32
        %dma_start3A_366 = arith.constant 0 : i32
        %dma_start3A_367 = tpu.memref_slice %arg22[%add3A_365, %dma_start3A_366] : memref<50176x32xf32, #tpu.memory_space<vmem_shared>> -> memref<28x32xf32, #tpu.memory_space<vmem_shared>>
        %dma_start3A_368 = arith.constant 0 : i32
        %dma_start3A_369 = tpu.memref_slice %arg22[%add3A_365, %dma_start3A_368] : memref<50176x32xf32, #tpu.memory_space<vmem_shared>> -> memref<28x32xf32, #tpu.memory_space<vmem_shared>>
        tpu.enqueue_dma source(%arg16 : memref<28x32xf32, #tpu.memory_space<vmem>>) target(%dma_start3A_369 : memref<28x32xf32, #tpu.memory_space<vmem_shared>>) target_semaphore(%arg23 : memref<!tpu.dma_semaphore, #tpu.memory_space<semaphore_mem>>)
      }
      %scan3A_347 = arith.constant 8 : i32
      %scan3A_348 = arith.constant 0 : i32
      %scan3A_349 = arith.constant 8 : i32
      %scan3A_350 = arith.addi %scan3A_348, %scan3A_349 : i32
      %scan3A_351 = arith.constant 1 : i32
      scf.for %scan3A_353 = %scan3A_348 to %scan3A_350 step %scan3A_351  : i32 {
        %mul3A_354 = arith.constant 1 : i32
        %mul3A_355 = arith.muli %scan3A_353, %mul3A_354 : i32
        %add3A_356 = arith.constant 0 : i32
        %add3A_357 = arith.addi %add3A_356, %mul3A_355 : i32
        %dma_wait3A_358 = arith.constant 0 : i32
        %dma_wait3A_359 = arith.constant 0 : i32
        %dma_wait3A_360 = tpu.memref_slice %arg22[%dma_wait3A_358, %dma_wait3A_359] : memref<50176x32xf32, #tpu.memory_space<vmem_shared>> -> memref<28x32xf32, #tpu.memory_space<vmem_shared>>
        %dma_wait3A_361 = arith.constant 0 : i32
        %dma_wait3A_362 = arith.constant 0 : i32
        %dma_wait3A_363 = tpu.memref_slice %arg22[%dma_wait3A_361, %dma_wait3A_362] : memref<50176x32xf32, #tpu.memory_space<vmem_shared>> -> memref<28x32xf32, #tpu.memory_space<vmem_shared>>
        tpu.wait_dma2 semaphore(%arg23 : memref<!tpu.dma_semaphore, #tpu.memory_space<semaphore_mem>>) src(%arg16 : memref<28x32xf32, #tpu.memory_space<vmem>>) dst(%dma_wait3A_363 : memref<28x32xf32, #tpu.memory_space<vmem_shared>>)
      }
      %scan3A_352 = arith.constant 8 : i32
    }
    %scan3A_8 = arith.constant 14 : i32
    %mul3A = arith.constant 392 : i32
    %mul3A_9 = arith.muli %arg1, %mul3A : i32
    %run_scoped3A = arith.constant 0 : i32
    "tpu.region"() ({
      %run_scoped3A_338 = tpu.sem_alloc : memref<!tpu.dma_semaphore, #tpu.memory_space<semaphore_mem>>
      %dma_start3A_339 = arith.constant 0 : i32
      %dma_start3A_340 = arith.constant 0 : i32
      %dma_start3A_341 = tpu.memref_slice %arg13[%run_scoped3A, %dma_start3A_339, %dma_start3A_340] : memref<4x4x128xi32, #tpu.memory_space<vmem>> -> memref<1x4x128xi32, #tpu.memory_space<vmem>>
      %dma_start3A_342 = tpu.memref_squeeze %dma_start3A_341 : memref<1x4x128xi32, #tpu.memory_space<vmem>> -> memref<4x128xi32, #tpu.memory_space<vmem>>
      %dma_start3A_343 = arith.constant 0 : i32
      %dma_start3A_344 = tpu.memref_slice %arg4[%mul3A_9, %dma_start3A_343] : memref<6272x128xi32, #tpu.memory_space<hbm>> -> memref<4x128xi32, #tpu.memory_space<hbm>>
      %dma_start3A_345 = arith.constant 0 : i32
      %dma_start3A_346 = arith.constant 0 : i32
      %dma_start3A_347 = tpu.memref_slice %arg13[%run_scoped3A, %dma_start3A_345, %dma_start3A_346] : memref<4x4x128xi32, #tpu.memory_space<vmem>> -> memref<1x4x128xi32, #tpu.memory_space<vmem>>
      %dma_start3A_348 = tpu.memref_squeeze %dma_start3A_347 : memref<1x4x128xi32, #tpu.memory_space<vmem>> -> memref<4x128xi32, #tpu.memory_space<vmem>>
      %dma_start3A_349 = arith.constant 0 : i32
      %dma_start3A_350 = tpu.memref_slice %arg4[%mul3A_9, %dma_start3A_349] : memref<6272x128xi32, #tpu.memory_space<hbm>> -> memref<4x128xi32, #tpu.memory_space<hbm>>
      tpu.enqueue_dma source(%dma_start3A_350 : memref<4x128xi32, #tpu.memory_space<hbm>>) target(%dma_start3A_348 : memref<4x128xi32, #tpu.memory_space<vmem>>) target_semaphore(%run_scoped3A_338 : memref<!tpu.dma_semaphore, #tpu.memory_space<semaphore_mem>>)
      %dma_wait3A_351 = arith.constant 0 : i32
      %dma_wait3A_352 = arith.constant 0 : i32
      %dma_wait3A_353 = tpu.memref_slice %arg13[%run_scoped3A, %dma_wait3A_351, %dma_wait3A_352] : memref<4x4x128xi32, #tpu.memory_space<vmem>> -> memref<1x4x128xi32, #tpu.memory_space<vmem>>
      %dma_wait3A_354 = tpu.memref_squeeze %dma_wait3A_353 : memref<1x4x128xi32, #tpu.memory_space<vmem>> -> memref<4x128xi32, #tpu.memory_space<vmem>>
      %dma_wait3A_355 = arith.constant 0 : i32
      %dma_wait3A_356 = tpu.memref_slice %arg4[%mul3A_9, %dma_wait3A_355] : memref<6272x128xi32, #tpu.memory_space<hbm>> -> memref<4x128xi32, #tpu.memory_space<hbm>>
      %dma_wait3A_357 = arith.constant 0 : i32
      %dma_wait3A_358 = arith.constant 0 : i32
      %dma_wait3A_359 = tpu.memref_slice %arg13[%run_scoped3A, %dma_wait3A_357, %dma_wait3A_358] : memref<4x4x128xi32, #tpu.memory_space<vmem>> -> memref<1x4x128xi32, #tpu.memory_space<vmem>>
      %dma_wait3A_360 = tpu.memref_squeeze %dma_wait3A_359 : memref<1x4x128xi32, #tpu.memory_space<vmem>> -> memref<4x128xi32, #tpu.memory_space<vmem>>
      %dma_wait3A_361 = arith.constant 0 : i32
      %dma_wait3A_362 = tpu.memref_slice %arg4[%mul3A_9, %dma_wait3A_361] : memref<6272x128xi32, #tpu.memory_space<hbm>> -> memref<4x128xi32, #tpu.memory_space<hbm>>
      tpu.wait_dma2 semaphore(%run_scoped3A_338 : memref<!tpu.dma_semaphore, #tpu.memory_space<semaphore_mem>>) src(%dma_wait3A_362 : memref<4x128xi32, #tpu.memory_space<hbm>>) dst(%dma_wait3A_360 : memref<4x128xi32, #tpu.memory_space<vmem>>)
      tpu.yield
    }) : () -> ()
    %mul3A_10 = arith.constant 392 : i32
    %mul3A_11 = arith.muli %arg1, %mul3A_10 : i32
    %run_scoped3A_12 = arith.constant 0 : i32
    "tpu.region"() ({
      %run_scoped3A_338 = tpu.sem_alloc : memref<!tpu.dma_semaphore, #tpu.memory_space<semaphore_mem>>
      %dma_start3A_339 = arith.constant 0 : i32
      %dma_start3A_340 = arith.constant 0 : i32
      %dma_start3A_341 = tpu.memref_slice %arg14[%run_scoped3A_12, %dma_start3A_339, %dma_start3A_340] : memref<4x4x128xi32, #tpu.memory_space<vmem>> -> memref<1x4x128xi32, #tpu.memory_space<vmem>>
      %dma_start3A_342 = tpu.memref_squeeze %dma_start3A_341 : memref<1x4x128xi32, #tpu.memory_space<vmem>> -> memref<4x128xi32, #tpu.memory_space<vmem>>
      %dma_start3A_343 = arith.constant 0 : i32
      %dma_start3A_344 = tpu.memref_slice %arg5[%mul3A_11, %dma_start3A_343] : memref<6272x128xi32, #tpu.memory_space<hbm>> -> memref<4x128xi32, #tpu.memory_space<hbm>>
      %dma_start3A_345 = arith.constant 0 : i32
      %dma_start3A_346 = arith.constant 0 : i32
      %dma_start3A_347 = tpu.memref_slice %arg14[%run_scoped3A_12, %dma_start3A_345, %dma_start3A_346] : memref<4x4x128xi32, #tpu.memory_space<vmem>> -> memref<1x4x128xi32, #tpu.memory_space<vmem>>
      %dma_start3A_348 = tpu.memref_squeeze %dma_start3A_347 : memref<1x4x128xi32, #tpu.memory_space<vmem>> -> memref<4x128xi32, #tpu.memory_space<vmem>>
      %dma_start3A_349 = arith.constant 0 : i32
      %dma_start3A_350 = tpu.memref_slice %arg5[%mul3A_11, %dma_start3A_349] : memref<6272x128xi32, #tpu.memory_space<hbm>> -> memref<4x128xi32, #tpu.memory_space<hbm>>
      tpu.enqueue_dma source(%dma_start3A_350 : memref<4x128xi32, #tpu.memory_space<hbm>>) target(%dma_start3A_348 : memref<4x128xi32, #tpu.memory_space<vmem>>) target_semaphore(%run_scoped3A_338 : memref<!tpu.dma_semaphore, #tpu.memory_space<semaphore_mem>>)
      %dma_wait3A_351 = arith.constant 0 : i32
      %dma_wait3A_352 = arith.constant 0 : i32
      %dma_wait3A_353 = tpu.memref_slice %arg14[%run_scoped3A_12, %dma_wait3A_351, %dma_wait3A_352] : memref<4x4x128xi32, #tpu.memory_space<vmem>> -> memref<1x4x128xi32, #tpu.memory_space<vmem>>
      %dma_wait3A_354 = tpu.memref_squeeze %dma_wait3A_353 : memref<1x4x128xi32, #tpu.memory_space<vmem>> -> memref<4x128xi32, #tpu.memory_space<vmem>>
      %dma_wait3A_355 = arith.constant 0 : i32
      %dma_wait3A_356 = tpu.memref_slice %arg5[%mul3A_11, %dma_wait3A_355] : memref<6272x128xi32, #tpu.memory_space<hbm>> -> memref<4x128xi32, #tpu.memory_space<hbm>>
      %dma_wait3A_357 = arith.constant 0 : i32
      %dma_wait3A_358 = arith.constant 0 : i32
      %dma_wait3A_359 = tpu.memref_slice %arg14[%run_scoped3A_12, %dma_wait3A_357, %dma_wait3A_358] : memref<4x4x128xi32, #tpu.memory_space<vmem>> -> memref<1x4x128xi32, #tpu.memory_space<vmem>>
      %dma_wait3A_360 = tpu.memref_squeeze %dma_wait3A_359 : memref<1x4x128xi32, #tpu.memory_space<vmem>> -> memref<4x128xi32, #tpu.memory_space<vmem>>
      %dma_wait3A_361 = arith.constant 0 : i32
      %dma_wait3A_362 = tpu.memref_slice %arg5[%mul3A_11, %dma_wait3A_361] : memref<6272x128xi32, #tpu.memory_space<hbm>> -> memref<4x128xi32, #tpu.memory_space<hbm>>
      tpu.wait_dma2 semaphore(%run_scoped3A_338 : memref<!tpu.dma_semaphore, #tpu.memory_space<semaphore_mem>>) src(%dma_wait3A_362 : memref<4x128xi32, #tpu.memory_space<hbm>>) dst(%dma_wait3A_360 : memref<4x128xi32, #tpu.memory_space<vmem>>)
      tpu.yield
    }) : () -> ()
    %mul3A_13 = arith.constant 392 : i32
    %mul3A_14 = arith.muli %arg1, %mul3A_13 : i32
    %add3A = arith.constant 4 : i32
    %add3A_15 = arith.addi %mul3A_14, %add3A : i32
    %dma_start3A = arith.constant 1 : i32
    %dma_start3A_16 = arith.constant 0 : i32
    %dma_start3A_17 = arith.constant 0 : i32
    %dma_start3A_18 = tpu.memref_slice %arg13[%dma_start3A, %dma_start3A_16, %dma_start3A_17] : memref<4x4x128xi32, #tpu.memory_space<vmem>> -> memref<1x4x128xi32, #tpu.memory_space<vmem>>
    %dma_start3A_19 = tpu.memref_squeeze %dma_start3A_18 : memref<1x4x128xi32, #tpu.memory_space<vmem>> -> memref<4x128xi32, #tpu.memory_space<vmem>>
    %dma_start3A_20 = arith.constant 0 : i32
    %dma_start3A_21 = tpu.memref_slice %arg4[%add3A_15, %dma_start3A_20] : memref<6272x128xi32, #tpu.memory_space<hbm>> -> memref<4x128xi32, #tpu.memory_space<hbm>>
    %dma_start3A_22 = arith.constant 0 : i32
    %dma_start3A_23 = arith.constant 0 : i32
    %dma_start3A_24 = tpu.memref_slice %arg13[%dma_start3A, %dma_start3A_22, %dma_start3A_23] : memref<4x4x128xi32, #tpu.memory_space<vmem>> -> memref<1x4x128xi32, #tpu.memory_space<vmem>>
    %dma_start3A_25 = tpu.memref_squeeze %dma_start3A_24 : memref<1x4x128xi32, #tpu.memory_space<vmem>> -> memref<4x128xi32, #tpu.memory_space<vmem>>
    %dma_start3A_26 = arith.constant 0 : i32
    %dma_start3A_27 = tpu.memref_slice %arg4[%add3A_15, %dma_start3A_26] : memref<6272x128xi32, #tpu.memory_space<hbm>> -> memref<4x128xi32, #tpu.memory_space<hbm>>
    tpu.enqueue_dma source(%dma_start3A_27 : memref<4x128xi32, #tpu.memory_space<hbm>>) target(%dma_start3A_25 : memref<4x128xi32, #tpu.memory_space<vmem>>) target_semaphore(%arg24 : memref<!tpu.dma_semaphore, #tpu.memory_space<semaphore_mem>>)
    %mul3A_28 = arith.constant 392 : i32
    %mul3A_29 = arith.muli %arg1, %mul3A_28 : i32
    %add3A_30 = arith.constant 4 : i32
    %add3A_31 = arith.addi %mul3A_29, %add3A_30 : i32
    %dma_start3A_32 = arith.constant 1 : i32
    %dma_start3A_33 = arith.constant 0 : i32
    %dma_start3A_34 = arith.constant 0 : i32
    %dma_start3A_35 = tpu.memref_slice %arg14[%dma_start3A_32, %dma_start3A_33, %dma_start3A_34] : memref<4x4x128xi32, #tpu.memory_space<vmem>> -> memref<1x4x128xi32, #tpu.memory_space<vmem>>
    %dma_start3A_36 = tpu.memref_squeeze %dma_start3A_35 : memref<1x4x128xi32, #tpu.memory_space<vmem>> -> memref<4x128xi32, #tpu.memory_space<vmem>>
    %dma_start3A_37 = arith.constant 0 : i32
    %dma_start3A_38 = tpu.memref_slice %arg5[%add3A_31, %dma_start3A_37] : memref<6272x128xi32, #tpu.memory_space<hbm>> -> memref<4x128xi32, #tpu.memory_space<hbm>>
    %dma_start3A_39 = arith.constant 0 : i32
    %dma_start3A_40 = arith.constant 0 : i32
    %dma_start3A_41 = tpu.memref_slice %arg14[%dma_start3A_32, %dma_start3A_39, %dma_start3A_40] : memref<4x4x128xi32, #tpu.memory_space<vmem>> -> memref<1x4x128xi32, #tpu.memory_space<vmem>>
    %dma_start3A_42 = tpu.memref_squeeze %dma_start3A_41 : memref<1x4x128xi32, #tpu.memory_space<vmem>> -> memref<4x128xi32, #tpu.memory_space<vmem>>
    %dma_start3A_43 = arith.constant 0 : i32
    %dma_start3A_44 = tpu.memref_slice %arg5[%add3A_31, %dma_start3A_43] : memref<6272x128xi32, #tpu.memory_space<hbm>> -> memref<4x128xi32, #tpu.memory_space<hbm>>
    tpu.enqueue_dma source(%dma_start3A_44 : memref<4x128xi32, #tpu.memory_space<hbm>>) target(%dma_start3A_42 : memref<4x128xi32, #tpu.memory_space<vmem>>) target_semaphore(%arg24 : memref<!tpu.dma_semaphore, #tpu.memory_space<semaphore_mem>>)
    %barrier3A = arith.constant 0 : index
    tpu.barrier barrier_id(%barrier3A)
    %eq3A = arith.constant 0 : i32
    %eq3A_45 = arith.cmpi eq, %arg0, %eq3A : i32
    %convert_element_type3A = arith.extui %eq3A_45 : i1 to i32
    %cond3A = arith.constant 0 : i32
    %cond3A_46 = arith.cmpi ne, %convert_element_type3A, %cond3A : i32
    scf.if %cond3A_46 {
      %dma_start3A_338 = arith.constant 0 : i32
      %dma_start3A_339 = arith.constant 0 : i32
      %dma_start3A_340 = arith.constant 0 : i32
      %dma_start3A_341 = arith.constant 0 : i32
      %dma_start3A_342 = arith.constant 0 : i32
      %dma_start3A_343 = tpu.memref_slice %arg15[%dma_start3A_340, %dma_start3A_341, %dma_start3A_342] : memref<6x128x32xf32, #tpu.memory_space<vmem>> -> memref<1x128x32xf32, #tpu.memory_space<vmem>>
      %dma_start3A_344 = tpu.memref_squeeze %dma_start3A_343 : memref<1x128x32xf32, #tpu.memory_space<vmem>> -> memref<128x32xf32, #tpu.memory_space<vmem>>
      %dma_start3A_345 = arith.constant 0 : i32
      %dma_start3A_346 = tpu.memref_slice %arg13[%dma_start3A_338, %dma_start3A_339, %dma_start3A_345] : memref<4x4x128xi32, #tpu.memory_space<vmem>> -> memref<1x1x128xi32, #tpu.memory_space<vmem>>
      %dma_start3A_347 = tpu.memref_squeeze %dma_start3A_346 : memref<1x1x128xi32, #tpu.memory_space<vmem>> -> memref<128xi32, #tpu.memory_space<vmem>>
      %dma_start3A_348 = arith.constant 0 : i32
      %dma_start3A_349 = arith.constant 0 : i32
      %dma_start3A_350 = tpu.memref_slice %arg2[%dma_start3A_348, %dma_start3A_349] : memref<50176x32xf32, #tpu.memory_space<hbm>> -> memref<50176x32xf32, #tpu.memory_space<hbm>>
      tpu.enqueue_indirect_dma source(%dma_start3A_350 : memref<50176x32xf32, #tpu.memory_space<hbm>>) target(%dma_start3A_344 : memref<128x32xf32, #tpu.memory_space<vmem>>) offsets(%dma_start3A_347 : memref<128xi32, #tpu.memory_space<vmem>>) semaphore(%arg25 : memref<!tpu.dma_semaphore, #tpu.memory_space<semaphore_mem>>)
    } else {
    }
    %eq3A_47 = arith.constant 1 : i32
    %eq3A_48 = arith.cmpi eq, %arg0, %eq3A_47 : i32
    %convert_element_type3A_49 = arith.extui %eq3A_48 : i1 to i32
    %cond3A_50 = arith.constant 0 : i32
    %cond3A_51 = arith.cmpi ne, %convert_element_type3A_49, %cond3A_50 : i32
    scf.if %cond3A_51 {
      %dma_start3A_338 = arith.constant 0 : i32
      %dma_start3A_339 = arith.constant 0 : i32
      %dma_start3A_340 = arith.constant 0 : i32
      %dma_start3A_341 = arith.constant 0 : i32
      %dma_start3A_342 = arith.constant 0 : i32
      %dma_start3A_343 = tpu.memref_slice %arg15[%dma_start3A_340, %dma_start3A_341, %dma_start3A_342] : memref<6x128x32xf32, #tpu.memory_space<vmem>> -> memref<1x128x32xf32, #tpu.memory_space<vmem>>
      %dma_start3A_344 = tpu.memref_squeeze %dma_start3A_343 : memref<1x128x32xf32, #tpu.memory_space<vmem>> -> memref<128x32xf32, #tpu.memory_space<vmem>>
      %dma_start3A_345 = arith.constant 0 : i32
      %dma_start3A_346 = tpu.memref_slice %arg13[%dma_start3A_338, %dma_start3A_339, %dma_start3A_345] : memref<4x4x128xi32, #tpu.memory_space<vmem>> -> memref<1x1x128xi32, #tpu.memory_space<vmem>>
      %dma_start3A_347 = tpu.memref_squeeze %dma_start3A_346 : memref<1x1x128xi32, #tpu.memory_space<vmem>> -> memref<128xi32, #tpu.memory_space<vmem>>
      %dma_start3A_348 = arith.constant 0 : i32
      %dma_start3A_349 = arith.constant 0 : i32
      %dma_start3A_350 = tpu.memref_slice %arg3[%dma_start3A_348, %dma_start3A_349] : memref<50176x32xf32, #tpu.memory_space<hbm>> -> memref<50176x32xf32, #tpu.memory_space<hbm>>
      tpu.enqueue_indirect_dma source(%dma_start3A_350 : memref<50176x32xf32, #tpu.memory_space<hbm>>) target(%dma_start3A_344 : memref<128x32xf32, #tpu.memory_space<vmem>>) offsets(%dma_start3A_347 : memref<128xi32, #tpu.memory_space<vmem>>) semaphore(%arg25 : memref<!tpu.dma_semaphore, #tpu.memory_space<semaphore_mem>>)
    } else {
    }
    %eq3A_52 = arith.constant 0 : i32
    %eq3A_53 = arith.cmpi eq, %arg0, %eq3A_52 : i32
    %convert_element_type3A_54 = arith.extui %eq3A_53 : i1 to i32
    %cond3A_55 = arith.constant 0 : i32
    %cond3A_56 = arith.cmpi ne, %convert_element_type3A_54, %cond3A_55 : i32
    scf.if %cond3A_56 {
      %dma_start3A_338 = arith.constant 0 : i32
      %dma_start3A_339 = arith.constant 1 : i32
      %dma_start3A_340 = arith.constant 1 : i32
      %dma_start3A_341 = arith.constant 0 : i32
      %dma_start3A_342 = arith.constant 0 : i32
      %dma_start3A_343 = tpu.memref_slice %arg15[%dma_start3A_340, %dma_start3A_341, %dma_start3A_342] : memref<6x128x32xf32, #tpu.memory_space<vmem>> -> memref<1x128x32xf32, #tpu.memory_space<vmem>>
      %dma_start3A_344 = tpu.memref_squeeze %dma_start3A_343 : memref<1x128x32xf32, #tpu.memory_space<vmem>> -> memref<128x32xf32, #tpu.memory_space<vmem>>
      %dma_start3A_345 = arith.constant 0 : i32
      %dma_start3A_346 = tpu.memref_slice %arg13[%dma_start3A_338, %dma_start3A_339, %dma_start3A_345] : memref<4x4x128xi32, #tpu.memory_space<vmem>> -> memref<1x1x128xi32, #tpu.memory_space<vmem>>
      %dma_start3A_347 = tpu.memref_squeeze %dma_start3A_346 : memref<1x1x128xi32, #tpu.memory_space<vmem>> -> memref<128xi32, #tpu.memory_space<vmem>>
      %dma_start3A_348 = arith.constant 0 : i32
      %dma_start3A_349 = arith.constant 0 : i32
      %dma_start3A_350 = tpu.memref_slice %arg2[%dma_start3A_348, %dma_start3A_349] : memref<50176x32xf32, #tpu.memory_space<hbm>> -> memref<50176x32xf32, #tpu.memory_space<hbm>>
      tpu.enqueue_indirect_dma source(%dma_start3A_350 : memref<50176x32xf32, #tpu.memory_space<hbm>>) target(%dma_start3A_344 : memref<128x32xf32, #tpu.memory_space<vmem>>) offsets(%dma_start3A_347 : memref<128xi32, #tpu.memory_space<vmem>>) semaphore(%arg26 : memref<!tpu.dma_semaphore, #tpu.memory_space<semaphore_mem>>)
    } else {
    }
    %eq3A_57 = arith.constant 1 : i32
    %eq3A_58 = arith.cmpi eq, %arg0, %eq3A_57 : i32
    %convert_element_type3A_59 = arith.extui %eq3A_58 : i1 to i32
    %cond3A_60 = arith.constant 0 : i32
    %cond3A_61 = arith.cmpi ne, %convert_element_type3A_59, %cond3A_60 : i32
    scf.if %cond3A_61 {
      %dma_start3A_338 = arith.constant 0 : i32
      %dma_start3A_339 = arith.constant 1 : i32
      %dma_start3A_340 = arith.constant 1 : i32
      %dma_start3A_341 = arith.constant 0 : i32
      %dma_start3A_342 = arith.constant 0 : i32
      %dma_start3A_343 = tpu.memref_slice %arg15[%dma_start3A_340, %dma_start3A_341, %dma_start3A_342] : memref<6x128x32xf32, #tpu.memory_space<vmem>> -> memref<1x128x32xf32, #tpu.memory_space<vmem>>
      %dma_start3A_344 = tpu.memref_squeeze %dma_start3A_343 : memref<1x128x32xf32, #tpu.memory_space<vmem>> -> memref<128x32xf32, #tpu.memory_space<vmem>>
      %dma_start3A_345 = arith.constant 0 : i32
      %dma_start3A_346 = tpu.memref_slice %arg13[%dma_start3A_338, %dma_start3A_339, %dma_start3A_345] : memref<4x4x128xi32, #tpu.memory_space<vmem>> -> memref<1x1x128xi32, #tpu.memory_space<vmem>>
      %dma_start3A_347 = tpu.memref_squeeze %dma_start3A_346 : memref<1x1x128xi32, #tpu.memory_space<vmem>> -> memref<128xi32, #tpu.memory_space<vmem>>
      %dma_start3A_348 = arith.constant 0 : i32
      %dma_start3A_349 = arith.constant 0 : i32
      %dma_start3A_350 = tpu.memref_slice %arg3[%dma_start3A_348, %dma_start3A_349] : memref<50176x32xf32, #tpu.memory_space<hbm>> -> memref<50176x32xf32, #tpu.memory_space<hbm>>
      tpu.enqueue_indirect_dma source(%dma_start3A_350 : memref<50176x32xf32, #tpu.memory_space<hbm>>) target(%dma_start3A_344 : memref<128x32xf32, #tpu.memory_space<vmem>>) offsets(%dma_start3A_347 : memref<128xi32, #tpu.memory_space<vmem>>) semaphore(%arg26 : memref<!tpu.dma_semaphore, #tpu.memory_space<semaphore_mem>>)
    } else {
    }
    %eq3A_62 = arith.constant 0 : i32
    %eq3A_63 = arith.cmpi eq, %arg0, %eq3A_62 : i32
    %convert_element_type3A_64 = arith.extui %eq3A_63 : i1 to i32
    %cond3A_65 = arith.constant 0 : i32
    %cond3A_66 = arith.cmpi ne, %convert_element_type3A_64, %cond3A_65 : i32
    scf.if %cond3A_66 {
      %dma_start3A_338 = arith.constant 0 : i32
      %dma_start3A_339 = arith.constant 2 : i32
      %dma_start3A_340 = arith.constant 2 : i32
      %dma_start3A_341 = arith.constant 0 : i32
      %dma_start3A_342 = arith.constant 0 : i32
      %dma_start3A_343 = tpu.memref_slice %arg15[%dma_start3A_340, %dma_start3A_341, %dma_start3A_342] : memref<6x128x32xf32, #tpu.memory_space<vmem>> -> memref<1x128x32xf32, #tpu.memory_space<vmem>>
      %dma_start3A_344 = tpu.memref_squeeze %dma_start3A_343 : memref<1x128x32xf32, #tpu.memory_space<vmem>> -> memref<128x32xf32, #tpu.memory_space<vmem>>
      %dma_start3A_345 = arith.constant 0 : i32
      %dma_start3A_346 = tpu.memref_slice %arg13[%dma_start3A_338, %dma_start3A_339, %dma_start3A_345] : memref<4x4x128xi32, #tpu.memory_space<vmem>> -> memref<1x1x128xi32, #tpu.memory_space<vmem>>
      %dma_start3A_347 = tpu.memref_squeeze %dma_start3A_346 : memref<1x1x128xi32, #tpu.memory_space<vmem>> -> memref<128xi32, #tpu.memory_space<vmem>>
      %dma_start3A_348 = arith.constant 0 : i32
      %dma_start3A_349 = arith.constant 0 : i32
      %dma_start3A_350 = tpu.memref_slice %arg2[%dma_start3A_348, %dma_start3A_349] : memref<50176x32xf32, #tpu.memory_space<hbm>> -> memref<50176x32xf32, #tpu.memory_space<hbm>>
      tpu.enqueue_indirect_dma source(%dma_start3A_350 : memref<50176x32xf32, #tpu.memory_space<hbm>>) target(%dma_start3A_344 : memref<128x32xf32, #tpu.memory_space<vmem>>) offsets(%dma_start3A_347 : memref<128xi32, #tpu.memory_space<vmem>>) semaphore(%arg27 : memref<!tpu.dma_semaphore, #tpu.memory_space<semaphore_mem>>)
    } else {
    }
    %eq3A_67 = arith.constant 1 : i32
    %eq3A_68 = arith.cmpi eq, %arg0, %eq3A_67 : i32
    %convert_element_type3A_69 = arith.extui %eq3A_68 : i1 to i32
    %cond3A_70 = arith.constant 0 : i32
    %cond3A_71 = arith.cmpi ne, %convert_element_type3A_69, %cond3A_70 : i32
    scf.if %cond3A_71 {
      %dma_start3A_338 = arith.constant 0 : i32
      %dma_start3A_339 = arith.constant 2 : i32
      %dma_start3A_340 = arith.constant 2 : i32
      %dma_start3A_341 = arith.constant 0 : i32
      %dma_start3A_342 = arith.constant 0 : i32
      %dma_start3A_343 = tpu.memref_slice %arg15[%dma_start3A_340, %dma_start3A_341, %dma_start3A_342] : memref<6x128x32xf32, #tpu.memory_space<vmem>> -> memref<1x128x32xf32, #tpu.memory_space<vmem>>
      %dma_start3A_344 = tpu.memref_squeeze %dma_start3A_343 : memref<1x128x32xf32, #tpu.memory_space<vmem>> -> memref<128x32xf32, #tpu.memory_space<vmem>>
      %dma_start3A_345 = arith.constant 0 : i32
      %dma_start3A_346 = tpu.memref_slice %arg13[%dma_start3A_338, %dma_start3A_339, %dma_start3A_345] : memref<4x4x128xi32, #tpu.memory_space<vmem>> -> memref<1x1x128xi32, #tpu.memory_space<vmem>>
      %dma_start3A_347 = tpu.memref_squeeze %dma_start3A_346 : memref<1x1x128xi32, #tpu.memory_space<vmem>> -> memref<128xi32, #tpu.memory_space<vmem>>
      %dma_start3A_348 = arith.constant 0 : i32
      %dma_start3A_349 = arith.constant 0 : i32
      %dma_start3A_350 = tpu.memref_slice %arg3[%dma_start3A_348, %dma_start3A_349] : memref<50176x32xf32, #tpu.memory_space<hbm>> -> memref<50176x32xf32, #tpu.memory_space<hbm>>
      tpu.enqueue_indirect_dma source(%dma_start3A_350 : memref<50176x32xf32, #tpu.memory_space<hbm>>) target(%dma_start3A_344 : memref<128x32xf32, #tpu.memory_space<vmem>>) offsets(%dma_start3A_347 : memref<128xi32, #tpu.memory_space<vmem>>) semaphore(%arg27 : memref<!tpu.dma_semaphore, #tpu.memory_space<semaphore_mem>>)
    } else {
    }
    %scan3A_72 = arith.constant 0 : i32
    %scan3A_73 = arith.constant 392 : i32
    %scan3A_74 = arith.addi %scan3A_72, %scan3A_73 : i32
    %scan3A_75 = arith.constant 1 : i32
    scf.for %scan3A_338 = %scan3A_72 to %scan3A_74 step %scan3A_75  : i32 {
      %mul3A_339 = arith.constant 1 : i32
      %mul3A_340 = arith.muli %scan3A_338, %mul3A_339 : i32
      %add3A_341 = arith.constant 0 : i32
      %add3A_342 = arith.addi %add3A_341, %mul3A_340 : i32
      %jit3A = arith.constant 4 : i32
      %div3A = arith.divsi %add3A_342, %jit3A : i32
      %sign3A = arith.constant 0 : i32
      %sign3A_343 = arith.cmpi sgt, %add3A_342, %sign3A : i32
      %sign3A_344 = arith.extui %sign3A_343 : i1 to i32
      %sign3A_345 = arith.constant 0 : i32
      %sign3A_346 = arith.cmpi slt, %add3A_342, %sign3A_345 : i32
      %sign3A_347 = arith.extui %sign3A_346 : i1 to i32
      %sign3A_348 = arith.subi %sign3A_344, %sign3A_347 : i32
      %sign3A_349 = arith.constant 0 : i32
      %sign3A_350 = arith.cmpi sgt, %jit3A, %sign3A_349 : i32
      %sign3A_351 = arith.extui %sign3A_350 : i1 to i32
      %sign3A_352 = arith.constant 0 : i32
      %sign3A_353 = arith.cmpi slt, %jit3A, %sign3A_352 : i32
      %sign3A_354 = arith.extui %sign3A_353 : i1 to i32
      %sign3A_355 = arith.subi %sign3A_351, %sign3A_354 : i32
      %ne3A = arith.cmpi ne, %sign3A_348, %sign3A_355 : i32
      %rem3A = arith.remsi %add3A_342, %jit3A : i32
      %ne3A_356 = arith.constant 0 : i32
      %ne3A_357 = arith.cmpi ne, %rem3A, %ne3A_356 : i32
      %and3A = arith.andi %ne3A, %ne3A_357 : i1
      %sub3A = arith.constant 1 : i32
      %sub3A_358 = arith.subi %div3A, %sub3A : i32
      %select_n3A = arith.select %and3A, %sub3A_358, %div3A : i32
      %jit3A_359 = arith.constant 4 : i32
      %eq3A_360 = arith.constant 0 : i32
      %eq3A_361 = arith.cmpi eq, %jit3A_359, %eq3A_360 : i32
      %jit3A_362 = arith.constant 1 : i32
      %select_n3A_363 = arith.select %eq3A_361, %jit3A_362, %jit3A_359 : i32
      %rem3A_364 = arith.remsi %add3A_342, %select_n3A_363 : i32
      %ne3A_365 = arith.constant 0 : i32
      %ne3A_366 = arith.cmpi ne, %rem3A_364, %ne3A_365 : i32
      %lt3A = arith.constant 0 : i32
      %lt3A_367 = arith.cmpi slt, %rem3A_364, %lt3A : i32
      %lt3A_368 = arith.constant 0 : i32
      %lt3A_369 = arith.cmpi slt, %select_n3A_363, %lt3A_368 : i32
      %ne3A_370 = arith.xori %lt3A_367, %lt3A_369 : i1
      %and3A_371 = arith.andi %ne3A_370, %ne3A_366 : i1
      %add3A_372 = arith.addi %rem3A_364, %select_n3A_363 : i32
      %select_n3A_373 = arith.select %and3A_371, %add3A_372, %rem3A_364 : i32
      %eq3A_374 = arith.constant 0 : i32
      %eq3A_375 = arith.cmpi eq, %select_n3A_373, %eq3A_374 : i32
      %convert_element_type3A_376 = arith.extui %eq3A_375 : i1 to i32
      %cond3A_377 = arith.constant 0 : i32
      %cond3A_378 = arith.cmpi ne, %convert_element_type3A_376, %cond3A_377 : i32
      scf.if %cond3A_378 {
        %lt3A_522 = arith.constant 97 : i32
        %lt3A_523 = arith.cmpi slt, %select_n3A, %lt3A_522 : i32
        %convert_element_type3A_524 = arith.extui %lt3A_523 : i1 to i32
        %cond3A_525 = arith.constant 0 : i32
        %cond3A_526 = arith.cmpi ne, %convert_element_type3A_524, %cond3A_525 : i32
        scf.if %cond3A_526 {
          %dma_wait3A_532 = arith.constant 0 : i32
          %dma_wait3A_533 = arith.constant 0 : i32
          %dma_wait3A_534 = arith.constant 0 : i32
          %dma_wait3A_535 = tpu.memref_slice %arg13[%dma_wait3A_532, %dma_wait3A_533, %dma_wait3A_534] : memref<4x4x128xi32, #tpu.memory_space<vmem>> -> memref<1x4x128xi32, #tpu.memory_space<vmem>>
          %dma_wait3A_536 = tpu.memref_squeeze %dma_wait3A_535 : memref<1x4x128xi32, #tpu.memory_space<vmem>> -> memref<4x128xi32, #tpu.memory_space<vmem>>
          %dma_wait3A_537 = arith.constant 0 : i32
          %dma_wait3A_538 = arith.constant 0 : i32
          %dma_wait3A_539 = tpu.memref_slice %arg4[%dma_wait3A_537, %dma_wait3A_538] : memref<6272x128xi32, #tpu.memory_space<hbm>> -> memref<4x128xi32, #tpu.memory_space<hbm>>
          %dma_wait3A_540 = arith.constant 0 : i32
          %dma_wait3A_541 = arith.constant 0 : i32
          %dma_wait3A_542 = tpu.memref_slice %arg13[%dma_wait3A_532, %dma_wait3A_540, %dma_wait3A_541] : memref<4x4x128xi32, #tpu.memory_space<vmem>> -> memref<1x4x128xi32, #tpu.memory_space<vmem>>
          %dma_wait3A_543 = tpu.memref_squeeze %dma_wait3A_542 : memref<1x4x128xi32, #tpu.memory_space<vmem>> -> memref<4x128xi32, #tpu.memory_space<vmem>>
          %dma_wait3A_544 = arith.constant 0 : i32
          %dma_wait3A_545 = arith.constant 0 : i32
          %dma_wait3A_546 = tpu.memref_slice %arg4[%dma_wait3A_544, %dma_wait3A_545] : memref<6272x128xi32, #tpu.memory_space<hbm>> -> memref<4x128xi32, #tpu.memory_space<hbm>>
          tpu.wait_dma2 semaphore(%arg24 : memref<!tpu.dma_semaphore, #tpu.memory_space<semaphore_mem>>) src(%dma_wait3A_546 : memref<4x128xi32, #tpu.memory_space<hbm>>) dst(%dma_wait3A_543 : memref<4x128xi32, #tpu.memory_space<vmem>>)
          %dma_wait3A_547 = arith.constant 0 : i32
          %dma_wait3A_548 = arith.constant 0 : i32
          %dma_wait3A_549 = arith.constant 0 : i32
          %dma_wait3A_550 = tpu.memref_slice %arg14[%dma_wait3A_547, %dma_wait3A_548, %dma_wait3A_549] : memref<4x4x128xi32, #tpu.memory_space<vmem>> -> memref<1x4x128xi32, #tpu.memory_space<vmem>>
          %dma_wait3A_551 = tpu.memref_squeeze %dma_wait3A_550 : memref<1x4x128xi32, #tpu.memory_space<vmem>> -> memref<4x128xi32, #tpu.memory_space<vmem>>
          %dma_wait3A_552 = arith.constant 0 : i32
          %dma_wait3A_553 = arith.constant 0 : i32
          %dma_wait3A_554 = tpu.memref_slice %arg5[%dma_wait3A_552, %dma_wait3A_553] : memref<6272x128xi32, #tpu.memory_space<hbm>> -> memref<4x128xi32, #tpu.memory_space<hbm>>
          %dma_wait3A_555 = arith.constant 0 : i32
          %dma_wait3A_556 = arith.constant 0 : i32
          %dma_wait3A_557 = tpu.memref_slice %arg14[%dma_wait3A_547, %dma_wait3A_555, %dma_wait3A_556] : memref<4x4x128xi32, #tpu.memory_space<vmem>> -> memref<1x4x128xi32, #tpu.memory_space<vmem>>
          %dma_wait3A_558 = tpu.memref_squeeze %dma_wait3A_557 : memref<1x4x128xi32, #tpu.memory_space<vmem>> -> memref<4x128xi32, #tpu.memory_space<vmem>>
          %dma_wait3A_559 = arith.constant 0 : i32
          %dma_wait3A_560 = arith.constant 0 : i32
          %dma_wait3A_561 = tpu.memref_slice %arg5[%dma_wait3A_559, %dma_wait3A_560] : memref<6272x128xi32, #tpu.memory_space<hbm>> -> memref<4x128xi32, #tpu.memory_space<hbm>>
          tpu.wait_dma2 semaphore(%arg24 : memref<!tpu.dma_semaphore, #tpu.memory_space<semaphore_mem>>) src(%dma_wait3A_561 : memref<4x128xi32, #tpu.memory_space<hbm>>) dst(%dma_wait3A_558 : memref<4x128xi32, #tpu.memory_space<vmem>>)
        } else {
        }
        %lt3A_527 = arith.constant 96 : i32
        %lt3A_528 = arith.cmpi slt, %select_n3A, %lt3A_527 : i32
        %convert_element_type3A_529 = arith.extui %lt3A_528 : i1 to i32
        %cond3A_530 = arith.constant 0 : i32
        %cond3A_531 = arith.cmpi ne, %convert_element_type3A_529, %cond3A_530 : i32
        scf.if %cond3A_531 {
          %add3A_532 = arith.constant 2 : i32
          %add3A_533 = arith.addi %select_n3A, %add3A_532 : i32
          %jit3A_534 = arith.constant 4 : i32
          %eq3A_535 = arith.constant 0 : i32
          %eq3A_536 = arith.cmpi eq, %jit3A_534, %eq3A_535 : i32
          %jit3A_537 = arith.constant 1 : i32
          %select_n3A_538 = arith.select %eq3A_536, %jit3A_537, %jit3A_534 : i32
          %rem3A_539 = arith.remsi %add3A_533, %select_n3A_538 : i32
          %ne3A_540 = arith.constant 0 : i32
          %ne3A_541 = arith.cmpi ne, %rem3A_539, %ne3A_540 : i32
          %lt3A_542 = arith.constant 0 : i32
          %lt3A_543 = arith.cmpi slt, %rem3A_539, %lt3A_542 : i32
          %lt3A_544 = arith.constant 0 : i32
          %lt3A_545 = arith.cmpi slt, %select_n3A_538, %lt3A_544 : i32
          %ne3A_546 = arith.xori %lt3A_543, %lt3A_545 : i1
          %and3A_547 = arith.andi %ne3A_546, %ne3A_541 : i1
          %add3A_548 = arith.addi %rem3A_539, %select_n3A_538 : i32
          %select_n3A_549 = arith.select %and3A_547, %add3A_548, %rem3A_539 : i32
          %mul3A_550 = arith.constant 392 : i32
          %mul3A_551 = arith.muli %arg1, %mul3A_550 : i32
          %add3A_552 = arith.constant 2 : i32
          %add3A_553 = arith.addi %select_n3A, %add3A_552 : i32
          %mul3A_554 = arith.constant 4 : i32
          %mul3A_555 = arith.muli %add3A_553, %mul3A_554 : i32
          %add3A_556 = arith.addi %mul3A_551, %mul3A_555 : i32
          %dma_start3A_557 = arith.constant 0 : i32
          %dma_start3A_558 = arith.constant 0 : i32
          %dma_start3A_559 = tpu.memref_slice %arg13[%select_n3A_549, %dma_start3A_557, %dma_start3A_558] : memref<4x4x128xi32, #tpu.memory_space<vmem>> -> memref<1x4x128xi32, #tpu.memory_space<vmem>>
          %dma_start3A_560 = tpu.memref_squeeze %dma_start3A_559 : memref<1x4x128xi32, #tpu.memory_space<vmem>> -> memref<4x128xi32, #tpu.memory_space<vmem>>
          %dma_start3A_561 = arith.constant 0 : i32
          %dma_start3A_562 = tpu.memref_slice %arg4[%add3A_556, %dma_start3A_561] : memref<6272x128xi32, #tpu.memory_space<hbm>> -> memref<4x128xi32, #tpu.memory_space<hbm>>
          %dma_start3A_563 = arith.constant 0 : i32
          %dma_start3A_564 = arith.constant 0 : i32
          %dma_start3A_565 = tpu.memref_slice %arg13[%select_n3A_549, %dma_start3A_563, %dma_start3A_564] : memref<4x4x128xi32, #tpu.memory_space<vmem>> -> memref<1x4x128xi32, #tpu.memory_space<vmem>>
          %dma_start3A_566 = tpu.memref_squeeze %dma_start3A_565 : memref<1x4x128xi32, #tpu.memory_space<vmem>> -> memref<4x128xi32, #tpu.memory_space<vmem>>
          %dma_start3A_567 = arith.constant 0 : i32
          %dma_start3A_568 = tpu.memref_slice %arg4[%add3A_556, %dma_start3A_567] : memref<6272x128xi32, #tpu.memory_space<hbm>> -> memref<4x128xi32, #tpu.memory_space<hbm>>
          tpu.enqueue_dma source(%dma_start3A_568 : memref<4x128xi32, #tpu.memory_space<hbm>>) target(%dma_start3A_566 : memref<4x128xi32, #tpu.memory_space<vmem>>) target_semaphore(%arg24 : memref<!tpu.dma_semaphore, #tpu.memory_space<semaphore_mem>>)
          %dma_start3A_569 = arith.constant 0 : i32
          %dma_start3A_570 = arith.constant 0 : i32
          %dma_start3A_571 = tpu.memref_slice %arg14[%select_n3A_549, %dma_start3A_569, %dma_start3A_570] : memref<4x4x128xi32, #tpu.memory_space<vmem>> -> memref<1x4x128xi32, #tpu.memory_space<vmem>>
          %dma_start3A_572 = tpu.memref_squeeze %dma_start3A_571 : memref<1x4x128xi32, #tpu.memory_space<vmem>> -> memref<4x128xi32, #tpu.memory_space<vmem>>
          %dma_start3A_573 = arith.constant 0 : i32
          %dma_start3A_574 = tpu.memref_slice %arg5[%add3A_556, %dma_start3A_573] : memref<6272x128xi32, #tpu.memory_space<hbm>> -> memref<4x128xi32, #tpu.memory_space<hbm>>
          %dma_start3A_575 = arith.constant 0 : i32
          %dma_start3A_576 = arith.constant 0 : i32
          %dma_start3A_577 = tpu.memref_slice %arg14[%select_n3A_549, %dma_start3A_575, %dma_start3A_576] : memref<4x4x128xi32, #tpu.memory_space<vmem>> -> memref<1x4x128xi32, #tpu.memory_space<vmem>>
          %dma_start3A_578 = tpu.memref_squeeze %dma_start3A_577 : memref<1x4x128xi32, #tpu.memory_space<vmem>> -> memref<4x128xi32, #tpu.memory_space<vmem>>
          %dma_start3A_579 = arith.constant 0 : i32
          %dma_start3A_580 = tpu.memref_slice %arg5[%add3A_556, %dma_start3A_579] : memref<6272x128xi32, #tpu.memory_space<hbm>> -> memref<4x128xi32, #tpu.memory_space<hbm>>
          tpu.enqueue_dma source(%dma_start3A_580 : memref<4x128xi32, #tpu.memory_space<hbm>>) target(%dma_start3A_578 : memref<4x128xi32, #tpu.memory_space<vmem>>) target_semaphore(%arg24 : memref<!tpu.dma_semaphore, #tpu.memory_space<semaphore_mem>>)
        } else {
        }
      } else {
      }
      %jit3A_379 = arith.constant 3 : i32
      %eq3A_380 = arith.constant 0 : i32
      %eq3A_381 = arith.cmpi eq, %jit3A_379, %eq3A_380 : i32
      %jit3A_382 = arith.constant 1 : i32
      %select_n3A_383 = arith.select %eq3A_381, %jit3A_382, %jit3A_379 : i32
      %rem3A_384 = arith.remsi %add3A_342, %select_n3A_383 : i32
      %ne3A_385 = arith.constant 0 : i32
      %ne3A_386 = arith.cmpi ne, %rem3A_384, %ne3A_385 : i32
      %lt3A_387 = arith.constant 0 : i32
      %lt3A_388 = arith.cmpi slt, %rem3A_384, %lt3A_387 : i32
      %lt3A_389 = arith.constant 0 : i32
      %lt3A_390 = arith.cmpi slt, %select_n3A_383, %lt3A_389 : i32
      %ne3A_391 = arith.xori %lt3A_388, %lt3A_390 : i1
      %and3A_392 = arith.andi %ne3A_391, %ne3A_386 : i1
      %add3A_393 = arith.addi %rem3A_384, %select_n3A_383 : i32
      %select_n3A_394 = arith.select %and3A_392, %add3A_393, %rem3A_384 : i32
      %eq3A_395 = arith.constant 0 : i32
      %eq3A_396 = arith.cmpi eq, %select_n3A_394, %eq3A_395 : i32
      %convert_element_type3A_397 = arith.extui %eq3A_396 : i1 to i32
      %cond3A_398 = arith.constant 0 : i32
      %cond3A_399 = arith.cmpi ne, %convert_element_type3A_397, %cond3A_398 : i32
      scf.if %cond3A_399 {
        %dma_wait3A_522 = arith.constant 0 : i32
        %dma_wait3A_523 = arith.constant 0 : i32
        %dma_wait3A_524 = arith.constant 0 : i32
        %dma_wait3A_525 = arith.constant 0 : i32
        %dma_wait3A_526 = arith.constant 0 : i32
        %dma_wait3A_527 = tpu.memref_slice %arg15[%dma_wait3A_524, %dma_wait3A_525, %dma_wait3A_526] : memref<6x128x32xf32, #tpu.memory_space<vmem>> -> memref<1x128x32xf32, #tpu.memory_space<vmem>>
        %dma_wait3A_528 = tpu.memref_squeeze %dma_wait3A_527 : memref<1x128x32xf32, #tpu.memory_space<vmem>> -> memref<128x32xf32, #tpu.memory_space<vmem>>
        %dma_wait3A_529 = arith.constant 0 : i32
        %dma_wait3A_530 = tpu.memref_slice %arg13[%dma_wait3A_522, %dma_wait3A_523, %dma_wait3A_529] : memref<4x4x128xi32, #tpu.memory_space<vmem>> -> memref<1x1x128xi32, #tpu.memory_space<vmem>>
        %dma_wait3A_531 = tpu.memref_squeeze %dma_wait3A_530 : memref<1x1x128xi32, #tpu.memory_space<vmem>> -> memref<128xi32, #tpu.memory_space<vmem>>
        %dma_wait3A_532 = arith.constant 0 : i32
        %dma_wait3A_533 = arith.constant 0 : i32
        %dma_wait3A_534 = tpu.memref_slice %arg2[%dma_wait3A_532, %dma_wait3A_533] : memref<50176x32xf32, #tpu.memory_space<hbm>> -> memref<50176x32xf32, #tpu.memory_space<hbm>>
        tpu.wait_indirect_dma semaphore(%arg25 : memref<!tpu.dma_semaphore, #tpu.memory_space<semaphore_mem>>) src(%dma_wait3A_534 : memref<50176x32xf32, #tpu.memory_space<hbm>>) dst(%dma_wait3A_528 : memref<128x32xf32, #tpu.memory_space<vmem>>)
      } else {
      }
      %eq3A_400 = arith.constant 1 : i32
      %eq3A_401 = arith.cmpi eq, %select_n3A_394, %eq3A_400 : i32
      %convert_element_type3A_402 = arith.extui %eq3A_401 : i1 to i32
      %cond3A_403 = arith.constant 0 : i32
      %cond3A_404 = arith.cmpi ne, %convert_element_type3A_402, %cond3A_403 : i32
      scf.if %cond3A_404 {
        %dma_wait3A_522 = arith.constant 0 : i32
        %dma_wait3A_523 = arith.constant 0 : i32
        %dma_wait3A_524 = arith.constant 0 : i32
        %dma_wait3A_525 = arith.constant 0 : i32
        %dma_wait3A_526 = arith.constant 0 : i32
        %dma_wait3A_527 = tpu.memref_slice %arg15[%dma_wait3A_524, %dma_wait3A_525, %dma_wait3A_526] : memref<6x128x32xf32, #tpu.memory_space<vmem>> -> memref<1x128x32xf32, #tpu.memory_space<vmem>>
        %dma_wait3A_528 = tpu.memref_squeeze %dma_wait3A_527 : memref<1x128x32xf32, #tpu.memory_space<vmem>> -> memref<128x32xf32, #tpu.memory_space<vmem>>
        %dma_wait3A_529 = arith.constant 0 : i32
        %dma_wait3A_530 = tpu.memref_slice %arg13[%dma_wait3A_522, %dma_wait3A_523, %dma_wait3A_529] : memref<4x4x128xi32, #tpu.memory_space<vmem>> -> memref<1x1x128xi32, #tpu.memory_space<vmem>>
        %dma_wait3A_531 = tpu.memref_squeeze %dma_wait3A_530 : memref<1x1x128xi32, #tpu.memory_space<vmem>> -> memref<128xi32, #tpu.memory_space<vmem>>
        %dma_wait3A_532 = arith.constant 0 : i32
        %dma_wait3A_533 = arith.constant 0 : i32
        %dma_wait3A_534 = tpu.memref_slice %arg2[%dma_wait3A_532, %dma_wait3A_533] : memref<50176x32xf32, #tpu.memory_space<hbm>> -> memref<50176x32xf32, #tpu.memory_space<hbm>>
        tpu.wait_indirect_dma semaphore(%arg26 : memref<!tpu.dma_semaphore, #tpu.memory_space<semaphore_mem>>) src(%dma_wait3A_534 : memref<50176x32xf32, #tpu.memory_space<hbm>>) dst(%dma_wait3A_528 : memref<128x32xf32, #tpu.memory_space<vmem>>)
      } else {
      }
      %eq3A_405 = arith.constant 2 : i32
      %eq3A_406 = arith.cmpi eq, %select_n3A_394, %eq3A_405 : i32
      %convert_element_type3A_407 = arith.extui %eq3A_406 : i1 to i32
      %cond3A_408 = arith.constant 0 : i32
      %cond3A_409 = arith.cmpi ne, %convert_element_type3A_407, %cond3A_408 : i32
      scf.if %cond3A_409 {
        %dma_wait3A_522 = arith.constant 0 : i32
        %dma_wait3A_523 = arith.constant 0 : i32
        %dma_wait3A_524 = arith.constant 0 : i32
        %dma_wait3A_525 = arith.constant 0 : i32
        %dma_wait3A_526 = arith.constant 0 : i32
        %dma_wait3A_527 = tpu.memref_slice %arg15[%dma_wait3A_524, %dma_wait3A_525, %dma_wait3A_526] : memref<6x128x32xf32, #tpu.memory_space<vmem>> -> memref<1x128x32xf32, #tpu.memory_space<vmem>>
        %dma_wait3A_528 = tpu.memref_squeeze %dma_wait3A_527 : memref<1x128x32xf32, #tpu.memory_space<vmem>> -> memref<128x32xf32, #tpu.memory_space<vmem>>
        %dma_wait3A_529 = arith.constant 0 : i32
        %dma_wait3A_530 = tpu.memref_slice %arg13[%dma_wait3A_522, %dma_wait3A_523, %dma_wait3A_529] : memref<4x4x128xi32, #tpu.memory_space<vmem>> -> memref<1x1x128xi32, #tpu.memory_space<vmem>>
        %dma_wait3A_531 = tpu.memref_squeeze %dma_wait3A_530 : memref<1x1x128xi32, #tpu.memory_space<vmem>> -> memref<128xi32, #tpu.memory_space<vmem>>
        %dma_wait3A_532 = arith.constant 0 : i32
        %dma_wait3A_533 = arith.constant 0 : i32
        %dma_wait3A_534 = tpu.memref_slice %arg2[%dma_wait3A_532, %dma_wait3A_533] : memref<50176x32xf32, #tpu.memory_space<hbm>> -> memref<50176x32xf32, #tpu.memory_space<hbm>>
        tpu.wait_indirect_dma semaphore(%arg27 : memref<!tpu.dma_semaphore, #tpu.memory_space<semaphore_mem>>) src(%dma_wait3A_534 : memref<50176x32xf32, #tpu.memory_space<hbm>>) dst(%dma_wait3A_528 : memref<128x32xf32, #tpu.memory_space<vmem>>)
      } else {
      }
      %ge3A = arith.constant 3 : i32
      %ge3A_410 = arith.cmpi sge, %add3A_342, %ge3A : i32
      %convert_element_type3A_411 = arith.extui %ge3A_410 : i1 to i32
      %cond3A_412 = arith.constant 0 : i32
      %cond3A_413 = arith.cmpi ne, %convert_element_type3A_411, %cond3A_412 : i32
      scf.if %cond3A_413 {
        %jit3A_522 = arith.constant 3 : i32
        %eq3A_523 = arith.constant 0 : i32
        %eq3A_524 = arith.cmpi eq, %jit3A_522, %eq3A_523 : i32
        %jit3A_525 = arith.constant 1 : i32
        %select_n3A_526 = arith.select %eq3A_524, %jit3A_525, %jit3A_522 : i32
        %rem3A_527 = arith.remsi %add3A_342, %select_n3A_526 : i32
        %ne3A_528 = arith.constant 0 : i32
        %ne3A_529 = arith.cmpi ne, %rem3A_527, %ne3A_528 : i32
        %lt3A_530 = arith.constant 0 : i32
        %lt3A_531 = arith.cmpi slt, %rem3A_527, %lt3A_530 : i32
        %lt3A_532 = arith.constant 0 : i32
        %lt3A_533 = arith.cmpi slt, %select_n3A_526, %lt3A_532 : i32
        %ne3A_534 = arith.xori %lt3A_531, %lt3A_533 : i1
        %and3A_535 = arith.andi %ne3A_534, %ne3A_529 : i1
        %add3A_536 = arith.addi %rem3A_527, %select_n3A_526 : i32
        %select_n3A_537 = arith.select %and3A_535, %add3A_536, %rem3A_527 : i32
        %jit3A_538 = arith.constant 3 : i32
        %eq3A_539 = arith.constant 0 : i32
        %eq3A_540 = arith.cmpi eq, %jit3A_538, %eq3A_539 : i32
        %jit3A_541 = arith.constant 1 : i32
        %select_n3A_542 = arith.select %eq3A_540, %jit3A_541, %jit3A_538 : i32
        %rem3A_543 = arith.remsi %select_n3A_537, %select_n3A_542 : i32
        %ne3A_544 = arith.constant 0 : i32
        %ne3A_545 = arith.cmpi ne, %rem3A_543, %ne3A_544 : i32
        %lt3A_546 = arith.constant 0 : i32
        %lt3A_547 = arith.cmpi slt, %rem3A_543, %lt3A_546 : i32
        %lt3A_548 = arith.constant 0 : i32
        %lt3A_549 = arith.cmpi slt, %select_n3A_542, %lt3A_548 : i32
        %ne3A_550 = arith.xori %lt3A_547, %lt3A_549 : i1
        %and3A_551 = arith.andi %ne3A_550, %ne3A_545 : i1
        %add3A_552 = arith.addi %rem3A_543, %select_n3A_542 : i32
        %select_n3A_553 = arith.select %and3A_551, %add3A_552, %rem3A_543 : i32
        %eq3A_554 = arith.constant 0 : i32
        %eq3A_555 = arith.cmpi eq, %select_n3A_553, %eq3A_554 : i32
        %convert_element_type3A_556 = arith.extui %eq3A_555 : i1 to i32
        %cond3A_557 = arith.constant 0 : i32
        %cond3A_558 = arith.cmpi ne, %convert_element_type3A_556, %cond3A_557 : i32
        scf.if %cond3A_558 {
          %dma_wait3A_569 = arith.constant 0 : i32
          %dma_wait3A_570 = arith.constant 0 : i32
          %dma_wait3A_571 = arith.constant 0 : i32
          %dma_wait3A_572 = arith.constant 0 : i32
          %dma_wait3A_573 = arith.constant 0 : i32
          %dma_wait3A_574 = tpu.memref_slice %arg15[%dma_wait3A_569, %dma_wait3A_572, %dma_wait3A_573] : memref<6x128x32xf32, #tpu.memory_space<vmem>> -> memref<1x128x32xf32, #tpu.memory_space<vmem>>
          %dma_wait3A_575 = tpu.memref_squeeze %dma_wait3A_574 : memref<1x128x32xf32, #tpu.memory_space<vmem>> -> memref<128x32xf32, #tpu.memory_space<vmem>>
          %dma_wait3A_576 = arith.constant 0 : i32
          %dma_wait3A_577 = tpu.memref_slice %arg14[%dma_wait3A_570, %dma_wait3A_571, %dma_wait3A_576] : memref<4x4x128xi32, #tpu.memory_space<vmem>> -> memref<1x1x128xi32, #tpu.memory_space<vmem>>
          %dma_wait3A_578 = tpu.memref_squeeze %dma_wait3A_577 : memref<1x1x128xi32, #tpu.memory_space<vmem>> -> memref<128xi32, #tpu.memory_space<vmem>>
          %dma_wait3A_579 = arith.constant 0 : i32
          %dma_wait3A_580 = arith.constant 0 : i32
          %dma_wait3A_581 = tpu.memref_slice %arg22[%dma_wait3A_579, %dma_wait3A_580] : memref<50176x32xf32, #tpu.memory_space<vmem_shared>> -> memref<50176x32xf32, #tpu.memory_space<vmem_shared>>
          tpu.wait_indirect_dma semaphore(%arg28 : memref<!tpu.dma_semaphore, #tpu.memory_space<semaphore_mem>>) src(%dma_wait3A_575 : memref<128x32xf32, #tpu.memory_space<vmem>>) dst(%dma_wait3A_581 : memref<50176x32xf32, #tpu.memory_space<vmem_shared>>)
        } else {
        }
        %eq3A_559 = arith.constant 1 : i32
        %eq3A_560 = arith.cmpi eq, %select_n3A_553, %eq3A_559 : i32
        %convert_element_type3A_561 = arith.extui %eq3A_560 : i1 to i32
        %cond3A_562 = arith.constant 0 : i32
        %cond3A_563 = arith.cmpi ne, %convert_element_type3A_561, %cond3A_562 : i32
        scf.if %cond3A_563 {
          %dma_wait3A_569 = arith.constant 0 : i32
          %dma_wait3A_570 = arith.constant 0 : i32
          %dma_wait3A_571 = arith.constant 0 : i32
          %dma_wait3A_572 = arith.constant 0 : i32
          %dma_wait3A_573 = arith.constant 0 : i32
          %dma_wait3A_574 = tpu.memref_slice %arg15[%dma_wait3A_569, %dma_wait3A_572, %dma_wait3A_573] : memref<6x128x32xf32, #tpu.memory_space<vmem>> -> memref<1x128x32xf32, #tpu.memory_space<vmem>>
          %dma_wait3A_575 = tpu.memref_squeeze %dma_wait3A_574 : memref<1x128x32xf32, #tpu.memory_space<vmem>> -> memref<128x32xf32, #tpu.memory_space<vmem>>
          %dma_wait3A_576 = arith.constant 0 : i32
          %dma_wait3A_577 = tpu.memref_slice %arg14[%dma_wait3A_570, %dma_wait3A_571, %dma_wait3A_576] : memref<4x4x128xi32, #tpu.memory_space<vmem>> -> memref<1x1x128xi32, #tpu.memory_space<vmem>>
          %dma_wait3A_578 = tpu.memref_squeeze %dma_wait3A_577 : memref<1x1x128xi32, #tpu.memory_space<vmem>> -> memref<128xi32, #tpu.memory_space<vmem>>
          %dma_wait3A_579 = arith.constant 0 : i32
          %dma_wait3A_580 = arith.constant 0 : i32
          %dma_wait3A_581 = tpu.memref_slice %arg22[%dma_wait3A_579, %dma_wait3A_580] : memref<50176x32xf32, #tpu.memory_space<vmem_shared>> -> memref<50176x32xf32, #tpu.memory_space<vmem_shared>>
          tpu.wait_indirect_dma semaphore(%arg29 : memref<!tpu.dma_semaphore, #tpu.memory_space<semaphore_mem>>) src(%dma_wait3A_575 : memref<128x32xf32, #tpu.memory_space<vmem>>) dst(%dma_wait3A_581 : memref<50176x32xf32, #tpu.memory_space<vmem_shared>>)
        } else {
        }
        %eq3A_564 = arith.constant 2 : i32
        %eq3A_565 = arith.cmpi eq, %select_n3A_553, %eq3A_564 : i32
        %convert_element_type3A_566 = arith.extui %eq3A_565 : i1 to i32
        %cond3A_567 = arith.constant 0 : i32
        %cond3A_568 = arith.cmpi ne, %convert_element_type3A_566, %cond3A_567 : i32
        scf.if %cond3A_568 {
          %dma_wait3A_569 = arith.constant 0 : i32
          %dma_wait3A_570 = arith.constant 0 : i32
          %dma_wait3A_571 = arith.constant 0 : i32
          %dma_wait3A_572 = arith.constant 0 : i32
          %dma_wait3A_573 = arith.constant 0 : i32
          %dma_wait3A_574 = tpu.memref_slice %arg15[%dma_wait3A_569, %dma_wait3A_572, %dma_wait3A_573] : memref<6x128x32xf32, #tpu.memory_space<vmem>> -> memref<1x128x32xf32, #tpu.memory_space<vmem>>
          %dma_wait3A_575 = tpu.memref_squeeze %dma_wait3A_574 : memref<1x128x32xf32, #tpu.memory_space<vmem>> -> memref<128x32xf32, #tpu.memory_space<vmem>>
          %dma_wait3A_576 = arith.constant 0 : i32
          %dma_wait3A_577 = tpu.memref_slice %arg14[%dma_wait3A_570, %dma_wait3A_571, %dma_wait3A_576] : memref<4x4x128xi32, #tpu.memory_space<vmem>> -> memref<1x1x128xi32, #tpu.memory_space<vmem>>
          %dma_wait3A_578 = tpu.memref_squeeze %dma_wait3A_577 : memref<1x1x128xi32, #tpu.memory_space<vmem>> -> memref<128xi32, #tpu.memory_space<vmem>>
          %dma_wait3A_579 = arith.constant 0 : i32
          %dma_wait3A_580 = arith.constant 0 : i32
          %dma_wait3A_581 = tpu.memref_slice %arg22[%dma_wait3A_579, %dma_wait3A_580] : memref<50176x32xf32, #tpu.memory_space<vmem_shared>> -> memref<50176x32xf32, #tpu.memory_space<vmem_shared>>
          tpu.wait_indirect_dma semaphore(%arg30 : memref<!tpu.dma_semaphore, #tpu.memory_space<semaphore_mem>>) src(%dma_wait3A_575 : memref<128x32xf32, #tpu.memory_space<vmem>>) dst(%dma_wait3A_581 : memref<50176x32xf32, #tpu.memory_space<vmem_shared>>)
        } else {
        }
      } else {
      }
      %lt3A_414 = arith.constant 389 : i32
      %lt3A_415 = arith.cmpi slt, %add3A_342, %lt3A_414 : i32
      %convert_element_type3A_416 = arith.extui %lt3A_415 : i1 to i32
      %cond3A_417 = arith.constant 0 : i32
      %cond3A_418 = arith.cmpi ne, %convert_element_type3A_416, %cond3A_417 : i32
      scf.if %cond3A_418 {
        %add3A_522 = arith.constant 3 : i32
        %add3A_523 = arith.addi %add3A_342, %add3A_522 : i32
        %jit3A_524 = arith.constant 4 : i32
        %div3A_525 = arith.divsi %add3A_523, %jit3A_524 : i32
        %sign3A_526 = arith.constant 0 : i32
        %sign3A_527 = arith.cmpi sgt, %add3A_523, %sign3A_526 : i32
        %sign3A_528 = arith.extui %sign3A_527 : i1 to i32
        %sign3A_529 = arith.constant 0 : i32
        %sign3A_530 = arith.cmpi slt, %add3A_523, %sign3A_529 : i32
        %sign3A_531 = arith.extui %sign3A_530 : i1 to i32
        %sign3A_532 = arith.subi %sign3A_528, %sign3A_531 : i32
        %sign3A_533 = arith.constant 0 : i32
        %sign3A_534 = arith.cmpi sgt, %jit3A_524, %sign3A_533 : i32
        %sign3A_535 = arith.extui %sign3A_534 : i1 to i32
        %sign3A_536 = arith.constant 0 : i32
        %sign3A_537 = arith.cmpi slt, %jit3A_524, %sign3A_536 : i32
        %sign3A_538 = arith.extui %sign3A_537 : i1 to i32
        %sign3A_539 = arith.subi %sign3A_535, %sign3A_538 : i32
        %ne3A_540 = arith.cmpi ne, %sign3A_532, %sign3A_539 : i32
        %rem3A_541 = arith.remsi %add3A_523, %jit3A_524 : i32
        %ne3A_542 = arith.constant 0 : i32
        %ne3A_543 = arith.cmpi ne, %rem3A_541, %ne3A_542 : i32
        %and3A_544 = arith.andi %ne3A_540, %ne3A_543 : i1
        %sub3A_545 = arith.constant 1 : i32
        %sub3A_546 = arith.subi %div3A_525, %sub3A_545 : i32
        %select_n3A_547 = arith.select %and3A_544, %sub3A_546, %div3A_525 : i32
        %jit3A_548 = arith.constant 4 : i32
        %eq3A_549 = arith.constant 0 : i32
        %eq3A_550 = arith.cmpi eq, %jit3A_548, %eq3A_549 : i32
        %jit3A_551 = arith.constant 1 : i32
        %select_n3A_552 = arith.select %eq3A_550, %jit3A_551, %jit3A_548 : i32
        %rem3A_553 = arith.remsi %select_n3A_547, %select_n3A_552 : i32
        %ne3A_554 = arith.constant 0 : i32
        %ne3A_555 = arith.cmpi ne, %rem3A_553, %ne3A_554 : i32
        %lt3A_556 = arith.constant 0 : i32
        %lt3A_557 = arith.cmpi slt, %rem3A_553, %lt3A_556 : i32
        %lt3A_558 = arith.constant 0 : i32
        %lt3A_559 = arith.cmpi slt, %select_n3A_552, %lt3A_558 : i32
        %ne3A_560 = arith.xori %lt3A_557, %lt3A_559 : i1
        %and3A_561 = arith.andi %ne3A_560, %ne3A_555 : i1
        %add3A_562 = arith.addi %rem3A_553, %select_n3A_552 : i32
        %select_n3A_563 = arith.select %and3A_561, %add3A_562, %rem3A_553 : i32
        %jit3A_564 = arith.constant 4 : i32
        %eq3A_565 = arith.constant 0 : i32
        %eq3A_566 = arith.cmpi eq, %jit3A_564, %eq3A_565 : i32
        %jit3A_567 = arith.constant 1 : i32
        %select_n3A_568 = arith.select %eq3A_566, %jit3A_567, %jit3A_564 : i32
        %rem3A_569 = arith.remsi %add3A_523, %select_n3A_568 : i32
        %ne3A_570 = arith.constant 0 : i32
        %ne3A_571 = arith.cmpi ne, %rem3A_569, %ne3A_570 : i32
        %lt3A_572 = arith.constant 0 : i32
        %lt3A_573 = arith.cmpi slt, %rem3A_569, %lt3A_572 : i32
        %lt3A_574 = arith.constant 0 : i32
        %lt3A_575 = arith.cmpi slt, %select_n3A_568, %lt3A_574 : i32
        %ne3A_576 = arith.xori %lt3A_573, %lt3A_575 : i1
        %and3A_577 = arith.andi %ne3A_576, %ne3A_571 : i1
        %add3A_578 = arith.addi %rem3A_569, %select_n3A_568 : i32
        %select_n3A_579 = arith.select %and3A_577, %add3A_578, %rem3A_569 : i32
        %jit3A_580 = arith.constant 6 : i32
        %eq3A_581 = arith.constant 0 : i32
        %eq3A_582 = arith.cmpi eq, %jit3A_580, %eq3A_581 : i32
        %jit3A_583 = arith.constant 1 : i32
        %select_n3A_584 = arith.select %eq3A_582, %jit3A_583, %jit3A_580 : i32
        %rem3A_585 = arith.remsi %add3A_523, %select_n3A_584 : i32
        %ne3A_586 = arith.constant 0 : i32
        %ne3A_587 = arith.cmpi ne, %rem3A_585, %ne3A_586 : i32
        %lt3A_588 = arith.constant 0 : i32
        %lt3A_589 = arith.cmpi slt, %rem3A_585, %lt3A_588 : i32
        %lt3A_590 = arith.constant 0 : i32
        %lt3A_591 = arith.cmpi slt, %select_n3A_584, %lt3A_590 : i32
        %ne3A_592 = arith.xori %lt3A_589, %lt3A_591 : i1
        %and3A_593 = arith.andi %ne3A_592, %ne3A_587 : i1
        %add3A_594 = arith.addi %rem3A_585, %select_n3A_584 : i32
        %select_n3A_595 = arith.select %and3A_593, %add3A_594, %rem3A_585 : i32
        %jit3A_596 = arith.constant 3 : i32
        %eq3A_597 = arith.constant 0 : i32
        %eq3A_598 = arith.cmpi eq, %jit3A_596, %eq3A_597 : i32
        %jit3A_599 = arith.constant 1 : i32
        %select_n3A_600 = arith.select %eq3A_598, %jit3A_599, %jit3A_596 : i32
        %rem3A_601 = arith.remsi %add3A_523, %select_n3A_600 : i32
        %ne3A_602 = arith.constant 0 : i32
        %ne3A_603 = arith.cmpi ne, %rem3A_601, %ne3A_602 : i32
        %lt3A_604 = arith.constant 0 : i32
        %lt3A_605 = arith.cmpi slt, %rem3A_601, %lt3A_604 : i32
        %lt3A_606 = arith.constant 0 : i32
        %lt3A_607 = arith.cmpi slt, %select_n3A_600, %lt3A_606 : i32
        %ne3A_608 = arith.xori %lt3A_605, %lt3A_607 : i1
        %and3A_609 = arith.andi %ne3A_608, %ne3A_603 : i1
        %add3A_610 = arith.addi %rem3A_601, %select_n3A_600 : i32
        %select_n3A_611 = arith.select %and3A_609, %add3A_610, %rem3A_601 : i32
        %eq3A_612 = arith.constant 0 : i32
        %eq3A_613 = arith.cmpi eq, %select_n3A_611, %eq3A_612 : i32
        %convert_element_type3A_614 = arith.extui %eq3A_613 : i1 to i32
        %cond3A_615 = arith.constant 0 : i32
        %cond3A_616 = arith.cmpi ne, %convert_element_type3A_614, %cond3A_615 : i32
        scf.if %cond3A_616 {
          %eq3A_627 = arith.constant 0 : i32
          %eq3A_628 = arith.cmpi eq, %arg0, %eq3A_627 : i32
          %convert_element_type3A_629 = arith.extui %eq3A_628 : i1 to i32
          %cond3A_630 = arith.constant 0 : i32
          %cond3A_631 = arith.cmpi ne, %convert_element_type3A_629, %cond3A_630 : i32
          scf.if %cond3A_631 {
            %dma_start3A_637 = arith.constant 0 : i32
            %dma_start3A_638 = arith.constant 0 : i32
            %dma_start3A_639 = tpu.memref_slice %arg15[%select_n3A_595, %dma_start3A_637, %dma_start3A_638] : memref<6x128x32xf32, #tpu.memory_space<vmem>> -> memref<1x128x32xf32, #tpu.memory_space<vmem>>
            %dma_start3A_640 = tpu.memref_squeeze %dma_start3A_639 : memref<1x128x32xf32, #tpu.memory_space<vmem>> -> memref<128x32xf32, #tpu.memory_space<vmem>>
            %dma_start3A_641 = arith.constant 0 : i32
            %dma_start3A_642 = tpu.memref_slice %arg13[%select_n3A_563, %select_n3A_579, %dma_start3A_641] : memref<4x4x128xi32, #tpu.memory_space<vmem>> -> memref<1x1x128xi32, #tpu.memory_space<vmem>>
            %dma_start3A_643 = tpu.memref_squeeze %dma_start3A_642 : memref<1x1x128xi32, #tpu.memory_space<vmem>> -> memref<128xi32, #tpu.memory_space<vmem>>
            %dma_start3A_644 = arith.constant 0 : i32
            %dma_start3A_645 = arith.constant 0 : i32
            %dma_start3A_646 = tpu.memref_slice %arg2[%dma_start3A_644, %dma_start3A_645] : memref<50176x32xf32, #tpu.memory_space<hbm>> -> memref<50176x32xf32, #tpu.memory_space<hbm>>
            tpu.enqueue_indirect_dma source(%dma_start3A_646 : memref<50176x32xf32, #tpu.memory_space<hbm>>) target(%dma_start3A_640 : memref<128x32xf32, #tpu.memory_space<vmem>>) offsets(%dma_start3A_643 : memref<128xi32, #tpu.memory_space<vmem>>) semaphore(%arg25 : memref<!tpu.dma_semaphore, #tpu.memory_space<semaphore_mem>>)
          } else {
          }
          %eq3A_632 = arith.constant 1 : i32
          %eq3A_633 = arith.cmpi eq, %arg0, %eq3A_632 : i32
          %convert_element_type3A_634 = arith.extui %eq3A_633 : i1 to i32
          %cond3A_635 = arith.constant 0 : i32
          %cond3A_636 = arith.cmpi ne, %convert_element_type3A_634, %cond3A_635 : i32
          scf.if %cond3A_636 {
            %dma_start3A_637 = arith.constant 0 : i32
            %dma_start3A_638 = arith.constant 0 : i32
            %dma_start3A_639 = tpu.memref_slice %arg15[%select_n3A_595, %dma_start3A_637, %dma_start3A_638] : memref<6x128x32xf32, #tpu.memory_space<vmem>> -> memref<1x128x32xf32, #tpu.memory_space<vmem>>
            %dma_start3A_640 = tpu.memref_squeeze %dma_start3A_639 : memref<1x128x32xf32, #tpu.memory_space<vmem>> -> memref<128x32xf32, #tpu.memory_space<vmem>>
            %dma_start3A_641 = arith.constant 0 : i32
            %dma_start3A_642 = tpu.memref_slice %arg13[%select_n3A_563, %select_n3A_579, %dma_start3A_641] : memref<4x4x128xi32, #tpu.memory_space<vmem>> -> memref<1x1x128xi32, #tpu.memory_space<vmem>>
            %dma_start3A_643 = tpu.memref_squeeze %dma_start3A_642 : memref<1x1x128xi32, #tpu.memory_space<vmem>> -> memref<128xi32, #tpu.memory_space<vmem>>
            %dma_start3A_644 = arith.constant 0 : i32
            %dma_start3A_645 = arith.constant 0 : i32
            %dma_start3A_646 = tpu.memref_slice %arg3[%dma_start3A_644, %dma_start3A_645] : memref<50176x32xf32, #tpu.memory_space<hbm>> -> memref<50176x32xf32, #tpu.memory_space<hbm>>
            tpu.enqueue_indirect_dma source(%dma_start3A_646 : memref<50176x32xf32, #tpu.memory_space<hbm>>) target(%dma_start3A_640 : memref<128x32xf32, #tpu.memory_space<vmem>>) offsets(%dma_start3A_643 : memref<128xi32, #tpu.memory_space<vmem>>) semaphore(%arg25 : memref<!tpu.dma_semaphore, #tpu.memory_space<semaphore_mem>>)
          } else {
          }
        } else {
        }
        %eq3A_617 = arith.constant 1 : i32
        %eq3A_618 = arith.cmpi eq, %select_n3A_611, %eq3A_617 : i32
        %convert_element_type3A_619 = arith.extui %eq3A_618 : i1 to i32
        %cond3A_620 = arith.constant 0 : i32
        %cond3A_621 = arith.cmpi ne, %convert_element_type3A_619, %cond3A_620 : i32
        scf.if %cond3A_621 {
          %eq3A_627 = arith.constant 0 : i32
          %eq3A_628 = arith.cmpi eq, %arg0, %eq3A_627 : i32
          %convert_element_type3A_629 = arith.extui %eq3A_628 : i1 to i32
          %cond3A_630 = arith.constant 0 : i32
          %cond3A_631 = arith.cmpi ne, %convert_element_type3A_629, %cond3A_630 : i32
          scf.if %cond3A_631 {
            %dma_start3A_637 = arith.constant 0 : i32
            %dma_start3A_638 = arith.constant 0 : i32
            %dma_start3A_639 = tpu.memref_slice %arg15[%select_n3A_595, %dma_start3A_637, %dma_start3A_638] : memref<6x128x32xf32, #tpu.memory_space<vmem>> -> memref<1x128x32xf32, #tpu.memory_space<vmem>>
            %dma_start3A_640 = tpu.memref_squeeze %dma_start3A_639 : memref<1x128x32xf32, #tpu.memory_space<vmem>> -> memref<128x32xf32, #tpu.memory_space<vmem>>
            %dma_start3A_641 = arith.constant 0 : i32
            %dma_start3A_642 = tpu.memref_slice %arg13[%select_n3A_563, %select_n3A_579, %dma_start3A_641] : memref<4x4x128xi32, #tpu.memory_space<vmem>> -> memref<1x1x128xi32, #tpu.memory_space<vmem>>
            %dma_start3A_643 = tpu.memref_squeeze %dma_start3A_642 : memref<1x1x128xi32, #tpu.memory_space<vmem>> -> memref<128xi32, #tpu.memory_space<vmem>>
            %dma_start3A_644 = arith.constant 0 : i32
            %dma_start3A_645 = arith.constant 0 : i32
            %dma_start3A_646 = tpu.memref_slice %arg2[%dma_start3A_644, %dma_start3A_645] : memref<50176x32xf32, #tpu.memory_space<hbm>> -> memref<50176x32xf32, #tpu.memory_space<hbm>>
            tpu.enqueue_indirect_dma source(%dma_start3A_646 : memref<50176x32xf32, #tpu.memory_space<hbm>>) target(%dma_start3A_640 : memref<128x32xf32, #tpu.memory_space<vmem>>) offsets(%dma_start3A_643 : memref<128xi32, #tpu.memory_space<vmem>>) semaphore(%arg26 : memref<!tpu.dma_semaphore, #tpu.memory_space<semaphore_mem>>)
          } else {
          }
          %eq3A_632 = arith.constant 1 : i32
          %eq3A_633 = arith.cmpi eq, %arg0, %eq3A_632 : i32
          %convert_element_type3A_634 = arith.extui %eq3A_633 : i1 to i32
          %cond3A_635 = arith.constant 0 : i32
          %cond3A_636 = arith.cmpi ne, %convert_element_type3A_634, %cond3A_635 : i32
          scf.if %cond3A_636 {
            %dma_start3A_637 = arith.constant 0 : i32
            %dma_start3A_638 = arith.constant 0 : i32
            %dma_start3A_639 = tpu.memref_slice %arg15[%select_n3A_595, %dma_start3A_637, %dma_start3A_638] : memref<6x128x32xf32, #tpu.memory_space<vmem>> -> memref<1x128x32xf32, #tpu.memory_space<vmem>>
            %dma_start3A_640 = tpu.memref_squeeze %dma_start3A_639 : memref<1x128x32xf32, #tpu.memory_space<vmem>> -> memref<128x32xf32, #tpu.memory_space<vmem>>
            %dma_start3A_641 = arith.constant 0 : i32
            %dma_start3A_642 = tpu.memref_slice %arg13[%select_n3A_563, %select_n3A_579, %dma_start3A_641] : memref<4x4x128xi32, #tpu.memory_space<vmem>> -> memref<1x1x128xi32, #tpu.memory_space<vmem>>
            %dma_start3A_643 = tpu.memref_squeeze %dma_start3A_642 : memref<1x1x128xi32, #tpu.memory_space<vmem>> -> memref<128xi32, #tpu.memory_space<vmem>>
            %dma_start3A_644 = arith.constant 0 : i32
            %dma_start3A_645 = arith.constant 0 : i32
            %dma_start3A_646 = tpu.memref_slice %arg3[%dma_start3A_644, %dma_start3A_645] : memref<50176x32xf32, #tpu.memory_space<hbm>> -> memref<50176x32xf32, #tpu.memory_space<hbm>>
            tpu.enqueue_indirect_dma source(%dma_start3A_646 : memref<50176x32xf32, #tpu.memory_space<hbm>>) target(%dma_start3A_640 : memref<128x32xf32, #tpu.memory_space<vmem>>) offsets(%dma_start3A_643 : memref<128xi32, #tpu.memory_space<vmem>>) semaphore(%arg26 : memref<!tpu.dma_semaphore, #tpu.memory_space<semaphore_mem>>)
          } else {
          }
        } else {
        }
        %eq3A_622 = arith.constant 2 : i32
        %eq3A_623 = arith.cmpi eq, %select_n3A_611, %eq3A_622 : i32
        %convert_element_type3A_624 = arith.extui %eq3A_623 : i1 to i32
        %cond3A_625 = arith.constant 0 : i32
        %cond3A_626 = arith.cmpi ne, %convert_element_type3A_624, %cond3A_625 : i32
        scf.if %cond3A_626 {
          %eq3A_627 = arith.constant 0 : i32
          %eq3A_628 = arith.cmpi eq, %arg0, %eq3A_627 : i32
          %convert_element_type3A_629 = arith.extui %eq3A_628 : i1 to i32
          %cond3A_630 = arith.constant 0 : i32
          %cond3A_631 = arith.cmpi ne, %convert_element_type3A_629, %cond3A_630 : i32
          scf.if %cond3A_631 {
            %dma_start3A_637 = arith.constant 0 : i32
            %dma_start3A_638 = arith.constant 0 : i32
            %dma_start3A_639 = tpu.memref_slice %arg15[%select_n3A_595, %dma_start3A_637, %dma_start3A_638] : memref<6x128x32xf32, #tpu.memory_space<vmem>> -> memref<1x128x32xf32, #tpu.memory_space<vmem>>
            %dma_start3A_640 = tpu.memref_squeeze %dma_start3A_639 : memref<1x128x32xf32, #tpu.memory_space<vmem>> -> memref<128x32xf32, #tpu.memory_space<vmem>>
            %dma_start3A_641 = arith.constant 0 : i32
            %dma_start3A_642 = tpu.memref_slice %arg13[%select_n3A_563, %select_n3A_579, %dma_start3A_641] : memref<4x4x128xi32, #tpu.memory_space<vmem>> -> memref<1x1x128xi32, #tpu.memory_space<vmem>>
            %dma_start3A_643 = tpu.memref_squeeze %dma_start3A_642 : memref<1x1x128xi32, #tpu.memory_space<vmem>> -> memref<128xi32, #tpu.memory_space<vmem>>
            %dma_start3A_644 = arith.constant 0 : i32
            %dma_start3A_645 = arith.constant 0 : i32
            %dma_start3A_646 = tpu.memref_slice %arg2[%dma_start3A_644, %dma_start3A_645] : memref<50176x32xf32, #tpu.memory_space<hbm>> -> memref<50176x32xf32, #tpu.memory_space<hbm>>
            tpu.enqueue_indirect_dma source(%dma_start3A_646 : memref<50176x32xf32, #tpu.memory_space<hbm>>) target(%dma_start3A_640 : memref<128x32xf32, #tpu.memory_space<vmem>>) offsets(%dma_start3A_643 : memref<128xi32, #tpu.memory_space<vmem>>) semaphore(%arg27 : memref<!tpu.dma_semaphore, #tpu.memory_space<semaphore_mem>>)
          } else {
          }
          %eq3A_632 = arith.constant 1 : i32
          %eq3A_633 = arith.cmpi eq, %arg0, %eq3A_632 : i32
          %convert_element_type3A_634 = arith.extui %eq3A_633 : i1 to i32
          %cond3A_635 = arith.constant 0 : i32
          %cond3A_636 = arith.cmpi ne, %convert_element_type3A_634, %cond3A_635 : i32
          scf.if %cond3A_636 {
            %dma_start3A_637 = arith.constant 0 : i32
            %dma_start3A_638 = arith.constant 0 : i32
            %dma_start3A_639 = tpu.memref_slice %arg15[%select_n3A_595, %dma_start3A_637, %dma_start3A_638] : memref<6x128x32xf32, #tpu.memory_space<vmem>> -> memref<1x128x32xf32, #tpu.memory_space<vmem>>
            %dma_start3A_640 = tpu.memref_squeeze %dma_start3A_639 : memref<1x128x32xf32, #tpu.memory_space<vmem>> -> memref<128x32xf32, #tpu.memory_space<vmem>>
            %dma_start3A_641 = arith.constant 0 : i32
            %dma_start3A_642 = tpu.memref_slice %arg13[%select_n3A_563, %select_n3A_579, %dma_start3A_641] : memref<4x4x128xi32, #tpu.memory_space<vmem>> -> memref<1x1x128xi32, #tpu.memory_space<vmem>>
            %dma_start3A_643 = tpu.memref_squeeze %dma_start3A_642 : memref<1x1x128xi32, #tpu.memory_space<vmem>> -> memref<128xi32, #tpu.memory_space<vmem>>
            %dma_start3A_644 = arith.constant 0 : i32
            %dma_start3A_645 = arith.constant 0 : i32
            %dma_start3A_646 = tpu.memref_slice %arg3[%dma_start3A_644, %dma_start3A_645] : memref<50176x32xf32, #tpu.memory_space<hbm>> -> memref<50176x32xf32, #tpu.memory_space<hbm>>
            tpu.enqueue_indirect_dma source(%dma_start3A_646 : memref<50176x32xf32, #tpu.memory_space<hbm>>) target(%dma_start3A_640 : memref<128x32xf32, #tpu.memory_space<vmem>>) offsets(%dma_start3A_643 : memref<128xi32, #tpu.memory_space<vmem>>) semaphore(%arg27 : memref<!tpu.dma_semaphore, #tpu.memory_space<semaphore_mem>>)
          } else {
          }
        } else {
        }
      } else {
      }
      %jit3A_419 = arith.constant 4 : i32
      %div3A_420 = arith.divsi %add3A_342, %jit3A_419 : i32
      %sign3A_421 = arith.constant 0 : i32
      %sign3A_422 = arith.cmpi sgt, %add3A_342, %sign3A_421 : i32
      %sign3A_423 = arith.extui %sign3A_422 : i1 to i32
      %sign3A_424 = arith.constant 0 : i32
      %sign3A_425 = arith.cmpi slt, %add3A_342, %sign3A_424 : i32
      %sign3A_426 = arith.extui %sign3A_425 : i1 to i32
      %sign3A_427 = arith.subi %sign3A_423, %sign3A_426 : i32
      %sign3A_428 = arith.constant 0 : i32
      %sign3A_429 = arith.cmpi sgt, %jit3A_419, %sign3A_428 : i32
      %sign3A_430 = arith.extui %sign3A_429 : i1 to i32
      %sign3A_431 = arith.constant 0 : i32
      %sign3A_432 = arith.cmpi slt, %jit3A_419, %sign3A_431 : i32
      %sign3A_433 = arith.extui %sign3A_432 : i1 to i32
      %sign3A_434 = arith.subi %sign3A_430, %sign3A_433 : i32
      %ne3A_435 = arith.cmpi ne, %sign3A_427, %sign3A_434 : i32
      %rem3A_436 = arith.remsi %add3A_342, %jit3A_419 : i32
      %ne3A_437 = arith.constant 0 : i32
      %ne3A_438 = arith.cmpi ne, %rem3A_436, %ne3A_437 : i32
      %and3A_439 = arith.andi %ne3A_435, %ne3A_438 : i1
      %sub3A_440 = arith.constant 1 : i32
      %sub3A_441 = arith.subi %div3A_420, %sub3A_440 : i32
      %select_n3A_442 = arith.select %and3A_439, %sub3A_441, %div3A_420 : i32
      %jit3A_443 = arith.constant 4 : i32
      %eq3A_444 = arith.constant 0 : i32
      %eq3A_445 = arith.cmpi eq, %jit3A_443, %eq3A_444 : i32
      %jit3A_446 = arith.constant 1 : i32
      %select_n3A_447 = arith.select %eq3A_445, %jit3A_446, %jit3A_443 : i32
      %rem3A_448 = arith.remsi %select_n3A_442, %select_n3A_447 : i32
      %ne3A_449 = arith.constant 0 : i32
      %ne3A_450 = arith.cmpi ne, %rem3A_448, %ne3A_449 : i32
      %lt3A_451 = arith.constant 0 : i32
      %lt3A_452 = arith.cmpi slt, %rem3A_448, %lt3A_451 : i32
      %lt3A_453 = arith.constant 0 : i32
      %lt3A_454 = arith.cmpi slt, %select_n3A_447, %lt3A_453 : i32
      %ne3A_455 = arith.xori %lt3A_452, %lt3A_454 : i1
      %and3A_456 = arith.andi %ne3A_455, %ne3A_450 : i1
      %add3A_457 = arith.addi %rem3A_448, %select_n3A_447 : i32
      %select_n3A_458 = arith.select %and3A_456, %add3A_457, %rem3A_448 : i32
      %jit3A_459 = arith.constant 4 : i32
      %eq3A_460 = arith.constant 0 : i32
      %eq3A_461 = arith.cmpi eq, %jit3A_459, %eq3A_460 : i32
      %jit3A_462 = arith.constant 1 : i32
      %select_n3A_463 = arith.select %eq3A_461, %jit3A_462, %jit3A_459 : i32
      %rem3A_464 = arith.remsi %add3A_342, %select_n3A_463 : i32
      %ne3A_465 = arith.constant 0 : i32
      %ne3A_466 = arith.cmpi ne, %rem3A_464, %ne3A_465 : i32
      %lt3A_467 = arith.constant 0 : i32
      %lt3A_468 = arith.cmpi slt, %rem3A_464, %lt3A_467 : i32
      %lt3A_469 = arith.constant 0 : i32
      %lt3A_470 = arith.cmpi slt, %select_n3A_463, %lt3A_469 : i32
      %ne3A_471 = arith.xori %lt3A_468, %lt3A_470 : i1
      %and3A_472 = arith.andi %ne3A_471, %ne3A_466 : i1
      %add3A_473 = arith.addi %rem3A_464, %select_n3A_463 : i32
      %select_n3A_474 = arith.select %and3A_472, %add3A_473, %rem3A_464 : i32
      %jit3A_475 = arith.constant 6 : i32
      %eq3A_476 = arith.constant 0 : i32
      %eq3A_477 = arith.cmpi eq, %jit3A_475, %eq3A_476 : i32
      %jit3A_478 = arith.constant 1 : i32
      %select_n3A_479 = arith.select %eq3A_477, %jit3A_478, %jit3A_475 : i32
      %rem3A_480 = arith.remsi %add3A_342, %select_n3A_479 : i32
      %ne3A_481 = arith.constant 0 : i32
      %ne3A_482 = arith.cmpi ne, %rem3A_480, %ne3A_481 : i32
      %lt3A_483 = arith.constant 0 : i32
      %lt3A_484 = arith.cmpi slt, %rem3A_480, %lt3A_483 : i32
      %lt3A_485 = arith.constant 0 : i32
      %lt3A_486 = arith.cmpi slt, %select_n3A_479, %lt3A_485 : i32
      %ne3A_487 = arith.xori %lt3A_484, %lt3A_486 : i1
      %and3A_488 = arith.andi %ne3A_487, %ne3A_482 : i1
      %add3A_489 = arith.addi %rem3A_480, %select_n3A_479 : i32
      %select_n3A_490 = arith.select %and3A_488, %add3A_489, %rem3A_480 : i32
      %jit3A_491 = arith.constant 3 : i32
      %eq3A_492 = arith.constant 0 : i32
      %eq3A_493 = arith.cmpi eq, %jit3A_491, %eq3A_492 : i32
      %jit3A_494 = arith.constant 1 : i32
      %select_n3A_495 = arith.select %eq3A_493, %jit3A_494, %jit3A_491 : i32
      %rem3A_496 = arith.remsi %add3A_342, %select_n3A_495 : i32
      %ne3A_497 = arith.constant 0 : i32
      %ne3A_498 = arith.cmpi ne, %rem3A_496, %ne3A_497 : i32
      %lt3A_499 = arith.constant 0 : i32
      %lt3A_500 = arith.cmpi slt, %rem3A_496, %lt3A_499 : i32
      %lt3A_501 = arith.constant 0 : i32
      %lt3A_502 = arith.cmpi slt, %select_n3A_495, %lt3A_501 : i32
      %ne3A_503 = arith.xori %lt3A_500, %lt3A_502 : i1
      %and3A_504 = arith.andi %ne3A_503, %ne3A_498 : i1
      %add3A_505 = arith.addi %rem3A_496, %select_n3A_495 : i32
      %select_n3A_506 = arith.select %and3A_504, %add3A_505, %rem3A_496 : i32
      %eq3A_507 = arith.constant 0 : i32
      %eq3A_508 = arith.cmpi eq, %select_n3A_506, %eq3A_507 : i32
      %convert_element_type3A_509 = arith.extui %eq3A_508 : i1 to i32
      %cond3A_510 = arith.constant 0 : i32
      %cond3A_511 = arith.cmpi ne, %convert_element_type3A_509, %cond3A_510 : i32
      scf.if %cond3A_511 {
        %dma_start3A_522 = arith.constant 0 : i32
        %dma_start3A_523 = arith.constant 0 : i32
        %dma_start3A_524 = tpu.memref_slice %arg15[%select_n3A_490, %dma_start3A_522, %dma_start3A_523] : memref<6x128x32xf32, #tpu.memory_space<vmem>> -> memref<1x128x32xf32, #tpu.memory_space<vmem>>
        %dma_start3A_525 = tpu.memref_squeeze %dma_start3A_524 : memref<1x128x32xf32, #tpu.memory_space<vmem>> -> memref<128x32xf32, #tpu.memory_space<vmem>>
        %dma_start3A_526 = arith.constant 0 : i32
        %dma_start3A_527 = tpu.memref_slice %arg14[%select_n3A_458, %select_n3A_474, %dma_start3A_526] : memref<4x4x128xi32, #tpu.memory_space<vmem>> -> memref<1x1x128xi32, #tpu.memory_space<vmem>>
        %dma_start3A_528 = tpu.memref_squeeze %dma_start3A_527 : memref<1x1x128xi32, #tpu.memory_space<vmem>> -> memref<128xi32, #tpu.memory_space<vmem>>
        %dma_start3A_529 = arith.constant 0 : i32
        %dma_start3A_530 = arith.constant 0 : i32
        %dma_start3A_531 = tpu.memref_slice %arg22[%dma_start3A_529, %dma_start3A_530] : memref<50176x32xf32, #tpu.memory_space<vmem_shared>> -> memref<50176x32xf32, #tpu.memory_space<vmem_shared>>
        tpu.enqueue_indirect_dma source(%dma_start3A_525 : memref<128x32xf32, #tpu.memory_space<vmem>>) target(%dma_start3A_531 : memref<50176x32xf32, #tpu.memory_space<vmem_shared>>) offsets(%dma_start3A_528 : memref<128xi32, #tpu.memory_space<vmem>>) semaphore(%arg28 : memref<!tpu.dma_semaphore, #tpu.memory_space<semaphore_mem>>) {add = true}
      } else {
      }
      %eq3A_512 = arith.constant 1 : i32
      %eq3A_513 = arith.cmpi eq, %select_n3A_506, %eq3A_512 : i32
      %convert_element_type3A_514 = arith.extui %eq3A_513 : i1 to i32
      %cond3A_515 = arith.constant 0 : i32
      %cond3A_516 = arith.cmpi ne, %convert_element_type3A_514, %cond3A_515 : i32
      scf.if %cond3A_516 {
        %dma_start3A_522 = arith.constant 0 : i32
        %dma_start3A_523 = arith.constant 0 : i32
        %dma_start3A_524 = tpu.memref_slice %arg15[%select_n3A_490, %dma_start3A_522, %dma_start3A_523] : memref<6x128x32xf32, #tpu.memory_space<vmem>> -> memref<1x128x32xf32, #tpu.memory_space<vmem>>
        %dma_start3A_525 = tpu.memref_squeeze %dma_start3A_524 : memref<1x128x32xf32, #tpu.memory_space<vmem>> -> memref<128x32xf32, #tpu.memory_space<vmem>>
        %dma_start3A_526 = arith.constant 0 : i32
        %dma_start3A_527 = tpu.memref_slice %arg14[%select_n3A_458, %select_n3A_474, %dma_start3A_526] : memref<4x4x128xi32, #tpu.memory_space<vmem>> -> memref<1x1x128xi32, #tpu.memory_space<vmem>>
        %dma_start3A_528 = tpu.memref_squeeze %dma_start3A_527 : memref<1x1x128xi32, #tpu.memory_space<vmem>> -> memref<128xi32, #tpu.memory_space<vmem>>
        %dma_start3A_529 = arith.constant 0 : i32
        %dma_start3A_530 = arith.constant 0 : i32
        %dma_start3A_531 = tpu.memref_slice %arg22[%dma_start3A_529, %dma_start3A_530] : memref<50176x32xf32, #tpu.memory_space<vmem_shared>> -> memref<50176x32xf32, #tpu.memory_space<vmem_shared>>
        tpu.enqueue_indirect_dma source(%dma_start3A_525 : memref<128x32xf32, #tpu.memory_space<vmem>>) target(%dma_start3A_531 : memref<50176x32xf32, #tpu.memory_space<vmem_shared>>) offsets(%dma_start3A_528 : memref<128xi32, #tpu.memory_space<vmem>>) semaphore(%arg29 : memref<!tpu.dma_semaphore, #tpu.memory_space<semaphore_mem>>) {add = true}
      } else {
      }
      %eq3A_517 = arith.constant 2 : i32
      %eq3A_518 = arith.cmpi eq, %select_n3A_506, %eq3A_517 : i32
      %convert_element_type3A_519 = arith.extui %eq3A_518 : i1 to i32
      %cond3A_520 = arith.constant 0 : i32
      %cond3A_521 = arith.cmpi ne, %convert_element_type3A_519, %cond3A_520 : i32
      scf.if %cond3A_521 {
        %dma_start3A_522 = arith.constant 0 : i32
        %dma_start3A_523 = arith.constant 0 : i32
        %dma_start3A_524 = tpu.memref_slice %arg15[%select_n3A_490, %dma_start3A_522, %dma_start3A_523] : memref<6x128x32xf32, #tpu.memory_space<vmem>> -> memref<1x128x32xf32, #tpu.memory_space<vmem>>
        %dma_start3A_525 = tpu.memref_squeeze %dma_start3A_524 : memref<1x128x32xf32, #tpu.memory_space<vmem>> -> memref<128x32xf32, #tpu.memory_space<vmem>>
        %dma_start3A_526 = arith.constant 0 : i32
        %dma_start3A_527 = tpu.memref_slice %arg14[%select_n3A_458, %select_n3A_474, %dma_start3A_526] : memref<4x4x128xi32, #tpu.memory_space<vmem>> -> memref<1x1x128xi32, #tpu.memory_space<vmem>>
        %dma_start3A_528 = tpu.memref_squeeze %dma_start3A_527 : memref<1x1x128xi32, #tpu.memory_space<vmem>> -> memref<128xi32, #tpu.memory_space<vmem>>
        %dma_start3A_529 = arith.constant 0 : i32
        %dma_start3A_530 = arith.constant 0 : i32
        %dma_start3A_531 = tpu.memref_slice %arg22[%dma_start3A_529, %dma_start3A_530] : memref<50176x32xf32, #tpu.memory_space<vmem_shared>> -> memref<50176x32xf32, #tpu.memory_space<vmem_shared>>
        tpu.enqueue_indirect_dma source(%dma_start3A_525 : memref<128x32xf32, #tpu.memory_space<vmem>>) target(%dma_start3A_531 : memref<50176x32xf32, #tpu.memory_space<vmem_shared>>) offsets(%dma_start3A_528 : memref<128xi32, #tpu.memory_space<vmem>>) semaphore(%arg30 : memref<!tpu.dma_semaphore, #tpu.memory_space<semaphore_mem>>) {add = true}
      } else {
      }
    }
    %scan3A_76 = arith.constant 392 : i32
    %dma_wait3A = arith.constant 0 : i32
    %dma_wait3A_77 = arith.constant 0 : i32
    %dma_wait3A_78 = arith.constant 0 : i32
    %dma_wait3A_79 = arith.constant 0 : i32
    %dma_wait3A_80 = arith.constant 0 : i32
    %dma_wait3A_81 = tpu.memref_slice %arg15[%dma_wait3A, %dma_wait3A_79, %dma_wait3A_80] : memref<6x128x32xf32, #tpu.memory_space<vmem>> -> memref<1x128x32xf32, #tpu.memory_space<vmem>>
    %dma_wait3A_82 = tpu.memref_squeeze %dma_wait3A_81 : memref<1x128x32xf32, #tpu.memory_space<vmem>> -> memref<128x32xf32, #tpu.memory_space<vmem>>
    %dma_wait3A_83 = arith.constant 0 : i32
    %dma_wait3A_84 = tpu.memref_slice %arg14[%dma_wait3A_77, %dma_wait3A_78, %dma_wait3A_83] : memref<4x4x128xi32, #tpu.memory_space<vmem>> -> memref<1x1x128xi32, #tpu.memory_space<vmem>>
    %dma_wait3A_85 = tpu.memref_squeeze %dma_wait3A_84 : memref<1x1x128xi32, #tpu.memory_space<vmem>> -> memref<128xi32, #tpu.memory_space<vmem>>
    %dma_wait3A_86 = arith.constant 0 : i32
    %dma_wait3A_87 = arith.constant 0 : i32
    %dma_wait3A_88 = tpu.memref_slice %arg22[%dma_wait3A_86, %dma_wait3A_87] : memref<50176x32xf32, #tpu.memory_space<vmem_shared>> -> memref<50176x32xf32, #tpu.memory_space<vmem_shared>>
    tpu.wait_indirect_dma semaphore(%arg28 : memref<!tpu.dma_semaphore, #tpu.memory_space<semaphore_mem>>) src(%dma_wait3A_82 : memref<128x32xf32, #tpu.memory_space<vmem>>) dst(%dma_wait3A_88 : memref<50176x32xf32, #tpu.memory_space<vmem_shared>>)
    %dma_wait3A_89 = arith.constant 0 : i32
    %dma_wait3A_90 = arith.constant 0 : i32
    %dma_wait3A_91 = arith.constant 0 : i32
    %dma_wait3A_92 = arith.constant 0 : i32
    %dma_wait3A_93 = arith.constant 0 : i32
    %dma_wait3A_94 = tpu.memref_slice %arg15[%dma_wait3A_89, %dma_wait3A_92, %dma_wait3A_93] : memref<6x128x32xf32, #tpu.memory_space<vmem>> -> memref<1x128x32xf32, #tpu.memory_space<vmem>>
    %dma_wait3A_95 = tpu.memref_squeeze %dma_wait3A_94 : memref<1x128x32xf32, #tpu.memory_space<vmem>> -> memref<128x32xf32, #tpu.memory_space<vmem>>
    %dma_wait3A_96 = arith.constant 0 : i32
    %dma_wait3A_97 = tpu.memref_slice %arg14[%dma_wait3A_90, %dma_wait3A_91, %dma_wait3A_96] : memref<4x4x128xi32, #tpu.memory_space<vmem>> -> memref<1x1x128xi32, #tpu.memory_space<vmem>>
    %dma_wait3A_98 = tpu.memref_squeeze %dma_wait3A_97 : memref<1x1x128xi32, #tpu.memory_space<vmem>> -> memref<128xi32, #tpu.memory_space<vmem>>
    %dma_wait3A_99 = arith.constant 0 : i32
    %dma_wait3A_100 = arith.constant 0 : i32
    %dma_wait3A_101 = tpu.memref_slice %arg22[%dma_wait3A_99, %dma_wait3A_100] : memref<50176x32xf32, #tpu.memory_space<vmem_shared>> -> memref<50176x32xf32, #tpu.memory_space<vmem_shared>>
    tpu.wait_indirect_dma semaphore(%arg29 : memref<!tpu.dma_semaphore, #tpu.memory_space<semaphore_mem>>) src(%dma_wait3A_95 : memref<128x32xf32, #tpu.memory_space<vmem>>) dst(%dma_wait3A_101 : memref<50176x32xf32, #tpu.memory_space<vmem_shared>>)
    %dma_wait3A_102 = arith.constant 0 : i32
    %dma_wait3A_103 = arith.constant 0 : i32
    %dma_wait3A_104 = arith.constant 0 : i32
    %dma_wait3A_105 = arith.constant 0 : i32
    %dma_wait3A_106 = arith.constant 0 : i32
    %dma_wait3A_107 = tpu.memref_slice %arg15[%dma_wait3A_102, %dma_wait3A_105, %dma_wait3A_106] : memref<6x128x32xf32, #tpu.memory_space<vmem>> -> memref<1x128x32xf32, #tpu.memory_space<vmem>>
    %dma_wait3A_108 = tpu.memref_squeeze %dma_wait3A_107 : memref<1x128x32xf32, #tpu.memory_space<vmem>> -> memref<128x32xf32, #tpu.memory_space<vmem>>
    %dma_wait3A_109 = arith.constant 0 : i32
    %dma_wait3A_110 = tpu.memref_slice %arg14[%dma_wait3A_103, %dma_wait3A_104, %dma_wait3A_109] : memref<4x4x128xi32, #tpu.memory_space<vmem>> -> memref<1x1x128xi32, #tpu.memory_space<vmem>>
    %dma_wait3A_111 = tpu.memref_squeeze %dma_wait3A_110 : memref<1x1x128xi32, #tpu.memory_space<vmem>> -> memref<128xi32, #tpu.memory_space<vmem>>
    %dma_wait3A_112 = arith.constant 0 : i32
    %dma_wait3A_113 = arith.constant 0 : i32
    %dma_wait3A_114 = tpu.memref_slice %arg22[%dma_wait3A_112, %dma_wait3A_113] : memref<50176x32xf32, #tpu.memory_space<vmem_shared>> -> memref<50176x32xf32, #tpu.memory_space<vmem_shared>>
    tpu.wait_indirect_dma semaphore(%arg30 : memref<!tpu.dma_semaphore, #tpu.memory_space<semaphore_mem>>) src(%dma_wait3A_108 : memref<128x32xf32, #tpu.memory_space<vmem>>) dst(%dma_wait3A_114 : memref<50176x32xf32, #tpu.memory_space<vmem_shared>>)
    %barrier3A_115 = arith.constant 0 : index
    tpu.barrier barrier_id(%barrier3A_115)
    "tpu.region"() ({
      %run_scoped3A_338 = tpu.sem_alloc : memref<!tpu.dma_semaphore, #tpu.memory_space<semaphore_mem>>
      %dma_start3A_339 = arith.constant 0 : i32
      %dma_start3A_340 = tpu.memref_slice %arg8[%arg0, %dma_start3A_339] : memref<2x32xf32, #tpu.memory_space<hbm>> -> memref<1x32xf32, #tpu.memory_space<hbm>>
      %dma_start3A_341 = arith.constant 0 : i32
      %dma_start3A_342 = tpu.memref_slice %arg8[%arg0, %dma_start3A_341] : memref<2x32xf32, #tpu.memory_space<hbm>> -> memref<1x32xf32, #tpu.memory_space<hbm>>
      tpu.enqueue_dma source(%dma_start3A_342 : memref<1x32xf32, #tpu.memory_space<hbm>>) target(%arg21 : memref<1x32xf32, #tpu.memory_space<vmem>>) target_semaphore(%run_scoped3A_338 : memref<!tpu.dma_semaphore, #tpu.memory_space<semaphore_mem>>)
      %dma_wait3A_343 = arith.constant 0 : i32
      %dma_wait3A_344 = tpu.memref_slice %arg8[%arg0, %dma_wait3A_343] : memref<2x32xf32, #tpu.memory_space<hbm>> -> memref<1x32xf32, #tpu.memory_space<hbm>>
      %dma_wait3A_345 = arith.constant 0 : i32
      %dma_wait3A_346 = tpu.memref_slice %arg8[%arg0, %dma_wait3A_345] : memref<2x32xf32, #tpu.memory_space<hbm>> -> memref<1x32xf32, #tpu.memory_space<hbm>>
      tpu.wait_dma2 semaphore(%run_scoped3A_338 : memref<!tpu.dma_semaphore, #tpu.memory_space<semaphore_mem>>) src(%dma_wait3A_346 : memref<1x32xf32, #tpu.memory_space<hbm>>) dst(%arg21 : memref<1x32xf32, #tpu.memory_space<vmem>>)
      tpu.yield
    }) : () -> ()
    %get3A = arith.constant 0 : i32
    %get3A_116 = arith.index_cast %get3A : i32 to index
    %get3A_117 = arith.constant 0 : index
    %get3A_118 = tpu.vector_load %arg21[%get3A_116, %get3A_117] {strides = array<i32>} : memref<1x32xf32, #tpu.memory_space<vmem>>, vector<16xf32>,
    %get3A_119 = arith.constant 0 : i32
    %get3A_120 = arith.index_cast %get3A_119 : i32 to index
    %get3A_121 = arith.constant 16 : index
    %get3A_122 = tpu.vector_load %arg21[%get3A_120, %get3A_121] {strides = array<i32>} : memref<1x32xf32, #tpu.memory_space<vmem>>, vector<16xf32>,
    %scan3A_123 = arith.constant 0 : i32
    %scan3A_124 = arith.constant 28 : i32
    %scan3A_125 = arith.addi %scan3A_123, %scan3A_124 : i32
    %scan3A_126 = arith.constant 1 : i32
    scf.for %scan3A_338 = %scan3A_123 to %scan3A_125 step %scan3A_126  : i32 {
      %mul3A_339 = arith.constant 1 : i32
      %mul3A_340 = arith.muli %scan3A_338, %mul3A_339 : i32
      %add3A_341 = arith.constant 0 : i32
      %add3A_342 = arith.addi %add3A_341, %mul3A_340 : i32
      %jit3A = arith.constant 2 : i32
      %eq3A_343 = arith.constant 0 : i32
      %eq3A_344 = arith.cmpi eq, %jit3A, %eq3A_343 : i32
      %jit3A_345 = arith.constant 1 : i32
      %select_n3A = arith.select %eq3A_344, %jit3A_345, %jit3A : i32
      %rem3A = arith.remsi %add3A_342, %select_n3A : i32
      %ne3A = arith.constant 0 : i32
      %ne3A_346 = arith.cmpi ne, %rem3A, %ne3A : i32
      %lt3A = arith.constant 0 : i32
      %lt3A_347 = arith.cmpi slt, %rem3A, %lt3A : i32
      %lt3A_348 = arith.constant 0 : i32
      %lt3A_349 = arith.cmpi slt, %select_n3A, %lt3A_348 : i32
      %ne3A_350 = arith.xori %lt3A_347, %lt3A_349 : i1
      %and3A = arith.andi %ne3A_350, %ne3A_346 : i1
      %add3A_351 = arith.addi %rem3A, %select_n3A : i32
      %select_n3A_352 = arith.select %and3A, %add3A_351, %rem3A : i32
      %mul3A_353 = arith.constant 3136 : i32
      %mul3A_354 = arith.muli %arg1, %mul3A_353 : i32
      %mul3A_355 = arith.constant 112 : i32
      %mul3A_356 = arith.muli %add3A_342, %mul3A_355 : i32
      %add3A_357 = arith.addi %mul3A_354, %mul3A_356 : i32
      %ge3A = arith.constant 2 : i32
      %ge3A_358 = arith.cmpi sge, %add3A_342, %ge3A : i32
      %convert_element_type3A_359 = arith.extui %ge3A_358 : i1 to i32
      %cond3A_360 = arith.constant 0 : i32
      %cond3A_361 = arith.cmpi ne, %convert_element_type3A_359, %cond3A_360 : i32
      scf.if %cond3A_361 {
        %eq3A_392 = arith.constant 0 : i32
        %eq3A_393 = arith.cmpi eq, %select_n3A_352, %eq3A_392 : i32
        %convert_element_type3A_394 = arith.extui %eq3A_393 : i1 to i32
        %cond3A_395 = arith.constant 0 : i32
        %cond3A_396 = arith.cmpi ne, %convert_element_type3A_394, %cond3A_395 : i32
        scf.if %cond3A_396 {
          %dma_wait3A_402 = arith.constant 0 : i32
          %dma_wait3A_403 = arith.constant 0 : i32
          %dma_wait3A_404 = arith.constant 0 : i32
          %dma_wait3A_405 = tpu.memref_slice %arg15[%dma_wait3A_402, %dma_wait3A_403, %dma_wait3A_404] : memref<6x128x32xf32, #tpu.memory_space<vmem>> -> memref<1x128x32xf32, #tpu.memory_space<vmem>>
          %dma_wait3A_406 = tpu.memref_squeeze %dma_wait3A_405 : memref<1x128x32xf32, #tpu.memory_space<vmem>> -> memref<128x32xf32, #tpu.memory_space<vmem>>
          %dma_wait3A_407 = arith.constant 0 : i32
          %dma_wait3A_408 = arith.constant 0 : i32
          %dma_wait3A_409 = tpu.memref_slice %dma_wait3A_406[%dma_wait3A_407, %dma_wait3A_408] : memref<128x32xf32, #tpu.memory_space<vmem>> -> memref<112x32xf32, #tpu.memory_space<vmem>>
          %dma_wait3A_410 = arith.constant 0 : i32
          %dma_wait3A_411 = arith.constant 0 : i32
          %dma_wait3A_412 = tpu.memref_slice %arg9[%dma_wait3A_410, %dma_wait3A_411] : memref<50176x32xf32, #tpu.memory_space<hbm>> -> memref<112x32xf32, #tpu.memory_space<hbm>>
          %dma_wait3A_413 = arith.constant 0 : i32
          %dma_wait3A_414 = arith.constant 0 : i32
          %dma_wait3A_415 = tpu.memref_slice %arg9[%dma_wait3A_413, %dma_wait3A_414] : memref<50176x32xf32, #tpu.memory_space<hbm>> -> memref<112x32xf32, #tpu.memory_space<hbm>>
          %dma_wait3A_416 = arith.constant 0 : i32
          %dma_wait3A_417 = arith.constant 0 : i32
          %dma_wait3A_418 = tpu.memref_slice %arg15[%dma_wait3A_402, %dma_wait3A_416, %dma_wait3A_417] : memref<6x128x32xf32, #tpu.memory_space<vmem>> -> memref<1x128x32xf32, #tpu.memory_space<vmem>>
          %dma_wait3A_419 = tpu.memref_squeeze %dma_wait3A_418 : memref<1x128x32xf32, #tpu.memory_space<vmem>> -> memref<128x32xf32, #tpu.memory_space<vmem>>
          %dma_wait3A_420 = arith.constant 0 : i32
          %dma_wait3A_421 = arith.constant 0 : i32
          %dma_wait3A_422 = tpu.memref_slice %dma_wait3A_419[%dma_wait3A_420, %dma_wait3A_421] : memref<128x32xf32, #tpu.memory_space<vmem>> -> memref<112x32xf32, #tpu.memory_space<vmem>>
          tpu.wait_dma2 semaphore(%arg25 : memref<!tpu.dma_semaphore, #tpu.memory_space<semaphore_mem>>) src(%dma_wait3A_422 : memref<112x32xf32, #tpu.memory_space<vmem>>) dst(%dma_wait3A_415 : memref<112x32xf32, #tpu.memory_space<hbm>>)
        } else {
        }
        %eq3A_397 = arith.constant 1 : i32
        %eq3A_398 = arith.cmpi eq, %select_n3A_352, %eq3A_397 : i32
        %convert_element_type3A_399 = arith.extui %eq3A_398 : i1 to i32
        %cond3A_400 = arith.constant 0 : i32
        %cond3A_401 = arith.cmpi ne, %convert_element_type3A_399, %cond3A_400 : i32
        scf.if %cond3A_401 {
          %dma_wait3A_402 = arith.constant 0 : i32
          %dma_wait3A_403 = arith.constant 0 : i32
          %dma_wait3A_404 = arith.constant 0 : i32
          %dma_wait3A_405 = tpu.memref_slice %arg15[%dma_wait3A_402, %dma_wait3A_403, %dma_wait3A_404] : memref<6x128x32xf32, #tpu.memory_space<vmem>> -> memref<1x128x32xf32, #tpu.memory_space<vmem>>
          %dma_wait3A_406 = tpu.memref_squeeze %dma_wait3A_405 : memref<1x128x32xf32, #tpu.memory_space<vmem>> -> memref<128x32xf32, #tpu.memory_space<vmem>>
          %dma_wait3A_407 = arith.constant 0 : i32
          %dma_wait3A_408 = arith.constant 0 : i32
          %dma_wait3A_409 = tpu.memref_slice %dma_wait3A_406[%dma_wait3A_407, %dma_wait3A_408] : memref<128x32xf32, #tpu.memory_space<vmem>> -> memref<112x32xf32, #tpu.memory_space<vmem>>
          %dma_wait3A_410 = arith.constant 0 : i32
          %dma_wait3A_411 = arith.constant 0 : i32
          %dma_wait3A_412 = tpu.memref_slice %arg9[%dma_wait3A_410, %dma_wait3A_411] : memref<50176x32xf32, #tpu.memory_space<hbm>> -> memref<112x32xf32, #tpu.memory_space<hbm>>
          %dma_wait3A_413 = arith.constant 0 : i32
          %dma_wait3A_414 = arith.constant 0 : i32
          %dma_wait3A_415 = tpu.memref_slice %arg9[%dma_wait3A_413, %dma_wait3A_414] : memref<50176x32xf32, #tpu.memory_space<hbm>> -> memref<112x32xf32, #tpu.memory_space<hbm>>
          %dma_wait3A_416 = arith.constant 0 : i32
          %dma_wait3A_417 = arith.constant 0 : i32
          %dma_wait3A_418 = tpu.memref_slice %arg15[%dma_wait3A_402, %dma_wait3A_416, %dma_wait3A_417] : memref<6x128x32xf32, #tpu.memory_space<vmem>> -> memref<1x128x32xf32, #tpu.memory_space<vmem>>
          %dma_wait3A_419 = tpu.memref_squeeze %dma_wait3A_418 : memref<1x128x32xf32, #tpu.memory_space<vmem>> -> memref<128x32xf32, #tpu.memory_space<vmem>>
          %dma_wait3A_420 = arith.constant 0 : i32
          %dma_wait3A_421 = arith.constant 0 : i32
          %dma_wait3A_422 = tpu.memref_slice %dma_wait3A_419[%dma_wait3A_420, %dma_wait3A_421] : memref<128x32xf32, #tpu.memory_space<vmem>> -> memref<112x32xf32, #tpu.memory_space<vmem>>
          tpu.wait_dma2 semaphore(%arg26 : memref<!tpu.dma_semaphore, #tpu.memory_space<semaphore_mem>>) src(%dma_wait3A_422 : memref<112x32xf32, #tpu.memory_space<vmem>>) dst(%dma_wait3A_415 : memref<112x32xf32, #tpu.memory_space<hbm>>)
        } else {
        }
      } else {
      }
      "tpu.region"() ({
        %run_scoped3A_392 = tpu.sem_alloc : memref<!tpu.dma_semaphore, #tpu.memory_space<semaphore_mem>>
        %dma_start3A_393 = arith.constant 0 : i32
        %dma_start3A_394 = arith.constant 0 : i32
        %dma_start3A_395 = tpu.memref_slice %arg15[%select_n3A_352, %dma_start3A_393, %dma_start3A_394] : memref<6x128x32xf32, #tpu.memory_space<vmem>> -> memref<1x128x32xf32, #tpu.memory_space<vmem>>
        %dma_start3A_396 = tpu.memref_squeeze %dma_start3A_395 : memref<1x128x32xf32, #tpu.memory_space<vmem>> -> memref<128x32xf32, #tpu.memory_space<vmem>>
        %dma_start3A_397 = arith.constant 0 : i32
        %dma_start3A_398 = arith.constant 0 : i32
        %dma_start3A_399 = tpu.memref_slice %dma_start3A_396[%dma_start3A_397, %dma_start3A_398] : memref<128x32xf32, #tpu.memory_space<vmem>> -> memref<112x32xf32, #tpu.memory_space<vmem>>
        %dma_start3A_400 = arith.constant 0 : i32
        %dma_start3A_401 = tpu.memref_slice %arg22[%add3A_357, %dma_start3A_400] : memref<50176x32xf32, #tpu.memory_space<vmem_shared>> -> memref<112x32xf32, #tpu.memory_space<vmem_shared>>
        %dma_start3A_402 = arith.constant 0 : i32
        %dma_start3A_403 = arith.constant 0 : i32
        %dma_start3A_404 = tpu.memref_slice %arg15[%select_n3A_352, %dma_start3A_402, %dma_start3A_403] : memref<6x128x32xf32, #tpu.memory_space<vmem>> -> memref<1x128x32xf32, #tpu.memory_space<vmem>>
        %dma_start3A_405 = tpu.memref_squeeze %dma_start3A_404 : memref<1x128x32xf32, #tpu.memory_space<vmem>> -> memref<128x32xf32, #tpu.memory_space<vmem>>
        %dma_start3A_406 = arith.constant 0 : i32
        %dma_start3A_407 = arith.constant 0 : i32
        %dma_start3A_408 = tpu.memref_slice %dma_start3A_405[%dma_start3A_406, %dma_start3A_407] : memref<128x32xf32, #tpu.memory_space<vmem>> -> memref<112x32xf32, #tpu.memory_space<vmem>>
        %dma_start3A_409 = arith.constant 0 : i32
        %dma_start3A_410 = tpu.memref_slice %arg22[%add3A_357, %dma_start3A_409] : memref<50176x32xf32, #tpu.memory_space<vmem_shared>> -> memref<112x32xf32, #tpu.memory_space<vmem_shared>>
        tpu.enqueue_dma source(%dma_start3A_410 : memref<112x32xf32, #tpu.memory_space<vmem_shared>>) target(%dma_start3A_408 : memref<112x32xf32, #tpu.memory_space<vmem>>) target_semaphore(%run_scoped3A_392 : memref<!tpu.dma_semaphore, #tpu.memory_space<semaphore_mem>>)
        %dma_wait3A_411 = arith.constant 0 : i32
        %dma_wait3A_412 = arith.constant 0 : i32
        %dma_wait3A_413 = tpu.memref_slice %arg15[%select_n3A_352, %dma_wait3A_411, %dma_wait3A_412] : memref<6x128x32xf32, #tpu.memory_space<vmem>> -> memref<1x128x32xf32, #tpu.memory_space<vmem>>
        %dma_wait3A_414 = tpu.memref_squeeze %dma_wait3A_413 : memref<1x128x32xf32, #tpu.memory_space<vmem>> -> memref<128x32xf32, #tpu.memory_space<vmem>>
        %dma_wait3A_415 = arith.constant 0 : i32
        %dma_wait3A_416 = arith.constant 0 : i32
        %dma_wait3A_417 = tpu.memref_slice %dma_wait3A_414[%dma_wait3A_415, %dma_wait3A_416] : memref<128x32xf32, #tpu.memory_space<vmem>> -> memref<112x32xf32, #tpu.memory_space<vmem>>
        %dma_wait3A_418 = arith.constant 0 : i32
        %dma_wait3A_419 = tpu.memref_slice %arg22[%add3A_357, %dma_wait3A_418] : memref<50176x32xf32, #tpu.memory_space<vmem_shared>> -> memref<112x32xf32, #tpu.memory_space<vmem_shared>>
        %dma_wait3A_420 = arith.constant 0 : i32
        %dma_wait3A_421 = arith.constant 0 : i32
        %dma_wait3A_422 = tpu.memref_slice %arg15[%select_n3A_352, %dma_wait3A_420, %dma_wait3A_421] : memref<6x128x32xf32, #tpu.memory_space<vmem>> -> memref<1x128x32xf32, #tpu.memory_space<vmem>>
        %dma_wait3A_423 = tpu.memref_squeeze %dma_wait3A_422 : memref<1x128x32xf32, #tpu.memory_space<vmem>> -> memref<128x32xf32, #tpu.memory_space<vmem>>
        %dma_wait3A_424 = arith.constant 0 : i32
        %dma_wait3A_425 = arith.constant 0 : i32
        %dma_wait3A_426 = tpu.memref_slice %dma_wait3A_423[%dma_wait3A_424, %dma_wait3A_425] : memref<128x32xf32, #tpu.memory_space<vmem>> -> memref<112x32xf32, #tpu.memory_space<vmem>>
        %dma_wait3A_427 = arith.constant 0 : i32
        %dma_wait3A_428 = tpu.memref_slice %arg22[%add3A_357, %dma_wait3A_427] : memref<50176x32xf32, #tpu.memory_space<vmem_shared>> -> memref<112x32xf32, #tpu.memory_space<vmem_shared>>
        tpu.wait_dma2 semaphore(%run_scoped3A_392 : memref<!tpu.dma_semaphore, #tpu.memory_space<semaphore_mem>>) src(%dma_wait3A_428 : memref<112x32xf32, #tpu.memory_space<vmem_shared>>) dst(%dma_wait3A_426 : memref<112x32xf32, #tpu.memory_space<vmem>>)
        tpu.yield
      }) : () -> ()
      "tpu.region"() ({
        %run_scoped3A_392 = tpu.sem_alloc : memref<!tpu.dma_semaphore, #tpu.memory_space<semaphore_mem>>
        %dma_start3A_393 = tpu.memref_slice %arg6[%add3A_357] : memref<50176xf32, #tpu.memory_space<hbm>> -> memref<112xf32, #tpu.memory_space<hbm>>
        %dma_start3A_394 = tpu.memref_slice %arg6[%add3A_357] : memref<50176xf32, #tpu.memory_space<hbm>> -> memref<112xf32, #tpu.memory_space<hbm>>
        tpu.enqueue_dma source(%dma_start3A_394 : memref<112xf32, #tpu.memory_space<hbm>>) target(%arg17 : memref<112xf32, #tpu.memory_space<vmem>>) target_semaphore(%run_scoped3A_392 : memref<!tpu.dma_semaphore, #tpu.memory_space<semaphore_mem>>)
        %dma_wait3A_395 = tpu.memref_slice %arg6[%add3A_357] : memref<50176xf32, #tpu.memory_space<hbm>> -> memref<112xf32, #tpu.memory_space<hbm>>
        %dma_wait3A_396 = tpu.memref_slice %arg6[%add3A_357] : memref<50176xf32, #tpu.memory_space<hbm>> -> memref<112xf32, #tpu.memory_space<hbm>>
        tpu.wait_dma2 semaphore(%run_scoped3A_392 : memref<!tpu.dma_semaphore, #tpu.memory_space<semaphore_mem>>) src(%dma_wait3A_396 : memref<112xf32, #tpu.memory_space<hbm>>) dst(%arg17 : memref<112xf32, #tpu.memory_space<vmem>>)
        tpu.yield
      }) : () -> ()
      "tpu.region"() ({
        %run_scoped3A_392 = tpu.sem_alloc : memref<!tpu.dma_semaphore, #tpu.memory_space<semaphore_mem>>
        %dma_start3A_393 = tpu.memref_slice %arg7[%add3A_357] : memref<50176xf32, #tpu.memory_space<hbm>> -> memref<112xf32, #tpu.memory_space<hbm>>
        %dma_start3A_394 = tpu.memref_slice %arg7[%add3A_357] : memref<50176xf32, #tpu.memory_space<hbm>> -> memref<112xf32, #tpu.memory_space<hbm>>
        tpu.enqueue_dma source(%dma_start3A_394 : memref<112xf32, #tpu.memory_space<hbm>>) target(%arg18 : memref<112xf32, #tpu.memory_space<vmem>>) target_semaphore(%run_scoped3A_392 : memref<!tpu.dma_semaphore, #tpu.memory_space<semaphore_mem>>)
        %dma_wait3A_395 = tpu.memref_slice %arg7[%add3A_357] : memref<50176xf32, #tpu.memory_space<hbm>> -> memref<112xf32, #tpu.memory_space<hbm>>
        %dma_wait3A_396 = tpu.memref_slice %arg7[%add3A_357] : memref<50176xf32, #tpu.memory_space<hbm>> -> memref<112xf32, #tpu.memory_space<hbm>>
        tpu.wait_dma2 semaphore(%run_scoped3A_392 : memref<!tpu.dma_semaphore, #tpu.memory_space<semaphore_mem>>) src(%dma_wait3A_396 : memref<112xf32, #tpu.memory_space<hbm>>) dst(%arg18 : memref<112xf32, #tpu.memory_space<vmem>>)
        tpu.yield
      }) : () -> ()
      %scan3A_362 = arith.constant 0 : i32
      %scan3A_363 = arith.constant 7 : i32
      %scan3A_364 = arith.addi %scan3A_362, %scan3A_363 : i32
      %scan3A_365 = arith.constant 1 : i32
      scf.for %scan3A_392 = %scan3A_362 to %scan3A_364 step %scan3A_365  : i32 {
        %mul3A_393 = arith.constant 1 : i32
        %mul3A_394 = arith.muli %scan3A_392, %mul3A_393 : i32
        %add3A_395 = arith.constant 0 : i32
        %add3A_396 = arith.addi %add3A_395, %mul3A_394 : i32
        %mul3A_397 = arith.constant 16 : i32
        %mul3A_398 = arith.muli %add3A_396, %mul3A_397 : i32
        %get3A_399 = arith.index_cast %mul3A_398 : i32 to index
        %get3A_400 = tpu.vector_load %arg17[%get3A_399] {strides = array<i32>} : memref<112xf32, #tpu.memory_space<vmem>>, vector<16xf32>,
        %max3A = arith.constant 1.000000e+00 : f32
        %max3A_401 = vector.broadcast %max3A : f32 to vector<16xf32>
        %max3A_402 = arith.maximumf %get3A_400, %max3A_401 : vector<16xf32>
        %bitcast3A = vector.bitcast %max3A_402 : vector<16xf32> to vector<16xi32>
        %shift_right_arithmetic3A = arith.constant 1 : i32
        %shift_right_arithmetic3A_403 = vector.broadcast %shift_right_arithmetic3A : i32 to vector<16xi32>
        %shift_right_arithmetic3A_404 = arith.shrsi %bitcast3A, %shift_right_arithmetic3A_403 : vector<16xi32>
        %sub3A = arith.constant 1597463007 : i32
        %sub3A_405 = vector.broadcast %sub3A : i32 to vector<16xi32>
        %sub3A_406 = arith.subi %sub3A_405, %shift_right_arithmetic3A_404 : vector<16xi32>
        %bitcast3A_407 = vector.bitcast %sub3A_406 : vector<16xi32> to vector<16xf32>
        %mul3A_408 = arith.constant 5.000000e-01 : f32
        %mul3A_409 = vector.broadcast %mul3A_408 : f32 to vector<16xf32>
        %mul3A_410 = arith.mulf %mul3A_409, %max3A_402 : vector<16xf32>
        %mul3A_411 = arith.mulf %mul3A_410, %bitcast3A_407 : vector<16xf32>
        %mul3A_412 = arith.mulf %mul3A_411, %bitcast3A_407 : vector<16xf32>
        %sub3A_413 = arith.constant 1.500000e+00 : f32
        %sub3A_414 = vector.broadcast %sub3A_413 : f32 to vector<16xf32>
        %sub3A_415 = arith.subf %sub3A_414, %mul3A_412 : vector<16xf32>
        %mul3A_416 = arith.mulf %bitcast3A_407, %sub3A_415 : vector<16xf32>
        %mul3A_417 = arith.constant 5.000000e-01 : f32
        %mul3A_418 = vector.broadcast %mul3A_417 : f32 to vector<16xf32>
        %mul3A_419 = arith.mulf %mul3A_418, %max3A_402 : vector<16xf32>
        %mul3A_420 = arith.mulf %mul3A_419, %mul3A_416 : vector<16xf32>
        %mul3A_421 = arith.mulf %mul3A_420, %mul3A_416 : vector<16xf32>
        %sub3A_422 = arith.constant 1.500000e+00 : f32
        %sub3A_423 = vector.broadcast %sub3A_422 : f32 to vector<16xf32>
        %sub3A_424 = arith.subf %sub3A_423, %mul3A_421 : vector<16xf32>
        %mul3A_425 = arith.mulf %mul3A_416, %sub3A_424 : vector<16xf32>
        %mul3A_426 = arith.constant 5.000000e-01 : f32
        %mul3A_427 = vector.broadcast %mul3A_426 : f32 to vector<16xf32>
        %mul3A_428 = arith.mulf %mul3A_427, %max3A_402 : vector<16xf32>
        %mul3A_429 = arith.mulf %mul3A_428, %mul3A_425 : vector<16xf32>
        %mul3A_430 = arith.mulf %mul3A_429, %mul3A_425 : vector<16xf32>
        %sub3A_431 = arith.constant 1.500000e+00 : f32
        %sub3A_432 = vector.broadcast %sub3A_431 : f32 to vector<16xf32>
        %sub3A_433 = arith.subf %sub3A_432, %mul3A_430 : vector<16xf32>
        %mul3A_434 = arith.mulf %mul3A_425, %sub3A_433 : vector<16xf32>
        %swap3A = arith.index_cast %mul3A_398 : i32 to index
        %swap3A_435 = tpu.vector_load %arg19[%swap3A] {strides = array<i32>} : memref<112xf32, #tpu.memory_space<vmem>>, vector<16xf32>,
        tpu.vector_store %arg19[%swap3A], %mul3A_434 {strides = array<i32>} : memref<112xf32, #tpu.memory_space<vmem>>, vector<16xf32>,
        %get3A_436 = arith.index_cast %mul3A_398 : i32 to index
        %get3A_437 = tpu.vector_load %arg18[%get3A_436] {strides = array<i32>} : memref<112xf32, #tpu.memory_space<vmem>>, vector<16xf32>,
        %max3A_438 = arith.constant 1.000000e+00 : f32
        %max3A_439 = vector.broadcast %max3A_438 : f32 to vector<16xf32>
        %max3A_440 = arith.maximumf %get3A_437, %max3A_439 : vector<16xf32>
        %bitcast3A_441 = vector.bitcast %max3A_440 : vector<16xf32> to vector<16xi32>
        %shift_right_arithmetic3A_442 = arith.constant 1 : i32
        %shift_right_arithmetic3A_443 = vector.broadcast %shift_right_arithmetic3A_442 : i32 to vector<16xi32>
        %shift_right_arithmetic3A_444 = arith.shrsi %bitcast3A_441, %shift_right_arithmetic3A_443 : vector<16xi32>
        %sub3A_445 = arith.constant 1597463007 : i32
        %sub3A_446 = vector.broadcast %sub3A_445 : i32 to vector<16xi32>
        %sub3A_447 = arith.subi %sub3A_446, %shift_right_arithmetic3A_444 : vector<16xi32>
        %bitcast3A_448 = vector.bitcast %sub3A_447 : vector<16xi32> to vector<16xf32>
        %mul3A_449 = arith.constant 5.000000e-01 : f32
        %mul3A_450 = vector.broadcast %mul3A_449 : f32 to vector<16xf32>
        %mul3A_451 = arith.mulf %mul3A_450, %max3A_440 : vector<16xf32>
        %mul3A_452 = arith.mulf %mul3A_451, %bitcast3A_448 : vector<16xf32>
        %mul3A_453 = arith.mulf %mul3A_452, %bitcast3A_448 : vector<16xf32>
        %sub3A_454 = arith.constant 1.500000e+00 : f32
        %sub3A_455 = vector.broadcast %sub3A_454 : f32 to vector<16xf32>
        %sub3A_456 = arith.subf %sub3A_455, %mul3A_453 : vector<16xf32>
        %mul3A_457 = arith.mulf %bitcast3A_448, %sub3A_456 : vector<16xf32>
        %mul3A_458 = arith.constant 5.000000e-01 : f32
        %mul3A_459 = vector.broadcast %mul3A_458 : f32 to vector<16xf32>
        %mul3A_460 = arith.mulf %mul3A_459, %max3A_440 : vector<16xf32>
        %mul3A_461 = arith.mulf %mul3A_460, %mul3A_457 : vector<16xf32>
        %mul3A_462 = arith.mulf %mul3A_461, %mul3A_457 : vector<16xf32>
        %sub3A_463 = arith.constant 1.500000e+00 : f32
        %sub3A_464 = vector.broadcast %sub3A_463 : f32 to vector<16xf32>
        %sub3A_465 = arith.subf %sub3A_464, %mul3A_462 : vector<16xf32>
        %mul3A_466 = arith.mulf %mul3A_457, %sub3A_465 : vector<16xf32>
        %mul3A_467 = arith.constant 5.000000e-01 : f32
        %mul3A_468 = vector.broadcast %mul3A_467 : f32 to vector<16xf32>
        %mul3A_469 = arith.mulf %mul3A_468, %max3A_440 : vector<16xf32>
        %mul3A_470 = arith.mulf %mul3A_469, %mul3A_466 : vector<16xf32>
        %mul3A_471 = arith.mulf %mul3A_470, %mul3A_466 : vector<16xf32>
        %sub3A_472 = arith.constant 1.500000e+00 : f32
        %sub3A_473 = vector.broadcast %sub3A_472 : f32 to vector<16xf32>
        %sub3A_474 = arith.subf %sub3A_473, %mul3A_471 : vector<16xf32>
        %mul3A_475 = arith.mulf %mul3A_466, %sub3A_474 : vector<16xf32>
        %swap3A_476 = arith.index_cast %mul3A_398 : i32 to index
        %swap3A_477 = tpu.vector_load %arg20[%swap3A_476] {strides = array<i32>} : memref<112xf32, #tpu.memory_space<vmem>>, vector<16xf32>,
        tpu.vector_store %arg20[%swap3A_476], %mul3A_475 {strides = array<i32>} : memref<112xf32, #tpu.memory_space<vmem>>, vector<16xf32>,
      }
      %scan3A_366 = arith.constant 7 : i32
      %scan3A_367 = arith.constant 0 : i32
      %scan3A_368 = arith.constant 7 : i32
      %scan3A_369 = arith.addi %scan3A_367, %scan3A_368 : i32
      %scan3A_370 = arith.constant 1 : i32
      scf.for %scan3A_392 = %scan3A_367 to %scan3A_369 step %scan3A_370  : i32 {
        %mul3A_393 = arith.constant 1 : i32
        %mul3A_394 = arith.muli %scan3A_392, %mul3A_393 : i32
        %add3A_395 = arith.constant 0 : i32
        %add3A_396 = arith.addi %add3A_395, %mul3A_394 : i32
        %mul3A_397 = arith.constant 16 : i32
        %mul3A_398 = arith.muli %add3A_396, %mul3A_397 : i32
        %get3A_399 = arith.index_cast %mul3A_398 : i32 to index
        %get3A_400 = tpu.vector_load %arg20[%get3A_399] {strides = array<i32>} : memref<112xf32, #tpu.memory_space<vmem>>, vector<16xf32>,
        %mul3A_401 = arith.constant 16 : i32
        %mul3A_402 = arith.muli %add3A_396, %mul3A_401 : i32
        %get3A_403 = arith.index_cast %mul3A_402 : i32 to index
        %get3A_404 = tpu.vector_load %arg19[%get3A_403] {strides = array<i32>} : memref<112xf32, #tpu.memory_space<vmem>>, vector<16xf32>,
        %mul3A_405 = arith.constant 16 : i32
        %mul3A_406 = arith.muli %add3A_396, %mul3A_405 : i32
        %add3A_407 = arith.constant 0 : i32
        %add3A_408 = arith.addi %mul3A_406, %add3A_407 : i32
        %slice3A = vector.extract_strided_slice %get3A_400 {offsets = [0], sizes = [1], strides = [1]} : vector<16xf32> to vector<1xf32>
        %squeeze3A = vector.extract %slice3A[0] : f32 from vector<1xf32>
        %slice3A_409 = vector.extract_strided_slice %get3A_404 {offsets = [0], sizes = [1], strides = [1]} : vector<16xf32> to vector<1xf32>
        %squeeze3A_410 = vector.extract %slice3A_409[0] : f32 from vector<1xf32>
        %get3A_411 = arith.index_cast %select_n3A_352 : i32 to index
        %get3A_412 = arith.index_cast %add3A_408 : i32 to index
        %get3A_413 = arith.constant 0 : index
        %get3A_414 = tpu.vector_load %arg15[%get3A_411, %get3A_412, %get3A_413] {strides = array<i32>} : memref<6x128x32xf32, #tpu.memory_space<vmem>>, vector<16xf32>,
        %get3A_415 = arith.index_cast %select_n3A_352 : i32 to index
        %get3A_416 = arith.index_cast %add3A_408 : i32 to index
        %get3A_417 = arith.constant 16 : index
        %get3A_418 = tpu.vector_load %arg15[%get3A_415, %get3A_416, %get3A_417] {strides = array<i32>} : memref<6x128x32xf32, #tpu.memory_space<vmem>>, vector<16xf32>,
        %mul3A_419 = vector.broadcast %squeeze3A : f32 to vector<16xf32>
        %mul3A_420 = arith.mulf %get3A_414, %mul3A_419 : vector<16xf32>
        %add3A_421 = arith.addf %mul3A_420, %get3A_118 : vector<16xf32>
        %max3A = arith.constant 0.000000e+00 : f32
        %max3A_422 = vector.broadcast %max3A : f32 to vector<16xf32>
        %max3A_423 = arith.maximumf %add3A_421, %max3A_422 : vector<16xf32>
        %mul3A_424 = vector.broadcast %squeeze3A_410 : f32 to vector<16xf32>
        %mul3A_425 = arith.mulf %max3A_423, %mul3A_424 : vector<16xf32>
        %swap3A = arith.index_cast %select_n3A_352 : i32 to index
        %swap3A_426 = arith.index_cast %add3A_408 : i32 to index
        %swap3A_427 = arith.constant 0 : index
        %swap3A_428 = tpu.vector_load %arg15[%swap3A, %swap3A_426, %swap3A_427] {strides = array<i32>} : memref<6x128x32xf32, #tpu.memory_space<vmem>>, vector<16xf32>,
        tpu.vector_store %arg15[%swap3A, %swap3A_426, %swap3A_427], %mul3A_425 {strides = array<i32>} : memref<6x128x32xf32, #tpu.memory_space<vmem>>, vector<16xf32>,
        %mul3A_429 = vector.broadcast %squeeze3A : f32 to vector<16xf32>
        %mul3A_430 = arith.mulf %get3A_418, %mul3A_429 : vector<16xf32>
        %add3A_431 = arith.addf %mul3A_430, %get3A_122 : vector<16xf32>
        %max3A_432 = arith.constant 0.000000e+00 : f32
        %max3A_433 = vector.broadcast %max3A_432 : f32 to vector<16xf32>
        %max3A_434 = arith.maximumf %add3A_431, %max3A_433 : vector<16xf32>
        %mul3A_435 = vector.broadcast %squeeze3A_410 : f32 to vector<16xf32>
        %mul3A_436 = arith.mulf %max3A_434, %mul3A_435 : vector<16xf32>
        %swap3A_437 = arith.index_cast %select_n3A_352 : i32 to index
        %swap3A_438 = arith.index_cast %add3A_408 : i32 to index
        %swap3A_439 = arith.constant 16 : index
        %swap3A_440 = tpu.vector_load %arg15[%swap3A_437, %swap3A_438, %swap3A_439] {strides = array<i32>} : memref<6x128x32xf32, #tpu.memory_space<vmem>>, vector<16xf32>,
        tpu.vector_store %arg15[%swap3A_437, %swap3A_438, %swap3A_439], %mul3A_436 {strides = array<i32>} : memref<6x128x32xf32, #tpu.memory_space<vmem>>, vector<16xf32>,
        %mul3A_441 = arith.constant 16 : i32
        %mul3A_442 = arith.muli %add3A_396, %mul3A_441 : i32
        %add3A_443 = arith.constant 1 : i32
        %add3A_444 = arith.addi %mul3A_442, %add3A_443 : i32
        %slice3A_445 = vector.extract_strided_slice %get3A_400 {offsets = [1], sizes = [1], strides = [1]} : vector<16xf32> to vector<1xf32>
        %squeeze3A_446 = vector.extract %slice3A_445[0] : f32 from vector<1xf32>
        %slice3A_447 = vector.extract_strided_slice %get3A_404 {offsets = [1], sizes = [1], strides = [1]} : vector<16xf32> to vector<1xf32>
        %squeeze3A_448 = vector.extract %slice3A_447[0] : f32 from vector<1xf32>
        %get3A_449 = arith.index_cast %select_n3A_352 : i32 to index
        %get3A_450 = arith.index_cast %add3A_444 : i32 to index
        %get3A_451 = arith.constant 0 : index
        %get3A_452 = tpu.vector_load %arg15[%get3A_449, %get3A_450, %get3A_451] {strides = array<i32>} : memref<6x128x32xf32, #tpu.memory_space<vmem>>, vector<16xf32>,
        %get3A_453 = arith.index_cast %select_n3A_352 : i32 to index
        %get3A_454 = arith.index_cast %add3A_444 : i32 to index
        %get3A_455 = arith.constant 16 : index
        %get3A_456 = tpu.vector_load %arg15[%get3A_453, %get3A_454, %get3A_455] {strides = array<i32>} : memref<6x128x32xf32, #tpu.memory_space<vmem>>, vector<16xf32>,
        %mul3A_457 = vector.broadcast %squeeze3A_446 : f32 to vector<16xf32>
        %mul3A_458 = arith.mulf %get3A_452, %mul3A_457 : vector<16xf32>
        %add3A_459 = arith.addf %mul3A_458, %get3A_118 : vector<16xf32>
        %max3A_460 = arith.constant 0.000000e+00 : f32
        %max3A_461 = vector.broadcast %max3A_460 : f32 to vector<16xf32>
        %max3A_462 = arith.maximumf %add3A_459, %max3A_461 : vector<16xf32>
        %mul3A_463 = vector.broadcast %squeeze3A_448 : f32 to vector<16xf32>
        %mul3A_464 = arith.mulf %max3A_462, %mul3A_463 : vector<16xf32>
        %swap3A_465 = arith.index_cast %select_n3A_352 : i32 to index
        %swap3A_466 = arith.index_cast %add3A_444 : i32 to index
        %swap3A_467 = arith.constant 0 : index
        %swap3A_468 = tpu.vector_load %arg15[%swap3A_465, %swap3A_466, %swap3A_467] {strides = array<i32>} : memref<6x128x32xf32, #tpu.memory_space<vmem>>, vector<16xf32>,
        tpu.vector_store %arg15[%swap3A_465, %swap3A_466, %swap3A_467], %mul3A_464 {strides = array<i32>} : memref<6x128x32xf32, #tpu.memory_space<vmem>>, vector<16xf32>,
        %mul3A_469 = vector.broadcast %squeeze3A_446 : f32 to vector<16xf32>
        %mul3A_470 = arith.mulf %get3A_456, %mul3A_469 : vector<16xf32>
        %add3A_471 = arith.addf %mul3A_470, %get3A_122 : vector<16xf32>
        %max3A_472 = arith.constant 0.000000e+00 : f32
        %max3A_473 = vector.broadcast %max3A_472 : f32 to vector<16xf32>
        %max3A_474 = arith.maximumf %add3A_471, %max3A_473 : vector<16xf32>
        %mul3A_475 = vector.broadcast %squeeze3A_448 : f32 to vector<16xf32>
        %mul3A_476 = arith.mulf %max3A_474, %mul3A_475 : vector<16xf32>
        %swap3A_477 = arith.index_cast %select_n3A_352 : i32 to index
        %swap3A_478 = arith.index_cast %add3A_444 : i32 to index
        %swap3A_479 = arith.constant 16 : index
        %swap3A_480 = tpu.vector_load %arg15[%swap3A_477, %swap3A_478, %swap3A_479] {strides = array<i32>} : memref<6x128x32xf32, #tpu.memory_space<vmem>>, vector<16xf32>,
        tpu.vector_store %arg15[%swap3A_477, %swap3A_478, %swap3A_479], %mul3A_476 {strides = array<i32>} : memref<6x128x32xf32, #tpu.memory_space<vmem>>, vector<16xf32>,
        %mul3A_481 = arith.constant 16 : i32
        %mul3A_482 = arith.muli %add3A_396, %mul3A_481 : i32
        %add3A_483 = arith.constant 2 : i32
        %add3A_484 = arith.addi %mul3A_482, %add3A_483 : i32
        %slice3A_485 = vector.extract_strided_slice %get3A_400 {offsets = [2], sizes = [1], strides = [1]} : vector<16xf32> to vector<1xf32>
        %squeeze3A_486 = vector.extract %slice3A_485[0] : f32 from vector<1xf32>
        %slice3A_487 = vector.extract_strided_slice %get3A_404 {offsets = [2], sizes = [1], strides = [1]} : vector<16xf32> to vector<1xf32>
        %squeeze3A_488 = vector.extract %slice3A_487[0] : f32 from vector<1xf32>
        %get3A_489 = arith.index_cast %select_n3A_352 : i32 to index
        %get3A_490 = arith.index_cast %add3A_484 : i32 to index
        %get3A_491 = arith.constant 0 : index
        %get3A_492 = tpu.vector_load %arg15[%get3A_489, %get3A_490, %get3A_491] {strides = array<i32>} : memref<6x128x32xf32, #tpu.memory_space<vmem>>, vector<16xf32>,
        %get3A_493 = arith.index_cast %select_n3A_352 : i32 to index
        %get3A_494 = arith.index_cast %add3A_484 : i32 to index
        %get3A_495 = arith.constant 16 : index
        %get3A_496 = tpu.vector_load %arg15[%get3A_493, %get3A_494, %get3A_495] {strides = array<i32>} : memref<6x128x32xf32, #tpu.memory_space<vmem>>, vector<16xf32>,
        %mul3A_497 = vector.broadcast %squeeze3A_486 : f32 to vector<16xf32>
        %mul3A_498 = arith.mulf %get3A_492, %mul3A_497 : vector<16xf32>
        %add3A_499 = arith.addf %mul3A_498, %get3A_118 : vector<16xf32>
        %max3A_500 = arith.constant 0.000000e+00 : f32
        %max3A_501 = vector.broadcast %max3A_500 : f32 to vector<16xf32>
        %max3A_502 = arith.maximumf %add3A_499, %max3A_501 : vector<16xf32>
        %mul3A_503 = vector.broadcast %squeeze3A_488 : f32 to vector<16xf32>
        %mul3A_504 = arith.mulf %max3A_502, %mul3A_503 : vector<16xf32>
        %swap3A_505 = arith.index_cast %select_n3A_352 : i32 to index
        %swap3A_506 = arith.index_cast %add3A_484 : i32 to index
        %swap3A_507 = arith.constant 0 : index
        %swap3A_508 = tpu.vector_load %arg15[%swap3A_505, %swap3A_506, %swap3A_507] {strides = array<i32>} : memref<6x128x32xf32, #tpu.memory_space<vmem>>, vector<16xf32>,
        tpu.vector_store %arg15[%swap3A_505, %swap3A_506, %swap3A_507], %mul3A_504 {strides = array<i32>} : memref<6x128x32xf32, #tpu.memory_space<vmem>>, vector<16xf32>,
        %mul3A_509 = vector.broadcast %squeeze3A_486 : f32 to vector<16xf32>
        %mul3A_510 = arith.mulf %get3A_496, %mul3A_509 : vector<16xf32>
        %add3A_511 = arith.addf %mul3A_510, %get3A_122 : vector<16xf32>
        %max3A_512 = arith.constant 0.000000e+00 : f32
        %max3A_513 = vector.broadcast %max3A_512 : f32 to vector<16xf32>
        %max3A_514 = arith.maximumf %add3A_511, %max3A_513 : vector<16xf32>
        %mul3A_515 = vector.broadcast %squeeze3A_488 : f32 to vector<16xf32>
        %mul3A_516 = arith.mulf %max3A_514, %mul3A_515 : vector<16xf32>
        %swap3A_517 = arith.index_cast %select_n3A_352 : i32 to index
        %swap3A_518 = arith.index_cast %add3A_484 : i32 to index
        %swap3A_519 = arith.constant 16 : index
        %swap3A_520 = tpu.vector_load %arg15[%swap3A_517, %swap3A_518, %swap3A_519] {strides = array<i32>} : memref<6x128x32xf32, #tpu.memory_space<vmem>>, vector<16xf32>,
        tpu.vector_store %arg15[%swap3A_517, %swap3A_518, %swap3A_519], %mul3A_516 {strides = array<i32>} : memref<6x128x32xf32, #tpu.memory_space<vmem>>, vector<16xf32>,
        %mul3A_521 = arith.constant 16 : i32
        %mul3A_522 = arith.muli %add3A_396, %mul3A_521 : i32
        %add3A_523 = arith.constant 3 : i32
        %add3A_524 = arith.addi %mul3A_522, %add3A_523 : i32
        %slice3A_525 = vector.extract_strided_slice %get3A_400 {offsets = [3], sizes = [1], strides = [1]} : vector<16xf32> to vector<1xf32>
        %squeeze3A_526 = vector.extract %slice3A_525[0] : f32 from vector<1xf32>
        %slice3A_527 = vector.extract_strided_slice %get3A_404 {offsets = [3], sizes = [1], strides = [1]} : vector<16xf32> to vector<1xf32>
        %squeeze3A_528 = vector.extract %slice3A_527[0] : f32 from vector<1xf32>
        %get3A_529 = arith.index_cast %select_n3A_352 : i32 to index
        %get3A_530 = arith.index_cast %add3A_524 : i32 to index
        %get3A_531 = arith.constant 0 : index
        %get3A_532 = tpu.vector_load %arg15[%get3A_529, %get3A_530, %get3A_531] {strides = array<i32>} : memref<6x128x32xf32, #tpu.memory_space<vmem>>, vector<16xf32>,
        %get3A_533 = arith.index_cast %select_n3A_352 : i32 to index
        %get3A_534 = arith.index_cast %add3A_524 : i32 to index
        %get3A_535 = arith.constant 16 : index
        %get3A_536 = tpu.vector_load %arg15[%get3A_533, %get3A_534, %get3A_535] {strides = array<i32>} : memref<6x128x32xf32, #tpu.memory_space<vmem>>, vector<16xf32>,
        %mul3A_537 = vector.broadcast %squeeze3A_526 : f32 to vector<16xf32>
        %mul3A_538 = arith.mulf %get3A_532, %mul3A_537 : vector<16xf32>
        %add3A_539 = arith.addf %mul3A_538, %get3A_118 : vector<16xf32>
        %max3A_540 = arith.constant 0.000000e+00 : f32
        %max3A_541 = vector.broadcast %max3A_540 : f32 to vector<16xf32>
        %max3A_542 = arith.maximumf %add3A_539, %max3A_541 : vector<16xf32>
        %mul3A_543 = vector.broadcast %squeeze3A_528 : f32 to vector<16xf32>
        %mul3A_544 = arith.mulf %max3A_542, %mul3A_543 : vector<16xf32>
        %swap3A_545 = arith.index_cast %select_n3A_352 : i32 to index
        %swap3A_546 = arith.index_cast %add3A_524 : i32 to index
        %swap3A_547 = arith.constant 0 : index
        %swap3A_548 = tpu.vector_load %arg15[%swap3A_545, %swap3A_546, %swap3A_547] {strides = array<i32>} : memref<6x128x32xf32, #tpu.memory_space<vmem>>, vector<16xf32>,
        tpu.vector_store %arg15[%swap3A_545, %swap3A_546, %swap3A_547], %mul3A_544 {strides = array<i32>} : memref<6x128x32xf32, #tpu.memory_space<vmem>>, vector<16xf32>,
        %mul3A_549 = vector.broadcast %squeeze3A_526 : f32 to vector<16xf32>
        %mul3A_550 = arith.mulf %get3A_536, %mul3A_549 : vector<16xf32>
        %add3A_551 = arith.addf %mul3A_550, %get3A_122 : vector<16xf32>
        %max3A_552 = arith.constant 0.000000e+00 : f32
        %max3A_553 = vector.broadcast %max3A_552 : f32 to vector<16xf32>
        %max3A_554 = arith.maximumf %add3A_551, %max3A_553 : vector<16xf32>
        %mul3A_555 = vector.broadcast %squeeze3A_528 : f32 to vector<16xf32>
        %mul3A_556 = arith.mulf %max3A_554, %mul3A_555 : vector<16xf32>
        %swap3A_557 = arith.index_cast %select_n3A_352 : i32 to index
        %swap3A_558 = arith.index_cast %add3A_524 : i32 to index
        %swap3A_559 = arith.constant 16 : index
        %swap3A_560 = tpu.vector_load %arg15[%swap3A_557, %swap3A_558, %swap3A_559] {strides = array<i32>} : memref<6x128x32xf32, #tpu.memory_space<vmem>>, vector<16xf32>,
        tpu.vector_store %arg15[%swap3A_557, %swap3A_558, %swap3A_559], %mul3A_556 {strides = array<i32>} : memref<6x128x32xf32, #tpu.memory_space<vmem>>, vector<16xf32>,
        %mul3A_561 = arith.constant 16 : i32
        %mul3A_562 = arith.muli %add3A_396, %mul3A_561 : i32
        %add3A_563 = arith.constant 4 : i32
        %add3A_564 = arith.addi %mul3A_562, %add3A_563 : i32
        %slice3A_565 = vector.extract_strided_slice %get3A_400 {offsets = [4], sizes = [1], strides = [1]} : vector<16xf32> to vector<1xf32>
        %squeeze3A_566 = vector.extract %slice3A_565[0] : f32 from vector<1xf32>
        %slice3A_567 = vector.extract_strided_slice %get3A_404 {offsets = [4], sizes = [1], strides = [1]} : vector<16xf32> to vector<1xf32>
        %squeeze3A_568 = vector.extract %slice3A_567[0] : f32 from vector<1xf32>
        %get3A_569 = arith.index_cast %select_n3A_352 : i32 to index
        %get3A_570 = arith.index_cast %add3A_564 : i32 to index
        %get3A_571 = arith.constant 0 : index
        %get3A_572 = tpu.vector_load %arg15[%get3A_569, %get3A_570, %get3A_571] {strides = array<i32>} : memref<6x128x32xf32, #tpu.memory_space<vmem>>, vector<16xf32>,
        %get3A_573 = arith.index_cast %select_n3A_352 : i32 to index
        %get3A_574 = arith.index_cast %add3A_564 : i32 to index
        %get3A_575 = arith.constant 16 : index
        %get3A_576 = tpu.vector_load %arg15[%get3A_573, %get3A_574, %get3A_575] {strides = array<i32>} : memref<6x128x32xf32, #tpu.memory_space<vmem>>, vector<16xf32>,
        %mul3A_577 = vector.broadcast %squeeze3A_566 : f32 to vector<16xf32>
        %mul3A_578 = arith.mulf %get3A_572, %mul3A_577 : vector<16xf32>
        %add3A_579 = arith.addf %mul3A_578, %get3A_118 : vector<16xf32>
        %max3A_580 = arith.constant 0.000000e+00 : f32
        %max3A_581 = vector.broadcast %max3A_580 : f32 to vector<16xf32>
        %max3A_582 = arith.maximumf %add3A_579, %max3A_581 : vector<16xf32>
        %mul3A_583 = vector.broadcast %squeeze3A_568 : f32 to vector<16xf32>
        %mul3A_584 = arith.mulf %max3A_582, %mul3A_583 : vector<16xf32>
        %swap3A_585 = arith.index_cast %select_n3A_352 : i32 to index
        %swap3A_586 = arith.index_cast %add3A_564 : i32 to index
        %swap3A_587 = arith.constant 0 : index
        %swap3A_588 = tpu.vector_load %arg15[%swap3A_585, %swap3A_586, %swap3A_587] {strides = array<i32>} : memref<6x128x32xf32, #tpu.memory_space<vmem>>, vector<16xf32>,
        tpu.vector_store %arg15[%swap3A_585, %swap3A_586, %swap3A_587], %mul3A_584 {strides = array<i32>} : memref<6x128x32xf32, #tpu.memory_space<vmem>>, vector<16xf32>,
        %mul3A_589 = vector.broadcast %squeeze3A_566 : f32 to vector<16xf32>
        %mul3A_590 = arith.mulf %get3A_576, %mul3A_589 : vector<16xf32>
        %add3A_591 = arith.addf %mul3A_590, %get3A_122 : vector<16xf32>
        %max3A_592 = arith.constant 0.000000e+00 : f32
        %max3A_593 = vector.broadcast %max3A_592 : f32 to vector<16xf32>
        %max3A_594 = arith.maximumf %add3A_591, %max3A_593 : vector<16xf32>
        %mul3A_595 = vector.broadcast %squeeze3A_568 : f32 to vector<16xf32>
        %mul3A_596 = arith.mulf %max3A_594, %mul3A_595 : vector<16xf32>
        %swap3A_597 = arith.index_cast %select_n3A_352 : i32 to index
        %swap3A_598 = arith.index_cast %add3A_564 : i32 to index
        %swap3A_599 = arith.constant 16 : index
        %swap3A_600 = tpu.vector_load %arg15[%swap3A_597, %swap3A_598, %swap3A_599] {strides = array<i32>} : memref<6x128x32xf32, #tpu.memory_space<vmem>>, vector<16xf32>,
        tpu.vector_store %arg15[%swap3A_597, %swap3A_598, %swap3A_599], %mul3A_596 {strides = array<i32>} : memref<6x128x32xf32, #tpu.memory_space<vmem>>, vector<16xf32>,
        %mul3A_601 = arith.constant 16 : i32
        %mul3A_602 = arith.muli %add3A_396, %mul3A_601 : i32
        %add3A_603 = arith.constant 5 : i32
        %add3A_604 = arith.addi %mul3A_602, %add3A_603 : i32
        %slice3A_605 = vector.extract_strided_slice %get3A_400 {offsets = [5], sizes = [1], strides = [1]} : vector<16xf32> to vector<1xf32>
        %squeeze3A_606 = vector.extract %slice3A_605[0] : f32 from vector<1xf32>
        %slice3A_607 = vector.extract_strided_slice %get3A_404 {offsets = [5], sizes = [1], strides = [1]} : vector<16xf32> to vector<1xf32>
        %squeeze3A_608 = vector.extract %slice3A_607[0] : f32 from vector<1xf32>
        %get3A_609 = arith.index_cast %select_n3A_352 : i32 to index
        %get3A_610 = arith.index_cast %add3A_604 : i32 to index
        %get3A_611 = arith.constant 0 : index
        %get3A_612 = tpu.vector_load %arg15[%get3A_609, %get3A_610, %get3A_611] {strides = array<i32>} : memref<6x128x32xf32, #tpu.memory_space<vmem>>, vector<16xf32>,
        %get3A_613 = arith.index_cast %select_n3A_352 : i32 to index
        %get3A_614 = arith.index_cast %add3A_604 : i32 to index
        %get3A_615 = arith.constant 16 : index
        %get3A_616 = tpu.vector_load %arg15[%get3A_613, %get3A_614, %get3A_615] {strides = array<i32>} : memref<6x128x32xf32, #tpu.memory_space<vmem>>, vector<16xf32>,
        %mul3A_617 = vector.broadcast %squeeze3A_606 : f32 to vector<16xf32>
        %mul3A_618 = arith.mulf %get3A_612, %mul3A_617 : vector<16xf32>
        %add3A_619 = arith.addf %mul3A_618, %get3A_118 : vector<16xf32>
        %max3A_620 = arith.constant 0.000000e+00 : f32
        %max3A_621 = vector.broadcast %max3A_620 : f32 to vector<16xf32>
        %max3A_622 = arith.maximumf %add3A_619, %max3A_621 : vector<16xf32>
        %mul3A_623 = vector.broadcast %squeeze3A_608 : f32 to vector<16xf32>
        %mul3A_624 = arith.mulf %max3A_622, %mul3A_623 : vector<16xf32>
        %swap3A_625 = arith.index_cast %select_n3A_352 : i32 to index
        %swap3A_626 = arith.index_cast %add3A_604 : i32 to index
        %swap3A_627 = arith.constant 0 : index
        %swap3A_628 = tpu.vector_load %arg15[%swap3A_625, %swap3A_626, %swap3A_627] {strides = array<i32>} : memref<6x128x32xf32, #tpu.memory_space<vmem>>, vector<16xf32>,
        tpu.vector_store %arg15[%swap3A_625, %swap3A_626, %swap3A_627], %mul3A_624 {strides = array<i32>} : memref<6x128x32xf32, #tpu.memory_space<vmem>>, vector<16xf32>,
        %mul3A_629 = vector.broadcast %squeeze3A_606 : f32 to vector<16xf32>
        %mul3A_630 = arith.mulf %get3A_616, %mul3A_629 : vector<16xf32>
        %add3A_631 = arith.addf %mul3A_630, %get3A_122 : vector<16xf32>
        %max3A_632 = arith.constant 0.000000e+00 : f32
        %max3A_633 = vector.broadcast %max3A_632 : f32 to vector<16xf32>
        %max3A_634 = arith.maximumf %add3A_631, %max3A_633 : vector<16xf32>
        %mul3A_635 = vector.broadcast %squeeze3A_608 : f32 to vector<16xf32>
        %mul3A_636 = arith.mulf %max3A_634, %mul3A_635 : vector<16xf32>
        %swap3A_637 = arith.index_cast %select_n3A_352 : i32 to index
        %swap3A_638 = arith.index_cast %add3A_604 : i32 to index
        %swap3A_639 = arith.constant 16 : index
        %swap3A_640 = tpu.vector_load %arg15[%swap3A_637, %swap3A_638, %swap3A_639] {strides = array<i32>} : memref<6x128x32xf32, #tpu.memory_space<vmem>>, vector<16xf32>,
        tpu.vector_store %arg15[%swap3A_637, %swap3A_638, %swap3A_639], %mul3A_636 {strides = array<i32>} : memref<6x128x32xf32, #tpu.memory_space<vmem>>, vector<16xf32>,
        %mul3A_641 = arith.constant 16 : i32
        %mul3A_642 = arith.muli %add3A_396, %mul3A_641 : i32
        %add3A_643 = arith.constant 6 : i32
        %add3A_644 = arith.addi %mul3A_642, %add3A_643 : i32
        %slice3A_645 = vector.extract_strided_slice %get3A_400 {offsets = [6], sizes = [1], strides = [1]} : vector<16xf32> to vector<1xf32>
        %squeeze3A_646 = vector.extract %slice3A_645[0] : f32 from vector<1xf32>
        %slice3A_647 = vector.extract_strided_slice %get3A_404 {offsets = [6], sizes = [1], strides = [1]} : vector<16xf32> to vector<1xf32>
        %squeeze3A_648 = vector.extract %slice3A_647[0] : f32 from vector<1xf32>
        %get3A_649 = arith.index_cast %select_n3A_352 : i32 to index
        %get3A_650 = arith.index_cast %add3A_644 : i32 to index
        %get3A_651 = arith.constant 0 : index
        %get3A_652 = tpu.vector_load %arg15[%get3A_649, %get3A_650, %get3A_651] {strides = array<i32>} : memref<6x128x32xf32, #tpu.memory_space<vmem>>, vector<16xf32>,
        %get3A_653 = arith.index_cast %select_n3A_352 : i32 to index
        %get3A_654 = arith.index_cast %add3A_644 : i32 to index
        %get3A_655 = arith.constant 16 : index
        %get3A_656 = tpu.vector_load %arg15[%get3A_653, %get3A_654, %get3A_655] {strides = array<i32>} : memref<6x128x32xf32, #tpu.memory_space<vmem>>, vector<16xf32>,
        %mul3A_657 = vector.broadcast %squeeze3A_646 : f32 to vector<16xf32>
        %mul3A_658 = arith.mulf %get3A_652, %mul3A_657 : vector<16xf32>
        %add3A_659 = arith.addf %mul3A_658, %get3A_118 : vector<16xf32>
        %max3A_660 = arith.constant 0.000000e+00 : f32
        %max3A_661 = vector.broadcast %max3A_660 : f32 to vector<16xf32>
        %max3A_662 = arith.maximumf %add3A_659, %max3A_661 : vector<16xf32>
        %mul3A_663 = vector.broadcast %squeeze3A_648 : f32 to vector<16xf32>
        %mul3A_664 = arith.mulf %max3A_662, %mul3A_663 : vector<16xf32>
        %swap3A_665 = arith.index_cast %select_n3A_352 : i32 to index
        %swap3A_666 = arith.index_cast %add3A_644 : i32 to index
        %swap3A_667 = arith.constant 0 : index
        %swap3A_668 = tpu.vector_load %arg15[%swap3A_665, %swap3A_666, %swap3A_667] {strides = array<i32>} : memref<6x128x32xf32, #tpu.memory_space<vmem>>, vector<16xf32>,
        tpu.vector_store %arg15[%swap3A_665, %swap3A_666, %swap3A_667], %mul3A_664 {strides = array<i32>} : memref<6x128x32xf32, #tpu.memory_space<vmem>>, vector<16xf32>,
        %mul3A_669 = vector.broadcast %squeeze3A_646 : f32 to vector<16xf32>
        %mul3A_670 = arith.mulf %get3A_656, %mul3A_669 : vector<16xf32>
        %add3A_671 = arith.addf %mul3A_670, %get3A_122 : vector<16xf32>
        %max3A_672 = arith.constant 0.000000e+00 : f32
        %max3A_673 = vector.broadcast %max3A_672 : f32 to vector<16xf32>
        %max3A_674 = arith.maximumf %add3A_671, %max3A_673 : vector<16xf32>
        %mul3A_675 = vector.broadcast %squeeze3A_648 : f32 to vector<16xf32>
        %mul3A_676 = arith.mulf %max3A_674, %mul3A_675 : vector<16xf32>
        %swap3A_677 = arith.index_cast %select_n3A_352 : i32 to index
        %swap3A_678 = arith.index_cast %add3A_644 : i32 to index
        %swap3A_679 = arith.constant 16 : index
        %swap3A_680 = tpu.vector_load %arg15[%swap3A_677, %swap3A_678, %swap3A_679] {strides = array<i32>} : memref<6x128x32xf32, #tpu.memory_space<vmem>>, vector<16xf32>,
        tpu.vector_store %arg15[%swap3A_677, %swap3A_678, %swap3A_679], %mul3A_676 {strides = array<i32>} : memref<6x128x32xf32, #tpu.memory_space<vmem>>, vector<16xf32>,
        %mul3A_681 = arith.constant 16 : i32
        %mul3A_682 = arith.muli %add3A_396, %mul3A_681 : i32
        %add3A_683 = arith.constant 7 : i32
        %add3A_684 = arith.addi %mul3A_682, %add3A_683 : i32
        %slice3A_685 = vector.extract_strided_slice %get3A_400 {offsets = [7], sizes = [1], strides = [1]} : vector<16xf32> to vector<1xf32>
        %squeeze3A_686 = vector.extract %slice3A_685[0] : f32 from vector<1xf32>
        %slice3A_687 = vector.extract_strided_slice %get3A_404 {offsets = [7], sizes = [1], strides = [1]} : vector<16xf32> to vector<1xf32>
        %squeeze3A_688 = vector.extract %slice3A_687[0] : f32 from vector<1xf32>
        %get3A_689 = arith.index_cast %select_n3A_352 : i32 to index
        %get3A_690 = arith.index_cast %add3A_684 : i32 to index
        %get3A_691 = arith.constant 0 : index
        %get3A_692 = tpu.vector_load %arg15[%get3A_689, %get3A_690, %get3A_691] {strides = array<i32>} : memref<6x128x32xf32, #tpu.memory_space<vmem>>, vector<16xf32>,
        %get3A_693 = arith.index_cast %select_n3A_352 : i32 to index
        %get3A_694 = arith.index_cast %add3A_684 : i32 to index
        %get3A_695 = arith.constant 16 : index
        %get3A_696 = tpu.vector_load %arg15[%get3A_693, %get3A_694, %get3A_695] {strides = array<i32>} : memref<6x128x32xf32, #tpu.memory_space<vmem>>, vector<16xf32>,
        %mul3A_697 = vector.broadcast %squeeze3A_686 : f32 to vector<16xf32>
        %mul3A_698 = arith.mulf %get3A_692, %mul3A_697 : vector<16xf32>
        %add3A_699 = arith.addf %mul3A_698, %get3A_118 : vector<16xf32>
        %max3A_700 = arith.constant 0.000000e+00 : f32
        %max3A_701 = vector.broadcast %max3A_700 : f32 to vector<16xf32>
        %max3A_702 = arith.maximumf %add3A_699, %max3A_701 : vector<16xf32>
        %mul3A_703 = vector.broadcast %squeeze3A_688 : f32 to vector<16xf32>
        %mul3A_704 = arith.mulf %max3A_702, %mul3A_703 : vector<16xf32>
        %swap3A_705 = arith.index_cast %select_n3A_352 : i32 to index
        %swap3A_706 = arith.index_cast %add3A_684 : i32 to index
        %swap3A_707 = arith.constant 0 : index
        %swap3A_708 = tpu.vector_load %arg15[%swap3A_705, %swap3A_706, %swap3A_707] {strides = array<i32>} : memref<6x128x32xf32, #tpu.memory_space<vmem>>, vector<16xf32>,
        tpu.vector_store %arg15[%swap3A_705, %swap3A_706, %swap3A_707], %mul3A_704 {strides = array<i32>} : memref<6x128x32xf32, #tpu.memory_space<vmem>>, vector<16xf32>,
        %mul3A_709 = vector.broadcast %squeeze3A_686 : f32 to vector<16xf32>
        %mul3A_710 = arith.mulf %get3A_696, %mul3A_709 : vector<16xf32>
        %add3A_711 = arith.addf %mul3A_710, %get3A_122 : vector<16xf32>
        %max3A_712 = arith.constant 0.000000e+00 : f32
        %max3A_713 = vector.broadcast %max3A_712 : f32 to vector<16xf32>
        %max3A_714 = arith.maximumf %add3A_711, %max3A_713 : vector<16xf32>
        %mul3A_715 = vector.broadcast %squeeze3A_688 : f32 to vector<16xf32>
        %mul3A_716 = arith.mulf %max3A_714, %mul3A_715 : vector<16xf32>
        %swap3A_717 = arith.index_cast %select_n3A_352 : i32 to index
        %swap3A_718 = arith.index_cast %add3A_684 : i32 to index
        %swap3A_719 = arith.constant 16 : index
        %swap3A_720 = tpu.vector_load %arg15[%swap3A_717, %swap3A_718, %swap3A_719] {strides = array<i32>} : memref<6x128x32xf32, #tpu.memory_space<vmem>>, vector<16xf32>,
        tpu.vector_store %arg15[%swap3A_717, %swap3A_718, %swap3A_719], %mul3A_716 {strides = array<i32>} : memref<6x128x32xf32, #tpu.memory_space<vmem>>, vector<16xf32>,
        %mul3A_721 = arith.constant 16 : i32
        %mul3A_722 = arith.muli %add3A_396, %mul3A_721 : i32
        %add3A_723 = arith.constant 8 : i32
        %add3A_724 = arith.addi %mul3A_722, %add3A_723 : i32
        %slice3A_725 = vector.extract_strided_slice %get3A_400 {offsets = [8], sizes = [1], strides = [1]} : vector<16xf32> to vector<1xf32>
        %squeeze3A_726 = vector.extract %slice3A_725[0] : f32 from vector<1xf32>
        %slice3A_727 = vector.extract_strided_slice %get3A_404 {offsets = [8], sizes = [1], strides = [1]} : vector<16xf32> to vector<1xf32>
        %squeeze3A_728 = vector.extract %slice3A_727[0] : f32 from vector<1xf32>
        %get3A_729 = arith.index_cast %select_n3A_352 : i32 to index
        %get3A_730 = arith.index_cast %add3A_724 : i32 to index
        %get3A_731 = arith.constant 0 : index
        %get3A_732 = tpu.vector_load %arg15[%get3A_729, %get3A_730, %get3A_731] {strides = array<i32>} : memref<6x128x32xf32, #tpu.memory_space<vmem>>, vector<16xf32>,
        %get3A_733 = arith.index_cast %select_n3A_352 : i32 to index
        %get3A_734 = arith.index_cast %add3A_724 : i32 to index
        %get3A_735 = arith.constant 16 : index
        %get3A_736 = tpu.vector_load %arg15[%get3A_733, %get3A_734, %get3A_735] {strides = array<i32>} : memref<6x128x32xf32, #tpu.memory_space<vmem>>, vector<16xf32>,
        %mul3A_737 = vector.broadcast %squeeze3A_726 : f32 to vector<16xf32>
        %mul3A_738 = arith.mulf %get3A_732, %mul3A_737 : vector<16xf32>
        %add3A_739 = arith.addf %mul3A_738, %get3A_118 : vector<16xf32>
        %max3A_740 = arith.constant 0.000000e+00 : f32
        %max3A_741 = vector.broadcast %max3A_740 : f32 to vector<16xf32>
        %max3A_742 = arith.maximumf %add3A_739, %max3A_741 : vector<16xf32>
        %mul3A_743 = vector.broadcast %squeeze3A_728 : f32 to vector<16xf32>
        %mul3A_744 = arith.mulf %max3A_742, %mul3A_743 : vector<16xf32>
        %swap3A_745 = arith.index_cast %select_n3A_352 : i32 to index
        %swap3A_746 = arith.index_cast %add3A_724 : i32 to index
        %swap3A_747 = arith.constant 0 : index
        %swap3A_748 = tpu.vector_load %arg15[%swap3A_745, %swap3A_746, %swap3A_747] {strides = array<i32>} : memref<6x128x32xf32, #tpu.memory_space<vmem>>, vector<16xf32>,
        tpu.vector_store %arg15[%swap3A_745, %swap3A_746, %swap3A_747], %mul3A_744 {strides = array<i32>} : memref<6x128x32xf32, #tpu.memory_space<vmem>>, vector<16xf32>,
        %mul3A_749 = vector.broadcast %squeeze3A_726 : f32 to vector<16xf32>
        %mul3A_750 = arith.mulf %get3A_736, %mul3A_749 : vector<16xf32>
        %add3A_751 = arith.addf %mul3A_750, %get3A_122 : vector<16xf32>
        %max3A_752 = arith.constant 0.000000e+00 : f32
        %max3A_753 = vector.broadcast %max3A_752 : f32 to vector<16xf32>
        %max3A_754 = arith.maximumf %add3A_751, %max3A_753 : vector<16xf32>
        %mul3A_755 = vector.broadcast %squeeze3A_728 : f32 to vector<16xf32>
        %mul3A_756 = arith.mulf %max3A_754, %mul3A_755 : vector<16xf32>
        %swap3A_757 = arith.index_cast %select_n3A_352 : i32 to index
        %swap3A_758 = arith.index_cast %add3A_724 : i32 to index
        %swap3A_759 = arith.constant 16 : index
        %swap3A_760 = tpu.vector_load %arg15[%swap3A_757, %swap3A_758, %swap3A_759] {strides = array<i32>} : memref<6x128x32xf32, #tpu.memory_space<vmem>>, vector<16xf32>,
        tpu.vector_store %arg15[%swap3A_757, %swap3A_758, %swap3A_759], %mul3A_756 {strides = array<i32>} : memref<6x128x32xf32, #tpu.memory_space<vmem>>, vector<16xf32>,
        %mul3A_761 = arith.constant 16 : i32
        %mul3A_762 = arith.muli %add3A_396, %mul3A_761 : i32
        %add3A_763 = arith.constant 9 : i32
        %add3A_764 = arith.addi %mul3A_762, %add3A_763 : i32
        %slice3A_765 = vector.extract_strided_slice %get3A_400 {offsets = [9], sizes = [1], strides = [1]} : vector<16xf32> to vector<1xf32>
        %squeeze3A_766 = vector.extract %slice3A_765[0] : f32 from vector<1xf32>
        %slice3A_767 = vector.extract_strided_slice %get3A_404 {offsets = [9], sizes = [1], strides = [1]} : vector<16xf32> to vector<1xf32>
        %squeeze3A_768 = vector.extract %slice3A_767[0] : f32 from vector<1xf32>
        %get3A_769 = arith.index_cast %select_n3A_352 : i32 to index
        %get3A_770 = arith.index_cast %add3A_764 : i32 to index
        %get3A_771 = arith.constant 0 : index
        %get3A_772 = tpu.vector_load %arg15[%get3A_769, %get3A_770, %get3A_771] {strides = array<i32>} : memref<6x128x32xf32, #tpu.memory_space<vmem>>, vector<16xf32>,
        %get3A_773 = arith.index_cast %select_n3A_352 : i32 to index
        %get3A_774 = arith.index_cast %add3A_764 : i32 to index
        %get3A_775 = arith.constant 16 : index
        %get3A_776 = tpu.vector_load %arg15[%get3A_773, %get3A_774, %get3A_775] {strides = array<i32>} : memref<6x128x32xf32, #tpu.memory_space<vmem>>, vector<16xf32>,
        %mul3A_777 = vector.broadcast %squeeze3A_766 : f32 to vector<16xf32>
        %mul3A_778 = arith.mulf %get3A_772, %mul3A_777 : vector<16xf32>
        %add3A_779 = arith.addf %mul3A_778, %get3A_118 : vector<16xf32>
        %max3A_780 = arith.constant 0.000000e+00 : f32
        %max3A_781 = vector.broadcast %max3A_780 : f32 to vector<16xf32>
        %max3A_782 = arith.maximumf %add3A_779, %max3A_781 : vector<16xf32>
        %mul3A_783 = vector.broadcast %squeeze3A_768 : f32 to vector<16xf32>
        %mul3A_784 = arith.mulf %max3A_782, %mul3A_783 : vector<16xf32>
        %swap3A_785 = arith.index_cast %select_n3A_352 : i32 to index
        %swap3A_786 = arith.index_cast %add3A_764 : i32 to index
        %swap3A_787 = arith.constant 0 : index
        %swap3A_788 = tpu.vector_load %arg15[%swap3A_785, %swap3A_786, %swap3A_787] {strides = array<i32>} : memref<6x128x32xf32, #tpu.memory_space<vmem>>, vector<16xf32>,
        tpu.vector_store %arg15[%swap3A_785, %swap3A_786, %swap3A_787], %mul3A_784 {strides = array<i32>} : memref<6x128x32xf32, #tpu.memory_space<vmem>>, vector<16xf32>,
        %mul3A_789 = vector.broadcast %squeeze3A_766 : f32 to vector<16xf32>
        %mul3A_790 = arith.mulf %get3A_776, %mul3A_789 : vector<16xf32>
        %add3A_791 = arith.addf %mul3A_790, %get3A_122 : vector<16xf32>
        %max3A_792 = arith.constant 0.000000e+00 : f32
        %max3A_793 = vector.broadcast %max3A_792 : f32 to vector<16xf32>
        %max3A_794 = arith.maximumf %add3A_791, %max3A_793 : vector<16xf32>
        %mul3A_795 = vector.broadcast %squeeze3A_768 : f32 to vector<16xf32>
        %mul3A_796 = arith.mulf %max3A_794, %mul3A_795 : vector<16xf32>
        %swap3A_797 = arith.index_cast %select_n3A_352 : i32 to index
        %swap3A_798 = arith.index_cast %add3A_764 : i32 to index
        %swap3A_799 = arith.constant 16 : index
        %swap3A_800 = tpu.vector_load %arg15[%swap3A_797, %swap3A_798, %swap3A_799] {strides = array<i32>} : memref<6x128x32xf32, #tpu.memory_space<vmem>>, vector<16xf32>,
        tpu.vector_store %arg15[%swap3A_797, %swap3A_798, %swap3A_799], %mul3A_796 {strides = array<i32>} : memref<6x128x32xf32, #tpu.memory_space<vmem>>, vector<16xf32>,
        %mul3A_801 = arith.constant 16 : i32
        %mul3A_802 = arith.muli %add3A_396, %mul3A_801 : i32
        %add3A_803 = arith.constant 10 : i32
        %add3A_804 = arith.addi %mul3A_802, %add3A_803 : i32
        %slice3A_805 = vector.extract_strided_slice %get3A_400 {offsets = [10], sizes = [1], strides = [1]} : vector<16xf32> to vector<1xf32>
        %squeeze3A_806 = vector.extract %slice3A_805[0] : f32 from vector<1xf32>
        %slice3A_807 = vector.extract_strided_slice %get3A_404 {offsets = [10], sizes = [1], strides = [1]} : vector<16xf32> to vector<1xf32>
        %squeeze3A_808 = vector.extract %slice3A_807[0] : f32 from vector<1xf32>
        %get3A_809 = arith.index_cast %select_n3A_352 : i32 to index
        %get3A_810 = arith.index_cast %add3A_804 : i32 to index
        %get3A_811 = arith.constant 0 : index
        %get3A_812 = tpu.vector_load %arg15[%get3A_809, %get3A_810, %get3A_811] {strides = array<i32>} : memref<6x128x32xf32, #tpu.memory_space<vmem>>, vector<16xf32>,
        %get3A_813 = arith.index_cast %select_n3A_352 : i32 to index
        %get3A_814 = arith.index_cast %add3A_804 : i32 to index
        %get3A_815 = arith.constant 16 : index
        %get3A_816 = tpu.vector_load %arg15[%get3A_813, %get3A_814, %get3A_815] {strides = array<i32>} : memref<6x128x32xf32, #tpu.memory_space<vmem>>, vector<16xf32>,
        %mul3A_817 = vector.broadcast %squeeze3A_806 : f32 to vector<16xf32>
        %mul3A_818 = arith.mulf %get3A_812, %mul3A_817 : vector<16xf32>
        %add3A_819 = arith.addf %mul3A_818, %get3A_118 : vector<16xf32>
        %max3A_820 = arith.constant 0.000000e+00 : f32
        %max3A_821 = vector.broadcast %max3A_820 : f32 to vector<16xf32>
        %max3A_822 = arith.maximumf %add3A_819, %max3A_821 : vector<16xf32>
        %mul3A_823 = vector.broadcast %squeeze3A_808 : f32 to vector<16xf32>
        %mul3A_824 = arith.mulf %max3A_822, %mul3A_823 : vector<16xf32>
        %swap3A_825 = arith.index_cast %select_n3A_352 : i32 to index
        %swap3A_826 = arith.index_cast %add3A_804 : i32 to index
        %swap3A_827 = arith.constant 0 : index
        %swap3A_828 = tpu.vector_load %arg15[%swap3A_825, %swap3A_826, %swap3A_827] {strides = array<i32>} : memref<6x128x32xf32, #tpu.memory_space<vmem>>, vector<16xf32>,
        tpu.vector_store %arg15[%swap3A_825, %swap3A_826, %swap3A_827], %mul3A_824 {strides = array<i32>} : memref<6x128x32xf32, #tpu.memory_space<vmem>>, vector<16xf32>,
        %mul3A_829 = vector.broadcast %squeeze3A_806 : f32 to vector<16xf32>
        %mul3A_830 = arith.mulf %get3A_816, %mul3A_829 : vector<16xf32>
        %add3A_831 = arith.addf %mul3A_830, %get3A_122 : vector<16xf32>
        %max3A_832 = arith.constant 0.000000e+00 : f32
        %max3A_833 = vector.broadcast %max3A_832 : f32 to vector<16xf32>
        %max3A_834 = arith.maximumf %add3A_831, %max3A_833 : vector<16xf32>
        %mul3A_835 = vector.broadcast %squeeze3A_808 : f32 to vector<16xf32>
        %mul3A_836 = arith.mulf %max3A_834, %mul3A_835 : vector<16xf32>
        %swap3A_837 = arith.index_cast %select_n3A_352 : i32 to index
        %swap3A_838 = arith.index_cast %add3A_804 : i32 to index
        %swap3A_839 = arith.constant 16 : index
        %swap3A_840 = tpu.vector_load %arg15[%swap3A_837, %swap3A_838, %swap3A_839] {strides = array<i32>} : memref<6x128x32xf32, #tpu.memory_space<vmem>>, vector<16xf32>,
        tpu.vector_store %arg15[%swap3A_837, %swap3A_838, %swap3A_839], %mul3A_836 {strides = array<i32>} : memref<6x128x32xf32, #tpu.memory_space<vmem>>, vector<16xf32>,
        %mul3A_841 = arith.constant 16 : i32
        %mul3A_842 = arith.muli %add3A_396, %mul3A_841 : i32
        %add3A_843 = arith.constant 11 : i32
        %add3A_844 = arith.addi %mul3A_842, %add3A_843 : i32
        %slice3A_845 = vector.extract_strided_slice %get3A_400 {offsets = [11], sizes = [1], strides = [1]} : vector<16xf32> to vector<1xf32>
        %squeeze3A_846 = vector.extract %slice3A_845[0] : f32 from vector<1xf32>
        %slice3A_847 = vector.extract_strided_slice %get3A_404 {offsets = [11], sizes = [1], strides = [1]} : vector<16xf32> to vector<1xf32>
        %squeeze3A_848 = vector.extract %slice3A_847[0] : f32 from vector<1xf32>
        %get3A_849 = arith.index_cast %select_n3A_352 : i32 to index
        %get3A_850 = arith.index_cast %add3A_844 : i32 to index
        %get3A_851 = arith.constant 0 : index
        %get3A_852 = tpu.vector_load %arg15[%get3A_849, %get3A_850, %get3A_851] {strides = array<i32>} : memref<6x128x32xf32, #tpu.memory_space<vmem>>, vector<16xf32>,
        %get3A_853 = arith.index_cast %select_n3A_352 : i32 to index
        %get3A_854 = arith.index_cast %add3A_844 : i32 to index
        %get3A_855 = arith.constant 16 : index
        %get3A_856 = tpu.vector_load %arg15[%get3A_853, %get3A_854, %get3A_855] {strides = array<i32>} : memref<6x128x32xf32, #tpu.memory_space<vmem>>, vector<16xf32>,
        %mul3A_857 = vector.broadcast %squeeze3A_846 : f32 to vector<16xf32>
        %mul3A_858 = arith.mulf %get3A_852, %mul3A_857 : vector<16xf32>
        %add3A_859 = arith.addf %mul3A_858, %get3A_118 : vector<16xf32>
        %max3A_860 = arith.constant 0.000000e+00 : f32
        %max3A_861 = vector.broadcast %max3A_860 : f32 to vector<16xf32>
        %max3A_862 = arith.maximumf %add3A_859, %max3A_861 : vector<16xf32>
        %mul3A_863 = vector.broadcast %squeeze3A_848 : f32 to vector<16xf32>
        %mul3A_864 = arith.mulf %max3A_862, %mul3A_863 : vector<16xf32>
        %swap3A_865 = arith.index_cast %select_n3A_352 : i32 to index
        %swap3A_866 = arith.index_cast %add3A_844 : i32 to index
        %swap3A_867 = arith.constant 0 : index
        %swap3A_868 = tpu.vector_load %arg15[%swap3A_865, %swap3A_866, %swap3A_867] {strides = array<i32>} : memref<6x128x32xf32, #tpu.memory_space<vmem>>, vector<16xf32>,
        tpu.vector_store %arg15[%swap3A_865, %swap3A_866, %swap3A_867], %mul3A_864 {strides = array<i32>} : memref<6x128x32xf32, #tpu.memory_space<vmem>>, vector<16xf32>,
        %mul3A_869 = vector.broadcast %squeeze3A_846 : f32 to vector<16xf32>
        %mul3A_870 = arith.mulf %get3A_856, %mul3A_869 : vector<16xf32>
        %add3A_871 = arith.addf %mul3A_870, %get3A_122 : vector<16xf32>
        %max3A_872 = arith.constant 0.000000e+00 : f32
        %max3A_873 = vector.broadcast %max3A_872 : f32 to vector<16xf32>
        %max3A_874 = arith.maximumf %add3A_871, %max3A_873 : vector<16xf32>
        %mul3A_875 = vector.broadcast %squeeze3A_848 : f32 to vector<16xf32>
        %mul3A_876 = arith.mulf %max3A_874, %mul3A_875 : vector<16xf32>
        %swap3A_877 = arith.index_cast %select_n3A_352 : i32 to index
        %swap3A_878 = arith.index_cast %add3A_844 : i32 to index
        %swap3A_879 = arith.constant 16 : index
        %swap3A_880 = tpu.vector_load %arg15[%swap3A_877, %swap3A_878, %swap3A_879] {strides = array<i32>} : memref<6x128x32xf32, #tpu.memory_space<vmem>>, vector<16xf32>,
        tpu.vector_store %arg15[%swap3A_877, %swap3A_878, %swap3A_879], %mul3A_876 {strides = array<i32>} : memref<6x128x32xf32, #tpu.memory_space<vmem>>, vector<16xf32>,
        %mul3A_881 = arith.constant 16 : i32
        %mul3A_882 = arith.muli %add3A_396, %mul3A_881 : i32
        %add3A_883 = arith.constant 12 : i32
        %add3A_884 = arith.addi %mul3A_882, %add3A_883 : i32
        %slice3A_885 = vector.extract_strided_slice %get3A_400 {offsets = [12], sizes = [1], strides = [1]} : vector<16xf32> to vector<1xf32>
        %squeeze3A_886 = vector.extract %slice3A_885[0] : f32 from vector<1xf32>
        %slice3A_887 = vector.extract_strided_slice %get3A_404 {offsets = [12], sizes = [1], strides = [1]} : vector<16xf32> to vector<1xf32>
        %squeeze3A_888 = vector.extract %slice3A_887[0] : f32 from vector<1xf32>
        %get3A_889 = arith.index_cast %select_n3A_352 : i32 to index
        %get3A_890 = arith.index_cast %add3A_884 : i32 to index
        %get3A_891 = arith.constant 0 : index
        %get3A_892 = tpu.vector_load %arg15[%get3A_889, %get3A_890, %get3A_891] {strides = array<i32>} : memref<6x128x32xf32, #tpu.memory_space<vmem>>, vector<16xf32>,
        %get3A_893 = arith.index_cast %select_n3A_352 : i32 to index
        %get3A_894 = arith.index_cast %add3A_884 : i32 to index
        %get3A_895 = arith.constant 16 : index
        %get3A_896 = tpu.vector_load %arg15[%get3A_893, %get3A_894, %get3A_895] {strides = array<i32>} : memref<6x128x32xf32, #tpu.memory_space<vmem>>, vector<16xf32>,
        %mul3A_897 = vector.broadcast %squeeze3A_886 : f32 to vector<16xf32>
        %mul3A_898 = arith.mulf %get3A_892, %mul3A_897 : vector<16xf32>
        %add3A_899 = arith.addf %mul3A_898, %get3A_118 : vector<16xf32>
        %max3A_900 = arith.constant 0.000000e+00 : f32
        %max3A_901 = vector.broadcast %max3A_900 : f32 to vector<16xf32>
        %max3A_902 = arith.maximumf %add3A_899, %max3A_901 : vector<16xf32>
        %mul3A_903 = vector.broadcast %squeeze3A_888 : f32 to vector<16xf32>
        %mul3A_904 = arith.mulf %max3A_902, %mul3A_903 : vector<16xf32>
        %swap3A_905 = arith.index_cast %select_n3A_352 : i32 to index
        %swap3A_906 = arith.index_cast %add3A_884 : i32 to index
        %swap3A_907 = arith.constant 0 : index
        %swap3A_908 = tpu.vector_load %arg15[%swap3A_905, %swap3A_906, %swap3A_907] {strides = array<i32>} : memref<6x128x32xf32, #tpu.memory_space<vmem>>, vector<16xf32>,
        tpu.vector_store %arg15[%swap3A_905, %swap3A_906, %swap3A_907], %mul3A_904 {strides = array<i32>} : memref<6x128x32xf32, #tpu.memory_space<vmem>>, vector<16xf32>,
        %mul3A_909 = vector.broadcast %squeeze3A_886 : f32 to vector<16xf32>
        %mul3A_910 = arith.mulf %get3A_896, %mul3A_909 : vector<16xf32>
        %add3A_911 = arith.addf %mul3A_910, %get3A_122 : vector<16xf32>
        %max3A_912 = arith.constant 0.000000e+00 : f32
        %max3A_913 = vector.broadcast %max3A_912 : f32 to vector<16xf32>
        %max3A_914 = arith.maximumf %add3A_911, %max3A_913 : vector<16xf32>
        %mul3A_915 = vector.broadcast %squeeze3A_888 : f32 to vector<16xf32>
        %mul3A_916 = arith.mulf %max3A_914, %mul3A_915 : vector<16xf32>
        %swap3A_917 = arith.index_cast %select_n3A_352 : i32 to index
        %swap3A_918 = arith.index_cast %add3A_884 : i32 to index
        %swap3A_919 = arith.constant 16 : index
        %swap3A_920 = tpu.vector_load %arg15[%swap3A_917, %swap3A_918, %swap3A_919] {strides = array<i32>} : memref<6x128x32xf32, #tpu.memory_space<vmem>>, vector<16xf32>,
        tpu.vector_store %arg15[%swap3A_917, %swap3A_918, %swap3A_919], %mul3A_916 {strides = array<i32>} : memref<6x128x32xf32, #tpu.memory_space<vmem>>, vector<16xf32>,
        %mul3A_921 = arith.constant 16 : i32
        %mul3A_922 = arith.muli %add3A_396, %mul3A_921 : i32
        %add3A_923 = arith.constant 13 : i32
        %add3A_924 = arith.addi %mul3A_922, %add3A_923 : i32
        %slice3A_925 = vector.extract_strided_slice %get3A_400 {offsets = [13], sizes = [1], strides = [1]} : vector<16xf32> to vector<1xf32>
        %squeeze3A_926 = vector.extract %slice3A_925[0] : f32 from vector<1xf32>
        %slice3A_927 = vector.extract_strided_slice %get3A_404 {offsets = [13], sizes = [1], strides = [1]} : vector<16xf32> to vector<1xf32>
        %squeeze3A_928 = vector.extract %slice3A_927[0] : f32 from vector<1xf32>
        %get3A_929 = arith.index_cast %select_n3A_352 : i32 to index
        %get3A_930 = arith.index_cast %add3A_924 : i32 to index
        %get3A_931 = arith.constant 0 : index
        %get3A_932 = tpu.vector_load %arg15[%get3A_929, %get3A_930, %get3A_931] {strides = array<i32>} : memref<6x128x32xf32, #tpu.memory_space<vmem>>, vector<16xf32>,
        %get3A_933 = arith.index_cast %select_n3A_352 : i32 to index
        %get3A_934 = arith.index_cast %add3A_924 : i32 to index
        %get3A_935 = arith.constant 16 : index
        %get3A_936 = tpu.vector_load %arg15[%get3A_933, %get3A_934, %get3A_935] {strides = array<i32>} : memref<6x128x32xf32, #tpu.memory_space<vmem>>, vector<16xf32>,
        %mul3A_937 = vector.broadcast %squeeze3A_926 : f32 to vector<16xf32>
        %mul3A_938 = arith.mulf %get3A_932, %mul3A_937 : vector<16xf32>
        %add3A_939 = arith.addf %mul3A_938, %get3A_118 : vector<16xf32>
        %max3A_940 = arith.constant 0.000000e+00 : f32
        %max3A_941 = vector.broadcast %max3A_940 : f32 to vector<16xf32>
        %max3A_942 = arith.maximumf %add3A_939, %max3A_941 : vector<16xf32>
        %mul3A_943 = vector.broadcast %squeeze3A_928 : f32 to vector<16xf32>
        %mul3A_944 = arith.mulf %max3A_942, %mul3A_943 : vector<16xf32>
        %swap3A_945 = arith.index_cast %select_n3A_352 : i32 to index
        %swap3A_946 = arith.index_cast %add3A_924 : i32 to index
        %swap3A_947 = arith.constant 0 : index
        %swap3A_948 = tpu.vector_load %arg15[%swap3A_945, %swap3A_946, %swap3A_947] {strides = array<i32>} : memref<6x128x32xf32, #tpu.memory_space<vmem>>, vector<16xf32>,
        tpu.vector_store %arg15[%swap3A_945, %swap3A_946, %swap3A_947], %mul3A_944 {strides = array<i32>} : memref<6x128x32xf32, #tpu.memory_space<vmem>>, vector<16xf32>,
        %mul3A_949 = vector.broadcast %squeeze3A_926 : f32 to vector<16xf32>
        %mul3A_950 = arith.mulf %get3A_936, %mul3A_949 : vector<16xf32>
        %add3A_951 = arith.addf %mul3A_950, %get3A_122 : vector<16xf32>
        %max3A_952 = arith.constant 0.000000e+00 : f32
        %max3A_953 = vector.broadcast %max3A_952 : f32 to vector<16xf32>
        %max3A_954 = arith.maximumf %add3A_951, %max3A_953 : vector<16xf32>
        %mul3A_955 = vector.broadcast %squeeze3A_928 : f32 to vector<16xf32>
        %mul3A_956 = arith.mulf %max3A_954, %mul3A_955 : vector<16xf32>
        %swap3A_957 = arith.index_cast %select_n3A_352 : i32 to index
        %swap3A_958 = arith.index_cast %add3A_924 : i32 to index
        %swap3A_959 = arith.constant 16 : index
        %swap3A_960 = tpu.vector_load %arg15[%swap3A_957, %swap3A_958, %swap3A_959] {strides = array<i32>} : memref<6x128x32xf32, #tpu.memory_space<vmem>>, vector<16xf32>,
        tpu.vector_store %arg15[%swap3A_957, %swap3A_958, %swap3A_959], %mul3A_956 {strides = array<i32>} : memref<6x128x32xf32, #tpu.memory_space<vmem>>, vector<16xf32>,
        %mul3A_961 = arith.constant 16 : i32
        %mul3A_962 = arith.muli %add3A_396, %mul3A_961 : i32
        %add3A_963 = arith.constant 14 : i32
        %add3A_964 = arith.addi %mul3A_962, %add3A_963 : i32
        %slice3A_965 = vector.extract_strided_slice %get3A_400 {offsets = [14], sizes = [1], strides = [1]} : vector<16xf32> to vector<1xf32>
        %squeeze3A_966 = vector.extract %slice3A_965[0] : f32 from vector<1xf32>
        %slice3A_967 = vector.extract_strided_slice %get3A_404 {offsets = [14], sizes = [1], strides = [1]} : vector<16xf32> to vector<1xf32>
        %squeeze3A_968 = vector.extract %slice3A_967[0] : f32 from vector<1xf32>
        %get3A_969 = arith.index_cast %select_n3A_352 : i32 to index
        %get3A_970 = arith.index_cast %add3A_964 : i32 to index
        %get3A_971 = arith.constant 0 : index
        %get3A_972 = tpu.vector_load %arg15[%get3A_969, %get3A_970, %get3A_971] {strides = array<i32>} : memref<6x128x32xf32, #tpu.memory_space<vmem>>, vector<16xf32>,
        %get3A_973 = arith.index_cast %select_n3A_352 : i32 to index
        %get3A_974 = arith.index_cast %add3A_964 : i32 to index
        %get3A_975 = arith.constant 16 : index
        %get3A_976 = tpu.vector_load %arg15[%get3A_973, %get3A_974, %get3A_975] {strides = array<i32>} : memref<6x128x32xf32, #tpu.memory_space<vmem>>, vector<16xf32>,
        %mul3A_977 = vector.broadcast %squeeze3A_966 : f32 to vector<16xf32>
        %mul3A_978 = arith.mulf %get3A_972, %mul3A_977 : vector<16xf32>
        %add3A_979 = arith.addf %mul3A_978, %get3A_118 : vector<16xf32>
        %max3A_980 = arith.constant 0.000000e+00 : f32
        %max3A_981 = vector.broadcast %max3A_980 : f32 to vector<16xf32>
        %max3A_982 = arith.maximumf %add3A_979, %max3A_981 : vector<16xf32>
        %mul3A_983 = vector.broadcast %squeeze3A_968 : f32 to vector<16xf32>
        %mul3A_984 = arith.mulf %max3A_982, %mul3A_983 : vector<16xf32>
        %swap3A_985 = arith.index_cast %select_n3A_352 : i32 to index
        %swap3A_986 = arith.index_cast %add3A_964 : i32 to index
        %swap3A_987 = arith.constant 0 : index
        %swap3A_988 = tpu.vector_load %arg15[%swap3A_985, %swap3A_986, %swap3A_987] {strides = array<i32>} : memref<6x128x32xf32, #tpu.memory_space<vmem>>, vector<16xf32>,
        tpu.vector_store %arg15[%swap3A_985, %swap3A_986, %swap3A_987], %mul3A_984 {strides = array<i32>} : memref<6x128x32xf32, #tpu.memory_space<vmem>>, vector<16xf32>,
        %mul3A_989 = vector.broadcast %squeeze3A_966 : f32 to vector<16xf32>
        %mul3A_990 = arith.mulf %get3A_976, %mul3A_989 : vector<16xf32>
        %add3A_991 = arith.addf %mul3A_990, %get3A_122 : vector<16xf32>
        %max3A_992 = arith.constant 0.000000e+00 : f32
        %max3A_993 = vector.broadcast %max3A_992 : f32 to vector<16xf32>
        %max3A_994 = arith.maximumf %add3A_991, %max3A_993 : vector<16xf32>
        %mul3A_995 = vector.broadcast %squeeze3A_968 : f32 to vector<16xf32>
        %mul3A_996 = arith.mulf %max3A_994, %mul3A_995 : vector<16xf32>
        %swap3A_997 = arith.index_cast %select_n3A_352 : i32 to index
        %swap3A_998 = arith.index_cast %add3A_964 : i32 to index
        %swap3A_999 = arith.constant 16 : index
        %swap3A_1000 = tpu.vector_load %arg15[%swap3A_997, %swap3A_998, %swap3A_999] {strides = array<i32>} : memref<6x128x32xf32, #tpu.memory_space<vmem>>, vector<16xf32>,
        tpu.vector_store %arg15[%swap3A_997, %swap3A_998, %swap3A_999], %mul3A_996 {strides = array<i32>} : memref<6x128x32xf32, #tpu.memory_space<vmem>>, vector<16xf32>,
        %mul3A_1001 = arith.constant 16 : i32
        %mul3A_1002 = arith.muli %add3A_396, %mul3A_1001 : i32
        %add3A_1003 = arith.constant 15 : i32
        %add3A_1004 = arith.addi %mul3A_1002, %add3A_1003 : i32
        %slice3A_1005 = vector.extract_strided_slice %get3A_400 {offsets = [15], sizes = [1], strides = [1]} : vector<16xf32> to vector<1xf32>
        %squeeze3A_1006 = vector.extract %slice3A_1005[0] : f32 from vector<1xf32>
        %slice3A_1007 = vector.extract_strided_slice %get3A_404 {offsets = [15], sizes = [1], strides = [1]} : vector<16xf32> to vector<1xf32>
        %squeeze3A_1008 = vector.extract %slice3A_1007[0] : f32 from vector<1xf32>
        %get3A_1009 = arith.index_cast %select_n3A_352 : i32 to index
        %get3A_1010 = arith.index_cast %add3A_1004 : i32 to index
        %get3A_1011 = arith.constant 0 : index
        %get3A_1012 = tpu.vector_load %arg15[%get3A_1009, %get3A_1010, %get3A_1011] {strides = array<i32>} : memref<6x128x32xf32, #tpu.memory_space<vmem>>, vector<16xf32>,
        %get3A_1013 = arith.index_cast %select_n3A_352 : i32 to index
        %get3A_1014 = arith.index_cast %add3A_1004 : i32 to index
        %get3A_1015 = arith.constant 16 : index
        %get3A_1016 = tpu.vector_load %arg15[%get3A_1013, %get3A_1014, %get3A_1015] {strides = array<i32>} : memref<6x128x32xf32, #tpu.memory_space<vmem>>, vector<16xf32>,
        %mul3A_1017 = vector.broadcast %squeeze3A_1006 : f32 to vector<16xf32>
        %mul3A_1018 = arith.mulf %get3A_1012, %mul3A_1017 : vector<16xf32>
        %add3A_1019 = arith.addf %mul3A_1018, %get3A_118 : vector<16xf32>
        %max3A_1020 = arith.constant 0.000000e+00 : f32
        %max3A_1021 = vector.broadcast %max3A_1020 : f32 to vector<16xf32>
        %max3A_1022 = arith.maximumf %add3A_1019, %max3A_1021 : vector<16xf32>
        %mul3A_1023 = vector.broadcast %squeeze3A_1008 : f32 to vector<16xf32>
        %mul3A_1024 = arith.mulf %max3A_1022, %mul3A_1023 : vector<16xf32>
        %swap3A_1025 = arith.index_cast %select_n3A_352 : i32 to index
        %swap3A_1026 = arith.index_cast %add3A_1004 : i32 to index
        %swap3A_1027 = arith.constant 0 : index
        %swap3A_1028 = tpu.vector_load %arg15[%swap3A_1025, %swap3A_1026, %swap3A_1027] {strides = array<i32>} : memref<6x128x32xf32, #tpu.memory_space<vmem>>, vector<16xf32>,
        tpu.vector_store %arg15[%swap3A_1025, %swap3A_1026, %swap3A_1027], %mul3A_1024 {strides = array<i32>} : memref<6x128x32xf32, #tpu.memory_space<vmem>>, vector<16xf32>,
        %mul3A_1029 = vector.broadcast %squeeze3A_1006 : f32 to vector<16xf32>
        %mul3A_1030 = arith.mulf %get3A_1016, %mul3A_1029 : vector<16xf32>
        %add3A_1031 = arith.addf %mul3A_1030, %get3A_122 : vector<16xf32>
        %max3A_1032 = arith.constant 0.000000e+00 : f32
        %max3A_1033 = vector.broadcast %max3A_1032 : f32 to vector<16xf32>
        %max3A_1034 = arith.maximumf %add3A_1031, %max3A_1033 : vector<16xf32>
        %mul3A_1035 = vector.broadcast %squeeze3A_1008 : f32 to vector<16xf32>
        %mul3A_1036 = arith.mulf %max3A_1034, %mul3A_1035 : vector<16xf32>
        %swap3A_1037 = arith.index_cast %select_n3A_352 : i32 to index
        %swap3A_1038 = arith.index_cast %add3A_1004 : i32 to index
        %swap3A_1039 = arith.constant 16 : index
        %swap3A_1040 = tpu.vector_load %arg15[%swap3A_1037, %swap3A_1038, %swap3A_1039] {strides = array<i32>} : memref<6x128x32xf32, #tpu.memory_space<vmem>>, vector<16xf32>,
        tpu.vector_store %arg15[%swap3A_1037, %swap3A_1038, %swap3A_1039], %mul3A_1036 {strides = array<i32>} : memref<6x128x32xf32, #tpu.memory_space<vmem>>, vector<16xf32>,
      }
      %scan3A_371 = arith.constant 7 : i32
      %eq3A_372 = arith.constant 0 : i32
      %eq3A_373 = arith.cmpi eq, %select_n3A_352, %eq3A_372 : i32
      %convert_element_type3A_374 = arith.extui %eq3A_373 : i1 to i32
      %cond3A_375 = arith.constant 0 : i32
      %cond3A_376 = arith.cmpi ne, %convert_element_type3A_374, %cond3A_375 : i32
      scf.if %cond3A_376 {
        %eq3A_392 = arith.constant 0 : i32
        %eq3A_393 = arith.cmpi eq, %arg0, %eq3A_392 : i32
        %convert_element_type3A_394 = arith.extui %eq3A_393 : i1 to i32
        %cond3A_395 = arith.constant 0 : i32
        %cond3A_396 = arith.cmpi ne, %convert_element_type3A_394, %cond3A_395 : i32
        scf.if %cond3A_396 {
          %dma_start3A_402 = arith.constant 0 : i32
          %dma_start3A_403 = arith.constant 0 : i32
          %dma_start3A_404 = tpu.memref_slice %arg15[%select_n3A_352, %dma_start3A_402, %dma_start3A_403] : memref<6x128x32xf32, #tpu.memory_space<vmem>> -> memref<1x128x32xf32, #tpu.memory_space<vmem>>
          %dma_start3A_405 = tpu.memref_squeeze %dma_start3A_404 : memref<1x128x32xf32, #tpu.memory_space<vmem>> -> memref<128x32xf32, #tpu.memory_space<vmem>>
          %dma_start3A_406 = arith.constant 0 : i32
          %dma_start3A_407 = arith.constant 0 : i32
          %dma_start3A_408 = tpu.memref_slice %dma_start3A_405[%dma_start3A_406, %dma_start3A_407] : memref<128x32xf32, #tpu.memory_space<vmem>> -> memref<112x32xf32, #tpu.memory_space<vmem>>
          %dma_start3A_409 = arith.constant 0 : i32
          %dma_start3A_410 = tpu.memref_slice %arg9[%add3A_357, %dma_start3A_409] : memref<50176x32xf32, #tpu.memory_space<hbm>> -> memref<112x32xf32, #tpu.memory_space<hbm>>
          %dma_start3A_411 = arith.constant 0 : i32
          %dma_start3A_412 = tpu.memref_slice %arg9[%add3A_357, %dma_start3A_411] : memref<50176x32xf32, #tpu.memory_space<hbm>> -> memref<112x32xf32, #tpu.memory_space<hbm>>
          %dma_start3A_413 = arith.constant 0 : i32
          %dma_start3A_414 = arith.constant 0 : i32
          %dma_start3A_415 = tpu.memref_slice %arg15[%select_n3A_352, %dma_start3A_413, %dma_start3A_414] : memref<6x128x32xf32, #tpu.memory_space<vmem>> -> memref<1x128x32xf32, #tpu.memory_space<vmem>>
          %dma_start3A_416 = tpu.memref_squeeze %dma_start3A_415 : memref<1x128x32xf32, #tpu.memory_space<vmem>> -> memref<128x32xf32, #tpu.memory_space<vmem>>
          %dma_start3A_417 = arith.constant 0 : i32
          %dma_start3A_418 = arith.constant 0 : i32
          %dma_start3A_419 = tpu.memref_slice %dma_start3A_416[%dma_start3A_417, %dma_start3A_418] : memref<128x32xf32, #tpu.memory_space<vmem>> -> memref<112x32xf32, #tpu.memory_space<vmem>>
          tpu.enqueue_dma source(%dma_start3A_419 : memref<112x32xf32, #tpu.memory_space<vmem>>) target(%dma_start3A_412 : memref<112x32xf32, #tpu.memory_space<hbm>>) target_semaphore(%arg25 : memref<!tpu.dma_semaphore, #tpu.memory_space<semaphore_mem>>)
        } else {
        }
        %eq3A_397 = arith.constant 1 : i32
        %eq3A_398 = arith.cmpi eq, %arg0, %eq3A_397 : i32
        %convert_element_type3A_399 = arith.extui %eq3A_398 : i1 to i32
        %cond3A_400 = arith.constant 0 : i32
        %cond3A_401 = arith.cmpi ne, %convert_element_type3A_399, %cond3A_400 : i32
        scf.if %cond3A_401 {
          %dma_start3A_402 = arith.constant 0 : i32
          %dma_start3A_403 = arith.constant 0 : i32
          %dma_start3A_404 = tpu.memref_slice %arg15[%select_n3A_352, %dma_start3A_402, %dma_start3A_403] : memref<6x128x32xf32, #tpu.memory_space<vmem>> -> memref<1x128x32xf32, #tpu.memory_space<vmem>>
          %dma_start3A_405 = tpu.memref_squeeze %dma_start3A_404 : memref<1x128x32xf32, #tpu.memory_space<vmem>> -> memref<128x32xf32, #tpu.memory_space<vmem>>
          %dma_start3A_406 = arith.constant 0 : i32
          %dma_start3A_407 = arith.constant 0 : i32
          %dma_start3A_408 = tpu.memref_slice %dma_start3A_405[%dma_start3A_406, %dma_start3A_407] : memref<128x32xf32, #tpu.memory_space<vmem>> -> memref<112x32xf32, #tpu.memory_space<vmem>>
          %dma_start3A_409 = arith.constant 0 : i32
          %dma_start3A_410 = tpu.memref_slice %arg10[%add3A_357, %dma_start3A_409] : memref<50176x32xf32, #tpu.memory_space<hbm>> -> memref<112x32xf32, #tpu.memory_space<hbm>>
          %dma_start3A_411 = arith.constant 0 : i32
          %dma_start3A_412 = tpu.memref_slice %arg10[%add3A_357, %dma_start3A_411] : memref<50176x32xf32, #tpu.memory_space<hbm>> -> memref<112x32xf32, #tpu.memory_space<hbm>>
          %dma_start3A_413 = arith.constant 0 : i32
          %dma_start3A_414 = arith.constant 0 : i32
          %dma_start3A_415 = tpu.memref_slice %arg15[%select_n3A_352, %dma_start3A_413, %dma_start3A_414] : memref<6x128x32xf32, #tpu.memory_space<vmem>> -> memref<1x128x32xf32, #tpu.memory_space<vmem>>
          %dma_start3A_416 = tpu.memref_squeeze %dma_start3A_415 : memref<1x128x32xf32, #tpu.memory_space<vmem>> -> memref<128x32xf32, #tpu.memory_space<vmem>>
          %dma_start3A_417 = arith.constant 0 : i32
          %dma_start3A_418 = arith.constant 0 : i32
          %dma_start3A_419 = tpu.memref_slice %dma_start3A_416[%dma_start3A_417, %dma_start3A_418] : memref<128x32xf32, #tpu.memory_space<vmem>> -> memref<112x32xf32, #tpu.memory_space<vmem>>
          tpu.enqueue_dma source(%dma_start3A_419 : memref<112x32xf32, #tpu.memory_space<vmem>>) target(%dma_start3A_412 : memref<112x32xf32, #tpu.memory_space<hbm>>) target_semaphore(%arg25 : memref<!tpu.dma_semaphore, #tpu.memory_space<semaphore_mem>>)
        } else {
        }
      } else {
      }
      %eq3A_377 = arith.constant 1 : i32
      %eq3A_378 = arith.cmpi eq, %select_n3A_352, %eq3A_377 : i32
      %convert_element_type3A_379 = arith.extui %eq3A_378 : i1 to i32
      %cond3A_380 = arith.constant 0 : i32
      %cond3A_381 = arith.cmpi ne, %convert_element_type3A_379, %cond3A_380 : i32
      scf.if %cond3A_381 {
        %eq3A_392 = arith.constant 0 : i32
        %eq3A_393 = arith.cmpi eq, %arg0, %eq3A_392 : i32
        %convert_element_type3A_394 = arith.extui %eq3A_393 : i1 to i32
        %cond3A_395 = arith.constant 0 : i32
        %cond3A_396 = arith.cmpi ne, %convert_element_type3A_394, %cond3A_395 : i32
        scf.if %cond3A_396 {
          %dma_start3A_402 = arith.constant 0 : i32
          %dma_start3A_403 = arith.constant 0 : i32
          %dma_start3A_404 = tpu.memref_slice %arg15[%select_n3A_352, %dma_start3A_402, %dma_start3A_403] : memref<6x128x32xf32, #tpu.memory_space<vmem>> -> memref<1x128x32xf32, #tpu.memory_space<vmem>>
          %dma_start3A_405 = tpu.memref_squeeze %dma_start3A_404 : memref<1x128x32xf32, #tpu.memory_space<vmem>> -> memref<128x32xf32, #tpu.memory_space<vmem>>
          %dma_start3A_406 = arith.constant 0 : i32
          %dma_start3A_407 = arith.constant 0 : i32
          %dma_start3A_408 = tpu.memref_slice %dma_start3A_405[%dma_start3A_406, %dma_start3A_407] : memref<128x32xf32, #tpu.memory_space<vmem>> -> memref<112x32xf32, #tpu.memory_space<vmem>>
          %dma_start3A_409 = arith.constant 0 : i32
          %dma_start3A_410 = tpu.memref_slice %arg9[%add3A_357, %dma_start3A_409] : memref<50176x32xf32, #tpu.memory_space<hbm>> -> memref<112x32xf32, #tpu.memory_space<hbm>>
          %dma_start3A_411 = arith.constant 0 : i32
          %dma_start3A_412 = tpu.memref_slice %arg9[%add3A_357, %dma_start3A_411] : memref<50176x32xf32, #tpu.memory_space<hbm>> -> memref<112x32xf32, #tpu.memory_space<hbm>>
          %dma_start3A_413 = arith.constant 0 : i32
          %dma_start3A_414 = arith.constant 0 : i32
          %dma_start3A_415 = tpu.memref_slice %arg15[%select_n3A_352, %dma_start3A_413, %dma_start3A_414] : memref<6x128x32xf32, #tpu.memory_space<vmem>> -> memref<1x128x32xf32, #tpu.memory_space<vmem>>
          %dma_start3A_416 = tpu.memref_squeeze %dma_start3A_415 : memref<1x128x32xf32, #tpu.memory_space<vmem>> -> memref<128x32xf32, #tpu.memory_space<vmem>>
          %dma_start3A_417 = arith.constant 0 : i32
          %dma_start3A_418 = arith.constant 0 : i32
          %dma_start3A_419 = tpu.memref_slice %dma_start3A_416[%dma_start3A_417, %dma_start3A_418] : memref<128x32xf32, #tpu.memory_space<vmem>> -> memref<112x32xf32, #tpu.memory_space<vmem>>
          tpu.enqueue_dma source(%dma_start3A_419 : memref<112x32xf32, #tpu.memory_space<vmem>>) target(%dma_start3A_412 : memref<112x32xf32, #tpu.memory_space<hbm>>) target_semaphore(%arg26 : memref<!tpu.dma_semaphore, #tpu.memory_space<semaphore_mem>>)
        } else {
        }
        %eq3A_397 = arith.constant 1 : i32
        %eq3A_398 = arith.cmpi eq, %arg0, %eq3A_397 : i32
        %convert_element_type3A_399 = arith.extui %eq3A_398 : i1 to i32
        %cond3A_400 = arith.constant 0 : i32
        %cond3A_401 = arith.cmpi ne, %convert_element_type3A_399, %cond3A_400 : i32
        scf.if %cond3A_401 {
          %dma_start3A_402 = arith.constant 0 : i32
          %dma_start3A_403 = arith.constant 0 : i32
          %dma_start3A_404 = tpu.memref_slice %arg15[%select_n3A_352, %dma_start3A_402, %dma_start3A_403] : memref<6x128x32xf32, #tpu.memory_space<vmem>> -> memref<1x128x32xf32, #tpu.memory_space<vmem>>
          %dma_start3A_405 = tpu.memref_squeeze %dma_start3A_404 : memref<1x128x32xf32, #tpu.memory_space<vmem>> -> memref<128x32xf32, #tpu.memory_space<vmem>>
          %dma_start3A_406 = arith.constant 0 : i32
          %dma_start3A_407 = arith.constant 0 : i32
          %dma_start3A_408 = tpu.memref_slice %dma_start3A_405[%dma_start3A_406, %dma_start3A_407] : memref<128x32xf32, #tpu.memory_space<vmem>> -> memref<112x32xf32, #tpu.memory_space<vmem>>
          %dma_start3A_409 = arith.constant 0 : i32
          %dma_start3A_410 = tpu.memref_slice %arg10[%add3A_357, %dma_start3A_409] : memref<50176x32xf32, #tpu.memory_space<hbm>> -> memref<112x32xf32, #tpu.memory_space<hbm>>
          %dma_start3A_411 = arith.constant 0 : i32
          %dma_start3A_412 = tpu.memref_slice %arg10[%add3A_357, %dma_start3A_411] : memref<50176x32xf32, #tpu.memory_space<hbm>> -> memref<112x32xf32, #tpu.memory_space<hbm>>
          %dma_start3A_413 = arith.constant 0 : i32
          %dma_start3A_414 = arith.constant 0 : i32
          %dma_start3A_415 = tpu.memref_slice %arg15[%select_n3A_352, %dma_start3A_413, %dma_start3A_414] : memref<6x128x32xf32, #tpu.memory_space<vmem>> -> memref<1x128x32xf32, #tpu.memory_space<vmem>>
          %dma_start3A_416 = tpu.memref_squeeze %dma_start3A_415 : memref<1x128x32xf32, #tpu.memory_space<vmem>> -> memref<128x32xf32, #tpu.memory_space<vmem>>
          %dma_start3A_417 = arith.constant 0 : i32
          %dma_start3A_418 = arith.constant 0 : i32
          %dma_start3A_419 = tpu.memref_slice %dma_start3A_416[%dma_start3A_417, %dma_start3A_418] : memref<128x32xf32, #tpu.memory_space<vmem>> -> memref<112x32xf32, #tpu.memory_space<vmem>>
          tpu.enqueue_dma source(%dma_start3A_419 : memref<112x32xf32, #tpu.memory_space<vmem>>) target(%dma_start3A_412 : memref<112x32xf32, #tpu.memory_space<hbm>>) target_semaphore(%arg26 : memref<!tpu.dma_semaphore, #tpu.memory_space<semaphore_mem>>)
        } else {
        }
      } else {
      }
      %ge3A_382 = arith.constant 1 : i32
      %ge3A_383 = arith.cmpi sge, %add3A_342, %ge3A_382 : i32
      %convert_element_type3A_384 = arith.extui %ge3A_383 : i1 to i32
      %cond3A_385 = arith.constant 0 : i32
      %cond3A_386 = arith.cmpi ne, %convert_element_type3A_384, %cond3A_385 : i32
      scf.if %cond3A_386 {
        %scan3A_392 = arith.constant 0 : i32
        %scan3A_393 = arith.constant 4 : i32
        %scan3A_394 = arith.addi %scan3A_392, %scan3A_393 : i32
        %scan3A_395 = arith.constant 1 : i32
        scf.for %scan3A_397 = %scan3A_392 to %scan3A_394 step %scan3A_395  : i32 {
          %mul3A_398 = arith.constant 1 : i32
          %mul3A_399 = arith.muli %scan3A_397, %mul3A_398 : i32
          %add3A_400 = arith.constant 0 : i32
          %add3A_401 = arith.addi %add3A_400, %mul3A_399 : i32
          %dma_wait3A_402 = arith.constant 0 : i32
          %dma_wait3A_403 = arith.constant 0 : i32
          %dma_wait3A_404 = tpu.memref_slice %arg22[%dma_wait3A_402, %dma_wait3A_403] : memref<50176x32xf32, #tpu.memory_space<vmem_shared>> -> memref<28x32xf32, #tpu.memory_space<vmem_shared>>
          %dma_wait3A_405 = arith.constant 0 : i32
          %dma_wait3A_406 = arith.constant 0 : i32
          %dma_wait3A_407 = tpu.memref_slice %arg22[%dma_wait3A_405, %dma_wait3A_406] : memref<50176x32xf32, #tpu.memory_space<vmem_shared>> -> memref<28x32xf32, #tpu.memory_space<vmem_shared>>
          tpu.wait_dma2 semaphore(%arg23 : memref<!tpu.dma_semaphore, #tpu.memory_space<semaphore_mem>>) src(%arg16 : memref<28x32xf32, #tpu.memory_space<vmem>>) dst(%dma_wait3A_407 : memref<28x32xf32, #tpu.memory_space<vmem_shared>>)
        }
        %scan3A_396 = arith.constant 4 : i32
      } else {
      }
      %scan3A_387 = arith.constant 0 : i32
      %scan3A_388 = arith.constant 4 : i32
      %scan3A_389 = arith.addi %scan3A_387, %scan3A_388 : i32
      %scan3A_390 = arith.constant 1 : i32
      scf.for %scan3A_392 = %scan3A_387 to %scan3A_389 step %scan3A_390  : i32 {
        %mul3A_393 = arith.constant 1 : i32
        %mul3A_394 = arith.muli %scan3A_392, %mul3A_393 : i32
        %add3A_395 = arith.constant 0 : i32
        %add3A_396 = arith.addi %add3A_395, %mul3A_394 : i32
        %mul3A_397 = arith.constant 28 : i32
        %mul3A_398 = arith.muli %add3A_396, %mul3A_397 : i32
        %add3A_399 = arith.addi %add3A_357, %mul3A_398 : i32
        %dma_start3A_400 = arith.constant 0 : i32
        %dma_start3A_401 = tpu.memref_slice %arg22[%add3A_399, %dma_start3A_400] : memref<50176x32xf32, #tpu.memory_space<vmem_shared>> -> memref<28x32xf32, #tpu.memory_space<vmem_shared>>
        %dma_start3A_402 = arith.constant 0 : i32
        %dma_start3A_403 = tpu.memref_slice %arg22[%add3A_399, %dma_start3A_402] : memref<50176x32xf32, #tpu.memory_space<vmem_shared>> -> memref<28x32xf32, #tpu.memory_space<vmem_shared>>
        tpu.enqueue_dma source(%arg16 : memref<28x32xf32, #tpu.memory_space<vmem>>) target(%dma_start3A_403 : memref<28x32xf32, #tpu.memory_space<vmem_shared>>) target_semaphore(%arg23 : memref<!tpu.dma_semaphore, #tpu.memory_space<semaphore_mem>>)
      }
      %scan3A_391 = arith.constant 4 : i32
    }
    %scan3A_127 = arith.constant 28 : i32
    %dma_wait3A_128 = arith.constant 0 : i32
    %dma_wait3A_129 = arith.constant 0 : i32
    %dma_wait3A_130 = arith.constant 0 : i32
    %dma_wait3A_131 = tpu.memref_slice %arg15[%dma_wait3A_128, %dma_wait3A_129, %dma_wait3A_130] : memref<6x128x32xf32, #tpu.memory_space<vmem>> -> memref<1x128x32xf32, #tpu.memory_space<vmem>>
    %dma_wait3A_132 = tpu.memref_squeeze %dma_wait3A_131 : memref<1x128x32xf32, #tpu.memory_space<vmem>> -> memref<128x32xf32, #tpu.memory_space<vmem>>
    %dma_wait3A_133 = arith.constant 0 : i32
    %dma_wait3A_134 = arith.constant 0 : i32
    %dma_wait3A_135 = tpu.memref_slice %dma_wait3A_132[%dma_wait3A_133, %dma_wait3A_134] : memref<128x32xf32, #tpu.memory_space<vmem>> -> memref<112x32xf32, #tpu.memory_space<vmem>>
    %dma_wait3A_136 = arith.constant 0 : i32
    %dma_wait3A_137 = arith.constant 0 : i32
    %dma_wait3A_138 = tpu.memref_slice %arg9[%dma_wait3A_136, %dma_wait3A_137] : memref<50176x32xf32, #tpu.memory_space<hbm>> -> memref<112x32xf32, #tpu.memory_space<hbm>>
    %dma_wait3A_139 = arith.constant 0 : i32
    %dma_wait3A_140 = arith.constant 0 : i32
    %dma_wait3A_141 = tpu.memref_slice %arg9[%dma_wait3A_139, %dma_wait3A_140] : memref<50176x32xf32, #tpu.memory_space<hbm>> -> memref<112x32xf32, #tpu.memory_space<hbm>>
    %dma_wait3A_142 = arith.constant 0 : i32
    %dma_wait3A_143 = arith.constant 0 : i32
    %dma_wait3A_144 = tpu.memref_slice %arg15[%dma_wait3A_128, %dma_wait3A_142, %dma_wait3A_143] : memref<6x128x32xf32, #tpu.memory_space<vmem>> -> memref<1x128x32xf32, #tpu.memory_space<vmem>>
    %dma_wait3A_145 = tpu.memref_squeeze %dma_wait3A_144 : memref<1x128x32xf32, #tpu.memory_space<vmem>> -> memref<128x32xf32, #tpu.memory_space<vmem>>
    %dma_wait3A_146 = arith.constant 0 : i32
    %dma_wait3A_147 = arith.constant 0 : i32
    %dma_wait3A_148 = tpu.memref_slice %dma_wait3A_145[%dma_wait3A_146, %dma_wait3A_147] : memref<128x32xf32, #tpu.memory_space<vmem>> -> memref<112x32xf32, #tpu.memory_space<vmem>>
    tpu.wait_dma2 semaphore(%arg25 : memref<!tpu.dma_semaphore, #tpu.memory_space<semaphore_mem>>) src(%dma_wait3A_148 : memref<112x32xf32, #tpu.memory_space<vmem>>) dst(%dma_wait3A_141 : memref<112x32xf32, #tpu.memory_space<hbm>>)
    %dma_wait3A_149 = arith.constant 0 : i32
    %dma_wait3A_150 = arith.constant 0 : i32
    %dma_wait3A_151 = arith.constant 0 : i32
    %dma_wait3A_152 = tpu.memref_slice %arg15[%dma_wait3A_149, %dma_wait3A_150, %dma_wait3A_151] : memref<6x128x32xf32, #tpu.memory_space<vmem>> -> memref<1x128x32xf32, #tpu.memory_space<vmem>>
    %dma_wait3A_153 = tpu.memref_squeeze %dma_wait3A_152 : memref<1x128x32xf32, #tpu.memory_space<vmem>> -> memref<128x32xf32, #tpu.memory_space<vmem>>
    %dma_wait3A_154 = arith.constant 0 : i32
    %dma_wait3A_155 = arith.constant 0 : i32
    %dma_wait3A_156 = tpu.memref_slice %dma_wait3A_153[%dma_wait3A_154, %dma_wait3A_155] : memref<128x32xf32, #tpu.memory_space<vmem>> -> memref<112x32xf32, #tpu.memory_space<vmem>>
    %dma_wait3A_157 = arith.constant 0 : i32
    %dma_wait3A_158 = arith.constant 0 : i32
    %dma_wait3A_159 = tpu.memref_slice %arg9[%dma_wait3A_157, %dma_wait3A_158] : memref<50176x32xf32, #tpu.memory_space<hbm>> -> memref<112x32xf32, #tpu.memory_space<hbm>>
    %dma_wait3A_160 = arith.constant 0 : i32
    %dma_wait3A_161 = arith.constant 0 : i32
    %dma_wait3A_162 = tpu.memref_slice %arg9[%dma_wait3A_160, %dma_wait3A_161] : memref<50176x32xf32, #tpu.memory_space<hbm>> -> memref<112x32xf32, #tpu.memory_space<hbm>>
    %dma_wait3A_163 = arith.constant 0 : i32
    %dma_wait3A_164 = arith.constant 0 : i32
    %dma_wait3A_165 = tpu.memref_slice %arg15[%dma_wait3A_149, %dma_wait3A_163, %dma_wait3A_164] : memref<6x128x32xf32, #tpu.memory_space<vmem>> -> memref<1x128x32xf32, #tpu.memory_space<vmem>>
    %dma_wait3A_166 = tpu.memref_squeeze %dma_wait3A_165 : memref<1x128x32xf32, #tpu.memory_space<vmem>> -> memref<128x32xf32, #tpu.memory_space<vmem>>
    %dma_wait3A_167 = arith.constant 0 : i32
    %dma_wait3A_168 = arith.constant 0 : i32
    %dma_wait3A_169 = tpu.memref_slice %dma_wait3A_166[%dma_wait3A_167, %dma_wait3A_168] : memref<128x32xf32, #tpu.memory_space<vmem>> -> memref<112x32xf32, #tpu.memory_space<vmem>>
    tpu.wait_dma2 semaphore(%arg26 : memref<!tpu.dma_semaphore, #tpu.memory_space<semaphore_mem>>) src(%dma_wait3A_169 : memref<112x32xf32, #tpu.memory_space<vmem>>) dst(%dma_wait3A_162 : memref<112x32xf32, #tpu.memory_space<hbm>>)
    %scan3A_170 = arith.constant 0 : i32
    %scan3A_171 = arith.constant 4 : i32
    %scan3A_172 = arith.addi %scan3A_170, %scan3A_171 : i32
    %scan3A_173 = arith.constant 1 : i32
    scf.for %scan3A_338 = %scan3A_170 to %scan3A_172 step %scan3A_173  : i32 {
      %mul3A_339 = arith.constant 1 : i32
      %mul3A_340 = arith.muli %scan3A_338, %mul3A_339 : i32
      %add3A_341 = arith.constant 0 : i32
      %add3A_342 = arith.addi %add3A_341, %mul3A_340 : i32
      %dma_wait3A_343 = arith.constant 0 : i32
      %dma_wait3A_344 = arith.constant 0 : i32
      %dma_wait3A_345 = tpu.memref_slice %arg22[%dma_wait3A_343, %dma_wait3A_344] : memref<50176x32xf32, #tpu.memory_space<vmem_shared>> -> memref<28x32xf32, #tpu.memory_space<vmem_shared>>
      %dma_wait3A_346 = arith.constant 0 : i32
      %dma_wait3A_347 = arith.constant 0 : i32
      %dma_wait3A_348 = tpu.memref_slice %arg22[%dma_wait3A_346, %dma_wait3A_347] : memref<50176x32xf32, #tpu.memory_space<vmem_shared>> -> memref<28x32xf32, #tpu.memory_space<vmem_shared>>
      tpu.wait_dma2 semaphore(%arg23 : memref<!tpu.dma_semaphore, #tpu.memory_space<semaphore_mem>>) src(%arg16 : memref<28x32xf32, #tpu.memory_space<vmem>>) dst(%dma_wait3A_348 : memref<28x32xf32, #tpu.memory_space<vmem_shared>>)
    }
    %scan3A_174 = arith.constant 4 : i32
    %mul3A_175 = arith.constant 392 : i32
    %mul3A_176 = arith.muli %arg1, %mul3A_175 : i32
    %run_scoped3A_177 = arith.constant 0 : i32
    "tpu.region"() ({
      %run_scoped3A_338 = tpu.sem_alloc : memref<!tpu.dma_semaphore, #tpu.memory_space<semaphore_mem>>
      %dma_start3A_339 = arith.constant 0 : i32
      %dma_start3A_340 = arith.constant 0 : i32
      %dma_start3A_341 = tpu.memref_slice %arg13[%run_scoped3A_177, %dma_start3A_339, %dma_start3A_340] : memref<4x4x128xi32, #tpu.memory_space<vmem>> -> memref<1x4x128xi32, #tpu.memory_space<vmem>>
      %dma_start3A_342 = tpu.memref_squeeze %dma_start3A_341 : memref<1x4x128xi32, #tpu.memory_space<vmem>> -> memref<4x128xi32, #tpu.memory_space<vmem>>
      %dma_start3A_343 = arith.constant 0 : i32
      %dma_start3A_344 = tpu.memref_slice %arg4[%mul3A_176, %dma_start3A_343] : memref<6272x128xi32, #tpu.memory_space<hbm>> -> memref<4x128xi32, #tpu.memory_space<hbm>>
      %dma_start3A_345 = arith.constant 0 : i32
      %dma_start3A_346 = arith.constant 0 : i32
      %dma_start3A_347 = tpu.memref_slice %arg13[%run_scoped3A_177, %dma_start3A_345, %dma_start3A_346] : memref<4x4x128xi32, #tpu.memory_space<vmem>> -> memref<1x4x128xi32, #tpu.memory_space<vmem>>
      %dma_start3A_348 = tpu.memref_squeeze %dma_start3A_347 : memref<1x4x128xi32, #tpu.memory_space<vmem>> -> memref<4x128xi32, #tpu.memory_space<vmem>>
      %dma_start3A_349 = arith.constant 0 : i32
      %dma_start3A_350 = tpu.memref_slice %arg4[%mul3A_176, %dma_start3A_349] : memref<6272x128xi32, #tpu.memory_space<hbm>> -> memref<4x128xi32, #tpu.memory_space<hbm>>
      tpu.enqueue_dma source(%dma_start3A_350 : memref<4x128xi32, #tpu.memory_space<hbm>>) target(%dma_start3A_348 : memref<4x128xi32, #tpu.memory_space<vmem>>) target_semaphore(%run_scoped3A_338 : memref<!tpu.dma_semaphore, #tpu.memory_space<semaphore_mem>>)
      %dma_wait3A_351 = arith.constant 0 : i32
      %dma_wait3A_352 = arith.constant 0 : i32
      %dma_wait3A_353 = tpu.memref_slice %arg13[%run_scoped3A_177, %dma_wait3A_351, %dma_wait3A_352] : memref<4x4x128xi32, #tpu.memory_space<vmem>> -> memref<1x4x128xi32, #tpu.memory_space<vmem>>
      %dma_wait3A_354 = tpu.memref_squeeze %dma_wait3A_353 : memref<1x4x128xi32, #tpu.memory_space<vmem>> -> memref<4x128xi32, #tpu.memory_space<vmem>>
      %dma_wait3A_355 = arith.constant 0 : i32
      %dma_wait3A_356 = tpu.memref_slice %arg4[%mul3A_176, %dma_wait3A_355] : memref<6272x128xi32, #tpu.memory_space<hbm>> -> memref<4x128xi32, #tpu.memory_space<hbm>>
      %dma_wait3A_357 = arith.constant 0 : i32
      %dma_wait3A_358 = arith.constant 0 : i32
      %dma_wait3A_359 = tpu.memref_slice %arg13[%run_scoped3A_177, %dma_wait3A_357, %dma_wait3A_358] : memref<4x4x128xi32, #tpu.memory_space<vmem>> -> memref<1x4x128xi32, #tpu.memory_space<vmem>>
      %dma_wait3A_360 = tpu.memref_squeeze %dma_wait3A_359 : memref<1x4x128xi32, #tpu.memory_space<vmem>> -> memref<4x128xi32, #tpu.memory_space<vmem>>
      %dma_wait3A_361 = arith.constant 0 : i32
      %dma_wait3A_362 = tpu.memref_slice %arg4[%mul3A_176, %dma_wait3A_361] : memref<6272x128xi32, #tpu.memory_space<hbm>> -> memref<4x128xi32, #tpu.memory_space<hbm>>
      tpu.wait_dma2 semaphore(%run_scoped3A_338 : memref<!tpu.dma_semaphore, #tpu.memory_space<semaphore_mem>>) src(%dma_wait3A_362 : memref<4x128xi32, #tpu.memory_space<hbm>>) dst(%dma_wait3A_360 : memref<4x128xi32, #tpu.memory_space<vmem>>)
      tpu.yield
    }) : () -> ()
    %mul3A_178 = arith.constant 392 : i32
    %mul3A_179 = arith.muli %arg1, %mul3A_178 : i32
    %run_scoped3A_180 = arith.constant 0 : i32
    "tpu.region"() ({
      %run_scoped3A_338 = tpu.sem_alloc : memref<!tpu.dma_semaphore, #tpu.memory_space<semaphore_mem>>
      %dma_start3A_339 = arith.constant 0 : i32
      %dma_start3A_340 = arith.constant 0 : i32
      %dma_start3A_341 = tpu.memref_slice %arg14[%run_scoped3A_180, %dma_start3A_339, %dma_start3A_340] : memref<4x4x128xi32, #tpu.memory_space<vmem>> -> memref<1x4x128xi32, #tpu.memory_space<vmem>>
      %dma_start3A_342 = tpu.memref_squeeze %dma_start3A_341 : memref<1x4x128xi32, #tpu.memory_space<vmem>> -> memref<4x128xi32, #tpu.memory_space<vmem>>
      %dma_start3A_343 = arith.constant 0 : i32
      %dma_start3A_344 = tpu.memref_slice %arg5[%mul3A_179, %dma_start3A_343] : memref<6272x128xi32, #tpu.memory_space<hbm>> -> memref<4x128xi32, #tpu.memory_space<hbm>>
      %dma_start3A_345 = arith.constant 0 : i32
      %dma_start3A_346 = arith.constant 0 : i32
      %dma_start3A_347 = tpu.memref_slice %arg14[%run_scoped3A_180, %dma_start3A_345, %dma_start3A_346] : memref<4x4x128xi32, #tpu.memory_space<vmem>> -> memref<1x4x128xi32, #tpu.memory_space<vmem>>
      %dma_start3A_348 = tpu.memref_squeeze %dma_start3A_347 : memref<1x4x128xi32, #tpu.memory_space<vmem>> -> memref<4x128xi32, #tpu.memory_space<vmem>>
      %dma_start3A_349 = arith.constant 0 : i32
      %dma_start3A_350 = tpu.memref_slice %arg5[%mul3A_179, %dma_start3A_349] : memref<6272x128xi32, #tpu.memory_space<hbm>> -> memref<4x128xi32, #tpu.memory_space<hbm>>
      tpu.enqueue_dma source(%dma_start3A_350 : memref<4x128xi32, #tpu.memory_space<hbm>>) target(%dma_start3A_348 : memref<4x128xi32, #tpu.memory_space<vmem>>) target_semaphore(%run_scoped3A_338 : memref<!tpu.dma_semaphore, #tpu.memory_space<semaphore_mem>>)
      %dma_wait3A_351 = arith.constant 0 : i32
      %dma_wait3A_352 = arith.constant 0 : i32
      %dma_wait3A_353 = tpu.memref_slice %arg14[%run_scoped3A_180, %dma_wait3A_351, %dma_wait3A_352] : memref<4x4x128xi32, #tpu.memory_space<vmem>> -> memref<1x4x128xi32, #tpu.memory_space<vmem>>
      %dma_wait3A_354 = tpu.memref_squeeze %dma_wait3A_353 : memref<1x4x128xi32, #tpu.memory_space<vmem>> -> memref<4x128xi32, #tpu.memory_space<vmem>>
      %dma_wait3A_355 = arith.constant 0 : i32
      %dma_wait3A_356 = tpu.memref_slice %arg5[%mul3A_179, %dma_wait3A_355] : memref<6272x128xi32, #tpu.memory_space<hbm>> -> memref<4x128xi32, #tpu.memory_space<hbm>>
      %dma_wait3A_357 = arith.constant 0 : i32
      %dma_wait3A_358 = arith.constant 0 : i32
      %dma_wait3A_359 = tpu.memref_slice %arg14[%run_scoped3A_180, %dma_wait3A_357, %dma_wait3A_358] : memref<4x4x128xi32, #tpu.memory_space<vmem>> -> memref<1x4x128xi32, #tpu.memory_space<vmem>>
      %dma_wait3A_360 = tpu.memref_squeeze %dma_wait3A_359 : memref<1x4x128xi32, #tpu.memory_space<vmem>> -> memref<4x128xi32, #tpu.memory_space<vmem>>
      %dma_wait3A_361 = arith.constant 0 : i32
      %dma_wait3A_362 = tpu.memref_slice %arg5[%mul3A_179, %dma_wait3A_361] : memref<6272x128xi32, #tpu.memory_space<hbm>> -> memref<4x128xi32, #tpu.memory_space<hbm>>
      tpu.wait_dma2 semaphore(%run_scoped3A_338 : memref<!tpu.dma_semaphore, #tpu.memory_space<semaphore_mem>>) src(%dma_wait3A_362 : memref<4x128xi32, #tpu.memory_space<hbm>>) dst(%dma_wait3A_360 : memref<4x128xi32, #tpu.memory_space<vmem>>)
      tpu.yield
    }) : () -> ()
    %mul3A_181 = arith.constant 392 : i32
    %mul3A_182 = arith.muli %arg1, %mul3A_181 : i32
    %add3A_183 = arith.constant 4 : i32
    %add3A_184 = arith.addi %mul3A_182, %add3A_183 : i32
    %dma_start3A_185 = arith.constant 1 : i32
    %dma_start3A_186 = arith.constant 0 : i32
    %dma_start3A_187 = arith.constant 0 : i32
    %dma_start3A_188 = tpu.memref_slice %arg13[%dma_start3A_185, %dma_start3A_186, %dma_start3A_187] : memref<4x4x128xi32, #tpu.memory_space<vmem>> -> memref<1x4x128xi32, #tpu.memory_space<vmem>>
    %dma_start3A_189 = tpu.memref_squeeze %dma_start3A_188 : memref<1x4x128xi32, #tpu.memory_space<vmem>> -> memref<4x128xi32, #tpu.memory_space<vmem>>
    %dma_start3A_190 = arith.constant 0 : i32
    %dma_start3A_191 = tpu.memref_slice %arg4[%add3A_184, %dma_start3A_190] : memref<6272x128xi32, #tpu.memory_space<hbm>> -> memref<4x128xi32, #tpu.memory_space<hbm>>
    %dma_start3A_192 = arith.constant 0 : i32
    %dma_start3A_193 = arith.constant 0 : i32
    %dma_start3A_194 = tpu.memref_slice %arg13[%dma_start3A_185, %dma_start3A_192, %dma_start3A_193] : memref<4x4x128xi32, #tpu.memory_space<vmem>> -> memref<1x4x128xi32, #tpu.memory_space<vmem>>
    %dma_start3A_195 = tpu.memref_squeeze %dma_start3A_194 : memref<1x4x128xi32, #tpu.memory_space<vmem>> -> memref<4x128xi32, #tpu.memory_space<vmem>>
    %dma_start3A_196 = arith.constant 0 : i32
    %dma_start3A_197 = tpu.memref_slice %arg4[%add3A_184, %dma_start3A_196] : memref<6272x128xi32, #tpu.memory_space<hbm>> -> memref<4x128xi32, #tpu.memory_space<hbm>>
    tpu.enqueue_dma source(%dma_start3A_197 : memref<4x128xi32, #tpu.memory_space<hbm>>) target(%dma_start3A_195 : memref<4x128xi32, #tpu.memory_space<vmem>>) target_semaphore(%arg24 : memref<!tpu.dma_semaphore, #tpu.memory_space<semaphore_mem>>)
    %mul3A_198 = arith.constant 392 : i32
    %mul3A_199 = arith.muli %arg1, %mul3A_198 : i32
    %add3A_200 = arith.constant 4 : i32
    %add3A_201 = arith.addi %mul3A_199, %add3A_200 : i32
    %dma_start3A_202 = arith.constant 1 : i32
    %dma_start3A_203 = arith.constant 0 : i32
    %dma_start3A_204 = arith.constant 0 : i32
    %dma_start3A_205 = tpu.memref_slice %arg14[%dma_start3A_202, %dma_start3A_203, %dma_start3A_204] : memref<4x4x128xi32, #tpu.memory_space<vmem>> -> memref<1x4x128xi32, #tpu.memory_space<vmem>>
    %dma_start3A_206 = tpu.memref_squeeze %dma_start3A_205 : memref<1x4x128xi32, #tpu.memory_space<vmem>> -> memref<4x128xi32, #tpu.memory_space<vmem>>
    %dma_start3A_207 = arith.constant 0 : i32
    %dma_start3A_208 = tpu.memref_slice %arg5[%add3A_201, %dma_start3A_207] : memref<6272x128xi32, #tpu.memory_space<hbm>> -> memref<4x128xi32, #tpu.memory_space<hbm>>
    %dma_start3A_209 = arith.constant 0 : i32
    %dma_start3A_210 = arith.constant 0 : i32
    %dma_start3A_211 = tpu.memref_slice %arg14[%dma_start3A_202, %dma_start3A_209, %dma_start3A_210] : memref<4x4x128xi32, #tpu.memory_space<vmem>> -> memref<1x4x128xi32, #tpu.memory_space<vmem>>
    %dma_start3A_212 = tpu.memref_squeeze %dma_start3A_211 : memref<1x4x128xi32, #tpu.memory_space<vmem>> -> memref<4x128xi32, #tpu.memory_space<vmem>>
    %dma_start3A_213 = arith.constant 0 : i32
    %dma_start3A_214 = tpu.memref_slice %arg5[%add3A_201, %dma_start3A_213] : memref<6272x128xi32, #tpu.memory_space<hbm>> -> memref<4x128xi32, #tpu.memory_space<hbm>>
    tpu.enqueue_dma source(%dma_start3A_214 : memref<4x128xi32, #tpu.memory_space<hbm>>) target(%dma_start3A_212 : memref<4x128xi32, #tpu.memory_space<vmem>>) target_semaphore(%arg24 : memref<!tpu.dma_semaphore, #tpu.memory_space<semaphore_mem>>)
    %barrier3A_215 = arith.constant 0 : index
    tpu.barrier barrier_id(%barrier3A_215)
    %eq3A_216 = arith.constant 0 : i32
    %eq3A_217 = arith.cmpi eq, %arg0, %eq3A_216 : i32
    %convert_element_type3A_218 = arith.extui %eq3A_217 : i1 to i32
    %cond3A_219 = arith.constant 0 : i32
    %cond3A_220 = arith.cmpi ne, %convert_element_type3A_218, %cond3A_219 : i32
    scf.if %cond3A_220 {
      %dma_start3A_338 = arith.constant 0 : i32
      %dma_start3A_339 = arith.constant 0 : i32
      %dma_start3A_340 = arith.constant 0 : i32
      %dma_start3A_341 = arith.constant 0 : i32
      %dma_start3A_342 = arith.constant 0 : i32
      %dma_start3A_343 = tpu.memref_slice %arg15[%dma_start3A_340, %dma_start3A_341, %dma_start3A_342] : memref<6x128x32xf32, #tpu.memory_space<vmem>> -> memref<1x128x32xf32, #tpu.memory_space<vmem>>
      %dma_start3A_344 = tpu.memref_squeeze %dma_start3A_343 : memref<1x128x32xf32, #tpu.memory_space<vmem>> -> memref<128x32xf32, #tpu.memory_space<vmem>>
      %dma_start3A_345 = arith.constant 0 : i32
      %dma_start3A_346 = tpu.memref_slice %arg13[%dma_start3A_338, %dma_start3A_339, %dma_start3A_345] : memref<4x4x128xi32, #tpu.memory_space<vmem>> -> memref<1x1x128xi32, #tpu.memory_space<vmem>>
      %dma_start3A_347 = tpu.memref_squeeze %dma_start3A_346 : memref<1x1x128xi32, #tpu.memory_space<vmem>> -> memref<128xi32, #tpu.memory_space<vmem>>
      %dma_start3A_348 = arith.constant 0 : i32
      %dma_start3A_349 = arith.constant 0 : i32
      %dma_start3A_350 = tpu.memref_slice %arg9[%dma_start3A_348, %dma_start3A_349] : memref<50176x32xf32, #tpu.memory_space<hbm>> -> memref<50176x32xf32, #tpu.memory_space<hbm>>
      tpu.enqueue_indirect_dma source(%dma_start3A_350 : memref<50176x32xf32, #tpu.memory_space<hbm>>) target(%dma_start3A_344 : memref<128x32xf32, #tpu.memory_space<vmem>>) offsets(%dma_start3A_347 : memref<128xi32, #tpu.memory_space<vmem>>) semaphore(%arg25 : memref<!tpu.dma_semaphore, #tpu.memory_space<semaphore_mem>>)
    } else {
    }
    %eq3A_221 = arith.constant 1 : i32
    %eq3A_222 = arith.cmpi eq, %arg0, %eq3A_221 : i32
    %convert_element_type3A_223 = arith.extui %eq3A_222 : i1 to i32
    %cond3A_224 = arith.constant 0 : i32
    %cond3A_225 = arith.cmpi ne, %convert_element_type3A_223, %cond3A_224 : i32
    scf.if %cond3A_225 {
      %dma_start3A_338 = arith.constant 0 : i32
      %dma_start3A_339 = arith.constant 0 : i32
      %dma_start3A_340 = arith.constant 0 : i32
      %dma_start3A_341 = arith.constant 0 : i32
      %dma_start3A_342 = arith.constant 0 : i32
      %dma_start3A_343 = tpu.memref_slice %arg15[%dma_start3A_340, %dma_start3A_341, %dma_start3A_342] : memref<6x128x32xf32, #tpu.memory_space<vmem>> -> memref<1x128x32xf32, #tpu.memory_space<vmem>>
      %dma_start3A_344 = tpu.memref_squeeze %dma_start3A_343 : memref<1x128x32xf32, #tpu.memory_space<vmem>> -> memref<128x32xf32, #tpu.memory_space<vmem>>
      %dma_start3A_345 = arith.constant 0 : i32
      %dma_start3A_346 = tpu.memref_slice %arg13[%dma_start3A_338, %dma_start3A_339, %dma_start3A_345] : memref<4x4x128xi32, #tpu.memory_space<vmem>> -> memref<1x1x128xi32, #tpu.memory_space<vmem>>
      %dma_start3A_347 = tpu.memref_squeeze %dma_start3A_346 : memref<1x1x128xi32, #tpu.memory_space<vmem>> -> memref<128xi32, #tpu.memory_space<vmem>>
      %dma_start3A_348 = arith.constant 0 : i32
      %dma_start3A_349 = arith.constant 0 : i32
      %dma_start3A_350 = tpu.memref_slice %arg10[%dma_start3A_348, %dma_start3A_349] : memref<50176x32xf32, #tpu.memory_space<hbm>> -> memref<50176x32xf32, #tpu.memory_space<hbm>>
      tpu.enqueue_indirect_dma source(%dma_start3A_350 : memref<50176x32xf32, #tpu.memory_space<hbm>>) target(%dma_start3A_344 : memref<128x32xf32, #tpu.memory_space<vmem>>) offsets(%dma_start3A_347 : memref<128xi32, #tpu.memory_space<vmem>>) semaphore(%arg25 : memref<!tpu.dma_semaphore, #tpu.memory_space<semaphore_mem>>)
    } else {
    }
    %eq3A_226 = arith.constant 0 : i32
    %eq3A_227 = arith.cmpi eq, %arg0, %eq3A_226 : i32
    %convert_element_type3A_228 = arith.extui %eq3A_227 : i1 to i32
    %cond3A_229 = arith.constant 0 : i32
    %cond3A_230 = arith.cmpi ne, %convert_element_type3A_228, %cond3A_229 : i32
    scf.if %cond3A_230 {
      %dma_start3A_338 = arith.constant 0 : i32
      %dma_start3A_339 = arith.constant 1 : i32
      %dma_start3A_340 = arith.constant 1 : i32
      %dma_start3A_341 = arith.constant 0 : i32
      %dma_start3A_342 = arith.constant 0 : i32
      %dma_start3A_343 = tpu.memref_slice %arg15[%dma_start3A_340, %dma_start3A_341, %dma_start3A_342] : memref<6x128x32xf32, #tpu.memory_space<vmem>> -> memref<1x128x32xf32, #tpu.memory_space<vmem>>
      %dma_start3A_344 = tpu.memref_squeeze %dma_start3A_343 : memref<1x128x32xf32, #tpu.memory_space<vmem>> -> memref<128x32xf32, #tpu.memory_space<vmem>>
      %dma_start3A_345 = arith.constant 0 : i32
      %dma_start3A_346 = tpu.memref_slice %arg13[%dma_start3A_338, %dma_start3A_339, %dma_start3A_345] : memref<4x4x128xi32, #tpu.memory_space<vmem>> -> memref<1x1x128xi32, #tpu.memory_space<vmem>>
      %dma_start3A_347 = tpu.memref_squeeze %dma_start3A_346 : memref<1x1x128xi32, #tpu.memory_space<vmem>> -> memref<128xi32, #tpu.memory_space<vmem>>
      %dma_start3A_348 = arith.constant 0 : i32
      %dma_start3A_349 = arith.constant 0 : i32
      %dma_start3A_350 = tpu.memref_slice %arg9[%dma_start3A_348, %dma_start3A_349] : memref<50176x32xf32, #tpu.memory_space<hbm>> -> memref<50176x32xf32, #tpu.memory_space<hbm>>
      tpu.enqueue_indirect_dma source(%dma_start3A_350 : memref<50176x32xf32, #tpu.memory_space<hbm>>) target(%dma_start3A_344 : memref<128x32xf32, #tpu.memory_space<vmem>>) offsets(%dma_start3A_347 : memref<128xi32, #tpu.memory_space<vmem>>) semaphore(%arg26 : memref<!tpu.dma_semaphore, #tpu.memory_space<semaphore_mem>>)
    } else {
    }
    %eq3A_231 = arith.constant 1 : i32
    %eq3A_232 = arith.cmpi eq, %arg0, %eq3A_231 : i32
    %convert_element_type3A_233 = arith.extui %eq3A_232 : i1 to i32
    %cond3A_234 = arith.constant 0 : i32
    %cond3A_235 = arith.cmpi ne, %convert_element_type3A_233, %cond3A_234 : i32
    scf.if %cond3A_235 {
      %dma_start3A_338 = arith.constant 0 : i32
      %dma_start3A_339 = arith.constant 1 : i32
      %dma_start3A_340 = arith.constant 1 : i32
      %dma_start3A_341 = arith.constant 0 : i32
      %dma_start3A_342 = arith.constant 0 : i32
      %dma_start3A_343 = tpu.memref_slice %arg15[%dma_start3A_340, %dma_start3A_341, %dma_start3A_342] : memref<6x128x32xf32, #tpu.memory_space<vmem>> -> memref<1x128x32xf32, #tpu.memory_space<vmem>>
      %dma_start3A_344 = tpu.memref_squeeze %dma_start3A_343 : memref<1x128x32xf32, #tpu.memory_space<vmem>> -> memref<128x32xf32, #tpu.memory_space<vmem>>
      %dma_start3A_345 = arith.constant 0 : i32
      %dma_start3A_346 = tpu.memref_slice %arg13[%dma_start3A_338, %dma_start3A_339, %dma_start3A_345] : memref<4x4x128xi32, #tpu.memory_space<vmem>> -> memref<1x1x128xi32, #tpu.memory_space<vmem>>
      %dma_start3A_347 = tpu.memref_squeeze %dma_start3A_346 : memref<1x1x128xi32, #tpu.memory_space<vmem>> -> memref<128xi32, #tpu.memory_space<vmem>>
      %dma_start3A_348 = arith.constant 0 : i32
      %dma_start3A_349 = arith.constant 0 : i32
      %dma_start3A_350 = tpu.memref_slice %arg10[%dma_start3A_348, %dma_start3A_349] : memref<50176x32xf32, #tpu.memory_space<hbm>> -> memref<50176x32xf32, #tpu.memory_space<hbm>>
      tpu.enqueue_indirect_dma source(%dma_start3A_350 : memref<50176x32xf32, #tpu.memory_space<hbm>>) target(%dma_start3A_344 : memref<128x32xf32, #tpu.memory_space<vmem>>) offsets(%dma_start3A_347 : memref<128xi32, #tpu.memory_space<vmem>>) semaphore(%arg26 : memref<!tpu.dma_semaphore, #tpu.memory_space<semaphore_mem>>)
    } else {
    }
    %eq3A_236 = arith.constant 0 : i32
    %eq3A_237 = arith.cmpi eq, %arg0, %eq3A_236 : i32
    %convert_element_type3A_238 = arith.extui %eq3A_237 : i1 to i32
    %cond3A_239 = arith.constant 0 : i32
    %cond3A_240 = arith.cmpi ne, %convert_element_type3A_238, %cond3A_239 : i32
    scf.if %cond3A_240 {
      %dma_start3A_338 = arith.constant 0 : i32
      %dma_start3A_339 = arith.constant 2 : i32
      %dma_start3A_340 = arith.constant 2 : i32
      %dma_start3A_341 = arith.constant 0 : i32
      %dma_start3A_342 = arith.constant 0 : i32
      %dma_start3A_343 = tpu.memref_slice %arg15[%dma_start3A_340, %dma_start3A_341, %dma_start3A_342] : memref<6x128x32xf32, #tpu.memory_space<vmem>> -> memref<1x128x32xf32, #tpu.memory_space<vmem>>
      %dma_start3A_344 = tpu.memref_squeeze %dma_start3A_343 : memref<1x128x32xf32, #tpu.memory_space<vmem>> -> memref<128x32xf32, #tpu.memory_space<vmem>>
      %dma_start3A_345 = arith.constant 0 : i32
      %dma_start3A_346 = tpu.memref_slice %arg13[%dma_start3A_338, %dma_start3A_339, %dma_start3A_345] : memref<4x4x128xi32, #tpu.memory_space<vmem>> -> memref<1x1x128xi32, #tpu.memory_space<vmem>>
      %dma_start3A_347 = tpu.memref_squeeze %dma_start3A_346 : memref<1x1x128xi32, #tpu.memory_space<vmem>> -> memref<128xi32, #tpu.memory_space<vmem>>
      %dma_start3A_348 = arith.constant 0 : i32
      %dma_start3A_349 = arith.constant 0 : i32
      %dma_start3A_350 = tpu.memref_slice %arg9[%dma_start3A_348, %dma_start3A_349] : memref<50176x32xf32, #tpu.memory_space<hbm>> -> memref<50176x32xf32, #tpu.memory_space<hbm>>
      tpu.enqueue_indirect_dma source(%dma_start3A_350 : memref<50176x32xf32, #tpu.memory_space<hbm>>) target(%dma_start3A_344 : memref<128x32xf32, #tpu.memory_space<vmem>>) offsets(%dma_start3A_347 : memref<128xi32, #tpu.memory_space<vmem>>) semaphore(%arg27 : memref<!tpu.dma_semaphore, #tpu.memory_space<semaphore_mem>>)
    } else {
    }
    %eq3A_241 = arith.constant 1 : i32
    %eq3A_242 = arith.cmpi eq, %arg0, %eq3A_241 : i32
    %convert_element_type3A_243 = arith.extui %eq3A_242 : i1 to i32
    %cond3A_244 = arith.constant 0 : i32
    %cond3A_245 = arith.cmpi ne, %convert_element_type3A_243, %cond3A_244 : i32
    scf.if %cond3A_245 {
      %dma_start3A_338 = arith.constant 0 : i32
      %dma_start3A_339 = arith.constant 2 : i32
      %dma_start3A_340 = arith.constant 2 : i32
      %dma_start3A_341 = arith.constant 0 : i32
      %dma_start3A_342 = arith.constant 0 : i32
      %dma_start3A_343 = tpu.memref_slice %arg15[%dma_start3A_340, %dma_start3A_341, %dma_start3A_342] : memref<6x128x32xf32, #tpu.memory_space<vmem>> -> memref<1x128x32xf32, #tpu.memory_space<vmem>>
      %dma_start3A_344 = tpu.memref_squeeze %dma_start3A_343 : memref<1x128x32xf32, #tpu.memory_space<vmem>> -> memref<128x32xf32, #tpu.memory_space<vmem>>
      %dma_start3A_345 = arith.constant 0 : i32
      %dma_start3A_346 = tpu.memref_slice %arg13[%dma_start3A_338, %dma_start3A_339, %dma_start3A_345] : memref<4x4x128xi32, #tpu.memory_space<vmem>> -> memref<1x1x128xi32, #tpu.memory_space<vmem>>
      %dma_start3A_347 = tpu.memref_squeeze %dma_start3A_346 : memref<1x1x128xi32, #tpu.memory_space<vmem>> -> memref<128xi32, #tpu.memory_space<vmem>>
      %dma_start3A_348 = arith.constant 0 : i32
      %dma_start3A_349 = arith.constant 0 : i32
      %dma_start3A_350 = tpu.memref_slice %arg10[%dma_start3A_348, %dma_start3A_349] : memref<50176x32xf32, #tpu.memory_space<hbm>> -> memref<50176x32xf32, #tpu.memory_space<hbm>>
      tpu.enqueue_indirect_dma source(%dma_start3A_350 : memref<50176x32xf32, #tpu.memory_space<hbm>>) target(%dma_start3A_344 : memref<128x32xf32, #tpu.memory_space<vmem>>) offsets(%dma_start3A_347 : memref<128xi32, #tpu.memory_space<vmem>>) semaphore(%arg27 : memref<!tpu.dma_semaphore, #tpu.memory_space<semaphore_mem>>)
    } else {
    }
    %scan3A_246 = arith.constant 0 : i32
    %scan3A_247 = arith.constant 392 : i32
    %scan3A_248 = arith.addi %scan3A_246, %scan3A_247 : i32
    %scan3A_249 = arith.constant 1 : i32
    scf.for %scan3A_338 = %scan3A_246 to %scan3A_248 step %scan3A_249  : i32 {
      %mul3A_339 = arith.constant 1 : i32
      %mul3A_340 = arith.muli %scan3A_338, %mul3A_339 : i32
      %add3A_341 = arith.constant 0 : i32
      %add3A_342 = arith.addi %add3A_341, %mul3A_340 : i32
      %jit3A = arith.constant 4 : i32
      %div3A = arith.divsi %add3A_342, %jit3A : i32
      %sign3A = arith.constant 0 : i32
      %sign3A_343 = arith.cmpi sgt, %add3A_342, %sign3A : i32
      %sign3A_344 = arith.extui %sign3A_343 : i1 to i32
      %sign3A_345 = arith.constant 0 : i32
      %sign3A_346 = arith.cmpi slt, %add3A_342, %sign3A_345 : i32
      %sign3A_347 = arith.extui %sign3A_346 : i1 to i32
      %sign3A_348 = arith.subi %sign3A_344, %sign3A_347 : i32
      %sign3A_349 = arith.constant 0 : i32
      %sign3A_350 = arith.cmpi sgt, %jit3A, %sign3A_349 : i32
      %sign3A_351 = arith.extui %sign3A_350 : i1 to i32
      %sign3A_352 = arith.constant 0 : i32
      %sign3A_353 = arith.cmpi slt, %jit3A, %sign3A_352 : i32
      %sign3A_354 = arith.extui %sign3A_353 : i1 to i32
      %sign3A_355 = arith.subi %sign3A_351, %sign3A_354 : i32
      %ne3A = arith.cmpi ne, %sign3A_348, %sign3A_355 : i32
      %rem3A = arith.remsi %add3A_342, %jit3A : i32
      %ne3A_356 = arith.constant 0 : i32
      %ne3A_357 = arith.cmpi ne, %rem3A, %ne3A_356 : i32
      %and3A = arith.andi %ne3A, %ne3A_357 : i1
      %sub3A = arith.constant 1 : i32
      %sub3A_358 = arith.subi %div3A, %sub3A : i32
      %select_n3A = arith.select %and3A, %sub3A_358, %div3A : i32
      %jit3A_359 = arith.constant 4 : i32
      %eq3A_360 = arith.constant 0 : i32
      %eq3A_361 = arith.cmpi eq, %jit3A_359, %eq3A_360 : i32
      %jit3A_362 = arith.constant 1 : i32
      %select_n3A_363 = arith.select %eq3A_361, %jit3A_362, %jit3A_359 : i32
      %rem3A_364 = arith.remsi %add3A_342, %select_n3A_363 : i32
      %ne3A_365 = arith.constant 0 : i32
      %ne3A_366 = arith.cmpi ne, %rem3A_364, %ne3A_365 : i32
      %lt3A = arith.constant 0 : i32
      %lt3A_367 = arith.cmpi slt, %rem3A_364, %lt3A : i32
      %lt3A_368 = arith.constant 0 : i32
      %lt3A_369 = arith.cmpi slt, %select_n3A_363, %lt3A_368 : i32
      %ne3A_370 = arith.xori %lt3A_367, %lt3A_369 : i1
      %and3A_371 = arith.andi %ne3A_370, %ne3A_366 : i1
      %add3A_372 = arith.addi %rem3A_364, %select_n3A_363 : i32
      %select_n3A_373 = arith.select %and3A_371, %add3A_372, %rem3A_364 : i32
      %eq3A_374 = arith.constant 0 : i32
      %eq3A_375 = arith.cmpi eq, %select_n3A_373, %eq3A_374 : i32
      %convert_element_type3A_376 = arith.extui %eq3A_375 : i1 to i32
      %cond3A_377 = arith.constant 0 : i32
      %cond3A_378 = arith.cmpi ne, %convert_element_type3A_376, %cond3A_377 : i32
      scf.if %cond3A_378 {
        %lt3A_522 = arith.constant 97 : i32
        %lt3A_523 = arith.cmpi slt, %select_n3A, %lt3A_522 : i32
        %convert_element_type3A_524 = arith.extui %lt3A_523 : i1 to i32
        %cond3A_525 = arith.constant 0 : i32
        %cond3A_526 = arith.cmpi ne, %convert_element_type3A_524, %cond3A_525 : i32
        scf.if %cond3A_526 {
          %dma_wait3A_532 = arith.constant 0 : i32
          %dma_wait3A_533 = arith.constant 0 : i32
          %dma_wait3A_534 = arith.constant 0 : i32
          %dma_wait3A_535 = tpu.memref_slice %arg13[%dma_wait3A_532, %dma_wait3A_533, %dma_wait3A_534] : memref<4x4x128xi32, #tpu.memory_space<vmem>> -> memref<1x4x128xi32, #tpu.memory_space<vmem>>
          %dma_wait3A_536 = tpu.memref_squeeze %dma_wait3A_535 : memref<1x4x128xi32, #tpu.memory_space<vmem>> -> memref<4x128xi32, #tpu.memory_space<vmem>>
          %dma_wait3A_537 = arith.constant 0 : i32
          %dma_wait3A_538 = arith.constant 0 : i32
          %dma_wait3A_539 = tpu.memref_slice %arg4[%dma_wait3A_537, %dma_wait3A_538] : memref<6272x128xi32, #tpu.memory_space<hbm>> -> memref<4x128xi32, #tpu.memory_space<hbm>>
          %dma_wait3A_540 = arith.constant 0 : i32
          %dma_wait3A_541 = arith.constant 0 : i32
          %dma_wait3A_542 = tpu.memref_slice %arg13[%dma_wait3A_532, %dma_wait3A_540, %dma_wait3A_541] : memref<4x4x128xi32, #tpu.memory_space<vmem>> -> memref<1x4x128xi32, #tpu.memory_space<vmem>>
          %dma_wait3A_543 = tpu.memref_squeeze %dma_wait3A_542 : memref<1x4x128xi32, #tpu.memory_space<vmem>> -> memref<4x128xi32, #tpu.memory_space<vmem>>
          %dma_wait3A_544 = arith.constant 0 : i32
          %dma_wait3A_545 = arith.constant 0 : i32
          %dma_wait3A_546 = tpu.memref_slice %arg4[%dma_wait3A_544, %dma_wait3A_545] : memref<6272x128xi32, #tpu.memory_space<hbm>> -> memref<4x128xi32, #tpu.memory_space<hbm>>
          tpu.wait_dma2 semaphore(%arg24 : memref<!tpu.dma_semaphore, #tpu.memory_space<semaphore_mem>>) src(%dma_wait3A_546 : memref<4x128xi32, #tpu.memory_space<hbm>>) dst(%dma_wait3A_543 : memref<4x128xi32, #tpu.memory_space<vmem>>)
          %dma_wait3A_547 = arith.constant 0 : i32
          %dma_wait3A_548 = arith.constant 0 : i32
          %dma_wait3A_549 = arith.constant 0 : i32
          %dma_wait3A_550 = tpu.memref_slice %arg14[%dma_wait3A_547, %dma_wait3A_548, %dma_wait3A_549] : memref<4x4x128xi32, #tpu.memory_space<vmem>> -> memref<1x4x128xi32, #tpu.memory_space<vmem>>
          %dma_wait3A_551 = tpu.memref_squeeze %dma_wait3A_550 : memref<1x4x128xi32, #tpu.memory_space<vmem>> -> memref<4x128xi32, #tpu.memory_space<vmem>>
          %dma_wait3A_552 = arith.constant 0 : i32
          %dma_wait3A_553 = arith.constant 0 : i32
          %dma_wait3A_554 = tpu.memref_slice %arg5[%dma_wait3A_552, %dma_wait3A_553] : memref<6272x128xi32, #tpu.memory_space<hbm>> -> memref<4x128xi32, #tpu.memory_space<hbm>>
          %dma_wait3A_555 = arith.constant 0 : i32
          %dma_wait3A_556 = arith.constant 0 : i32
          %dma_wait3A_557 = tpu.memref_slice %arg14[%dma_wait3A_547, %dma_wait3A_555, %dma_wait3A_556] : memref<4x4x128xi32, #tpu.memory_space<vmem>> -> memref<1x4x128xi32, #tpu.memory_space<vmem>>
          %dma_wait3A_558 = tpu.memref_squeeze %dma_wait3A_557 : memref<1x4x128xi32, #tpu.memory_space<vmem>> -> memref<4x128xi32, #tpu.memory_space<vmem>>
          %dma_wait3A_559 = arith.constant 0 : i32
          %dma_wait3A_560 = arith.constant 0 : i32
          %dma_wait3A_561 = tpu.memref_slice %arg5[%dma_wait3A_559, %dma_wait3A_560] : memref<6272x128xi32, #tpu.memory_space<hbm>> -> memref<4x128xi32, #tpu.memory_space<hbm>>
          tpu.wait_dma2 semaphore(%arg24 : memref<!tpu.dma_semaphore, #tpu.memory_space<semaphore_mem>>) src(%dma_wait3A_561 : memref<4x128xi32, #tpu.memory_space<hbm>>) dst(%dma_wait3A_558 : memref<4x128xi32, #tpu.memory_space<vmem>>)
        } else {
        }
        %lt3A_527 = arith.constant 96 : i32
        %lt3A_528 = arith.cmpi slt, %select_n3A, %lt3A_527 : i32
        %convert_element_type3A_529 = arith.extui %lt3A_528 : i1 to i32
        %cond3A_530 = arith.constant 0 : i32
        %cond3A_531 = arith.cmpi ne, %convert_element_type3A_529, %cond3A_530 : i32
        scf.if %cond3A_531 {
          %add3A_532 = arith.constant 2 : i32
          %add3A_533 = arith.addi %select_n3A, %add3A_532 : i32
          %jit3A_534 = arith.constant 4 : i32
          %eq3A_535 = arith.constant 0 : i32
          %eq3A_536 = arith.cmpi eq, %jit3A_534, %eq3A_535 : i32
          %jit3A_537 = arith.constant 1 : i32
          %select_n3A_538 = arith.select %eq3A_536, %jit3A_537, %jit3A_534 : i32
          %rem3A_539 = arith.remsi %add3A_533, %select_n3A_538 : i32
          %ne3A_540 = arith.constant 0 : i32
          %ne3A_541 = arith.cmpi ne, %rem3A_539, %ne3A_540 : i32
          %lt3A_542 = arith.constant 0 : i32
          %lt3A_543 = arith.cmpi slt, %rem3A_539, %lt3A_542 : i32
          %lt3A_544 = arith.constant 0 : i32
          %lt3A_545 = arith.cmpi slt, %select_n3A_538, %lt3A_544 : i32
          %ne3A_546 = arith.xori %lt3A_543, %lt3A_545 : i1
          %and3A_547 = arith.andi %ne3A_546, %ne3A_541 : i1
          %add3A_548 = arith.addi %rem3A_539, %select_n3A_538 : i32
          %select_n3A_549 = arith.select %and3A_547, %add3A_548, %rem3A_539 : i32
          %mul3A_550 = arith.constant 392 : i32
          %mul3A_551 = arith.muli %arg1, %mul3A_550 : i32
          %add3A_552 = arith.constant 2 : i32
          %add3A_553 = arith.addi %select_n3A, %add3A_552 : i32
          %mul3A_554 = arith.constant 4 : i32
          %mul3A_555 = arith.muli %add3A_553, %mul3A_554 : i32
          %add3A_556 = arith.addi %mul3A_551, %mul3A_555 : i32
          %dma_start3A_557 = arith.constant 0 : i32
          %dma_start3A_558 = arith.constant 0 : i32
          %dma_start3A_559 = tpu.memref_slice %arg13[%select_n3A_549, %dma_start3A_557, %dma_start3A_558] : memref<4x4x128xi32, #tpu.memory_space<vmem>> -> memref<1x4x128xi32, #tpu.memory_space<vmem>>
          %dma_start3A_560 = tpu.memref_squeeze %dma_start3A_559 : memref<1x4x128xi32, #tpu.memory_space<vmem>> -> memref<4x128xi32, #tpu.memory_space<vmem>>
          %dma_start3A_561 = arith.constant 0 : i32
          %dma_start3A_562 = tpu.memref_slice %arg4[%add3A_556, %dma_start3A_561] : memref<6272x128xi32, #tpu.memory_space<hbm>> -> memref<4x128xi32, #tpu.memory_space<hbm>>
          %dma_start3A_563 = arith.constant 0 : i32
          %dma_start3A_564 = arith.constant 0 : i32
          %dma_start3A_565 = tpu.memref_slice %arg13[%select_n3A_549, %dma_start3A_563, %dma_start3A_564] : memref<4x4x128xi32, #tpu.memory_space<vmem>> -> memref<1x4x128xi32, #tpu.memory_space<vmem>>
          %dma_start3A_566 = tpu.memref_squeeze %dma_start3A_565 : memref<1x4x128xi32, #tpu.memory_space<vmem>> -> memref<4x128xi32, #tpu.memory_space<vmem>>
          %dma_start3A_567 = arith.constant 0 : i32
          %dma_start3A_568 = tpu.memref_slice %arg4[%add3A_556, %dma_start3A_567] : memref<6272x128xi32, #tpu.memory_space<hbm>> -> memref<4x128xi32, #tpu.memory_space<hbm>>
          tpu.enqueue_dma source(%dma_start3A_568 : memref<4x128xi32, #tpu.memory_space<hbm>>) target(%dma_start3A_566 : memref<4x128xi32, #tpu.memory_space<vmem>>) target_semaphore(%arg24 : memref<!tpu.dma_semaphore, #tpu.memory_space<semaphore_mem>>)
          %dma_start3A_569 = arith.constant 0 : i32
          %dma_start3A_570 = arith.constant 0 : i32
          %dma_start3A_571 = tpu.memref_slice %arg14[%select_n3A_549, %dma_start3A_569, %dma_start3A_570] : memref<4x4x128xi32, #tpu.memory_space<vmem>> -> memref<1x4x128xi32, #tpu.memory_space<vmem>>
          %dma_start3A_572 = tpu.memref_squeeze %dma_start3A_571 : memref<1x4x128xi32, #tpu.memory_space<vmem>> -> memref<4x128xi32, #tpu.memory_space<vmem>>
          %dma_start3A_573 = arith.constant 0 : i32
          %dma_start3A_574 = tpu.memref_slice %arg5[%add3A_556, %dma_start3A_573] : memref<6272x128xi32, #tpu.memory_space<hbm>> -> memref<4x128xi32, #tpu.memory_space<hbm>>
          %dma_start3A_575 = arith.constant 0 : i32
          %dma_start3A_576 = arith.constant 0 : i32
          %dma_start3A_577 = tpu.memref_slice %arg14[%select_n3A_549, %dma_start3A_575, %dma_start3A_576] : memref<4x4x128xi32, #tpu.memory_space<vmem>> -> memref<1x4x128xi32, #tpu.memory_space<vmem>>
          %dma_start3A_578 = tpu.memref_squeeze %dma_start3A_577 : memref<1x4x128xi32, #tpu.memory_space<vmem>> -> memref<4x128xi32, #tpu.memory_space<vmem>>
          %dma_start3A_579 = arith.constant 0 : i32
          %dma_start3A_580 = tpu.memref_slice %arg5[%add3A_556, %dma_start3A_579] : memref<6272x128xi32, #tpu.memory_space<hbm>> -> memref<4x128xi32, #tpu.memory_space<hbm>>
          tpu.enqueue_dma source(%dma_start3A_580 : memref<4x128xi32, #tpu.memory_space<hbm>>) target(%dma_start3A_578 : memref<4x128xi32, #tpu.memory_space<vmem>>) target_semaphore(%arg24 : memref<!tpu.dma_semaphore, #tpu.memory_space<semaphore_mem>>)
        } else {
        }
      } else {
      }
      %jit3A_379 = arith.constant 3 : i32
      %eq3A_380 = arith.constant 0 : i32
      %eq3A_381 = arith.cmpi eq, %jit3A_379, %eq3A_380 : i32
      %jit3A_382 = arith.constant 1 : i32
      %select_n3A_383 = arith.select %eq3A_381, %jit3A_382, %jit3A_379 : i32
      %rem3A_384 = arith.remsi %add3A_342, %select_n3A_383 : i32
      %ne3A_385 = arith.constant 0 : i32
      %ne3A_386 = arith.cmpi ne, %rem3A_384, %ne3A_385 : i32
      %lt3A_387 = arith.constant 0 : i32
      %lt3A_388 = arith.cmpi slt, %rem3A_384, %lt3A_387 : i32
      %lt3A_389 = arith.constant 0 : i32
      %lt3A_390 = arith.cmpi slt, %select_n3A_383, %lt3A_389 : i32
      %ne3A_391 = arith.xori %lt3A_388, %lt3A_390 : i1
      %and3A_392 = arith.andi %ne3A_391, %ne3A_386 : i1
      %add3A_393 = arith.addi %rem3A_384, %select_n3A_383 : i32
      %select_n3A_394 = arith.select %and3A_392, %add3A_393, %rem3A_384 : i32
      %eq3A_395 = arith.constant 0 : i32
      %eq3A_396 = arith.cmpi eq, %select_n3A_394, %eq3A_395 : i32
      %convert_element_type3A_397 = arith.extui %eq3A_396 : i1 to i32
      %cond3A_398 = arith.constant 0 : i32
      %cond3A_399 = arith.cmpi ne, %convert_element_type3A_397, %cond3A_398 : i32
      scf.if %cond3A_399 {
        %dma_wait3A_522 = arith.constant 0 : i32
        %dma_wait3A_523 = arith.constant 0 : i32
        %dma_wait3A_524 = arith.constant 0 : i32
        %dma_wait3A_525 = arith.constant 0 : i32
        %dma_wait3A_526 = arith.constant 0 : i32
        %dma_wait3A_527 = tpu.memref_slice %arg15[%dma_wait3A_524, %dma_wait3A_525, %dma_wait3A_526] : memref<6x128x32xf32, #tpu.memory_space<vmem>> -> memref<1x128x32xf32, #tpu.memory_space<vmem>>
        %dma_wait3A_528 = tpu.memref_squeeze %dma_wait3A_527 : memref<1x128x32xf32, #tpu.memory_space<vmem>> -> memref<128x32xf32, #tpu.memory_space<vmem>>
        %dma_wait3A_529 = arith.constant 0 : i32
        %dma_wait3A_530 = tpu.memref_slice %arg13[%dma_wait3A_522, %dma_wait3A_523, %dma_wait3A_529] : memref<4x4x128xi32, #tpu.memory_space<vmem>> -> memref<1x1x128xi32, #tpu.memory_space<vmem>>
        %dma_wait3A_531 = tpu.memref_squeeze %dma_wait3A_530 : memref<1x1x128xi32, #tpu.memory_space<vmem>> -> memref<128xi32, #tpu.memory_space<vmem>>
        %dma_wait3A_532 = arith.constant 0 : i32
        %dma_wait3A_533 = arith.constant 0 : i32
        %dma_wait3A_534 = tpu.memref_slice %arg9[%dma_wait3A_532, %dma_wait3A_533] : memref<50176x32xf32, #tpu.memory_space<hbm>> -> memref<50176x32xf32, #tpu.memory_space<hbm>>
        tpu.wait_indirect_dma semaphore(%arg25 : memref<!tpu.dma_semaphore, #tpu.memory_space<semaphore_mem>>) src(%dma_wait3A_534 : memref<50176x32xf32, #tpu.memory_space<hbm>>) dst(%dma_wait3A_528 : memref<128x32xf32, #tpu.memory_space<vmem>>)
      } else {
      }
      %eq3A_400 = arith.constant 1 : i32
      %eq3A_401 = arith.cmpi eq, %select_n3A_394, %eq3A_400 : i32
      %convert_element_type3A_402 = arith.extui %eq3A_401 : i1 to i32
      %cond3A_403 = arith.constant 0 : i32
      %cond3A_404 = arith.cmpi ne, %convert_element_type3A_402, %cond3A_403 : i32
      scf.if %cond3A_404 {
        %dma_wait3A_522 = arith.constant 0 : i32
        %dma_wait3A_523 = arith.constant 0 : i32
        %dma_wait3A_524 = arith.constant 0 : i32
        %dma_wait3A_525 = arith.constant 0 : i32
        %dma_wait3A_526 = arith.constant 0 : i32
        %dma_wait3A_527 = tpu.memref_slice %arg15[%dma_wait3A_524, %dma_wait3A_525, %dma_wait3A_526] : memref<6x128x32xf32, #tpu.memory_space<vmem>> -> memref<1x128x32xf32, #tpu.memory_space<vmem>>
        %dma_wait3A_528 = tpu.memref_squeeze %dma_wait3A_527 : memref<1x128x32xf32, #tpu.memory_space<vmem>> -> memref<128x32xf32, #tpu.memory_space<vmem>>
        %dma_wait3A_529 = arith.constant 0 : i32
        %dma_wait3A_530 = tpu.memref_slice %arg13[%dma_wait3A_522, %dma_wait3A_523, %dma_wait3A_529] : memref<4x4x128xi32, #tpu.memory_space<vmem>> -> memref<1x1x128xi32, #tpu.memory_space<vmem>>
        %dma_wait3A_531 = tpu.memref_squeeze %dma_wait3A_530 : memref<1x1x128xi32, #tpu.memory_space<vmem>> -> memref<128xi32, #tpu.memory_space<vmem>>
        %dma_wait3A_532 = arith.constant 0 : i32
        %dma_wait3A_533 = arith.constant 0 : i32
        %dma_wait3A_534 = tpu.memref_slice %arg9[%dma_wait3A_532, %dma_wait3A_533] : memref<50176x32xf32, #tpu.memory_space<hbm>> -> memref<50176x32xf32, #tpu.memory_space<hbm>>
        tpu.wait_indirect_dma semaphore(%arg26 : memref<!tpu.dma_semaphore, #tpu.memory_space<semaphore_mem>>) src(%dma_wait3A_534 : memref<50176x32xf32, #tpu.memory_space<hbm>>) dst(%dma_wait3A_528 : memref<128x32xf32, #tpu.memory_space<vmem>>)
      } else {
      }
      %eq3A_405 = arith.constant 2 : i32
      %eq3A_406 = arith.cmpi eq, %select_n3A_394, %eq3A_405 : i32
      %convert_element_type3A_407 = arith.extui %eq3A_406 : i1 to i32
      %cond3A_408 = arith.constant 0 : i32
      %cond3A_409 = arith.cmpi ne, %convert_element_type3A_407, %cond3A_408 : i32
      scf.if %cond3A_409 {
        %dma_wait3A_522 = arith.constant 0 : i32
        %dma_wait3A_523 = arith.constant 0 : i32
        %dma_wait3A_524 = arith.constant 0 : i32
        %dma_wait3A_525 = arith.constant 0 : i32
        %dma_wait3A_526 = arith.constant 0 : i32
        %dma_wait3A_527 = tpu.memref_slice %arg15[%dma_wait3A_524, %dma_wait3A_525, %dma_wait3A_526] : memref<6x128x32xf32, #tpu.memory_space<vmem>> -> memref<1x128x32xf32, #tpu.memory_space<vmem>>
        %dma_wait3A_528 = tpu.memref_squeeze %dma_wait3A_527 : memref<1x128x32xf32, #tpu.memory_space<vmem>> -> memref<128x32xf32, #tpu.memory_space<vmem>>
        %dma_wait3A_529 = arith.constant 0 : i32
        %dma_wait3A_530 = tpu.memref_slice %arg13[%dma_wait3A_522, %dma_wait3A_523, %dma_wait3A_529] : memref<4x4x128xi32, #tpu.memory_space<vmem>> -> memref<1x1x128xi32, #tpu.memory_space<vmem>>
        %dma_wait3A_531 = tpu.memref_squeeze %dma_wait3A_530 : memref<1x1x128xi32, #tpu.memory_space<vmem>> -> memref<128xi32, #tpu.memory_space<vmem>>
        %dma_wait3A_532 = arith.constant 0 : i32
        %dma_wait3A_533 = arith.constant 0 : i32
        %dma_wait3A_534 = tpu.memref_slice %arg9[%dma_wait3A_532, %dma_wait3A_533] : memref<50176x32xf32, #tpu.memory_space<hbm>> -> memref<50176x32xf32, #tpu.memory_space<hbm>>
        tpu.wait_indirect_dma semaphore(%arg27 : memref<!tpu.dma_semaphore, #tpu.memory_space<semaphore_mem>>) src(%dma_wait3A_534 : memref<50176x32xf32, #tpu.memory_space<hbm>>) dst(%dma_wait3A_528 : memref<128x32xf32, #tpu.memory_space<vmem>>)
      } else {
      }
      %ge3A = arith.constant 3 : i32
      %ge3A_410 = arith.cmpi sge, %add3A_342, %ge3A : i32
      %convert_element_type3A_411 = arith.extui %ge3A_410 : i1 to i32
      %cond3A_412 = arith.constant 0 : i32
      %cond3A_413 = arith.cmpi ne, %convert_element_type3A_411, %cond3A_412 : i32
      scf.if %cond3A_413 {
        %jit3A_522 = arith.constant 3 : i32
        %eq3A_523 = arith.constant 0 : i32
        %eq3A_524 = arith.cmpi eq, %jit3A_522, %eq3A_523 : i32
        %jit3A_525 = arith.constant 1 : i32
        %select_n3A_526 = arith.select %eq3A_524, %jit3A_525, %jit3A_522 : i32
        %rem3A_527 = arith.remsi %add3A_342, %select_n3A_526 : i32
        %ne3A_528 = arith.constant 0 : i32
        %ne3A_529 = arith.cmpi ne, %rem3A_527, %ne3A_528 : i32
        %lt3A_530 = arith.constant 0 : i32
        %lt3A_531 = arith.cmpi slt, %rem3A_527, %lt3A_530 : i32
        %lt3A_532 = arith.constant 0 : i32
        %lt3A_533 = arith.cmpi slt, %select_n3A_526, %lt3A_532 : i32
        %ne3A_534 = arith.xori %lt3A_531, %lt3A_533 : i1
        %and3A_535 = arith.andi %ne3A_534, %ne3A_529 : i1
        %add3A_536 = arith.addi %rem3A_527, %select_n3A_526 : i32
        %select_n3A_537 = arith.select %and3A_535, %add3A_536, %rem3A_527 : i32
        %jit3A_538 = arith.constant 3 : i32
        %eq3A_539 = arith.constant 0 : i32
        %eq3A_540 = arith.cmpi eq, %jit3A_538, %eq3A_539 : i32
        %jit3A_541 = arith.constant 1 : i32
        %select_n3A_542 = arith.select %eq3A_540, %jit3A_541, %jit3A_538 : i32
        %rem3A_543 = arith.remsi %select_n3A_537, %select_n3A_542 : i32
        %ne3A_544 = arith.constant 0 : i32
        %ne3A_545 = arith.cmpi ne, %rem3A_543, %ne3A_544 : i32
        %lt3A_546 = arith.constant 0 : i32
        %lt3A_547 = arith.cmpi slt, %rem3A_543, %lt3A_546 : i32
        %lt3A_548 = arith.constant 0 : i32
        %lt3A_549 = arith.cmpi slt, %select_n3A_542, %lt3A_548 : i32
        %ne3A_550 = arith.xori %lt3A_547, %lt3A_549 : i1
        %and3A_551 = arith.andi %ne3A_550, %ne3A_545 : i1
        %add3A_552 = arith.addi %rem3A_543, %select_n3A_542 : i32
        %select_n3A_553 = arith.select %and3A_551, %add3A_552, %rem3A_543 : i32
        %eq3A_554 = arith.constant 0 : i32
        %eq3A_555 = arith.cmpi eq, %select_n3A_553, %eq3A_554 : i32
        %convert_element_type3A_556 = arith.extui %eq3A_555 : i1 to i32
        %cond3A_557 = arith.constant 0 : i32
        %cond3A_558 = arith.cmpi ne, %convert_element_type3A_556, %cond3A_557 : i32
        scf.if %cond3A_558 {
          %dma_wait3A_569 = arith.constant 0 : i32
          %dma_wait3A_570 = arith.constant 0 : i32
          %dma_wait3A_571 = arith.constant 0 : i32
          %dma_wait3A_572 = arith.constant 0 : i32
          %dma_wait3A_573 = arith.constant 0 : i32
          %dma_wait3A_574 = tpu.memref_slice %arg15[%dma_wait3A_569, %dma_wait3A_572, %dma_wait3A_573] : memref<6x128x32xf32, #tpu.memory_space<vmem>> -> memref<1x128x32xf32, #tpu.memory_space<vmem>>
          %dma_wait3A_575 = tpu.memref_squeeze %dma_wait3A_574 : memref<1x128x32xf32, #tpu.memory_space<vmem>> -> memref<128x32xf32, #tpu.memory_space<vmem>>
          %dma_wait3A_576 = arith.constant 0 : i32
          %dma_wait3A_577 = tpu.memref_slice %arg14[%dma_wait3A_570, %dma_wait3A_571, %dma_wait3A_576] : memref<4x4x128xi32, #tpu.memory_space<vmem>> -> memref<1x1x128xi32, #tpu.memory_space<vmem>>
          %dma_wait3A_578 = tpu.memref_squeeze %dma_wait3A_577 : memref<1x1x128xi32, #tpu.memory_space<vmem>> -> memref<128xi32, #tpu.memory_space<vmem>>
          %dma_wait3A_579 = arith.constant 0 : i32
          %dma_wait3A_580 = arith.constant 0 : i32
          %dma_wait3A_581 = tpu.memref_slice %arg22[%dma_wait3A_579, %dma_wait3A_580] : memref<50176x32xf32, #tpu.memory_space<vmem_shared>> -> memref<50176x32xf32, #tpu.memory_space<vmem_shared>>
          tpu.wait_indirect_dma semaphore(%arg28 : memref<!tpu.dma_semaphore, #tpu.memory_space<semaphore_mem>>) src(%dma_wait3A_575 : memref<128x32xf32, #tpu.memory_space<vmem>>) dst(%dma_wait3A_581 : memref<50176x32xf32, #tpu.memory_space<vmem_shared>>)
        } else {
        }
        %eq3A_559 = arith.constant 1 : i32
        %eq3A_560 = arith.cmpi eq, %select_n3A_553, %eq3A_559 : i32
        %convert_element_type3A_561 = arith.extui %eq3A_560 : i1 to i32
        %cond3A_562 = arith.constant 0 : i32
        %cond3A_563 = arith.cmpi ne, %convert_element_type3A_561, %cond3A_562 : i32
        scf.if %cond3A_563 {
          %dma_wait3A_569 = arith.constant 0 : i32
          %dma_wait3A_570 = arith.constant 0 : i32
          %dma_wait3A_571 = arith.constant 0 : i32
          %dma_wait3A_572 = arith.constant 0 : i32
          %dma_wait3A_573 = arith.constant 0 : i32
          %dma_wait3A_574 = tpu.memref_slice %arg15[%dma_wait3A_569, %dma_wait3A_572, %dma_wait3A_573] : memref<6x128x32xf32, #tpu.memory_space<vmem>> -> memref<1x128x32xf32, #tpu.memory_space<vmem>>
          %dma_wait3A_575 = tpu.memref_squeeze %dma_wait3A_574 : memref<1x128x32xf32, #tpu.memory_space<vmem>> -> memref<128x32xf32, #tpu.memory_space<vmem>>
          %dma_wait3A_576 = arith.constant 0 : i32
          %dma_wait3A_577 = tpu.memref_slice %arg14[%dma_wait3A_570, %dma_wait3A_571, %dma_wait3A_576] : memref<4x4x128xi32, #tpu.memory_space<vmem>> -> memref<1x1x128xi32, #tpu.memory_space<vmem>>
          %dma_wait3A_578 = tpu.memref_squeeze %dma_wait3A_577 : memref<1x1x128xi32, #tpu.memory_space<vmem>> -> memref<128xi32, #tpu.memory_space<vmem>>
          %dma_wait3A_579 = arith.constant 0 : i32
          %dma_wait3A_580 = arith.constant 0 : i32
          %dma_wait3A_581 = tpu.memref_slice %arg22[%dma_wait3A_579, %dma_wait3A_580] : memref<50176x32xf32, #tpu.memory_space<vmem_shared>> -> memref<50176x32xf32, #tpu.memory_space<vmem_shared>>
          tpu.wait_indirect_dma semaphore(%arg29 : memref<!tpu.dma_semaphore, #tpu.memory_space<semaphore_mem>>) src(%dma_wait3A_575 : memref<128x32xf32, #tpu.memory_space<vmem>>) dst(%dma_wait3A_581 : memref<50176x32xf32, #tpu.memory_space<vmem_shared>>)
        } else {
        }
        %eq3A_564 = arith.constant 2 : i32
        %eq3A_565 = arith.cmpi eq, %select_n3A_553, %eq3A_564 : i32
        %convert_element_type3A_566 = arith.extui %eq3A_565 : i1 to i32
        %cond3A_567 = arith.constant 0 : i32
        %cond3A_568 = arith.cmpi ne, %convert_element_type3A_566, %cond3A_567 : i32
        scf.if %cond3A_568 {
          %dma_wait3A_569 = arith.constant 0 : i32
          %dma_wait3A_570 = arith.constant 0 : i32
          %dma_wait3A_571 = arith.constant 0 : i32
          %dma_wait3A_572 = arith.constant 0 : i32
          %dma_wait3A_573 = arith.constant 0 : i32
          %dma_wait3A_574 = tpu.memref_slice %arg15[%dma_wait3A_569, %dma_wait3A_572, %dma_wait3A_573] : memref<6x128x32xf32, #tpu.memory_space<vmem>> -> memref<1x128x32xf32, #tpu.memory_space<vmem>>
          %dma_wait3A_575 = tpu.memref_squeeze %dma_wait3A_574 : memref<1x128x32xf32, #tpu.memory_space<vmem>> -> memref<128x32xf32, #tpu.memory_space<vmem>>
          %dma_wait3A_576 = arith.constant 0 : i32
          %dma_wait3A_577 = tpu.memref_slice %arg14[%dma_wait3A_570, %dma_wait3A_571, %dma_wait3A_576] : memref<4x4x128xi32, #tpu.memory_space<vmem>> -> memref<1x1x128xi32, #tpu.memory_space<vmem>>
          %dma_wait3A_578 = tpu.memref_squeeze %dma_wait3A_577 : memref<1x1x128xi32, #tpu.memory_space<vmem>> -> memref<128xi32, #tpu.memory_space<vmem>>
          %dma_wait3A_579 = arith.constant 0 : i32
          %dma_wait3A_580 = arith.constant 0 : i32
          %dma_wait3A_581 = tpu.memref_slice %arg22[%dma_wait3A_579, %dma_wait3A_580] : memref<50176x32xf32, #tpu.memory_space<vmem_shared>> -> memref<50176x32xf32, #tpu.memory_space<vmem_shared>>
          tpu.wait_indirect_dma semaphore(%arg30 : memref<!tpu.dma_semaphore, #tpu.memory_space<semaphore_mem>>) src(%dma_wait3A_575 : memref<128x32xf32, #tpu.memory_space<vmem>>) dst(%dma_wait3A_581 : memref<50176x32xf32, #tpu.memory_space<vmem_shared>>)
        } else {
        }
      } else {
      }
      %lt3A_414 = arith.constant 389 : i32
      %lt3A_415 = arith.cmpi slt, %add3A_342, %lt3A_414 : i32
      %convert_element_type3A_416 = arith.extui %lt3A_415 : i1 to i32
      %cond3A_417 = arith.constant 0 : i32
      %cond3A_418 = arith.cmpi ne, %convert_element_type3A_416, %cond3A_417 : i32
      scf.if %cond3A_418 {
        %add3A_522 = arith.constant 3 : i32
        %add3A_523 = arith.addi %add3A_342, %add3A_522 : i32
        %jit3A_524 = arith.constant 4 : i32
        %div3A_525 = arith.divsi %add3A_523, %jit3A_524 : i32
        %sign3A_526 = arith.constant 0 : i32
        %sign3A_527 = arith.cmpi sgt, %add3A_523, %sign3A_526 : i32
        %sign3A_528 = arith.extui %sign3A_527 : i1 to i32
        %sign3A_529 = arith.constant 0 : i32
        %sign3A_530 = arith.cmpi slt, %add3A_523, %sign3A_529 : i32
        %sign3A_531 = arith.extui %sign3A_530 : i1 to i32
        %sign3A_532 = arith.subi %sign3A_528, %sign3A_531 : i32
        %sign3A_533 = arith.constant 0 : i32
        %sign3A_534 = arith.cmpi sgt, %jit3A_524, %sign3A_533 : i32
        %sign3A_535 = arith.extui %sign3A_534 : i1 to i32
        %sign3A_536 = arith.constant 0 : i32
        %sign3A_537 = arith.cmpi slt, %jit3A_524, %sign3A_536 : i32
        %sign3A_538 = arith.extui %sign3A_537 : i1 to i32
        %sign3A_539 = arith.subi %sign3A_535, %sign3A_538 : i32
        %ne3A_540 = arith.cmpi ne, %sign3A_532, %sign3A_539 : i32
        %rem3A_541 = arith.remsi %add3A_523, %jit3A_524 : i32
        %ne3A_542 = arith.constant 0 : i32
        %ne3A_543 = arith.cmpi ne, %rem3A_541, %ne3A_542 : i32
        %and3A_544 = arith.andi %ne3A_540, %ne3A_543 : i1
        %sub3A_545 = arith.constant 1 : i32
        %sub3A_546 = arith.subi %div3A_525, %sub3A_545 : i32
        %select_n3A_547 = arith.select %and3A_544, %sub3A_546, %div3A_525 : i32
        %jit3A_548 = arith.constant 4 : i32
        %eq3A_549 = arith.constant 0 : i32
        %eq3A_550 = arith.cmpi eq, %jit3A_548, %eq3A_549 : i32
        %jit3A_551 = arith.constant 1 : i32
        %select_n3A_552 = arith.select %eq3A_550, %jit3A_551, %jit3A_548 : i32
        %rem3A_553 = arith.remsi %select_n3A_547, %select_n3A_552 : i32
        %ne3A_554 = arith.constant 0 : i32
        %ne3A_555 = arith.cmpi ne, %rem3A_553, %ne3A_554 : i32
        %lt3A_556 = arith.constant 0 : i32
        %lt3A_557 = arith.cmpi slt, %rem3A_553, %lt3A_556 : i32
        %lt3A_558 = arith.constant 0 : i32
        %lt3A_559 = arith.cmpi slt, %select_n3A_552, %lt3A_558 : i32
        %ne3A_560 = arith.xori %lt3A_557, %lt3A_559 : i1
        %and3A_561 = arith.andi %ne3A_560, %ne3A_555 : i1
        %add3A_562 = arith.addi %rem3A_553, %select_n3A_552 : i32
        %select_n3A_563 = arith.select %and3A_561, %add3A_562, %rem3A_553 : i32
        %jit3A_564 = arith.constant 4 : i32
        %eq3A_565 = arith.constant 0 : i32
        %eq3A_566 = arith.cmpi eq, %jit3A_564, %eq3A_565 : i32
        %jit3A_567 = arith.constant 1 : i32
        %select_n3A_568 = arith.select %eq3A_566, %jit3A_567, %jit3A_564 : i32
        %rem3A_569 = arith.remsi %add3A_523, %select_n3A_568 : i32
        %ne3A_570 = arith.constant 0 : i32
        %ne3A_571 = arith.cmpi ne, %rem3A_569, %ne3A_570 : i32
        %lt3A_572 = arith.constant 0 : i32
        %lt3A_573 = arith.cmpi slt, %rem3A_569, %lt3A_572 : i32
        %lt3A_574 = arith.constant 0 : i32
        %lt3A_575 = arith.cmpi slt, %select_n3A_568, %lt3A_574 : i32
        %ne3A_576 = arith.xori %lt3A_573, %lt3A_575 : i1
        %and3A_577 = arith.andi %ne3A_576, %ne3A_571 : i1
        %add3A_578 = arith.addi %rem3A_569, %select_n3A_568 : i32
        %select_n3A_579 = arith.select %and3A_577, %add3A_578, %rem3A_569 : i32
        %jit3A_580 = arith.constant 6 : i32
        %eq3A_581 = arith.constant 0 : i32
        %eq3A_582 = arith.cmpi eq, %jit3A_580, %eq3A_581 : i32
        %jit3A_583 = arith.constant 1 : i32
        %select_n3A_584 = arith.select %eq3A_582, %jit3A_583, %jit3A_580 : i32
        %rem3A_585 = arith.remsi %add3A_523, %select_n3A_584 : i32
        %ne3A_586 = arith.constant 0 : i32
        %ne3A_587 = arith.cmpi ne, %rem3A_585, %ne3A_586 : i32
        %lt3A_588 = arith.constant 0 : i32
        %lt3A_589 = arith.cmpi slt, %rem3A_585, %lt3A_588 : i32
        %lt3A_590 = arith.constant 0 : i32
        %lt3A_591 = arith.cmpi slt, %select_n3A_584, %lt3A_590 : i32
        %ne3A_592 = arith.xori %lt3A_589, %lt3A_591 : i1
        %and3A_593 = arith.andi %ne3A_592, %ne3A_587 : i1
        %add3A_594 = arith.addi %rem3A_585, %select_n3A_584 : i32
        %select_n3A_595 = arith.select %and3A_593, %add3A_594, %rem3A_585 : i32
        %jit3A_596 = arith.constant 3 : i32
        %eq3A_597 = arith.constant 0 : i32
        %eq3A_598 = arith.cmpi eq, %jit3A_596, %eq3A_597 : i32
        %jit3A_599 = arith.constant 1 : i32
        %select_n3A_600 = arith.select %eq3A_598, %jit3A_599, %jit3A_596 : i32
        %rem3A_601 = arith.remsi %add3A_523, %select_n3A_600 : i32
        %ne3A_602 = arith.constant 0 : i32
        %ne3A_603 = arith.cmpi ne, %rem3A_601, %ne3A_602 : i32
        %lt3A_604 = arith.constant 0 : i32
        %lt3A_605 = arith.cmpi slt, %rem3A_601, %lt3A_604 : i32
        %lt3A_606 = arith.constant 0 : i32
        %lt3A_607 = arith.cmpi slt, %select_n3A_600, %lt3A_606 : i32
        %ne3A_608 = arith.xori %lt3A_605, %lt3A_607 : i1
        %and3A_609 = arith.andi %ne3A_608, %ne3A_603 : i1
        %add3A_610 = arith.addi %rem3A_601, %select_n3A_600 : i32
        %select_n3A_611 = arith.select %and3A_609, %add3A_610, %rem3A_601 : i32
        %eq3A_612 = arith.constant 0 : i32
        %eq3A_613 = arith.cmpi eq, %select_n3A_611, %eq3A_612 : i32
        %convert_element_type3A_614 = arith.extui %eq3A_613 : i1 to i32
        %cond3A_615 = arith.constant 0 : i32
        %cond3A_616 = arith.cmpi ne, %convert_element_type3A_614, %cond3A_615 : i32
        scf.if %cond3A_616 {
          %eq3A_627 = arith.constant 0 : i32
          %eq3A_628 = arith.cmpi eq, %arg0, %eq3A_627 : i32
          %convert_element_type3A_629 = arith.extui %eq3A_628 : i1 to i32
          %cond3A_630 = arith.constant 0 : i32
          %cond3A_631 = arith.cmpi ne, %convert_element_type3A_629, %cond3A_630 : i32
          scf.if %cond3A_631 {
            %dma_start3A_637 = arith.constant 0 : i32
            %dma_start3A_638 = arith.constant 0 : i32
            %dma_start3A_639 = tpu.memref_slice %arg15[%select_n3A_595, %dma_start3A_637, %dma_start3A_638] : memref<6x128x32xf32, #tpu.memory_space<vmem>> -> memref<1x128x32xf32, #tpu.memory_space<vmem>>
            %dma_start3A_640 = tpu.memref_squeeze %dma_start3A_639 : memref<1x128x32xf32, #tpu.memory_space<vmem>> -> memref<128x32xf32, #tpu.memory_space<vmem>>
            %dma_start3A_641 = arith.constant 0 : i32
            %dma_start3A_642 = tpu.memref_slice %arg13[%select_n3A_563, %select_n3A_579, %dma_start3A_641] : memref<4x4x128xi32, #tpu.memory_space<vmem>> -> memref<1x1x128xi32, #tpu.memory_space<vmem>>
            %dma_start3A_643 = tpu.memref_squeeze %dma_start3A_642 : memref<1x1x128xi32, #tpu.memory_space<vmem>> -> memref<128xi32, #tpu.memory_space<vmem>>
            %dma_start3A_644 = arith.constant 0 : i32
            %dma_start3A_645 = arith.constant 0 : i32
            %dma_start3A_646 = tpu.memref_slice %arg9[%dma_start3A_644, %dma_start3A_645] : memref<50176x32xf32, #tpu.memory_space<hbm>> -> memref<50176x32xf32, #tpu.memory_space<hbm>>
            tpu.enqueue_indirect_dma source(%dma_start3A_646 : memref<50176x32xf32, #tpu.memory_space<hbm>>) target(%dma_start3A_640 : memref<128x32xf32, #tpu.memory_space<vmem>>) offsets(%dma_start3A_643 : memref<128xi32, #tpu.memory_space<vmem>>) semaphore(%arg25 : memref<!tpu.dma_semaphore, #tpu.memory_space<semaphore_mem>>)
          } else {
          }
          %eq3A_632 = arith.constant 1 : i32
          %eq3A_633 = arith.cmpi eq, %arg0, %eq3A_632 : i32
          %convert_element_type3A_634 = arith.extui %eq3A_633 : i1 to i32
          %cond3A_635 = arith.constant 0 : i32
          %cond3A_636 = arith.cmpi ne, %convert_element_type3A_634, %cond3A_635 : i32
          scf.if %cond3A_636 {
            %dma_start3A_637 = arith.constant 0 : i32
            %dma_start3A_638 = arith.constant 0 : i32
            %dma_start3A_639 = tpu.memref_slice %arg15[%select_n3A_595, %dma_start3A_637, %dma_start3A_638] : memref<6x128x32xf32, #tpu.memory_space<vmem>> -> memref<1x128x32xf32, #tpu.memory_space<vmem>>
            %dma_start3A_640 = tpu.memref_squeeze %dma_start3A_639 : memref<1x128x32xf32, #tpu.memory_space<vmem>> -> memref<128x32xf32, #tpu.memory_space<vmem>>
            %dma_start3A_641 = arith.constant 0 : i32
            %dma_start3A_642 = tpu.memref_slice %arg13[%select_n3A_563, %select_n3A_579, %dma_start3A_641] : memref<4x4x128xi32, #tpu.memory_space<vmem>> -> memref<1x1x128xi32, #tpu.memory_space<vmem>>
            %dma_start3A_643 = tpu.memref_squeeze %dma_start3A_642 : memref<1x1x128xi32, #tpu.memory_space<vmem>> -> memref<128xi32, #tpu.memory_space<vmem>>
            %dma_start3A_644 = arith.constant 0 : i32
            %dma_start3A_645 = arith.constant 0 : i32
            %dma_start3A_646 = tpu.memref_slice %arg10[%dma_start3A_644, %dma_start3A_645] : memref<50176x32xf32, #tpu.memory_space<hbm>> -> memref<50176x32xf32, #tpu.memory_space<hbm>>
            tpu.enqueue_indirect_dma source(%dma_start3A_646 : memref<50176x32xf32, #tpu.memory_space<hbm>>) target(%dma_start3A_640 : memref<128x32xf32, #tpu.memory_space<vmem>>) offsets(%dma_start3A_643 : memref<128xi32, #tpu.memory_space<vmem>>) semaphore(%arg25 : memref<!tpu.dma_semaphore, #tpu.memory_space<semaphore_mem>>)
          } else {
          }
        } else {
        }
        %eq3A_617 = arith.constant 1 : i32
        %eq3A_618 = arith.cmpi eq, %select_n3A_611, %eq3A_617 : i32
        %convert_element_type3A_619 = arith.extui %eq3A_618 : i1 to i32
        %cond3A_620 = arith.constant 0 : i32
        %cond3A_621 = arith.cmpi ne, %convert_element_type3A_619, %cond3A_620 : i32
        scf.if %cond3A_621 {
          %eq3A_627 = arith.constant 0 : i32
          %eq3A_628 = arith.cmpi eq, %arg0, %eq3A_627 : i32
          %convert_element_type3A_629 = arith.extui %eq3A_628 : i1 to i32
          %cond3A_630 = arith.constant 0 : i32
          %cond3A_631 = arith.cmpi ne, %convert_element_type3A_629, %cond3A_630 : i32
          scf.if %cond3A_631 {
            %dma_start3A_637 = arith.constant 0 : i32
            %dma_start3A_638 = arith.constant 0 : i32
            %dma_start3A_639 = tpu.memref_slice %arg15[%select_n3A_595, %dma_start3A_637, %dma_start3A_638] : memref<6x128x32xf32, #tpu.memory_space<vmem>> -> memref<1x128x32xf32, #tpu.memory_space<vmem>>
            %dma_start3A_640 = tpu.memref_squeeze %dma_start3A_639 : memref<1x128x32xf32, #tpu.memory_space<vmem>> -> memref<128x32xf32, #tpu.memory_space<vmem>>
            %dma_start3A_641 = arith.constant 0 : i32
            %dma_start3A_642 = tpu.memref_slice %arg13[%select_n3A_563, %select_n3A_579, %dma_start3A_641] : memref<4x4x128xi32, #tpu.memory_space<vmem>> -> memref<1x1x128xi32, #tpu.memory_space<vmem>>
            %dma_start3A_643 = tpu.memref_squeeze %dma_start3A_642 : memref<1x1x128xi32, #tpu.memory_space<vmem>> -> memref<128xi32, #tpu.memory_space<vmem>>
            %dma_start3A_644 = arith.constant 0 : i32
            %dma_start3A_645 = arith.constant 0 : i32
            %dma_start3A_646 = tpu.memref_slice %arg9[%dma_start3A_644, %dma_start3A_645] : memref<50176x32xf32, #tpu.memory_space<hbm>> -> memref<50176x32xf32, #tpu.memory_space<hbm>>
            tpu.enqueue_indirect_dma source(%dma_start3A_646 : memref<50176x32xf32, #tpu.memory_space<hbm>>) target(%dma_start3A_640 : memref<128x32xf32, #tpu.memory_space<vmem>>) offsets(%dma_start3A_643 : memref<128xi32, #tpu.memory_space<vmem>>) semaphore(%arg26 : memref<!tpu.dma_semaphore, #tpu.memory_space<semaphore_mem>>)
          } else {
          }
          %eq3A_632 = arith.constant 1 : i32
          %eq3A_633 = arith.cmpi eq, %arg0, %eq3A_632 : i32
          %convert_element_type3A_634 = arith.extui %eq3A_633 : i1 to i32
          %cond3A_635 = arith.constant 0 : i32
          %cond3A_636 = arith.cmpi ne, %convert_element_type3A_634, %cond3A_635 : i32
          scf.if %cond3A_636 {
            %dma_start3A_637 = arith.constant 0 : i32
            %dma_start3A_638 = arith.constant 0 : i32
            %dma_start3A_639 = tpu.memref_slice %arg15[%select_n3A_595, %dma_start3A_637, %dma_start3A_638] : memref<6x128x32xf32, #tpu.memory_space<vmem>> -> memref<1x128x32xf32, #tpu.memory_space<vmem>>
            %dma_start3A_640 = tpu.memref_squeeze %dma_start3A_639 : memref<1x128x32xf32, #tpu.memory_space<vmem>> -> memref<128x32xf32, #tpu.memory_space<vmem>>
            %dma_start3A_641 = arith.constant 0 : i32
            %dma_start3A_642 = tpu.memref_slice %arg13[%select_n3A_563, %select_n3A_579, %dma_start3A_641] : memref<4x4x128xi32, #tpu.memory_space<vmem>> -> memref<1x1x128xi32, #tpu.memory_space<vmem>>
            %dma_start3A_643 = tpu.memref_squeeze %dma_start3A_642 : memref<1x1x128xi32, #tpu.memory_space<vmem>> -> memref<128xi32, #tpu.memory_space<vmem>>
            %dma_start3A_644 = arith.constant 0 : i32
            %dma_start3A_645 = arith.constant 0 : i32
            %dma_start3A_646 = tpu.memref_slice %arg10[%dma_start3A_644, %dma_start3A_645] : memref<50176x32xf32, #tpu.memory_space<hbm>> -> memref<50176x32xf32, #tpu.memory_space<hbm>>
            tpu.enqueue_indirect_dma source(%dma_start3A_646 : memref<50176x32xf32, #tpu.memory_space<hbm>>) target(%dma_start3A_640 : memref<128x32xf32, #tpu.memory_space<vmem>>) offsets(%dma_start3A_643 : memref<128xi32, #tpu.memory_space<vmem>>) semaphore(%arg26 : memref<!tpu.dma_semaphore, #tpu.memory_space<semaphore_mem>>)
          } else {
          }
        } else {
        }
        %eq3A_622 = arith.constant 2 : i32
        %eq3A_623 = arith.cmpi eq, %select_n3A_611, %eq3A_622 : i32
        %convert_element_type3A_624 = arith.extui %eq3A_623 : i1 to i32
        %cond3A_625 = arith.constant 0 : i32
        %cond3A_626 = arith.cmpi ne, %convert_element_type3A_624, %cond3A_625 : i32
        scf.if %cond3A_626 {
          %eq3A_627 = arith.constant 0 : i32
          %eq3A_628 = arith.cmpi eq, %arg0, %eq3A_627 : i32
          %convert_element_type3A_629 = arith.extui %eq3A_628 : i1 to i32
          %cond3A_630 = arith.constant 0 : i32
          %cond3A_631 = arith.cmpi ne, %convert_element_type3A_629, %cond3A_630 : i32
          scf.if %cond3A_631 {
            %dma_start3A_637 = arith.constant 0 : i32
            %dma_start3A_638 = arith.constant 0 : i32
            %dma_start3A_639 = tpu.memref_slice %arg15[%select_n3A_595, %dma_start3A_637, %dma_start3A_638] : memref<6x128x32xf32, #tpu.memory_space<vmem>> -> memref<1x128x32xf32, #tpu.memory_space<vmem>>
            %dma_start3A_640 = tpu.memref_squeeze %dma_start3A_639 : memref<1x128x32xf32, #tpu.memory_space<vmem>> -> memref<128x32xf32, #tpu.memory_space<vmem>>
            %dma_start3A_641 = arith.constant 0 : i32
            %dma_start3A_642 = tpu.memref_slice %arg13[%select_n3A_563, %select_n3A_579, %dma_start3A_641] : memref<4x4x128xi32, #tpu.memory_space<vmem>> -> memref<1x1x128xi32, #tpu.memory_space<vmem>>
            %dma_start3A_643 = tpu.memref_squeeze %dma_start3A_642 : memref<1x1x128xi32, #tpu.memory_space<vmem>> -> memref<128xi32, #tpu.memory_space<vmem>>
            %dma_start3A_644 = arith.constant 0 : i32
            %dma_start3A_645 = arith.constant 0 : i32
            %dma_start3A_646 = tpu.memref_slice %arg9[%dma_start3A_644, %dma_start3A_645] : memref<50176x32xf32, #tpu.memory_space<hbm>> -> memref<50176x32xf32, #tpu.memory_space<hbm>>
            tpu.enqueue_indirect_dma source(%dma_start3A_646 : memref<50176x32xf32, #tpu.memory_space<hbm>>) target(%dma_start3A_640 : memref<128x32xf32, #tpu.memory_space<vmem>>) offsets(%dma_start3A_643 : memref<128xi32, #tpu.memory_space<vmem>>) semaphore(%arg27 : memref<!tpu.dma_semaphore, #tpu.memory_space<semaphore_mem>>)
          } else {
          }
          %eq3A_632 = arith.constant 1 : i32
          %eq3A_633 = arith.cmpi eq, %arg0, %eq3A_632 : i32
          %convert_element_type3A_634 = arith.extui %eq3A_633 : i1 to i32
          %cond3A_635 = arith.constant 0 : i32
          %cond3A_636 = arith.cmpi ne, %convert_element_type3A_634, %cond3A_635 : i32
          scf.if %cond3A_636 {
            %dma_start3A_637 = arith.constant 0 : i32
            %dma_start3A_638 = arith.constant 0 : i32
            %dma_start3A_639 = tpu.memref_slice %arg15[%select_n3A_595, %dma_start3A_637, %dma_start3A_638] : memref<6x128x32xf32, #tpu.memory_space<vmem>> -> memref<1x128x32xf32, #tpu.memory_space<vmem>>
            %dma_start3A_640 = tpu.memref_squeeze %dma_start3A_639 : memref<1x128x32xf32, #tpu.memory_space<vmem>> -> memref<128x32xf32, #tpu.memory_space<vmem>>
            %dma_start3A_641 = arith.constant 0 : i32
            %dma_start3A_642 = tpu.memref_slice %arg13[%select_n3A_563, %select_n3A_579, %dma_start3A_641] : memref<4x4x128xi32, #tpu.memory_space<vmem>> -> memref<1x1x128xi32, #tpu.memory_space<vmem>>
            %dma_start3A_643 = tpu.memref_squeeze %dma_start3A_642 : memref<1x1x128xi32, #tpu.memory_space<vmem>> -> memref<128xi32, #tpu.memory_space<vmem>>
            %dma_start3A_644 = arith.constant 0 : i32
            %dma_start3A_645 = arith.constant 0 : i32
            %dma_start3A_646 = tpu.memref_slice %arg10[%dma_start3A_644, %dma_start3A_645] : memref<50176x32xf32, #tpu.memory_space<hbm>> -> memref<50176x32xf32, #tpu.memory_space<hbm>>
            tpu.enqueue_indirect_dma source(%dma_start3A_646 : memref<50176x32xf32, #tpu.memory_space<hbm>>) target(%dma_start3A_640 : memref<128x32xf32, #tpu.memory_space<vmem>>) offsets(%dma_start3A_643 : memref<128xi32, #tpu.memory_space<vmem>>) semaphore(%arg27 : memref<!tpu.dma_semaphore, #tpu.memory_space<semaphore_mem>>)
          } else {
          }
        } else {
        }
      } else {
      }
      %jit3A_419 = arith.constant 4 : i32
      %div3A_420 = arith.divsi %add3A_342, %jit3A_419 : i32
      %sign3A_421 = arith.constant 0 : i32
      %sign3A_422 = arith.cmpi sgt, %add3A_342, %sign3A_421 : i32
      %sign3A_423 = arith.extui %sign3A_422 : i1 to i32
      %sign3A_424 = arith.constant 0 : i32
      %sign3A_425 = arith.cmpi slt, %add3A_342, %sign3A_424 : i32
      %sign3A_426 = arith.extui %sign3A_425 : i1 to i32
      %sign3A_427 = arith.subi %sign3A_423, %sign3A_426 : i32
      %sign3A_428 = arith.constant 0 : i32
      %sign3A_429 = arith.cmpi sgt, %jit3A_419, %sign3A_428 : i32
      %sign3A_430 = arith.extui %sign3A_429 : i1 to i32
      %sign3A_431 = arith.constant 0 : i32
      %sign3A_432 = arith.cmpi slt, %jit3A_419, %sign3A_431 : i32
      %sign3A_433 = arith.extui %sign3A_432 : i1 to i32
      %sign3A_434 = arith.subi %sign3A_430, %sign3A_433 : i32
      %ne3A_435 = arith.cmpi ne, %sign3A_427, %sign3A_434 : i32
      %rem3A_436 = arith.remsi %add3A_342, %jit3A_419 : i32
      %ne3A_437 = arith.constant 0 : i32
      %ne3A_438 = arith.cmpi ne, %rem3A_436, %ne3A_437 : i32
      %and3A_439 = arith.andi %ne3A_435, %ne3A_438 : i1
      %sub3A_440 = arith.constant 1 : i32
      %sub3A_441 = arith.subi %div3A_420, %sub3A_440 : i32
      %select_n3A_442 = arith.select %and3A_439, %sub3A_441, %div3A_420 : i32
      %jit3A_443 = arith.constant 4 : i32
      %eq3A_444 = arith.constant 0 : i32
      %eq3A_445 = arith.cmpi eq, %jit3A_443, %eq3A_444 : i32
      %jit3A_446 = arith.constant 1 : i32
      %select_n3A_447 = arith.select %eq3A_445, %jit3A_446, %jit3A_443 : i32
      %rem3A_448 = arith.remsi %select_n3A_442, %select_n3A_447 : i32
      %ne3A_449 = arith.constant 0 : i32
      %ne3A_450 = arith.cmpi ne, %rem3A_448, %ne3A_449 : i32
      %lt3A_451 = arith.constant 0 : i32
      %lt3A_452 = arith.cmpi slt, %rem3A_448, %lt3A_451 : i32
      %lt3A_453 = arith.constant 0 : i32
      %lt3A_454 = arith.cmpi slt, %select_n3A_447, %lt3A_453 : i32
      %ne3A_455 = arith.xori %lt3A_452, %lt3A_454 : i1
      %and3A_456 = arith.andi %ne3A_455, %ne3A_450 : i1
      %add3A_457 = arith.addi %rem3A_448, %select_n3A_447 : i32
      %select_n3A_458 = arith.select %and3A_456, %add3A_457, %rem3A_448 : i32
      %jit3A_459 = arith.constant 4 : i32
      %eq3A_460 = arith.constant 0 : i32
      %eq3A_461 = arith.cmpi eq, %jit3A_459, %eq3A_460 : i32
      %jit3A_462 = arith.constant 1 : i32
      %select_n3A_463 = arith.select %eq3A_461, %jit3A_462, %jit3A_459 : i32
      %rem3A_464 = arith.remsi %add3A_342, %select_n3A_463 : i32
      %ne3A_465 = arith.constant 0 : i32
      %ne3A_466 = arith.cmpi ne, %rem3A_464, %ne3A_465 : i32
      %lt3A_467 = arith.constant 0 : i32
      %lt3A_468 = arith.cmpi slt, %rem3A_464, %lt3A_467 : i32
      %lt3A_469 = arith.constant 0 : i32
      %lt3A_470 = arith.cmpi slt, %select_n3A_463, %lt3A_469 : i32
      %ne3A_471 = arith.xori %lt3A_468, %lt3A_470 : i1
      %and3A_472 = arith.andi %ne3A_471, %ne3A_466 : i1
      %add3A_473 = arith.addi %rem3A_464, %select_n3A_463 : i32
      %select_n3A_474 = arith.select %and3A_472, %add3A_473, %rem3A_464 : i32
      %jit3A_475 = arith.constant 6 : i32
      %eq3A_476 = arith.constant 0 : i32
      %eq3A_477 = arith.cmpi eq, %jit3A_475, %eq3A_476 : i32
      %jit3A_478 = arith.constant 1 : i32
      %select_n3A_479 = arith.select %eq3A_477, %jit3A_478, %jit3A_475 : i32
      %rem3A_480 = arith.remsi %add3A_342, %select_n3A_479 : i32
      %ne3A_481 = arith.constant 0 : i32
      %ne3A_482 = arith.cmpi ne, %rem3A_480, %ne3A_481 : i32
      %lt3A_483 = arith.constant 0 : i32
      %lt3A_484 = arith.cmpi slt, %rem3A_480, %lt3A_483 : i32
      %lt3A_485 = arith.constant 0 : i32
      %lt3A_486 = arith.cmpi slt, %select_n3A_479, %lt3A_485 : i32
      %ne3A_487 = arith.xori %lt3A_484, %lt3A_486 : i1
      %and3A_488 = arith.andi %ne3A_487, %ne3A_482 : i1
      %add3A_489 = arith.addi %rem3A_480, %select_n3A_479 : i32
      %select_n3A_490 = arith.select %and3A_488, %add3A_489, %rem3A_480 : i32
      %jit3A_491 = arith.constant 3 : i32
      %eq3A_492 = arith.constant 0 : i32
      %eq3A_493 = arith.cmpi eq, %jit3A_491, %eq3A_492 : i32
      %jit3A_494 = arith.constant 1 : i32
      %select_n3A_495 = arith.select %eq3A_493, %jit3A_494, %jit3A_491 : i32
      %rem3A_496 = arith.remsi %add3A_342, %select_n3A_495 : i32
      %ne3A_497 = arith.constant 0 : i32
      %ne3A_498 = arith.cmpi ne, %rem3A_496, %ne3A_497 : i32
      %lt3A_499 = arith.constant 0 : i32
      %lt3A_500 = arith.cmpi slt, %rem3A_496, %lt3A_499 : i32
      %lt3A_501 = arith.constant 0 : i32
      %lt3A_502 = arith.cmpi slt, %select_n3A_495, %lt3A_501 : i32
      %ne3A_503 = arith.xori %lt3A_500, %lt3A_502 : i1
      %and3A_504 = arith.andi %ne3A_503, %ne3A_498 : i1
      %add3A_505 = arith.addi %rem3A_496, %select_n3A_495 : i32
      %select_n3A_506 = arith.select %and3A_504, %add3A_505, %rem3A_496 : i32
      %eq3A_507 = arith.constant 0 : i32
      %eq3A_508 = arith.cmpi eq, %select_n3A_506, %eq3A_507 : i32
      %convert_element_type3A_509 = arith.extui %eq3A_508 : i1 to i32
      %cond3A_510 = arith.constant 0 : i32
      %cond3A_511 = arith.cmpi ne, %convert_element_type3A_509, %cond3A_510 : i32
      scf.if %cond3A_511 {
        %dma_start3A_522 = arith.constant 0 : i32
        %dma_start3A_523 = arith.constant 0 : i32
        %dma_start3A_524 = tpu.memref_slice %arg15[%select_n3A_490, %dma_start3A_522, %dma_start3A_523] : memref<6x128x32xf32, #tpu.memory_space<vmem>> -> memref<1x128x32xf32, #tpu.memory_space<vmem>>
        %dma_start3A_525 = tpu.memref_squeeze %dma_start3A_524 : memref<1x128x32xf32, #tpu.memory_space<vmem>> -> memref<128x32xf32, #tpu.memory_space<vmem>>
        %dma_start3A_526 = arith.constant 0 : i32
        %dma_start3A_527 = tpu.memref_slice %arg14[%select_n3A_458, %select_n3A_474, %dma_start3A_526] : memref<4x4x128xi32, #tpu.memory_space<vmem>> -> memref<1x1x128xi32, #tpu.memory_space<vmem>>
        %dma_start3A_528 = tpu.memref_squeeze %dma_start3A_527 : memref<1x1x128xi32, #tpu.memory_space<vmem>> -> memref<128xi32, #tpu.memory_space<vmem>>
        %dma_start3A_529 = arith.constant 0 : i32
        %dma_start3A_530 = arith.constant 0 : i32
        %dma_start3A_531 = tpu.memref_slice %arg22[%dma_start3A_529, %dma_start3A_530] : memref<50176x32xf32, #tpu.memory_space<vmem_shared>> -> memref<50176x32xf32, #tpu.memory_space<vmem_shared>>
        tpu.enqueue_indirect_dma source(%dma_start3A_525 : memref<128x32xf32, #tpu.memory_space<vmem>>) target(%dma_start3A_531 : memref<50176x32xf32, #tpu.memory_space<vmem_shared>>) offsets(%dma_start3A_528 : memref<128xi32, #tpu.memory_space<vmem>>) semaphore(%arg28 : memref<!tpu.dma_semaphore, #tpu.memory_space<semaphore_mem>>) {add = true}
      } else {
      }
      %eq3A_512 = arith.constant 1 : i32
      %eq3A_513 = arith.cmpi eq, %select_n3A_506, %eq3A_512 : i32
      %convert_element_type3A_514 = arith.extui %eq3A_513 : i1 to i32
      %cond3A_515 = arith.constant 0 : i32
      %cond3A_516 = arith.cmpi ne, %convert_element_type3A_514, %cond3A_515 : i32
      scf.if %cond3A_516 {
        %dma_start3A_522 = arith.constant 0 : i32
        %dma_start3A_523 = arith.constant 0 : i32
        %dma_start3A_524 = tpu.memref_slice %arg15[%select_n3A_490, %dma_start3A_522, %dma_start3A_523] : memref<6x128x32xf32, #tpu.memory_space<vmem>> -> memref<1x128x32xf32, #tpu.memory_space<vmem>>
        %dma_start3A_525 = tpu.memref_squeeze %dma_start3A_524 : memref<1x128x32xf32, #tpu.memory_space<vmem>> -> memref<128x32xf32, #tpu.memory_space<vmem>>
        %dma_start3A_526 = arith.constant 0 : i32
        %dma_start3A_527 = tpu.memref_slice %arg14[%select_n3A_458, %select_n3A_474, %dma_start3A_526] : memref<4x4x128xi32, #tpu.memory_space<vmem>> -> memref<1x1x128xi32, #tpu.memory_space<vmem>>
        %dma_start3A_528 = tpu.memref_squeeze %dma_start3A_527 : memref<1x1x128xi32, #tpu.memory_space<vmem>> -> memref<128xi32, #tpu.memory_space<vmem>>
        %dma_start3A_529 = arith.constant 0 : i32
        %dma_start3A_530 = arith.constant 0 : i32
        %dma_start3A_531 = tpu.memref_slice %arg22[%dma_start3A_529, %dma_start3A_530] : memref<50176x32xf32, #tpu.memory_space<vmem_shared>> -> memref<50176x32xf32, #tpu.memory_space<vmem_shared>>
        tpu.enqueue_indirect_dma source(%dma_start3A_525 : memref<128x32xf32, #tpu.memory_space<vmem>>) target(%dma_start3A_531 : memref<50176x32xf32, #tpu.memory_space<vmem_shared>>) offsets(%dma_start3A_528 : memref<128xi32, #tpu.memory_space<vmem>>) semaphore(%arg29 : memref<!tpu.dma_semaphore, #tpu.memory_space<semaphore_mem>>) {add = true}
      } else {
      }
      %eq3A_517 = arith.constant 2 : i32
      %eq3A_518 = arith.cmpi eq, %select_n3A_506, %eq3A_517 : i32
      %convert_element_type3A_519 = arith.extui %eq3A_518 : i1 to i32
      %cond3A_520 = arith.constant 0 : i32
      %cond3A_521 = arith.cmpi ne, %convert_element_type3A_519, %cond3A_520 : i32
      scf.if %cond3A_521 {
        %dma_start3A_522 = arith.constant 0 : i32
        %dma_start3A_523 = arith.constant 0 : i32
        %dma_start3A_524 = tpu.memref_slice %arg15[%select_n3A_490, %dma_start3A_522, %dma_start3A_523] : memref<6x128x32xf32, #tpu.memory_space<vmem>> -> memref<1x128x32xf32, #tpu.memory_space<vmem>>
        %dma_start3A_525 = tpu.memref_squeeze %dma_start3A_524 : memref<1x128x32xf32, #tpu.memory_space<vmem>> -> memref<128x32xf32, #tpu.memory_space<vmem>>
        %dma_start3A_526 = arith.constant 0 : i32
        %dma_start3A_527 = tpu.memref_slice %arg14[%select_n3A_458, %select_n3A_474, %dma_start3A_526] : memref<4x4x128xi32, #tpu.memory_space<vmem>> -> memref<1x1x128xi32, #tpu.memory_space<vmem>>
        %dma_start3A_528 = tpu.memref_squeeze %dma_start3A_527 : memref<1x1x128xi32, #tpu.memory_space<vmem>> -> memref<128xi32, #tpu.memory_space<vmem>>
        %dma_start3A_529 = arith.constant 0 : i32
        %dma_start3A_530 = arith.constant 0 : i32
        %dma_start3A_531 = tpu.memref_slice %arg22[%dma_start3A_529, %dma_start3A_530] : memref<50176x32xf32, #tpu.memory_space<vmem_shared>> -> memref<50176x32xf32, #tpu.memory_space<vmem_shared>>
        tpu.enqueue_indirect_dma source(%dma_start3A_525 : memref<128x32xf32, #tpu.memory_space<vmem>>) target(%dma_start3A_531 : memref<50176x32xf32, #tpu.memory_space<vmem_shared>>) offsets(%dma_start3A_528 : memref<128xi32, #tpu.memory_space<vmem>>) semaphore(%arg30 : memref<!tpu.dma_semaphore, #tpu.memory_space<semaphore_mem>>) {add = true}
      } else {
      }
    }
    %scan3A_250 = arith.constant 392 : i32
    %dma_wait3A_251 = arith.constant 0 : i32
    %dma_wait3A_252 = arith.constant 0 : i32
    %dma_wait3A_253 = arith.constant 0 : i32
    %dma_wait3A_254 = arith.constant 0 : i32
    %dma_wait3A_255 = arith.constant 0 : i32
    %dma_wait3A_256 = tpu.memref_slice %arg15[%dma_wait3A_251, %dma_wait3A_254, %dma_wait3A_255] : memref<6x128x32xf32, #tpu.memory_space<vmem>> -> memref<1x128x32xf32, #tpu.memory_space<vmem>>
    %dma_wait3A_257 = tpu.memref_squeeze %dma_wait3A_256 : memref<1x128x32xf32, #tpu.memory_space<vmem>> -> memref<128x32xf32, #tpu.memory_space<vmem>>
    %dma_wait3A_258 = arith.constant 0 : i32
    %dma_wait3A_259 = tpu.memref_slice %arg14[%dma_wait3A_252, %dma_wait3A_253, %dma_wait3A_258] : memref<4x4x128xi32, #tpu.memory_space<vmem>> -> memref<1x1x128xi32, #tpu.memory_space<vmem>>
    %dma_wait3A_260 = tpu.memref_squeeze %dma_wait3A_259 : memref<1x1x128xi32, #tpu.memory_space<vmem>> -> memref<128xi32, #tpu.memory_space<vmem>>
    %dma_wait3A_261 = arith.constant 0 : i32
    %dma_wait3A_262 = arith.constant 0 : i32
    %dma_wait3A_263 = tpu.memref_slice %arg22[%dma_wait3A_261, %dma_wait3A_262] : memref<50176x32xf32, #tpu.memory_space<vmem_shared>> -> memref<50176x32xf32, #tpu.memory_space<vmem_shared>>
    tpu.wait_indirect_dma semaphore(%arg28 : memref<!tpu.dma_semaphore, #tpu.memory_space<semaphore_mem>>) src(%dma_wait3A_257 : memref<128x32xf32, #tpu.memory_space<vmem>>) dst(%dma_wait3A_263 : memref<50176x32xf32, #tpu.memory_space<vmem_shared>>)
    %dma_wait3A_264 = arith.constant 0 : i32
    %dma_wait3A_265 = arith.constant 0 : i32
    %dma_wait3A_266 = arith.constant 0 : i32
    %dma_wait3A_267 = arith.constant 0 : i32
    %dma_wait3A_268 = arith.constant 0 : i32
    %dma_wait3A_269 = tpu.memref_slice %arg15[%dma_wait3A_264, %dma_wait3A_267, %dma_wait3A_268] : memref<6x128x32xf32, #tpu.memory_space<vmem>> -> memref<1x128x32xf32, #tpu.memory_space<vmem>>
    %dma_wait3A_270 = tpu.memref_squeeze %dma_wait3A_269 : memref<1x128x32xf32, #tpu.memory_space<vmem>> -> memref<128x32xf32, #tpu.memory_space<vmem>>
    %dma_wait3A_271 = arith.constant 0 : i32
    %dma_wait3A_272 = tpu.memref_slice %arg14[%dma_wait3A_265, %dma_wait3A_266, %dma_wait3A_271] : memref<4x4x128xi32, #tpu.memory_space<vmem>> -> memref<1x1x128xi32, #tpu.memory_space<vmem>>
    %dma_wait3A_273 = tpu.memref_squeeze %dma_wait3A_272 : memref<1x1x128xi32, #tpu.memory_space<vmem>> -> memref<128xi32, #tpu.memory_space<vmem>>
    %dma_wait3A_274 = arith.constant 0 : i32
    %dma_wait3A_275 = arith.constant 0 : i32
    %dma_wait3A_276 = tpu.memref_slice %arg22[%dma_wait3A_274, %dma_wait3A_275] : memref<50176x32xf32, #tpu.memory_space<vmem_shared>> -> memref<50176x32xf32, #tpu.memory_space<vmem_shared>>
    tpu.wait_indirect_dma semaphore(%arg29 : memref<!tpu.dma_semaphore, #tpu.memory_space<semaphore_mem>>) src(%dma_wait3A_270 : memref<128x32xf32, #tpu.memory_space<vmem>>) dst(%dma_wait3A_276 : memref<50176x32xf32, #tpu.memory_space<vmem_shared>>)
    %dma_wait3A_277 = arith.constant 0 : i32
    %dma_wait3A_278 = arith.constant 0 : i32
    %dma_wait3A_279 = arith.constant 0 : i32
    %dma_wait3A_280 = arith.constant 0 : i32
    %dma_wait3A_281 = arith.constant 0 : i32
    %dma_wait3A_282 = tpu.memref_slice %arg15[%dma_wait3A_277, %dma_wait3A_280, %dma_wait3A_281] : memref<6x128x32xf32, #tpu.memory_space<vmem>> -> memref<1x128x32xf32, #tpu.memory_space<vmem>>
    %dma_wait3A_283 = tpu.memref_squeeze %dma_wait3A_282 : memref<1x128x32xf32, #tpu.memory_space<vmem>> -> memref<128x32xf32, #tpu.memory_space<vmem>>
    %dma_wait3A_284 = arith.constant 0 : i32
    %dma_wait3A_285 = tpu.memref_slice %arg14[%dma_wait3A_278, %dma_wait3A_279, %dma_wait3A_284] : memref<4x4x128xi32, #tpu.memory_space<vmem>> -> memref<1x1x128xi32, #tpu.memory_space<vmem>>
    %dma_wait3A_286 = tpu.memref_squeeze %dma_wait3A_285 : memref<1x1x128xi32, #tpu.memory_space<vmem>> -> memref<128xi32, #tpu.memory_space<vmem>>
    %dma_wait3A_287 = arith.constant 0 : i32
    %dma_wait3A_288 = arith.constant 0 : i32
    %dma_wait3A_289 = tpu.memref_slice %arg22[%dma_wait3A_287, %dma_wait3A_288] : memref<50176x32xf32, #tpu.memory_space<vmem_shared>> -> memref<50176x32xf32, #tpu.memory_space<vmem_shared>>
    tpu.wait_indirect_dma semaphore(%arg30 : memref<!tpu.dma_semaphore, #tpu.memory_space<semaphore_mem>>) src(%dma_wait3A_283 : memref<128x32xf32, #tpu.memory_space<vmem>>) dst(%dma_wait3A_289 : memref<50176x32xf32, #tpu.memory_space<vmem_shared>>)
    %barrier3A_290 = arith.constant 0 : index
    tpu.barrier barrier_id(%barrier3A_290)
    %scan3A_291 = arith.constant 0 : i32
    %scan3A_292 = arith.constant 28 : i32
    %scan3A_293 = arith.addi %scan3A_291, %scan3A_292 : i32
    %scan3A_294 = arith.constant 1 : i32
    scf.for %scan3A_338 = %scan3A_291 to %scan3A_293 step %scan3A_294  : i32 {
      %mul3A_339 = arith.constant 1 : i32
      %mul3A_340 = arith.muli %scan3A_338, %mul3A_339 : i32
      %add3A_341 = arith.constant 0 : i32
      %add3A_342 = arith.addi %add3A_341, %mul3A_340 : i32
      %jit3A = arith.constant 2 : i32
      %eq3A_343 = arith.constant 0 : i32
      %eq3A_344 = arith.cmpi eq, %jit3A, %eq3A_343 : i32
      %jit3A_345 = arith.constant 1 : i32
      %select_n3A = arith.select %eq3A_344, %jit3A_345, %jit3A : i32
      %rem3A = arith.remsi %add3A_342, %select_n3A : i32
      %ne3A = arith.constant 0 : i32
      %ne3A_346 = arith.cmpi ne, %rem3A, %ne3A : i32
      %lt3A = arith.constant 0 : i32
      %lt3A_347 = arith.cmpi slt, %rem3A, %lt3A : i32
      %lt3A_348 = arith.constant 0 : i32
      %lt3A_349 = arith.cmpi slt, %select_n3A, %lt3A_348 : i32
      %ne3A_350 = arith.xori %lt3A_347, %lt3A_349 : i1
      %and3A = arith.andi %ne3A_350, %ne3A_346 : i1
      %add3A_351 = arith.addi %rem3A, %select_n3A : i32
      %select_n3A_352 = arith.select %and3A, %add3A_351, %rem3A : i32
      %mul3A_353 = arith.constant 3136 : i32
      %mul3A_354 = arith.muli %arg1, %mul3A_353 : i32
      %mul3A_355 = arith.constant 112 : i32
      %mul3A_356 = arith.muli %add3A_342, %mul3A_355 : i32
      %add3A_357 = arith.addi %mul3A_354, %mul3A_356 : i32
      %ge3A = arith.constant 2 : i32
      %ge3A_358 = arith.cmpi sge, %add3A_342, %ge3A : i32
      %convert_element_type3A_359 = arith.extui %ge3A_358 : i1 to i32
      %cond3A_360 = arith.constant 0 : i32
      %cond3A_361 = arith.cmpi ne, %convert_element_type3A_359, %cond3A_360 : i32
      scf.if %cond3A_361 {
        %eq3A_372 = arith.constant 0 : i32
        %eq3A_373 = arith.cmpi eq, %select_n3A_352, %eq3A_372 : i32
        %convert_element_type3A_374 = arith.extui %eq3A_373 : i1 to i32
        %cond3A_375 = arith.constant 0 : i32
        %cond3A_376 = arith.cmpi ne, %convert_element_type3A_374, %cond3A_375 : i32
        scf.if %cond3A_376 {
          %dma_wait3A_382 = arith.constant 0 : i32
          %dma_wait3A_383 = arith.constant 0 : i32
          %dma_wait3A_384 = arith.constant 0 : i32
          %dma_wait3A_385 = tpu.memref_slice %arg15[%dma_wait3A_382, %dma_wait3A_383, %dma_wait3A_384] : memref<6x128x32xf32, #tpu.memory_space<vmem>> -> memref<1x128x32xf32, #tpu.memory_space<vmem>>
          %dma_wait3A_386 = tpu.memref_squeeze %dma_wait3A_385 : memref<1x128x32xf32, #tpu.memory_space<vmem>> -> memref<128x32xf32, #tpu.memory_space<vmem>>
          %dma_wait3A_387 = arith.constant 0 : i32
          %dma_wait3A_388 = arith.constant 0 : i32
          %dma_wait3A_389 = tpu.memref_slice %dma_wait3A_386[%dma_wait3A_387, %dma_wait3A_388] : memref<128x32xf32, #tpu.memory_space<vmem>> -> memref<112x32xf32, #tpu.memory_space<vmem>>
          %dma_wait3A_390 = arith.constant 0 : i32
          %dma_wait3A_391 = arith.constant 0 : i32
          %dma_wait3A_392 = tpu.memref_slice %arg11[%dma_wait3A_390, %dma_wait3A_391] : memref<50176x32xf32, #tpu.memory_space<hbm>> -> memref<112x32xf32, #tpu.memory_space<hbm>>
          %dma_wait3A_393 = arith.constant 0 : i32
          %dma_wait3A_394 = arith.constant 0 : i32
          %dma_wait3A_395 = tpu.memref_slice %arg11[%dma_wait3A_393, %dma_wait3A_394] : memref<50176x32xf32, #tpu.memory_space<hbm>> -> memref<112x32xf32, #tpu.memory_space<hbm>>
          %dma_wait3A_396 = arith.constant 0 : i32
          %dma_wait3A_397 = arith.constant 0 : i32
          %dma_wait3A_398 = tpu.memref_slice %arg15[%dma_wait3A_382, %dma_wait3A_396, %dma_wait3A_397] : memref<6x128x32xf32, #tpu.memory_space<vmem>> -> memref<1x128x32xf32, #tpu.memory_space<vmem>>
          %dma_wait3A_399 = tpu.memref_squeeze %dma_wait3A_398 : memref<1x128x32xf32, #tpu.memory_space<vmem>> -> memref<128x32xf32, #tpu.memory_space<vmem>>
          %dma_wait3A_400 = arith.constant 0 : i32
          %dma_wait3A_401 = arith.constant 0 : i32
          %dma_wait3A_402 = tpu.memref_slice %dma_wait3A_399[%dma_wait3A_400, %dma_wait3A_401] : memref<128x32xf32, #tpu.memory_space<vmem>> -> memref<112x32xf32, #tpu.memory_space<vmem>>
          tpu.wait_dma2 semaphore(%arg25 : memref<!tpu.dma_semaphore, #tpu.memory_space<semaphore_mem>>) src(%dma_wait3A_402 : memref<112x32xf32, #tpu.memory_space<vmem>>) dst(%dma_wait3A_395 : memref<112x32xf32, #tpu.memory_space<hbm>>)
        } else {
        }
        %eq3A_377 = arith.constant 1 : i32
        %eq3A_378 = arith.cmpi eq, %select_n3A_352, %eq3A_377 : i32
        %convert_element_type3A_379 = arith.extui %eq3A_378 : i1 to i32
        %cond3A_380 = arith.constant 0 : i32
        %cond3A_381 = arith.cmpi ne, %convert_element_type3A_379, %cond3A_380 : i32
        scf.if %cond3A_381 {
          %dma_wait3A_382 = arith.constant 0 : i32
          %dma_wait3A_383 = arith.constant 0 : i32
          %dma_wait3A_384 = arith.constant 0 : i32
          %dma_wait3A_385 = tpu.memref_slice %arg15[%dma_wait3A_382, %dma_wait3A_383, %dma_wait3A_384] : memref<6x128x32xf32, #tpu.memory_space<vmem>> -> memref<1x128x32xf32, #tpu.memory_space<vmem>>
          %dma_wait3A_386 = tpu.memref_squeeze %dma_wait3A_385 : memref<1x128x32xf32, #tpu.memory_space<vmem>> -> memref<128x32xf32, #tpu.memory_space<vmem>>
          %dma_wait3A_387 = arith.constant 0 : i32
          %dma_wait3A_388 = arith.constant 0 : i32
          %dma_wait3A_389 = tpu.memref_slice %dma_wait3A_386[%dma_wait3A_387, %dma_wait3A_388] : memref<128x32xf32, #tpu.memory_space<vmem>> -> memref<112x32xf32, #tpu.memory_space<vmem>>
          %dma_wait3A_390 = arith.constant 0 : i32
          %dma_wait3A_391 = arith.constant 0 : i32
          %dma_wait3A_392 = tpu.memref_slice %arg11[%dma_wait3A_390, %dma_wait3A_391] : memref<50176x32xf32, #tpu.memory_space<hbm>> -> memref<112x32xf32, #tpu.memory_space<hbm>>
          %dma_wait3A_393 = arith.constant 0 : i32
          %dma_wait3A_394 = arith.constant 0 : i32
          %dma_wait3A_395 = tpu.memref_slice %arg11[%dma_wait3A_393, %dma_wait3A_394] : memref<50176x32xf32, #tpu.memory_space<hbm>> -> memref<112x32xf32, #tpu.memory_space<hbm>>
          %dma_wait3A_396 = arith.constant 0 : i32
          %dma_wait3A_397 = arith.constant 0 : i32
          %dma_wait3A_398 = tpu.memref_slice %arg15[%dma_wait3A_382, %dma_wait3A_396, %dma_wait3A_397] : memref<6x128x32xf32, #tpu.memory_space<vmem>> -> memref<1x128x32xf32, #tpu.memory_space<vmem>>
          %dma_wait3A_399 = tpu.memref_squeeze %dma_wait3A_398 : memref<1x128x32xf32, #tpu.memory_space<vmem>> -> memref<128x32xf32, #tpu.memory_space<vmem>>
          %dma_wait3A_400 = arith.constant 0 : i32
          %dma_wait3A_401 = arith.constant 0 : i32
          %dma_wait3A_402 = tpu.memref_slice %dma_wait3A_399[%dma_wait3A_400, %dma_wait3A_401] : memref<128x32xf32, #tpu.memory_space<vmem>> -> memref<112x32xf32, #tpu.memory_space<vmem>>
          tpu.wait_dma2 semaphore(%arg26 : memref<!tpu.dma_semaphore, #tpu.memory_space<semaphore_mem>>) src(%dma_wait3A_402 : memref<112x32xf32, #tpu.memory_space<vmem>>) dst(%dma_wait3A_395 : memref<112x32xf32, #tpu.memory_space<hbm>>)
        } else {
        }
      } else {
      }
      "tpu.region"() ({
        %run_scoped3A_372 = tpu.sem_alloc : memref<!tpu.dma_semaphore, #tpu.memory_space<semaphore_mem>>
        %dma_start3A_373 = arith.constant 0 : i32
        %dma_start3A_374 = arith.constant 0 : i32
        %dma_start3A_375 = tpu.memref_slice %arg15[%select_n3A_352, %dma_start3A_373, %dma_start3A_374] : memref<6x128x32xf32, #tpu.memory_space<vmem>> -> memref<1x128x32xf32, #tpu.memory_space<vmem>>
        %dma_start3A_376 = tpu.memref_squeeze %dma_start3A_375 : memref<1x128x32xf32, #tpu.memory_space<vmem>> -> memref<128x32xf32, #tpu.memory_space<vmem>>
        %dma_start3A_377 = arith.constant 0 : i32
        %dma_start3A_378 = arith.constant 0 : i32
        %dma_start3A_379 = tpu.memref_slice %dma_start3A_376[%dma_start3A_377, %dma_start3A_378] : memref<128x32xf32, #tpu.memory_space<vmem>> -> memref<112x32xf32, #tpu.memory_space<vmem>>
        %dma_start3A_380 = arith.constant 0 : i32
        %dma_start3A_381 = tpu.memref_slice %arg22[%add3A_357, %dma_start3A_380] : memref<50176x32xf32, #tpu.memory_space<vmem_shared>> -> memref<112x32xf32, #tpu.memory_space<vmem_shared>>
        %dma_start3A_382 = arith.constant 0 : i32
        %dma_start3A_383 = arith.constant 0 : i32
        %dma_start3A_384 = tpu.memref_slice %arg15[%select_n3A_352, %dma_start3A_382, %dma_start3A_383] : memref<6x128x32xf32, #tpu.memory_space<vmem>> -> memref<1x128x32xf32, #tpu.memory_space<vmem>>
        %dma_start3A_385 = tpu.memref_squeeze %dma_start3A_384 : memref<1x128x32xf32, #tpu.memory_space<vmem>> -> memref<128x32xf32, #tpu.memory_space<vmem>>
        %dma_start3A_386 = arith.constant 0 : i32
        %dma_start3A_387 = arith.constant 0 : i32
        %dma_start3A_388 = tpu.memref_slice %dma_start3A_385[%dma_start3A_386, %dma_start3A_387] : memref<128x32xf32, #tpu.memory_space<vmem>> -> memref<112x32xf32, #tpu.memory_space<vmem>>
        %dma_start3A_389 = arith.constant 0 : i32
        %dma_start3A_390 = tpu.memref_slice %arg22[%add3A_357, %dma_start3A_389] : memref<50176x32xf32, #tpu.memory_space<vmem_shared>> -> memref<112x32xf32, #tpu.memory_space<vmem_shared>>
        tpu.enqueue_dma source(%dma_start3A_390 : memref<112x32xf32, #tpu.memory_space<vmem_shared>>) target(%dma_start3A_388 : memref<112x32xf32, #tpu.memory_space<vmem>>) target_semaphore(%run_scoped3A_372 : memref<!tpu.dma_semaphore, #tpu.memory_space<semaphore_mem>>)
        %dma_wait3A_391 = arith.constant 0 : i32
        %dma_wait3A_392 = arith.constant 0 : i32
        %dma_wait3A_393 = tpu.memref_slice %arg15[%select_n3A_352, %dma_wait3A_391, %dma_wait3A_392] : memref<6x128x32xf32, #tpu.memory_space<vmem>> -> memref<1x128x32xf32, #tpu.memory_space<vmem>>
        %dma_wait3A_394 = tpu.memref_squeeze %dma_wait3A_393 : memref<1x128x32xf32, #tpu.memory_space<vmem>> -> memref<128x32xf32, #tpu.memory_space<vmem>>
        %dma_wait3A_395 = arith.constant 0 : i32
        %dma_wait3A_396 = arith.constant 0 : i32
        %dma_wait3A_397 = tpu.memref_slice %dma_wait3A_394[%dma_wait3A_395, %dma_wait3A_396] : memref<128x32xf32, #tpu.memory_space<vmem>> -> memref<112x32xf32, #tpu.memory_space<vmem>>
        %dma_wait3A_398 = arith.constant 0 : i32
        %dma_wait3A_399 = tpu.memref_slice %arg22[%add3A_357, %dma_wait3A_398] : memref<50176x32xf32, #tpu.memory_space<vmem_shared>> -> memref<112x32xf32, #tpu.memory_space<vmem_shared>>
        %dma_wait3A_400 = arith.constant 0 : i32
        %dma_wait3A_401 = arith.constant 0 : i32
        %dma_wait3A_402 = tpu.memref_slice %arg15[%select_n3A_352, %dma_wait3A_400, %dma_wait3A_401] : memref<6x128x32xf32, #tpu.memory_space<vmem>> -> memref<1x128x32xf32, #tpu.memory_space<vmem>>
        %dma_wait3A_403 = tpu.memref_squeeze %dma_wait3A_402 : memref<1x128x32xf32, #tpu.memory_space<vmem>> -> memref<128x32xf32, #tpu.memory_space<vmem>>
        %dma_wait3A_404 = arith.constant 0 : i32
        %dma_wait3A_405 = arith.constant 0 : i32
        %dma_wait3A_406 = tpu.memref_slice %dma_wait3A_403[%dma_wait3A_404, %dma_wait3A_405] : memref<128x32xf32, #tpu.memory_space<vmem>> -> memref<112x32xf32, #tpu.memory_space<vmem>>
        %dma_wait3A_407 = arith.constant 0 : i32
        %dma_wait3A_408 = tpu.memref_slice %arg22[%add3A_357, %dma_wait3A_407] : memref<50176x32xf32, #tpu.memory_space<vmem_shared>> -> memref<112x32xf32, #tpu.memory_space<vmem_shared>>
        tpu.wait_dma2 semaphore(%run_scoped3A_372 : memref<!tpu.dma_semaphore, #tpu.memory_space<semaphore_mem>>) src(%dma_wait3A_408 : memref<112x32xf32, #tpu.memory_space<vmem_shared>>) dst(%dma_wait3A_406 : memref<112x32xf32, #tpu.memory_space<vmem>>)
        tpu.yield
      }) : () -> ()
      %eq3A_362 = arith.constant 0 : i32
      %eq3A_363 = arith.cmpi eq, %select_n3A_352, %eq3A_362 : i32
      %convert_element_type3A_364 = arith.extui %eq3A_363 : i1 to i32
      %cond3A_365 = arith.constant 0 : i32
      %cond3A_366 = arith.cmpi ne, %convert_element_type3A_364, %cond3A_365 : i32
      scf.if %cond3A_366 {
        %eq3A_372 = arith.constant 0 : i32
        %eq3A_373 = arith.cmpi eq, %arg0, %eq3A_372 : i32
        %convert_element_type3A_374 = arith.extui %eq3A_373 : i1 to i32
        %cond3A_375 = arith.constant 0 : i32
        %cond3A_376 = arith.cmpi ne, %convert_element_type3A_374, %cond3A_375 : i32
        scf.if %cond3A_376 {
          %dma_start3A_382 = arith.constant 0 : i32
          %dma_start3A_383 = arith.constant 0 : i32
          %dma_start3A_384 = tpu.memref_slice %arg15[%select_n3A_352, %dma_start3A_382, %dma_start3A_383] : memref<6x128x32xf32, #tpu.memory_space<vmem>> -> memref<1x128x32xf32, #tpu.memory_space<vmem>>
          %dma_start3A_385 = tpu.memref_squeeze %dma_start3A_384 : memref<1x128x32xf32, #tpu.memory_space<vmem>> -> memref<128x32xf32, #tpu.memory_space<vmem>>
          %dma_start3A_386 = arith.constant 0 : i32
          %dma_start3A_387 = arith.constant 0 : i32
          %dma_start3A_388 = tpu.memref_slice %dma_start3A_385[%dma_start3A_386, %dma_start3A_387] : memref<128x32xf32, #tpu.memory_space<vmem>> -> memref<112x32xf32, #tpu.memory_space<vmem>>
          %dma_start3A_389 = arith.constant 0 : i32
          %dma_start3A_390 = tpu.memref_slice %arg11[%add3A_357, %dma_start3A_389] : memref<50176x32xf32, #tpu.memory_space<hbm>> -> memref<112x32xf32, #tpu.memory_space<hbm>>
          %dma_start3A_391 = arith.constant 0 : i32
          %dma_start3A_392 = tpu.memref_slice %arg11[%add3A_357, %dma_start3A_391] : memref<50176x32xf32, #tpu.memory_space<hbm>> -> memref<112x32xf32, #tpu.memory_space<hbm>>
          %dma_start3A_393 = arith.constant 0 : i32
          %dma_start3A_394 = arith.constant 0 : i32
          %dma_start3A_395 = tpu.memref_slice %arg15[%select_n3A_352, %dma_start3A_393, %dma_start3A_394] : memref<6x128x32xf32, #tpu.memory_space<vmem>> -> memref<1x128x32xf32, #tpu.memory_space<vmem>>
          %dma_start3A_396 = tpu.memref_squeeze %dma_start3A_395 : memref<1x128x32xf32, #tpu.memory_space<vmem>> -> memref<128x32xf32, #tpu.memory_space<vmem>>
          %dma_start3A_397 = arith.constant 0 : i32
          %dma_start3A_398 = arith.constant 0 : i32
          %dma_start3A_399 = tpu.memref_slice %dma_start3A_396[%dma_start3A_397, %dma_start3A_398] : memref<128x32xf32, #tpu.memory_space<vmem>> -> memref<112x32xf32, #tpu.memory_space<vmem>>
          tpu.enqueue_dma source(%dma_start3A_399 : memref<112x32xf32, #tpu.memory_space<vmem>>) target(%dma_start3A_392 : memref<112x32xf32, #tpu.memory_space<hbm>>) target_semaphore(%arg25 : memref<!tpu.dma_semaphore, #tpu.memory_space<semaphore_mem>>)
        } else {
        }
        %eq3A_377 = arith.constant 1 : i32
        %eq3A_378 = arith.cmpi eq, %arg0, %eq3A_377 : i32
        %convert_element_type3A_379 = arith.extui %eq3A_378 : i1 to i32
        %cond3A_380 = arith.constant 0 : i32
        %cond3A_381 = arith.cmpi ne, %convert_element_type3A_379, %cond3A_380 : i32
        scf.if %cond3A_381 {
          %dma_start3A_382 = arith.constant 0 : i32
          %dma_start3A_383 = arith.constant 0 : i32
          %dma_start3A_384 = tpu.memref_slice %arg15[%select_n3A_352, %dma_start3A_382, %dma_start3A_383] : memref<6x128x32xf32, #tpu.memory_space<vmem>> -> memref<1x128x32xf32, #tpu.memory_space<vmem>>
          %dma_start3A_385 = tpu.memref_squeeze %dma_start3A_384 : memref<1x128x32xf32, #tpu.memory_space<vmem>> -> memref<128x32xf32, #tpu.memory_space<vmem>>
          %dma_start3A_386 = arith.constant 0 : i32
          %dma_start3A_387 = arith.constant 0 : i32
          %dma_start3A_388 = tpu.memref_slice %dma_start3A_385[%dma_start3A_386, %dma_start3A_387] : memref<128x32xf32, #tpu.memory_space<vmem>> -> memref<112x32xf32, #tpu.memory_space<vmem>>
          %dma_start3A_389 = arith.constant 0 : i32
          %dma_start3A_390 = tpu.memref_slice %arg12[%add3A_357, %dma_start3A_389] : memref<50176x32xf32, #tpu.memory_space<hbm>> -> memref<112x32xf32, #tpu.memory_space<hbm>>
          %dma_start3A_391 = arith.constant 0 : i32
          %dma_start3A_392 = tpu.memref_slice %arg12[%add3A_357, %dma_start3A_391] : memref<50176x32xf32, #tpu.memory_space<hbm>> -> memref<112x32xf32, #tpu.memory_space<hbm>>
          %dma_start3A_393 = arith.constant 0 : i32
          %dma_start3A_394 = arith.constant 0 : i32
          %dma_start3A_395 = tpu.memref_slice %arg15[%select_n3A_352, %dma_start3A_393, %dma_start3A_394] : memref<6x128x32xf32, #tpu.memory_space<vmem>> -> memref<1x128x32xf32, #tpu.memory_space<vmem>>
          %dma_start3A_396 = tpu.memref_squeeze %dma_start3A_395 : memref<1x128x32xf32, #tpu.memory_space<vmem>> -> memref<128x32xf32, #tpu.memory_space<vmem>>
          %dma_start3A_397 = arith.constant 0 : i32
          %dma_start3A_398 = arith.constant 0 : i32
          %dma_start3A_399 = tpu.memref_slice %dma_start3A_396[%dma_start3A_397, %dma_start3A_398] : memref<128x32xf32, #tpu.memory_space<vmem>> -> memref<112x32xf32, #tpu.memory_space<vmem>>
          tpu.enqueue_dma source(%dma_start3A_399 : memref<112x32xf32, #tpu.memory_space<vmem>>) target(%dma_start3A_392 : memref<112x32xf32, #tpu.memory_space<hbm>>) target_semaphore(%arg25 : memref<!tpu.dma_semaphore, #tpu.memory_space<semaphore_mem>>)
        } else {
        }
      } else {
      }
      %eq3A_367 = arith.constant 1 : i32
      %eq3A_368 = arith.cmpi eq, %select_n3A_352, %eq3A_367 : i32
      %convert_element_type3A_369 = arith.extui %eq3A_368 : i1 to i32
      %cond3A_370 = arith.constant 0 : i32
      %cond3A_371 = arith.cmpi ne, %convert_element_type3A_369, %cond3A_370 : i32
      scf.if %cond3A_371 {
        %eq3A_372 = arith.constant 0 : i32
        %eq3A_373 = arith.cmpi eq, %arg0, %eq3A_372 : i32
        %convert_element_type3A_374 = arith.extui %eq3A_373 : i1 to i32
        %cond3A_375 = arith.constant 0 : i32
        %cond3A_376 = arith.cmpi ne, %convert_element_type3A_374, %cond3A_375 : i32
        scf.if %cond3A_376 {
          %dma_start3A_382 = arith.constant 0 : i32
          %dma_start3A_383 = arith.constant 0 : i32
          %dma_start3A_384 = tpu.memref_slice %arg15[%select_n3A_352, %dma_start3A_382, %dma_start3A_383] : memref<6x128x32xf32, #tpu.memory_space<vmem>> -> memref<1x128x32xf32, #tpu.memory_space<vmem>>
          %dma_start3A_385 = tpu.memref_squeeze %dma_start3A_384 : memref<1x128x32xf32, #tpu.memory_space<vmem>> -> memref<128x32xf32, #tpu.memory_space<vmem>>
          %dma_start3A_386 = arith.constant 0 : i32
          %dma_start3A_387 = arith.constant 0 : i32
          %dma_start3A_388 = tpu.memref_slice %dma_start3A_385[%dma_start3A_386, %dma_start3A_387] : memref<128x32xf32, #tpu.memory_space<vmem>> -> memref<112x32xf32, #tpu.memory_space<vmem>>
          %dma_start3A_389 = arith.constant 0 : i32
          %dma_start3A_390 = tpu.memref_slice %arg11[%add3A_357, %dma_start3A_389] : memref<50176x32xf32, #tpu.memory_space<hbm>> -> memref<112x32xf32, #tpu.memory_space<hbm>>
          %dma_start3A_391 = arith.constant 0 : i32
          %dma_start3A_392 = tpu.memref_slice %arg11[%add3A_357, %dma_start3A_391] : memref<50176x32xf32, #tpu.memory_space<hbm>> -> memref<112x32xf32, #tpu.memory_space<hbm>>
          %dma_start3A_393 = arith.constant 0 : i32
          %dma_start3A_394 = arith.constant 0 : i32
          %dma_start3A_395 = tpu.memref_slice %arg15[%select_n3A_352, %dma_start3A_393, %dma_start3A_394] : memref<6x128x32xf32, #tpu.memory_space<vmem>> -> memref<1x128x32xf32, #tpu.memory_space<vmem>>
          %dma_start3A_396 = tpu.memref_squeeze %dma_start3A_395 : memref<1x128x32xf32, #tpu.memory_space<vmem>> -> memref<128x32xf32, #tpu.memory_space<vmem>>
          %dma_start3A_397 = arith.constant 0 : i32
          %dma_start3A_398 = arith.constant 0 : i32
          %dma_start3A_399 = tpu.memref_slice %dma_start3A_396[%dma_start3A_397, %dma_start3A_398] : memref<128x32xf32, #tpu.memory_space<vmem>> -> memref<112x32xf32, #tpu.memory_space<vmem>>
          tpu.enqueue_dma source(%dma_start3A_399 : memref<112x32xf32, #tpu.memory_space<vmem>>) target(%dma_start3A_392 : memref<112x32xf32, #tpu.memory_space<hbm>>) target_semaphore(%arg26 : memref<!tpu.dma_semaphore, #tpu.memory_space<semaphore_mem>>)
        } else {
        }
        %eq3A_377 = arith.constant 1 : i32
        %eq3A_378 = arith.cmpi eq, %arg0, %eq3A_377 : i32
        %convert_element_type3A_379 = arith.extui %eq3A_378 : i1 to i32
        %cond3A_380 = arith.constant 0 : i32
        %cond3A_381 = arith.cmpi ne, %convert_element_type3A_379, %cond3A_380 : i32
        scf.if %cond3A_381 {
          %dma_start3A_382 = arith.constant 0 : i32
          %dma_start3A_383 = arith.constant 0 : i32
          %dma_start3A_384 = tpu.memref_slice %arg15[%select_n3A_352, %dma_start3A_382, %dma_start3A_383] : memref<6x128x32xf32, #tpu.memory_space<vmem>> -> memref<1x128x32xf32, #tpu.memory_space<vmem>>
          %dma_start3A_385 = tpu.memref_squeeze %dma_start3A_384 : memref<1x128x32xf32, #tpu.memory_space<vmem>> -> memref<128x32xf32, #tpu.memory_space<vmem>>
          %dma_start3A_386 = arith.constant 0 : i32
          %dma_start3A_387 = arith.constant 0 : i32
          %dma_start3A_388 = tpu.memref_slice %dma_start3A_385[%dma_start3A_386, %dma_start3A_387] : memref<128x32xf32, #tpu.memory_space<vmem>> -> memref<112x32xf32, #tpu.memory_space<vmem>>
          %dma_start3A_389 = arith.constant 0 : i32
          %dma_start3A_390 = tpu.memref_slice %arg12[%add3A_357, %dma_start3A_389] : memref<50176x32xf32, #tpu.memory_space<hbm>> -> memref<112x32xf32, #tpu.memory_space<hbm>>
          %dma_start3A_391 = arith.constant 0 : i32
          %dma_start3A_392 = tpu.memref_slice %arg12[%add3A_357, %dma_start3A_391] : memref<50176x32xf32, #tpu.memory_space<hbm>> -> memref<112x32xf32, #tpu.memory_space<hbm>>
          %dma_start3A_393 = arith.constant 0 : i32
          %dma_start3A_394 = arith.constant 0 : i32
          %dma_start3A_395 = tpu.memref_slice %arg15[%select_n3A_352, %dma_start3A_393, %dma_start3A_394] : memref<6x128x32xf32, #tpu.memory_space<vmem>> -> memref<1x128x32xf32, #tpu.memory_space<vmem>>
          %dma_start3A_396 = tpu.memref_squeeze %dma_start3A_395 : memref<1x128x32xf32, #tpu.memory_space<vmem>> -> memref<128x32xf32, #tpu.memory_space<vmem>>
          %dma_start3A_397 = arith.constant 0 : i32
          %dma_start3A_398 = arith.constant 0 : i32
          %dma_start3A_399 = tpu.memref_slice %dma_start3A_396[%dma_start3A_397, %dma_start3A_398] : memref<128x32xf32, #tpu.memory_space<vmem>> -> memref<112x32xf32, #tpu.memory_space<vmem>>
          tpu.enqueue_dma source(%dma_start3A_399 : memref<112x32xf32, #tpu.memory_space<vmem>>) target(%dma_start3A_392 : memref<112x32xf32, #tpu.memory_space<hbm>>) target_semaphore(%arg26 : memref<!tpu.dma_semaphore, #tpu.memory_space<semaphore_mem>>)
        } else {
        }
      } else {
      }
    }
    %scan3A_295 = arith.constant 28 : i32
    %dma_wait3A_296 = arith.constant 0 : i32
    %dma_wait3A_297 = arith.constant 0 : i32
    %dma_wait3A_298 = arith.constant 0 : i32
    %dma_wait3A_299 = tpu.memref_slice %arg15[%dma_wait3A_296, %dma_wait3A_297, %dma_wait3A_298] : memref<6x128x32xf32, #tpu.memory_space<vmem>> -> memref<1x128x32xf32, #tpu.memory_space<vmem>>
    %dma_wait3A_300 = tpu.memref_squeeze %dma_wait3A_299 : memref<1x128x32xf32, #tpu.memory_space<vmem>> -> memref<128x32xf32, #tpu.memory_space<vmem>>
    %dma_wait3A_301 = arith.constant 0 : i32
    %dma_wait3A_302 = arith.constant 0 : i32
    %dma_wait3A_303 = tpu.memref_slice %dma_wait3A_300[%dma_wait3A_301, %dma_wait3A_302] : memref<128x32xf32, #tpu.memory_space<vmem>> -> memref<112x32xf32, #tpu.memory_space<vmem>>
    %dma_wait3A_304 = arith.constant 0 : i32
    %dma_wait3A_305 = arith.constant 0 : i32
    %dma_wait3A_306 = tpu.memref_slice %arg11[%dma_wait3A_304, %dma_wait3A_305] : memref<50176x32xf32, #tpu.memory_space<hbm>> -> memref<112x32xf32, #tpu.memory_space<hbm>>
    %dma_wait3A_307 = arith.constant 0 : i32
    %dma_wait3A_308 = arith.constant 0 : i32
    %dma_wait3A_309 = tpu.memref_slice %arg11[%dma_wait3A_307, %dma_wait3A_308] : memref<50176x32xf32, #tpu.memory_space<hbm>> -> memref<112x32xf32, #tpu.memory_space<hbm>>
    %dma_wait3A_310 = arith.constant 0 : i32
    %dma_wait3A_311 = arith.constant 0 : i32
    %dma_wait3A_312 = tpu.memref_slice %arg15[%dma_wait3A_296, %dma_wait3A_310, %dma_wait3A_311] : memref<6x128x32xf32, #tpu.memory_space<vmem>> -> memref<1x128x32xf32, #tpu.memory_space<vmem>>
    %dma_wait3A_313 = tpu.memref_squeeze %dma_wait3A_312 : memref<1x128x32xf32, #tpu.memory_space<vmem>> -> memref<128x32xf32, #tpu.memory_space<vmem>>
    %dma_wait3A_314 = arith.constant 0 : i32
    %dma_wait3A_315 = arith.constant 0 : i32
    %dma_wait3A_316 = tpu.memref_slice %dma_wait3A_313[%dma_wait3A_314, %dma_wait3A_315] : memref<128x32xf32, #tpu.memory_space<vmem>> -> memref<112x32xf32, #tpu.memory_space<vmem>>
    tpu.wait_dma2 semaphore(%arg25 : memref<!tpu.dma_semaphore, #tpu.memory_space<semaphore_mem>>) src(%dma_wait3A_316 : memref<112x32xf32, #tpu.memory_space<vmem>>) dst(%dma_wait3A_309 : memref<112x32xf32, #tpu.memory_space<hbm>>)
    %dma_wait3A_317 = arith.constant 0 : i32
    %dma_wait3A_318 = arith.constant 0 : i32
    %dma_wait3A_319 = arith.constant 0 : i32
    %dma_wait3A_320 = tpu.memref_slice %arg15[%dma_wait3A_317, %dma_wait3A_318, %dma_wait3A_319] : memref<6x128x32xf32, #tpu.memory_space<vmem>> -> memref<1x128x32xf32, #tpu.memory_space<vmem>>
    %dma_wait3A_321 = tpu.memref_squeeze %dma_wait3A_320 : memref<1x128x32xf32, #tpu.memory_space<vmem>> -> memref<128x32xf32, #tpu.memory_space<vmem>>
    %dma_wait3A_322 = arith.constant 0 : i32
    %dma_wait3A_323 = arith.constant 0 : i32
    %dma_wait3A_324 = tpu.memref_slice %dma_wait3A_321[%dma_wait3A_322, %dma_wait3A_323] : memref<128x32xf32, #tpu.memory_space<vmem>> -> memref<112x32xf32, #tpu.memory_space<vmem>>
    %dma_wait3A_325 = arith.constant 0 : i32
    %dma_wait3A_326 = arith.constant 0 : i32
    %dma_wait3A_327 = tpu.memref_slice %arg11[%dma_wait3A_325, %dma_wait3A_326] : memref<50176x32xf32, #tpu.memory_space<hbm>> -> memref<112x32xf32, #tpu.memory_space<hbm>>
    %dma_wait3A_328 = arith.constant 0 : i32
    %dma_wait3A_329 = arith.constant 0 : i32
    %dma_wait3A_330 = tpu.memref_slice %arg11[%dma_wait3A_328, %dma_wait3A_329] : memref<50176x32xf32, #tpu.memory_space<hbm>> -> memref<112x32xf32, #tpu.memory_space<hbm>>
    %dma_wait3A_331 = arith.constant 0 : i32
    %dma_wait3A_332 = arith.constant 0 : i32
    %dma_wait3A_333 = tpu.memref_slice %arg15[%dma_wait3A_317, %dma_wait3A_331, %dma_wait3A_332] : memref<6x128x32xf32, #tpu.memory_space<vmem>> -> memref<1x128x32xf32, #tpu.memory_space<vmem>>
    %dma_wait3A_334 = tpu.memref_squeeze %dma_wait3A_333 : memref<1x128x32xf32, #tpu.memory_space<vmem>> -> memref<128x32xf32, #tpu.memory_space<vmem>>
    %dma_wait3A_335 = arith.constant 0 : i32
    %dma_wait3A_336 = arith.constant 0 : i32
    %dma_wait3A_337 = tpu.memref_slice %dma_wait3A_334[%dma_wait3A_335, %dma_wait3A_336] : memref<128x32xf32, #tpu.memory_space<vmem>> -> memref<112x32xf32, #tpu.memory_space<vmem>>
    tpu.wait_dma2 semaphore(%arg26 : memref<!tpu.dma_semaphore, #tpu.memory_space<semaphore_mem>>) src(%dma_wait3A_337 : memref<112x32xf32, #tpu.memory_space<vmem>>) dst(%dma_wait3A_330 : memref<112x32xf32, #tpu.memory_space<hbm>>)
    return
  }
}

module attributes {stable_mosaic.version = 14 : i64} {
  func.func @_tc0_body(%arg0: i32, %arg1: memref<6272x64xf32, #tpu.memory_space<vmem>>, %arg2: memref<64x64xf32, #tpu.memory_space<vmem>>, %arg3: memref<50176xf32, #tpu.memory_space<vmem>>, %arg4: memref<6272x32xf32, #tpu.memory_space<vmem>>, %arg5: memref<6272x32xf32, #tpu.memory_space<vmem>>) attributes {dimension_semantics = [#tpu.dimension_semantics<arbitrary>], iteration_bounds = array<i64: 8>, scalar_prefetch = 0 : i64, scratch_operands = 0 : i64, tpu.core_type = #tpu.core_type<tc>, window_params = [{transform_indices = @transform_0, window_bounds = array<i64: 6272, 64>}, {pipeline_mode = #tpu.pipeline_mode<synchronous>, transform_indices = @transform_1, window_bounds = array<i64: 64, 64>}, {pipeline_mode = #tpu.pipeline_mode<synchronous>, transform_indices = @transform_2, window_bounds = array<i64: 50176>}, {transform_indices = @transform_3, window_bounds = array<i64: 6272, 32>}, {transform_indices = @transform_4, window_bounds = array<i64: 6272, 32>}]} {
    %mul3A = arith.constant 6272 : i32
    %mul3A_0 = arith.muli %arg0, %mul3A : i32
    %get3A = arith.index_cast %mul3A_0 : i32 to index
    %get3A_1 = vector.load %arg3[%get3A] : memref<50176xf32, #tpu.memory_space<vmem>>, vector<6272xf32>
    %max3A = arith.constant 1.000000e+00 : f32
    %max3A_2 = vector.broadcast %max3A : f32 to vector<6272xf32>
    %max3A_3 = arith.maximumf %get3A_1, %max3A_2 : vector<6272xf32>
    %rsqrt3A = math.rsqrt %max3A_3 : vector<6272xf32>
    %broadcast_in_dim3A = vector.shape_cast %rsqrt3A : vector<6272xf32> to vector<6272x1xf32>
    %get3A_4 = arith.constant 0 : index
    %get3A_5 = arith.constant 0 : index
    %get3A_6 = vector.load %arg1[%get3A_4, %get3A_5] : memref<6272x64xf32, #tpu.memory_space<vmem>>, vector<6272x64xf32>
    %get3A_7 = arith.constant 0 : index
    %get3A_8 = arith.constant 0 : index
    %get3A_9 = vector.load %arg2[%get3A_7, %get3A_8] : memref<64x64xf32, #tpu.memory_space<vmem>>, vector<64x64xf32>
    %dot_general3A = arith.constant dense<0.000000e+00> : vector<6272x64xf32>
    %dot_general3A_10 = tpu.matmul %get3A_6, %get3A_9, %dot_general3A {dimension_numbers = #tpu.dot_dimension_numbers<[1], [0], [0], [1], [0, 0, 1, 1], [], []>, transpose_lhs_hint = false} : vector<6272x64xf32>, vector<64x64xf32>, vector<6272x64xf32> -> vector<6272x64xf32>
    %mul3A_11 = vector.broadcast %broadcast_in_dim3A : vector<6272x1xf32> to vector<6272x64xf32>
    %mul3A_12 = arith.mulf %dot_general3A_10, %mul3A_11 : vector<6272x64xf32>
    %slice3A = vector.extract_strided_slice %mul3A_12 {offsets = [0, 0], sizes = [6272, 32], strides = [1, 1]} : vector<6272x64xf32> to vector<6272x32xf32>
    %swap3A = arith.constant 0 : index
    %swap3A_13 = arith.constant 0 : index
    %swap3A_14 = vector.load %arg4[%swap3A, %swap3A_13] : memref<6272x32xf32, #tpu.memory_space<vmem>>, vector<6272x32xf32>
    tpu.vector_store %arg4[%swap3A, %swap3A_13], %slice3A {strides = array<i32>} : memref<6272x32xf32, #tpu.memory_space<vmem>>, vector<6272x32xf32>,
    %slice3A_15 = vector.extract_strided_slice %mul3A_12 {offsets = [0, 32], sizes = [6272, 32], strides = [1, 1]} : vector<6272x64xf32> to vector<6272x32xf32>
    %swap3A_16 = arith.constant 0 : index
    %swap3A_17 = arith.constant 0 : index
    %swap3A_18 = vector.load %arg5[%swap3A_16, %swap3A_17] : memref<6272x32xf32, #tpu.memory_space<vmem>>, vector<6272x32xf32>
    tpu.vector_store %arg5[%swap3A_16, %swap3A_17], %slice3A_15 {strides = array<i32>} : memref<6272x32xf32, #tpu.memory_space<vmem>>, vector<6272x32xf32>,
    return
  }
  func.func @transform_0(%arg0: i32) -> (i32, i32) {
    %c0_i32 = arith.constant 0 : i32
    %c0_i32_0 = arith.constant 0 : i32
    return %arg0, %c0_i32 : i32, i32
  }
  func.func @transform_1(%arg0: i32) -> (i32, i32) {
    %c0_i32 = arith.constant 0 : i32
    %c0_i32_0 = arith.constant 0 : i32
    %c0_i32_1 = arith.constant 0 : i32
    return %c0_i32, %c0_i32_0 : i32, i32
  }
  func.func @transform_2(%arg0: i32) -> i32 {
    %c0_i32 = arith.constant 0 : i32
    %c0_i32_0 = arith.constant 0 : i32
    return %c0_i32 : i32
  }
  func.func @transform_3(%arg0: i32) -> (i32, i32) {
    %c0_i32 = arith.constant 0 : i32
    %c0_i32_0 = arith.constant 0 : i32
    return %arg0, %c0_i32 : i32, i32
  }
  func.func @transform_4(%arg0: i32) -> (i32, i32) {
    %c0_i32 = arith.constant 0 : i32
    %c0_i32_0 = arith.constant 0 : i32
    return %arg0, %c0_i32 : i32, i32
  }
}

module attributes {stable_mosaic.version = 14 : i64} {
  func.func @_tc2_body(%arg0: i32, %arg1: memref<6272x32xf32, #tpu.memory_space<vmem>>, %arg2: memref<6272x32xf32, #tpu.memory_space<vmem>>, %arg3: memref<50176xf32, #tpu.memory_space<vmem>>, %arg4: memref<1x64xf32, #tpu.memory_space<vmem>>, %arg5: memref<64x64xf32, #tpu.memory_space<vmem>>, %arg6: memref<6272x64xf32, #tpu.memory_space<vmem>>) attributes {dimension_semantics = [#tpu.dimension_semantics<arbitrary>], iteration_bounds = array<i64: 8>, scalar_prefetch = 0 : i64, scratch_operands = 0 : i64, tpu.core_type = #tpu.core_type<tc>, window_params = [{transform_indices = @transform_0, window_bounds = array<i64: 6272, 32>}, {transform_indices = @transform_1, window_bounds = array<i64: 6272, 32>}, {pipeline_mode = #tpu.pipeline_mode<synchronous>, transform_indices = @transform_2, window_bounds = array<i64: 50176>}, {pipeline_mode = #tpu.pipeline_mode<synchronous>, transform_indices = @transform_3, window_bounds = array<i64: 1, 64>}, {pipeline_mode = #tpu.pipeline_mode<synchronous>, transform_indices = @transform_4, window_bounds = array<i64: 64, 64>}, {transform_indices = @transform_5, window_bounds = array<i64: 6272, 64>}]} {
    %mul3A = arith.constant 6272 : i32
    %mul3A_0 = arith.muli %arg0, %mul3A : i32
    %get3A = arith.index_cast %mul3A_0 : i32 to index
    %get3A_1 = vector.load %arg3[%get3A] : memref<50176xf32, #tpu.memory_space<vmem>>, vector<6272xf32>
    %max3A = arith.constant 1.000000e+00 : f32
    %max3A_2 = vector.broadcast %max3A : f32 to vector<6272xf32>
    %max3A_3 = arith.maximumf %get3A_1, %max3A_2 : vector<6272xf32>
    %rsqrt3A = math.rsqrt %max3A_3 : vector<6272xf32>
    %broadcast_in_dim3A = vector.shape_cast %rsqrt3A : vector<6272xf32> to vector<6272x1xf32>
    %get3A_4 = arith.constant 0 : index
    %get3A_5 = arith.constant 0 : index
    %get3A_6 = vector.load %arg1[%get3A_4, %get3A_5] : memref<6272x32xf32, #tpu.memory_space<vmem>>, vector<6272x32xf32>
    %mul3A_7 = vector.broadcast %broadcast_in_dim3A : vector<6272x1xf32> to vector<6272x32xf32>
    %mul3A_8 = arith.mulf %get3A_6, %mul3A_7 : vector<6272x32xf32>
    %get3A_9 = arith.constant 0 : index
    %get3A_10 = arith.constant 0 : index
    %get3A_11 = vector.load %arg5[%get3A_9, %get3A_10] : memref<64x64xf32, #tpu.memory_space<vmem>>, vector<32x64xf32>
    %dot_general3A = arith.constant dense<0.000000e+00> : vector<6272x64xf32>
    %dot_general3A_12 = tpu.matmul %mul3A_8, %get3A_11, %dot_general3A {dimension_numbers = #tpu.dot_dimension_numbers<[1], [0], [0], [1], [0, 0, 1, 1], [], []>, transpose_lhs_hint = false} : vector<6272x32xf32>, vector<32x64xf32>, vector<6272x64xf32> -> vector<6272x64xf32>
    %get3A_13 = arith.constant 0 : index
    %get3A_14 = arith.constant 0 : index
    %get3A_15 = vector.load %arg2[%get3A_13, %get3A_14] : memref<6272x32xf32, #tpu.memory_space<vmem>>, vector<6272x32xf32>
    %mul3A_16 = vector.broadcast %broadcast_in_dim3A : vector<6272x1xf32> to vector<6272x32xf32>
    %mul3A_17 = arith.mulf %get3A_15, %mul3A_16 : vector<6272x32xf32>
    %get3A_18 = arith.constant 32 : index
    %get3A_19 = arith.constant 0 : index
    %get3A_20 = vector.load %arg5[%get3A_18, %get3A_19] : memref<64x64xf32, #tpu.memory_space<vmem>>, vector<32x64xf32>
    %dot_general3A_21 = arith.constant dense<0.000000e+00> : vector<6272x64xf32>
    %dot_general3A_22 = tpu.matmul %mul3A_17, %get3A_20, %dot_general3A_21 {dimension_numbers = #tpu.dot_dimension_numbers<[1], [0], [0], [1], [0, 0, 1, 1], [], []>, transpose_lhs_hint = false} : vector<6272x32xf32>, vector<32x64xf32>, vector<6272x64xf32> -> vector<6272x64xf32>
    %add3A = arith.addf %dot_general3A_12, %dot_general3A_22 : vector<6272x64xf32>
    %get3A_23 = arith.constant 0 : index
    %get3A_24 = arith.constant 0 : index
    %get3A_25 = vector.load %arg4[%get3A_23, %get3A_24] : memref<1x64xf32, #tpu.memory_space<vmem>>, vector<1x64xf32>
    %add3A_26 = vector.broadcast %get3A_25 : vector<1x64xf32> to vector<6272x64xf32>
    %add3A_27 = arith.addf %add3A, %add3A_26 : vector<6272x64xf32>
    %swap3A = arith.constant 0 : index
    %swap3A_28 = arith.constant 0 : index
    %swap3A_29 = vector.load %arg6[%swap3A, %swap3A_28] : memref<6272x64xf32, #tpu.memory_space<vmem>>, vector<6272x64xf32>
    tpu.vector_store %arg6[%swap3A, %swap3A_28], %add3A_27 {strides = array<i32>} : memref<6272x64xf32, #tpu.memory_space<vmem>>, vector<6272x64xf32>,
    return
  }
  func.func @transform_0(%arg0: i32) -> (i32, i32) {
    %c0_i32 = arith.constant 0 : i32
    %c0_i32_0 = arith.constant 0 : i32
    return %arg0, %c0_i32 : i32, i32
  }
  func.func @transform_1(%arg0: i32) -> (i32, i32) {
    %c0_i32 = arith.constant 0 : i32
    %c0_i32_0 = arith.constant 0 : i32
    return %arg0, %c0_i32 : i32, i32
  }
  func.func @transform_2(%arg0: i32) -> i32 {
    %c0_i32 = arith.constant 0 : i32
    %c0_i32_0 = arith.constant 0 : i32
    return %c0_i32 : i32
  }
  func.func @transform_3(%arg0: i32) -> (i32, i32) {
    %c0_i32 = arith.constant 0 : i32
    %c0_i32_0 = arith.constant 0 : i32
    %c0_i32_1 = arith.constant 0 : i32
    return %c0_i32, %c0_i32_0 : i32, i32
  }
  func.func @transform_4(%arg0: i32) -> (i32, i32) {
    %c0_i32 = arith.constant 0 : i32
    %c0_i32_0 = arith.constant 0 : i32
    %c0_i32_1 = arith.constant 0 : i32
    return %c0_i32, %c0_i32_0 : i32, i32
  }
  func.func @transform_5(%arg0: i32) -> (i32, i32) {
    %c0_i32 = arith.constant 0 : i32
    %c0_i32_0 = arith.constant 0 : i32
    return %arg0, %c0_i32 : i32, i32
  }
}

</mosaic_0001>

<sc_bundles>
// kernel: kernel.6.cloned.1.call-start
scs
__scs_entry_jumppad:
0x0: {  	(pc) =	sbr.rel $0x88, $3  }
0x1: {  	(tag) =	ssettag $0x0;
	lr =	simm.s32 $0x1  }
0x2: {  	[smem:$0x3F9B] =	sst lr;
	_ =	strace $0xD0000000  }
0x3: {  	_ = 	snop  }
0x4: {  	_ = 	snop  }
0x5: {  	_ = 	snop  }
0x6: {  	_ = 	snop  }
0x7: {  	_ = 	snop  }
__scs_overlays_trampoline_lowered:
0x8: {  	[smem:$0x3FAA] =	sst s0  }
0x9: {  	[smem:$0x3FAB] =	sst s1  }
0xa: {  	[smem:$0x3FAC] =	sst s2  }
0xb: {  	[smem:$0x3FAD] =	sst s3  }
0xc: {  	[smem:$0x3FAE] =	sst s4  }
0xd: {  	[smem:$0x3FAF] =	sst s5  }
0xe: {  	[smem:$0x3FB0] =	sst s6  }
0xf: {  	[smem:$0x3FB1] =	sst s7  }
0x10: {  	[smem:$0x3FB2] =	sst s8  }
0x11: {  	[smem:$0x3FB3] =	sst s9;
	s0 =	simm.s32 @!p0 $0x0  }
0x12: {  	s1 =	sld [smem:$0x3F99];
	s0 =	simm.s32 @p0 $0x1  }
0x13: {  	[smem:$0x3FB4] =	sst s0;
	s0 =	simm.s32 @!p1 $0x0  }
0x14: {  	s2 =	sld [smem:$0x3F98];
	s0 =	simm.s32 @p1 $0x1  }
0x15: {  	[smem:$0x3FB5] =	sst s0;
	s0 =	simm.s32 @!p2 $0x0  }
0x16: {  	s3 =	sld [smem:$0x3FDB];
	s0 =	simm.s32 @p2 $0x1  }
0x17: {  	s4 =	simm.s32 $0x1BF5;
	[smem:$0x3FB7] =	sst s0  }
0x18: {  	s0 =	sld [smem:$0x3F9A];
	_ =	swait.ge [sflag:s4], $0x0  }
0x19: {  	s7 =	sld [smem:$0x3F9B]  }
0x1a: {  	s8 =	sadd.s32 $0xFFFFE003, lr  }
0x1b: {  	s9 =	sadd.s32 $0xFFFFFEF7, lr;
	s5 =	simm.s32 $0xFFFFFFFF;
	p2 =	slt.u32 s8, $0xFFFFF086  }
0x1c: {  	p1 =	slt.u32 s9, $0xF7A;
	s5 =	simm.s32 @!p2 $0x0  }
0x1d: {  	s5 =	simm.s32 @p1 $0x1;
	p0 =	seq.s32 s7, s2  }
0x1e: {  	s7 =	smul.u32 @!p0 $0xF7A, s2;
	p2 =	seq.s32 @!p0 s5, $0x0  }
0x1f: {  	s9 =	smul.u32 $0xF7A, s1;
	s8 =	simm.s32 @!p0 $0x1BF5;
	p2 =	por !p2, p0  }
0x20: {  	[sflag:s8] =	ssyncset.s32 @!p0 $0xFFFFF086;
	s6 =	sadd.s32 @!p0 s3, s7;
	s7 =	simm.s32 @!p0 $0x108  }
0x21: {  	s3 =	sadd.s32 s3, s9;
	s6 =	sadd.s32 @!p0 $0x88, s6;
	s7 =	simm.s32 @p2 $0x1082  }
0x22: {  	[simem:s7], [sflag:s8] =	dma.local @!p0 [hbm:s6], $0xF7A  }
0x23: {  	s9 =	sor.u32 $0xD0000000, s2;
	s6 =	simm.s32 $0x108;
	_ =	swait.ge @!p0 [sflag:s8], $0x0  }
0x24: {  	s3 =	sadd.s32 $0x88, s3;
	s6 =	simm.s32 @!p1 $0x1082;
	[sflag:s4] =	ssyncset.s32 $0xFFFFF086  }
0x25: {  	[simem:s6], [sflag:s4] =	dma.local [hbm:s3], $0xF7A  }
0x26: {  	[smem:$0x3F9B] =	sst s1;
	(tag) =	ssettag s2;
	_ =	strace s9  }
0x27: {  	s1 =	sld [smem:$0x3FAB]  }
0x28: {  	s2 =	sld [smem:$0x3FAC]  }
0x29: {  	s4 =	sld [smem:$0x3FAE]  }
0x2a: {  	p0 =	seq.s32 s5, $0x0;
	s5 =	sld [smem:$0x3FAF]  }
0x2b: {  	s6 =	sld [smem:$0x3FB0]  }
0x2c: {  	s7 =	sld [smem:$0x3FB1]  }
0x2d: {  	s3 =	simm.s32 $0x108;
	s8 =	sld [smem:$0x3FB2]  }
0x2e: {  	s3 =	simm.s32 @!p0 $0x1082;
	s9 =	sld [smem:$0x3FB3]  }
0x2f: {  	lr =	sadd.s32 s0, s3;
	s0 =	sld [smem:$0x3FAA]  }
0x30: {  	s3 =	sld [smem:$0x3FAD]  }
0x31: {  	[smem:$0x3FB6] =	sst s10  }
0x32: {  	s10 =	sld [smem:$0x3FB4];
	_ =	sdelay $0x3  }
0x33: {  	p0 =	seq.s32 s10, $0x1;
	s10 =	sld [smem:$0x3FB6];
	_ =	sdelay $0x3  }
0x34: {  	[smem:$0x3FB6] =	sst s10  }
0x35: {  	s10 =	sld [smem:$0x3FB5];
	_ =	sdelay $0x3  }
0x36: {  	p1 =	seq.s32 s10, $0x1;
	s10 =	sld [smem:$0x3FB6];
	_ =	sdelay $0x3  }
0x37: {  	[smem:$0x3FB6] =	sst s10  }
0x38: {  	s10 =	sld [smem:$0x3FB7]  }
0x39: {  	_ = 	snop;
	(pc) =	sbr.ind lr, $3  }
0x3a: {  	_ = 	snop  }
0x3b: {  	_ = 	snop  }
0x3c: {  	p2 =	seq.s32 s10, $0x1;
	s10 =	sld [smem:$0x3FB6]  }
0x3d: {  	_ =	shalt  }
0x3e: {  	_ =	shalt  }
0x3f: {  	_ =	shalt  }
0x40: {  	_ =	shalt  }
0x41: {  	_ =	shalt  }
0x42: {  	_ =	shalt  }
0x43: {  	_ =	shalt  }
0x44: {  	_ =	shalt  }
0x45: {  	_ =	shalt  }
0x46: {  	_ =	shalt  }
0x47: {  	_ =	shalt  }
0x48: {  	_ =	shalt  }
0x49: {  	_ =	shalt  }
0x4a: {  	_ =	shalt  }
0x4b: {  	_ =	shalt  }
0x4c: {  	_ =	shalt  }
0x4d: {  	_ =	shalt  }
0x4e: {  	_ =	shalt  }
0x4f: {  	_ =	shalt  }
0x50: {  	_ =	shalt  }
0x51: {  	_ =	shalt  }
0x52: {  	_ =	shalt  }
0x53: {  	_ =	shalt  }
0x54: {  	_ =	shalt  }
0x55: {  	_ =	shalt  }
0x56: {  	_ =	shalt  }
0x57: {  	_ =	shalt  }
0x58: {  	_ =	shalt  }
0x59: {  	_ =	shalt  }
0x5a: {  	_ =	shalt  }
0x5b: {  	_ =	shalt  }
0x5c: {  	_ =	shalt  }
0x5d: {  	_ =	shalt  }
0x5e: {  	_ =	shalt  }
0x5f: {  	_ =	shalt  }
0x60: {  	_ =	shalt  }
0x61: {  	_ =	shalt  }
0x62: {  	_ =	shalt  }
0x63: {  	_ =	shalt  }
0x64: {  	_ =	shalt  }
0x65: {  	_ =	shalt  }
0x66: {  	_ =	shalt  }
0x67: {  	_ =	shalt  }
0x68: {  	_ =	shalt  }
0x69: {  	_ =	shalt  }
0x6a: {  	_ =	shalt  }
0x6b: {  	_ =	shalt  }
0x6c: {  	_ =	shalt  }
0x6d: {  	_ =	shalt  }
0x6e: {  	_ =	shalt  }
0x6f: {  	_ =	shalt  }
0x70: {  	_ =	shalt  }
0x71: {  	_ =	shalt  }
0x72: {  	_ =	shalt  }
0x73: {  	_ =	shalt  }
0x74: {  	_ =	shalt  }
0x75: {  	_ =	shalt  }
0x76: {  	_ =	shalt  }
0x77: {  	_ =	shalt  }
0x78: {  	_ =	shalt  }
0x79: {  	_ =	shalt  }
0x7a: {  	_ =	shalt  }
0x7b: {  	_ =	shalt  }
0x7c: {  	_ =	shalt  }
0x7d: {  	_ =	shalt  }
0x7e: {  	_ =	shalt  }
0x7f: {  	_ =	shalt  }
0x80: {  	_ =	shalt  }
0x81: {  	_ =	shalt  }
0x82: {  	_ =	shalt  }
0x83: {  	_ =	shalt  }
0x84: {  	_ =	shalt  }
0x85: {  	_ =	shalt  }
0x86: {  	_ =	shalt  }
0x87: {  	_ =	shalt  }
.Lfunc_end0:
.L_simem_size_0:
called_computation_lowered:
.L_overlay_start_0:
0x88: {  	s2 =	sld [smem:$0x3FD9]  }
0x89: {  	s3 =	sld [smem:$0x3FFE];
	_ =	sdelay $0x1  }
0x8a: {  	s1 =	srdreg.scid  }
0x8b: {  	s0 =	sand.u32 $0x1, s1  }
0x8c: {  	s16 =	sshll.u32 s0, $0xA;
	s2 =	sadd.s32 s3, s2  }
0x8d: {  	s2 =	sadd.s32 s2, s16  }
0x8e: {  	[smem:$0x3FC2] =	sst s2  }
0x8f: {  	_ = 	snop  }
0x90: {  	(tm) =	ssettm $0x1  }
0x91: {  	s17 =	sld [smem:$0x3FFB];
	_ =	sdelay $0x3  }
0x92: {  	_ =	strace s17  }
0x93: {  	s2 =	sld [smem:$0x3FFC];
	_ =	sdelay $0x3  }
0x94: {  	_ =	strace s2  }
0x95: {  	s2 =	sld [smem:$0x3FFD];
	_ =	sdelay $0x3  }
0x96: {  	_ =	strace s2  }
0x97: {  	_ =	strace $0x8FFFFFFF  }
0x98: {  	s18 =	sld [smem:$0x3FDB];
	_ =	sdelay $0x1  }
0x99: {  	s19 =	simm.s32 $_scs_section_size  }
0x9a: {  	s4 =	simm.s32 $_size__tile_overlayer_lowered;
	s5 =	simm.s32 $_tile_overlayer_lowered  }
0x9b: {  	s22 =	simm.s32 $0x1BFF;
	s21 =	sshll.u32 s5, $0x1;
	s2 =	sadd.s32 s19, s18  }
0x9c: {  	s6 =	simm.s32 $0x0;
	s20 =	sshll.u32 s4, $0x1;
	s4 =	sadd.s32 s21, s2  }
0x9d: {  	[timem:s6], [sflag:s22] =	dma.local [hbm:s4], s20  }
0x9e: {  	_ =	swait.ge [sflag:s22], s20  }
0x9f: {  	s3 =	ssub.s32 $0x0, s20;
	[sflag:s22] =	ssyncset.done $0x0  }
0xa0: {  	[sflag:s22] =	ssyncadd.s32 s3;
	_ =	sdelay $0x1  }
0xa1: {  	s23 =	simm.s32 $0x1B8B  }
0xa2: {  	_ =	swait.ge [sflag:s23], $0x1  }
0xa3: {  	[sflag:s23] =	ssyncset.done $0x0  }
0xa4: {  	s25 =	simm.s32 $0x1B8E;
	s24 =	sld [smem:$0x3FFE];
	[sflag:s23] =	ssyncadd.s32 $0xFFFFFFFF  }
0xa5: {  	s26 =	simm.s32 $execute0_lowered;
	[smem:$0x3FD2] =	sst s25  }
0xa6: {  	s4 =	sshll.u32 s26, $0x1;
	_ =	strace $0x80000046;
	[dreg:$0x1] =	wrdreg $0xFFFFFFFF  }
0xa7: {  	s28 =	simm.s32 $_size_execute0_lowered;
	s2 =	sadd.s32 s2, s4;
	[dreg:$0x0] =	wrdreg $0x0  }
0xa8: {  	s4 =	sshll.u32 s28, $0x1;
	[dreg:$0x2] =	wrdreg s2  }
0xa9: {  	[dreg:$0x3] =	wrdreg s4  }
0xaa: {  	[dreg:$0x4] =	wrdreg $0xC0  }
0xab: {  	_ =	task [dreg:s6], $0x5FFFF  }
0xac: {  	[dreg:$0x1] =	wrdreg $0xFFFFFFFF  }
0xad: {  	[dreg:$0x0] =	wrdreg $0x60  }
0xae: {  	[dreg:$0x2] =	wrdreg s24  }
0xaf: {  	[dreg:$0x3] =	wrdreg $0x18C00  }
0xb0: {  	[dreg:$0x4] =	wrdreg $0x9  }
0xb1: {  	_ =	task.clear_ibuf [dreg:s6], $0x5FFFF;
	_ =	strace $0x90000046  }
0xb2: {  	s29 =	simm.s32 $0x9;
	_ =	strace $0x80000048  }
0xb3: {  	_ =	swait.ge [sflag:s29], $0x1  }
0xb4: {  	[sflag:s29] =	ssyncadd.s32 $0xFFFFFFFF  }
0xb5: {  	_ =	strace $0x90000048  }
0xb6: {  	_ =	sfence  }
0xb7: {  	s30 =	sld [smem:$0x0];
	_ =	sdelay $0x2  }
0xb8: {  	s31 =	sshll.u32 s1, $0xD;
	s1 =	sshrl.u32 s1, $0x2  }
0xb9: {  	s3 =	sand.u32 $0x4000, s31;
	s1 =	sadd.s32 s1, s30  }
0xba: {  	s0 =	sor.u32 s3, s0;
	s1 =	sshll.u32 s1, $0x11  }
0xbb: {  	s0 =	sor.u32 s1, s0  }
0xbc: {  	s0 =	sadd.s32 $0x8F2B, s0  }
0xbd: {  	[sflag:s0] =	ssyncadd.remote.s32 $0x1  }
0xbe: {  	_ =	sfence.sel $0xFFFF  }
0xbf: {  	[dreg:$0x0] =	wrdreg $0xFFFFFFFF;
	(pc) =	sbr.abs _section_cstart, $3  }
0xc0: {  	[dreg:$0x1] =	wrdreg $0xFFFFFFFF  }
0xc1: {  	_ =	task.clear_ibuf [dreg:s6], $0x2FFFF;
	_ =	strace $0x9FFFFFFF  }
0xc2: {  	(tm) =	ssettm $0x7FFFFFFF  }
0xc3: {  	_ =	shalt  }
tec
execute0_lowered:
.L_overlay_start_1:
0x0: {  	(tag) =	ssettag $0x1  }
0x1: {  	s4 =	rddreg [dreg:$0x0]  }
0x2: {  	s1 =	rddreg [dreg:$0x1]  }
0x3: {  	s0 =	rddreg [dreg:$0x2];
	s3 =	simm.s32 $0x0  }
0x4: {  	s5 =	srdreg.scid;
	s2 =	stileid.u32;
	s14 =	simm.s32 $0x2  }
0x5: {  	s15 =	simm.s32 $0x0;
	[smem:$0x7FF] =	sst s3;
	s5 =	sand.u32 $0x1, s5  }
0x6: {  	s6 =	sadd.s32 $0x1B000, s4;
	s8 =	smul.u32 $0xC40, s2;
	s9 =	sadd.s32 $0x2800, s4  }
0x7: {  	s10 =	sadd.s32 $0x33800, s4;
	s12 =	sadd.s32 $0x35200, s4;
	s31 =	smul.u32 $0x1880, s2  }
0x8: {  	_ =	strace $0x80000047;
	s7 =	ssub.s32 $0x2, s5;
	p0 =	seq.s32 s5, $0x0  }
0x9: {  	s13 =	sor.u32 s2, s5;
	s11 =	sshrl.u32 s7, $0x1;
	s4 =	sadd.s32 s8, s1  }
.Ltmp0:
0xa: {  	s8 =	sshrl.u32 s8, $0x3;
	s9 =	smov.u32 @p0 s6;
	(pc) =	sbr.rel .LBB2_1-.Ltmp0, $4  }
0xb: {  	s12 =	smov.u32 @p0 s10;
	s10 =	simm.s32 $0x4;
	p0 =	sne.s32 s13, $0x0  }
0xc: {  	s13 =	simm.s32 $0xC00;
	s7 =	ssub.s32 s7, s11;
	s6 =	sadd.s32 s9, s31  }
0xd: {  	s9 =	simm.s32 $0x5;
	s11 =	simm.s32 $0x3;
	s5 =	smax.u32 s7, $0x1  }
0xe: {  	v0 =	vimm.f32 $1.000000000e+00;
	v1 =	vimm.f32 $0.0e+00;
	vm0 =	vcmask @!p0 $0x300;
	s7 =	sadd.s32 s12, s8;
	s8 =	simm.s32 $0xC80;
	s12 =	simm.s32 $0x80  }
.LBB2_17:
0xf: {  	_ =	swait.ge [sflag:s14], $0x80  }
0x10: {  	[sflag:s14] =	ssyncset.done $0x0  }
0x11: {  	[sflag:s14] =	ssyncadd.s32 $0xFFFFFF80  }
0x12: {  	_ =	swait.ge [sflag:s11], $0x80  }
0x13: {  	[sflag:s11] =	ssyncset.done $0x0  }
0x14: {  	[sflag:s11] =	ssyncadd.s32 $0xFFFFFF80  }
0x15: {  	_ =	swait.ge [sflag:s10], $0x80  }
0x16: {  	[sflag:s10] =	ssyncset.done $0x0  }
0x17: {  	[sflag:s10] =	ssyncadd.s32 $0xFFFFFF80  }
0x18: {  	[bflag:$0x0] =	sbarrier.arrive $0xFFFF  }
0x19: {  	[tilespmem:s8], [sflag:$0x5] =	stream.linear.gather [spmem:s4], $0xC40, $0x38;
	[tilespmem:$0x2500] =	vst v63  }
0x1a: {  	_ =	swait.ge [sflag:s9], $0xC40  }
0x1b: {  	[sflag:s9] =	ssyncset.done $0x0  }
0x1c: {  	[sflag:s9] =	ssyncadd.s32 $0xFFFFF3C0  }
0x1d: {  	v2 =	vld @!p0 [tilespmem:$0xC80];
	_ =	sdelay $0x2  }
0x1e: {  	v3 =	vimm.f32 @!p0 $-0.0e+00  }
0x1f: {  	v3 =	vsel @!p0 vm0, $0xC5300000, v3  }
0x20: {  	s15 =	sadd.s32 $0x1, s15;
	v2 =	vadd.f32 @!p0 v3, v2  }
0x21: {  	p1 =	sne.s32 s15, s5  }
.Ltmp1:
0x22: {  	[tilespmem:$0xC80] =	vst @!p0 v2;
	(pc) =	sbr.rel @!p1 .LBB2_18-.Ltmp1, $4  }
0x23: {  	[hbm4b:s7+s3] =	stream.linear.scatter [tilespmem:s8], [sflag:$0x5], $0xC40, $0x38;
	[tilespmem:$0x2500] =	vst v63  }
0x24: {  	_ =	swait.ge [sflag:s9], $0xC40  }
0x25: {  	[sflag:s9] =	ssyncset.done $0x0  }
0x26: {  	[sflag:s9] =	ssyncadd.s32 $0xFFFFF3C0  }
.LBB2_1:
0x27: {  	[tilespmem:$0xC00] =	vst v0  }
0x28: {  	[tilespmem:$0xC10] =	vst v0  }
0x29: {  	[tilespmem:$0xC20] =	vst v0  }
0x2a: {  	[tilespmem:$0xC30] =	vst v0  }
0x2b: {  	[tilespmem:$0xC40] =	vst v0  }
0x2c: {  	[tilespmem:$0xC50] =	vst v0  }
0x2d: {  	[tilespmem:$0xC60] =	vst v0  }
0x2e: {  	[tilespmem:$0xC70] =	vst v0;
	s16 =	simm.s32 $0x40;
	s17 =	simm.s32 $0x0  }
.LBB2_2:
0x2f: {  	p1 =	sne.s32 s16, $0x30C0;
	[tilespmem:s17+$0xC80] =	vst v1;
	s17 =	smov.u32 s16;
	s16 =	sadd.s32 $0x40, s16  }
.Ltmp2:
0x30: {  	(pc) =	sbr.rel @p1 .LBB2_2-.Ltmp2, $2  }
0x31: {  	_ =	sdelay $0x2  }
0x32: {  	s17 =	sshra.s32 s17, $0x2  }
0x33: {  	[tilespmem:s17+$0xC80] =	vst v1  }
0x34: {  	[spmem:s4] =	stream.linear.scatter [tilespmem:s8], [sflag:$0x5], $0xC40, $0x38;
	[tilespmem:$0x2500] =	vst v63  }
0x35: {  	_ =	swait.ge [sflag:s9], $0xC40  }
0x36: {  	[sflag:s9] =	ssyncset.done $0x0  }
0x37: {  	s16 =	simm.s32 $0x0;
	[sflag:s9] =	ssyncadd.s32 $0xFFFFF3C0  }
0x38: {  	[tilespmem:s16], [sflag:$0x5] =	stream.linear.gather [hbm4b:s6+s16], $0x400, $0x38;
	[tilespmem:$0x2500] =	vst v63  }
.Ltmp3:
0x39: {  	_ =	swait.ge [sflag:s9], $0x400;
	(pc) =	sbr.rel .LBB2_4-.Ltmp3, $3  }
0x3a: {  	[sflag:s9] =	ssyncset.done $0x0  }
0x3b: {  	[sflag:s9] =	ssyncadd.s32 $0xFFFFFC00  }
0x3c: {  	[bflag:$0x0] =	sbarrier.arrive $0xFFFF;
	_ =	sdelay $0x1  }
.LBB2_8:
0x3d: {  	s19 =	smul.u32 $0xAAAB, s16;
	_ =	sdelay $0x1  }
0x3e: {  	s19 =	sshrl.u32 s19, $0x11  }
0x3f: {  	s19 =	smul.u32 $0x3, s19;
	_ =	sdelay $0x1  }
0x40: {  	s19 =	ssub.s32 s16, s19  }
0x41: {  	s19 =	sand.u32 $0xFFFF, s19  }
0x42: {  	p1 =	seq.s32 s19, $0x2  }
.Ltmp4:
0x43: {  	_ = 	snop;
	(pc) =	sbr.rel @p1 .LBB2_14-.Ltmp4, $1  }
0x44: {  	_ =	sdelay $0x3  }
0x45: {  	p1 =	seq.s32 s19, $0x1  }
0x46: {  	_ =	swait.ge @p1 [sflag:s11], $0x80  }
0x47: {  	s19 =	simm.s32 @p1 $0x3;
	[sflag:s11] =	ssyncset.done @p1 $0x0  }
0x48: {  	s19 =	simm.s32 @!p1 $0x2;
	[sflag:s11] =	ssyncadd.s32 @p1 $0xFFFFFF80  }
0x49: {  	_ =	swait.ge @!p1 [sflag:s19], $0x80  }
0x4a: {  	[sflag:s19] =	ssyncset.done @!p1 $0x0  }
0x4b: {  	[sflag:s19] =	ssyncadd.s32 @!p1 $0xFFFFFF80  }
.LBB2_16:
0x4c: {  	s20 =	smul.u32 $0xAB, s18;
	_ =	sdelay $0x1  }
0x4d: {  	s20 =	sshrl.u32 s20, $0x9  }
0x4e: {  	s20 =	sand.u32 $0x7F, s20  }
0x4f: {  	s16 =	sadd.s32 $0x1, s16;
	s20 =	smul.u32 $0x3, s20  }
0x50: {  	p1 =	sne.s32 s16, $0x188  }
.Ltmp5:
0x51: {  	s31 =	ssub.s32 s18, s20;
	(pc) =	sbr.rel @!p1 .LBB2_17-.Ltmp5, $4  }
0x52: {  	s18 =	sand.u32 $0xFF, s31  }
0x53: {  	s17 =	sshll.u32 s17, $0x7;
	s18 =	sshll.u32 s18, $0xA  }
0x54: {  	s17 =	sor.u32 s17, s18  }
0x55: {  	[spmem:s1] =	stream.indirect.scatter.add.f32 [tilespmem:s13], [sflag:s19], $0x1, s17, s12, $0xb8;
	[tilespmem:$0x2500] =	vst v63  }
.LBB2_4:
0x56: {  	s17 =	sand.u32 $0x7, s16  }
0x57: {  	p1 =	sne.s32 s17, $0x0  }
.Ltmp6:
0x58: {  	_ = 	snop;
	(pc) =	sbr.rel @p1 .LBB2_7-.Ltmp6, $2  }
0x59: {  	_ =	sdelay $0x2  }
0x5a: {  	s18 =	sshrl.u32 s16, $0x3  }
0x5b: {  	p2 =	sgt.u32 s16, $0x17F  }
.Ltmp7:
0x5c: {  	p1 =	seq.s32 s18, $0x0;
	(pc) =	sbr.rel @p2 .LBB2_8-.Ltmp7, $4  }
0x5d: {  	s19 =	simm.s32 @!p1 $0x1  }
0x5e: {  	_ =	swait.ge @!p1 [sflag:s19], $0x400  }
0x5f: {  	[sflag:s19] =	ssyncset.done @!p1 $0x0  }
0x60: {  	[sflag:s19] =	ssyncadd.s32 @!p1 $0xFFFFFC00  }
0x61: {  	s19 =	sadd.s32 $0x1, s18  }
0x62: {  	s20 =	smul.u32 $0xAB, s19;
	_ =	sdelay $0x1  }
0x63: {  	s20 =	sshrl.u32 s20, $0x9  }
0x64: {  	s20 =	sand.u32 $0x7F, s20  }
0x65: {  	s20 =	smul.u32 $0x3, s20;
	_ =	sdelay $0x1  }
0x66: {  	s20 =	ssub.s32 s19, s20  }
0x67: {  	s19 =	sshll.u32 s19, $0x7;
	s20 =	sand.u32 $0xFF, s20  }
0x68: {  	s19 =	sadd.s32 s6, s19;
	s20 =	sshll.u32 s20, $0xA  }
0x69: {  	[tilespmem:s20], [sflag:$0x1] =	stream.linear.gather [hbm4b:s19+s3], $0x400, $0x38;
	[tilespmem:$0x2500] =	vst v63  }
.LBB2_7:
0x6a: {  	p1 =	slt.u32 s16, $0x3  }
.Ltmp8:
0x6b: {  	_ = 	snop;
	(pc) =	sbr.rel @!p1 .LBB2_8-.Ltmp8, $1  }
0x6c: {  	_ =	sdelay $0x3  }
0x6d: {  	p1 =	seq.s32 s16, $0x0  }
.Ltmp9:
0x6e: {  	_ = 	snop;
	(pc) =	sbr.rel @p1 .LBB2_11-.Ltmp9, $1  }
0x6f: {  	_ =	sdelay $0x3  }
0x70: {  	p1 =	seq.s32 s16, $0x2  }
.Ltmp10:
0x71: {  	_ = 	snop;
	(pc) =	sbr.rel @p1 .LBB2_15-.Ltmp10, $1  }
0x72: {  	_ =	sdelay $0x3  }
.Ltmp11:
0x73: {  	(pc) =	sbr.rel .LBB2_16-.Ltmp11, $2  }
0x74: {  	_ =	sdelay $0x2  }
0x75: {  	s19 =	simm.s32 $0x3  }
.LBB2_14:
0x76: {  	_ =	swait.ge [sflag:s10], $0x80  }
0x77: {  	[sflag:s10] =	ssyncset.done $0x0  }
0x78: {  	[sflag:s10] =	ssyncadd.s32 $0xFFFFFF80  }
.LBB2_15:
.Ltmp12:
0x79: {  	(pc) =	sbr.rel .LBB2_16-.Ltmp12, $2  }
0x7a: {  	_ =	sdelay $0x2  }
0x7b: {  	s19 =	simm.s32 $0x4  }
.LBB2_11:
.Ltmp13:
0x7c: {  	(pc) =	sbr.rel .LBB2_16-.Ltmp13, $2  }
0x7d: {  	_ =	sdelay $0x2  }
0x7e: {  	s19 =	simm.s32 $0x2  }
.LBB2_18:
0x7f: {  	_ =	sfence.sel $0x180000  }
0x80: {  	[bflag:$0x0] =	sbarrier.arrive $0xFFFF  }
0x81: {  	p0 =	sne.s32 s2, $0x0;
	_ =	strace $0x90000047  }
0x82: {  	s0 =	sadd.s32 @!p0 $0x100000, s0;
	[bflag:$0x2] =	sbarrier.arrive $0xFFFF  }
0x83: {  	[sflag:s0] =	ssyncadd.tile.s32 @!p0 $0x1;
	_ =	shalt  }
.Lfunc_end2:
_tile_overlayer_lowered:
.L_overlay_start_2:
0x84: {  	(tag) =	ssettag $0x2  }
0x85: {  	s0 =	rddreg [dreg:$0x0];
	s2 =	stileid.u32  }
0x86: {  	s1 =	rddreg [dreg:$0x1];
	p0 =	sne.s32 s2, $0x0  }
0x87: {  	s3 =	rddreg [dreg:$0x2];
	[bflag:$0x3] =	sbarrier.arrive $0xFFFF;
	s2 =	simm.s32 @!p0 $0x1C05  }
0x88: {  	[timem:s3], [sflag:s2] =	dma.local @!p0 [hbm:s0], s1  }
0x89: {  	s0 =	simm.s32 @!p0 $0x5  }
0x8a: {  	_ =	swait.ge @!p0 [sflag:s0], s1  }
0x8b: {  	s1 =	ssub.s32 @!p0 $0x0, s1;
	[sflag:s0] =	ssyncset.done @!p0 $0x0  }
0x8c: {  	[sflag:s0] =	ssyncadd.s32 @!p0 s1  }
0x8d: {  	[bflag:$0x3] =	sbarrier.arrive $0xFFFF  }
0x8e: {  	_ =	shalt  }

// kernel: kernel.9.cloned.1.call-start
scs
__scs_entry_jumppad:
0x0: {  	(pc) =	sbr.rel $0x88, $3  }
0x1: {  	(tag) =	ssettag $0x0;
	lr =	simm.s32 $0x1  }
0x2: {  	[smem:$0x3F9B] =	sst lr;
	_ =	strace $0xD0000000  }
0x3: {  	_ = 	snop  }
0x4: {  	_ = 	snop  }
0x5: {  	_ = 	snop  }
0x6: {  	_ = 	snop  }
0x7: {  	_ = 	snop  }
__scs_overlays_trampoline_lowered:
0x8: {  	[smem:$0x3FAA] =	sst s0  }
0x9: {  	[smem:$0x3FAB] =	sst s1  }
0xa: {  	[smem:$0x3FAC] =	sst s2  }
0xb: {  	[smem:$0x3FAD] =	sst s3  }
0xc: {  	[smem:$0x3FAE] =	sst s4  }
0xd: {  	[smem:$0x3FAF] =	sst s5  }
0xe: {  	[smem:$0x3FB0] =	sst s6  }
0xf: {  	[smem:$0x3FB1] =	sst s7  }
0x10: {  	[smem:$0x3FB2] =	sst s8  }
0x11: {  	[smem:$0x3FB3] =	sst s9;
	s0 =	simm.s32 @!p0 $0x0  }
0x12: {  	s1 =	sld [smem:$0x3F99];
	s0 =	simm.s32 @p0 $0x1  }
0x13: {  	[smem:$0x3FB4] =	sst s0;
	s0 =	simm.s32 @!p1 $0x0  }
0x14: {  	s2 =	sld [smem:$0x3F98];
	s0 =	simm.s32 @p1 $0x1  }
0x15: {  	[smem:$0x3FB5] =	sst s0;
	s0 =	simm.s32 @!p2 $0x0  }
0x16: {  	s3 =	sld [smem:$0x3FDB];
	s0 =	simm.s32 @p2 $0x1  }
0x17: {  	s4 =	simm.s32 $0x1BF5;
	[smem:$0x3FB7] =	sst s0  }
0x18: {  	s0 =	sld [smem:$0x3F9A];
	_ =	swait.ge [sflag:s4], $0x0  }
0x19: {  	s7 =	sld [smem:$0x3F9B]  }
0x1a: {  	s8 =	sadd.s32 $0xFFFFE003, lr  }
0x1b: {  	s9 =	sadd.s32 $0xFFFFFEF7, lr;
	s5 =	simm.s32 $0xFFFFFFFF;
	p2 =	slt.u32 s8, $0xFFFFF086  }
0x1c: {  	p1 =	slt.u32 s9, $0xF7A;
	s5 =	simm.s32 @!p2 $0x0  }
0x1d: {  	s5 =	simm.s32 @p1 $0x1;
	p0 =	seq.s32 s7, s2  }
0x1e: {  	s7 =	smul.u32 @!p0 $0xF7A, s2;
	p2 =	seq.s32 @!p0 s5, $0x0  }
0x1f: {  	s9 =	smul.u32 $0xF7A, s1;
	s8 =	simm.s32 @!p0 $0x1BF5;
	p2 =	por !p2, p0  }
0x20: {  	[sflag:s8] =	ssyncset.s32 @!p0 $0xFFFFF086;
	s6 =	sadd.s32 @!p0 s3, s7;
	s7 =	simm.s32 @!p0 $0x108  }
0x21: {  	s3 =	sadd.s32 s3, s9;
	s6 =	sadd.s32 @!p0 $0x88, s6;
	s7 =	simm.s32 @p2 $0x1082  }
0x22: {  	[simem:s7], [sflag:s8] =	dma.local @!p0 [hbm:s6], $0xF7A  }
0x23: {  	s9 =	sor.u32 $0xD0000000, s2;
	s6 =	simm.s32 $0x108;
	_ =	swait.ge @!p0 [sflag:s8], $0x0  }
0x24: {  	s3 =	sadd.s32 $0x88, s3;
	s6 =	simm.s32 @!p1 $0x1082;
	[sflag:s4] =	ssyncset.s32 $0xFFFFF086  }
0x25: {  	[simem:s6], [sflag:s4] =	dma.local [hbm:s3], $0xF7A  }
0x26: {  	[smem:$0x3F9B] =	sst s1;
	(tag) =	ssettag s2;
	_ =	strace s9  }
0x27: {  	s1 =	sld [smem:$0x3FAB]  }
0x28: {  	s2 =	sld [smem:$0x3FAC]  }
0x29: {  	s4 =	sld [smem:$0x3FAE]  }
0x2a: {  	p0 =	seq.s32 s5, $0x0;
	s5 =	sld [smem:$0x3FAF]  }
0x2b: {  	s6 =	sld [smem:$0x3FB0]  }
0x2c: {  	s7 =	sld [smem:$0x3FB1]  }
0x2d: {  	s3 =	simm.s32 $0x108;
	s8 =	sld [smem:$0x3FB2]  }
0x2e: {  	s3 =	simm.s32 @!p0 $0x1082;
	s9 =	sld [smem:$0x3FB3]  }
0x2f: {  	lr =	sadd.s32 s0, s3;
	s0 =	sld [smem:$0x3FAA]  }
0x30: {  	s3 =	sld [smem:$0x3FAD]  }
0x31: {  	[smem:$0x3FB6] =	sst s10  }
0x32: {  	s10 =	sld [smem:$0x3FB4];
	_ =	sdelay $0x3  }
0x33: {  	p0 =	seq.s32 s10, $0x1;
	s10 =	sld [smem:$0x3FB6];
	_ =	sdelay $0x3  }
0x34: {  	[smem:$0x3FB6] =	sst s10  }
0x35: {  	s10 =	sld [smem:$0x3FB5];
	_ =	sdelay $0x3  }
0x36: {  	p1 =	seq.s32 s10, $0x1;
	s10 =	sld [smem:$0x3FB6];
	_ =	sdelay $0x3  }
0x37: {  	[smem:$0x3FB6] =	sst s10  }
0x38: {  	s10 =	sld [smem:$0x3FB7]  }
0x39: {  	_ = 	snop;
	(pc) =	sbr.ind lr, $3  }
0x3a: {  	_ = 	snop  }
0x3b: {  	_ = 	snop  }
0x3c: {  	p2 =	seq.s32 s10, $0x1;
	s10 =	sld [smem:$0x3FB6]  }
0x3d: {  	_ =	shalt  }
0x3e: {  	_ =	shalt  }
0x3f: {  	_ =	shalt  }
0x40: {  	_ =	shalt  }
0x41: {  	_ =	shalt  }
0x42: {  	_ =	shalt  }
0x43: {  	_ =	shalt  }
0x44: {  	_ =	shalt  }
0x45: {  	_ =	shalt  }
0x46: {  	_ =	shalt  }
0x47: {  	_ =	shalt  }
0x48: {  	_ =	shalt  }
0x49: {  	_ =	shalt  }
0x4a: {  	_ =	shalt  }
0x4b: {  	_ =	shalt  }
0x4c: {  	_ =	shalt  }
0x4d: {  	_ =	shalt  }
0x4e: {  	_ =	shalt  }
0x4f: {  	_ =	shalt  }
0x50: {  	_ =	shalt  }
0x51: {  	_ =	shalt  }
0x52: {  	_ =	shalt  }
0x53: {  	_ =	shalt  }
0x54: {  	_ =	shalt  }
0x55: {  	_ =	shalt  }
0x56: {  	_ =	shalt  }
0x57: {  	_ =	shalt  }
0x58: {  	_ =	shalt  }
0x59: {  	_ =	shalt  }
0x5a: {  	_ =	shalt  }
0x5b: {  	_ =	shalt  }
0x5c: {  	_ =	shalt  }
0x5d: {  	_ =	shalt  }
0x5e: {  	_ =	shalt  }
0x5f: {  	_ =	shalt  }
0x60: {  	_ =	shalt  }
0x61: {  	_ =	shalt  }
0x62: {  	_ =	shalt  }
0x63: {  	_ =	shalt  }
0x64: {  	_ =	shalt  }
0x65: {  	_ =	shalt  }
0x66: {  	_ =	shalt  }
0x67: {  	_ =	shalt  }
0x68: {  	_ =	shalt  }
0x69: {  	_ =	shalt  }
0x6a: {  	_ =	shalt  }
0x6b: {  	_ =	shalt  }
0x6c: {  	_ =	shalt  }
0x6d: {  	_ =	shalt  }
0x6e: {  	_ =	shalt  }
0x6f: {  	_ =	shalt  }
0x70: {  	_ =	shalt  }
0x71: {  	_ =	shalt  }
0x72: {  	_ =	shalt  }
0x73: {  	_ =	shalt  }
0x74: {  	_ =	shalt  }
0x75: {  	_ =	shalt  }
0x76: {  	_ =	shalt  }
0x77: {  	_ =	shalt  }
0x78: {  	_ =	shalt  }
0x79: {  	_ =	shalt  }
0x7a: {  	_ =	shalt  }
0x7b: {  	_ =	shalt  }
0x7c: {  	_ =	shalt  }
0x7d: {  	_ =	shalt  }
0x7e: {  	_ =	shalt  }
0x7f: {  	_ =	shalt  }
0x80: {  	_ =	shalt  }
0x81: {  	_ =	shalt  }
0x82: {  	_ =	shalt  }
0x83: {  	_ =	shalt  }
0x84: {  	_ =	shalt  }
0x85: {  	_ =	shalt  }
0x86: {  	_ =	shalt  }
0x87: {  	_ =	shalt  }
.Lfunc_end0:
.L_simem_size_0:
called_computation.1_lowered:
.L_overlay_start_0:
0x88: {  	s2 =	sld [smem:$0x3FD9]  }
0x89: {  	s3 =	sld [smem:$0x3FFE];
	_ =	sdelay $0x1  }
0x8a: {  	s1 =	srdreg.scid  }
0x8b: {  	s0 =	sand.u32 $0x1, s1  }
0x8c: {  	s17 =	sshll.u32 s0, $0xA;
	s2 =	sadd.s32 s3, s2  }
0x8d: {  	s2 =	sadd.s32 s2, s17  }
0x8e: {  	[smem:$0x3FC2] =	sst s2  }
0x8f: {  	_ = 	snop  }
0x90: {  	s2 =	sld [smem:$0x3FC6]  }
0x91: {  	s18 =	sld [smem:$0x3FD0];
	(tm) =	ssettm $0x1  }
0x92: {  	s4 =	sld [smem:$0x3FFB];
	_ =	sdelay $0x3  }
0x93: {  	_ =	strace s4  }
0x94: {  	s4 =	sld [smem:$0x3FFC];
	_ =	sdelay $0x3  }
0x95: {  	_ =	strace s4  }
0x96: {  	s4 =	sld [smem:$0x3FFD];
	_ =	sdelay $0x3  }
0x97: {  	_ =	strace s4  }
0x98: {  	_ =	strace $0x8FFFFFFF  }
0x99: {  	s19 =	sld [smem:$0x3FDB];
	_ =	sdelay $0x1  }
0x9a: {  	s5 =	simm.s32 $_scs_section_size  }
0x9b: {  	s6 =	simm.s32 $_size__tile_overlayer_lowered;
	s7 =	simm.s32 $_tile_overlayer_lowered  }
0x9c: {  	s22 =	simm.s32 $0x1BFF;
	s21 =	sshll.u32 s7, $0x1;
	s4 =	sadd.s32 s5, s19  }
0x9d: {  	s8 =	simm.s32 $0x0;
	s20 =	sshll.u32 s6, $0x1;
	s6 =	sadd.s32 s21, s4  }
0x9e: {  	[timem:s8], [sflag:s22] =	dma.local [hbm:s6], s20  }
0x9f: {  	_ =	swait.ge [sflag:s22], s20  }
0xa0: {  	s5 =	ssub.s32 $0x0, s20;
	[sflag:s22] =	ssyncset.done $0x0  }
0xa1: {  	[sflag:s22] =	ssyncadd.s32 s5;
	_ =	sdelay $0x1  }
0xa2: {  	s23 =	simm.s32 $0x1B8B  }
0xa3: {  	_ =	swait.ge [sflag:s23], $0x1  }
0xa4: {  	[sflag:s23] =	ssyncset.done $0x0  }
0xa5: {  	s25 =	simm.s32 $0x1B8E;
	s24 =	sld [smem:$0x3FFE];
	[sflag:s23] =	ssyncadd.s32 $0xFFFFFFFF  }
0xa6: {  	s26 =	simm.s32 $execute0_lowered;
	[smem:$0x3FD2] =	sst s25  }
0xa7: {  	s6 =	sshll.u32 s26, $0x1;
	_ =	strace $0x80000049;
	[dreg:$0x1] =	wrdreg $0xFFFFFFFF  }
0xa8: {  	s28 =	simm.s32 $_size_execute0_lowered;
	s4 =	sadd.s32 s4, s6;
	[dreg:$0x0] =	wrdreg $0x0  }
0xa9: {  	s6 =	sshll.u32 s28, $0x1;
	[dreg:$0x2] =	wrdreg s4  }
0xaa: {  	[dreg:$0x3] =	wrdreg s6  }
0xab: {  	[dreg:$0x4] =	wrdreg $0xC0  }
0xac: {  	_ =	task [dreg:s8], $0x5FFFF  }
0xad: {  	[dreg:$0x1] =	wrdreg $0xFFFFFFFF  }
0xae: {  	[dreg:$0x0] =	wrdreg $0x60  }
0xaf: {  	[dreg:$0x2] =	wrdreg s18  }
0xb0: {  	[dreg:$0x3] =	wrdreg s24  }
0xb1: {  	[dreg:$0x4] =	wrdreg s2  }
0xb2: {  	[dreg:$0x5] =	wrdreg $0x75600  }
0xb3: {  	[dreg:$0x6] =	wrdreg $0x9  }
0xb4: {  	_ =	task.clear_ibuf [dreg:s8], $0x7FFFF;
	_ =	strace $0x90000049  }
0xb5: {  	s29 =	simm.s32 $0x9;
	_ =	strace $0x8000004B  }
0xb6: {  	_ =	swait.ge [sflag:s29], $0x1  }
0xb7: {  	[sflag:s29] =	ssyncadd.s32 $0xFFFFFFFF  }
0xb8: {  	_ =	strace $0x9000004B  }
0xb9: {  	_ =	sfence  }
0xba: {  	s30 =	sld [smem:$0x0];
	_ =	sdelay $0x2  }
0xbb: {  	s31 =	sshll.u32 s1, $0xD;
	s1 =	sshrl.u32 s1, $0x2  }
0xbc: {  	s3 =	sand.u32 $0x4000, s31;
	s1 =	sadd.s32 s1, s30  }
0xbd: {  	s0 =	sor.u32 s3, s0;
	s1 =	sshll.u32 s1, $0x11  }
0xbe: {  	s0 =	sor.u32 s1, s0  }
0xbf: {  	s0 =	sadd.s32 $0x8F2B, s0  }
0xc0: {  	[sflag:s0] =	ssyncadd.remote.s32 $0x1  }
0xc1: {  	_ =	sfence.sel $0xFFFF  }
0xc2: {  	[dreg:$0x0] =	wrdreg $0xFFFFFFFF;
	(pc) =	sbr.abs _section_cstart, $3  }
0xc3: {  	[dreg:$0x1] =	wrdreg $0xFFFFFFFF  }
0xc4: {  	_ =	task.clear_ibuf [dreg:s8], $0x2FFFF;
	_ =	strace $0x9FFFFFFF  }
0xc5: {  	(tm) =	ssettm $0x7FFFFFFF  }
tec
execute0_lowered:
.L_overlay_start_1:
0x0: {  	(tag) =	ssettag $0x1  }
0x1: {  	s17 =	rddreg [dreg:$0x0]  }
0x2: {  	s0 =	rddreg [dreg:$0x1]  }
0x3: {  	s1 =	rddreg [dreg:$0x2]  }
0x4: {  	s2 =	rddreg [dreg:$0x3]  }
0x5: {  	s3 =	simm.s32 $0x0;
	s7 =	srdreg.scid;
	s18 =	stileid.u32  }
0x6: {  	s29 =	simm.s32 $0x7000;
	s30 =	simm.s32 $0x1;
	s31 =	simm.s32 $0x9  }
0x7: {  	s28 =	simm.s32 $0x7380;
	[smem:$0x7FF] =	sst s3;
	s4 =	sadd.s32 $0x36C00, s0  }
0x8: {  	s5 =	sadd.s32 $0x1B000, s0;
	s6 =	sadd.s32 $0x2800, s0;
	s8 =	sadd.s32 $0x33800, s0  }
0x9: {  	s9 =	sadd.s32 $0x35200, s0;
	s10 =	sadd.s32 $0x67C00, s0;
	s13 =	smul.u32 $0x1880, s18  }
0xa: {  	s7 =	sand.u32 $0x1, s7;
	s11 =	sadd.s32 $0x98C00, s0;
	s26 =	smul.u32 $0x3100, s18  }
0xb: {  	s14 =	sadd.s32 $0xC9C00, s0;
	s0 =	sadd.s32 $0xFAC00, s0;
	s20 =	smul.u32 $0x62000, s18  }
0xc: {  	_ =	strace $0x8000004A;
	s12 =	ssub.s32 $0x2, s7;
	p0 =	seq.s32 s7, $0x0  }
0xd: {  	s24 =	sshll.u32 s7, $0x2;
	s15 =	sshrl.u32 s12, $0x1;
	s16 =	sor.u32 $0x40, s13  }
0xe: {  	s19 =	sadd.s32 s5, s13;
	s13 =	sadd.s32 s6, s13;
	s1 =	sadd.s32 s1, s24  }
0xf: {  	s0 =	smov.u32 @p0 s14;
	s15 =	ssub.s32 s12, s15;
	[dreg:$0x5] =	wrdreg s19  }
0x10: {  	s12 =	smul.u32 $0xC40, s18;
	[dreg:$0x6] =	wrdreg s13;
	s22 =	sadd.s32 s5, s16  }
0x11: {  	s23 =	sadd.s32 s6, s16;
	[dreg:$0x9] =	wrdreg s1;
	s16 =	smov.u32 s4  }
0x12: {  	s19 =	smov.u32 s11;
	s13 =	sadd.s32 s0, s26;
	[dreg:$0x7] =	wrdreg s22  }
0x13: {  	[dreg:$0x8] =	wrdreg s23;
	s16 =	smov.u32 @p0 s17;
	s19 =	smov.u32 @p0 s10  }
0x14: {  	p0 =	sne.s32 s7, $0x0;
	[dreg:$0xb] =	wrdreg s13;
	s25 =	sadd.s32 $0x70, s12  }
0x15: {  	s21 =	smax.u32 s15, $0x1;
	[dreg:$0xa] =	wrdreg s16;
	s17 =	sshll.u32 s25, $0x2  }
0x16: {  	[dreg:$0xd] =	wrdreg s21;
	s1 =	sshll.u32 s25, $0x5;
	s0 =	sadd.s32 s0, s17  }
0x17: {  	s25 =	sadd.s32 $0x380, s13;
	[dreg:$0xc] =	wrdreg s0;
	s0 =	sshrl.u32 s20, $0x2  }
0x18: {  	s23 =	sadd.s32 s1, s2;
	[dreg:$0xf] =	wrdreg s25;
	s24 =	sadd.s32 s0, s2  }
0x19: {  	s22 =	smul.u32 $0xC400, s18;
	[dreg:$0xe] =	wrdreg s23;
	s26 =	sadd.s32 $0x1C00, s24  }
0x1a: {  	v0 =	vimm.f32 $0.0e+00;
	s7 =	simm.s32 $0x0;
	s20 =	simm.s32 $0x73F0;
	[dreg:$0x10] =	wrdreg s26  }
.LBB2_1:
0x1b: {  	[tilespmem:$0x7000] =	vst v0  }
0x1c: {  	[tilespmem:$0x7010] =	vst v0  }
0x1d: {  	[tilespmem:$0x7020] =	vst v0  }
0x1e: {  	[tilespmem:$0x7030] =	vst v0  }
0x1f: {  	[tilespmem:$0x7040] =	vst v0  }
0x20: {  	[tilespmem:$0x7050] =	vst v0  }
0x21: {  	[tilespmem:$0x7060] =	vst v0  }
0x22: {  	[tilespmem:$0x7070] =	vst v0  }
0x23: {  	[tilespmem:$0x7080] =	vst v0  }
0x24: {  	[tilespmem:$0x7090] =	vst v0  }
0x25: {  	[tilespmem:$0x70A0] =	vst v0  }
0x26: {  	[tilespmem:$0x70B0] =	vst v0  }
0x27: {  	[tilespmem:$0x70C0] =	vst v0  }
0x28: {  	[tilespmem:$0x70D0] =	vst v0  }
0x29: {  	[tilespmem:$0x70E0] =	vst v0  }
0x2a: {  	[tilespmem:$0x70F0] =	vst v0  }
0x2b: {  	[tilespmem:$0x7100] =	vst v0  }
0x2c: {  	[tilespmem:$0x7110] =	vst v0  }
0x2d: {  	[tilespmem:$0x7120] =	vst v0  }
0x2e: {  	[tilespmem:$0x7130] =	vst v0  }
0x2f: {  	[tilespmem:$0x7140] =	vst v0  }
0x30: {  	[tilespmem:$0x7150] =	vst v0  }
0x31: {  	[tilespmem:$0x7160] =	vst v0  }
0x32: {  	[tilespmem:$0x7170] =	vst v0  }
0x33: {  	[tilespmem:$0x7180] =	vst v0  }
0x34: {  	[tilespmem:$0x7190] =	vst v0  }
0x35: {  	[tilespmem:$0x71A0] =	vst v0  }
0x36: {  	[tilespmem:$0x71B0] =	vst v0  }
0x37: {  	[tilespmem:$0x71C0] =	vst v0  }
0x38: {  	[tilespmem:$0x71D0] =	vst v0  }
0x39: {  	[tilespmem:$0x71E0] =	vst v0  }
0x3a: {  	[tilespmem:$0x71F0] =	vst v0  }
0x3b: {  	[tilespmem:$0x7200] =	vst v0  }
0x3c: {  	[tilespmem:$0x7210] =	vst v0  }
0x3d: {  	[tilespmem:$0x7220] =	vst v0  }
0x3e: {  	[tilespmem:$0x7230] =	vst v0  }
0x3f: {  	[tilespmem:$0x7240] =	vst v0  }
0x40: {  	[tilespmem:$0x7250] =	vst v0  }
0x41: {  	[tilespmem:$0x7260] =	vst v0  }
0x42: {  	[tilespmem:$0x7270] =	vst v0  }
0x43: {  	[tilespmem:$0x7280] =	vst v0  }
0x44: {  	[tilespmem:$0x7290] =	vst v0  }
0x45: {  	[tilespmem:$0x72A0] =	vst v0  }
0x46: {  	[tilespmem:$0x72B0] =	vst v0  }
0x47: {  	[tilespmem:$0x72C0] =	vst v0  }
0x48: {  	[tilespmem:$0x72D0] =	vst v0  }
0x49: {  	[tilespmem:$0x72E0] =	vst v0  }
0x4a: {  	[tilespmem:$0x72F0] =	vst v0  }
0x4b: {  	[tilespmem:$0x7300] =	vst v0  }
0x4c: {  	[tilespmem:$0x7310] =	vst v0  }
0x4d: {  	[tilespmem:$0x7320] =	vst v0  }
0x4e: {  	[tilespmem:$0x7330] =	vst v0  }
0x4f: {  	[tilespmem:$0x7340] =	vst v0  }
0x50: {  	[tilespmem:$0x7350] =	vst v0  }
0x51: {  	[tilespmem:$0x7360] =	vst v0  }
0x52: {  	[tilespmem:$0x7370] =	vst v0;
	s0 =	sadd.s32 $0x0, s24  }
0x53: {  	[spmem:s0] =	stream.linear.scatter [tilespmem:s29], [sflag:$0x1], $0x380, $0x38;
	[tilespmem:$0x1FD60] =	vst v63  }
0x54: {  	s1 =	sadd.s32 $0x380, s0  }
0x55: {  	[spmem:s1] =	stream.linear.scatter [tilespmem:s29], [sflag:$0x1], $0x380, $0x38;
	[tilespmem:$0x1FD60] =	vst v63  }
0x56: {  	s18 =	sadd.s32 $0x700, s0  }
0x57: {  	[spmem:s18] =	stream.linear.scatter [tilespmem:s29], [sflag:$0x1], $0x380, $0x38;
	[tilespmem:$0x1FD60] =	vst v63  }
0x58: {  	s21 =	sadd.s32 $0xA80, s0  }
0x59: {  	[spmem:s21] =	stream.linear.scatter [tilespmem:s29], [sflag:$0x1], $0x380, $0x38;
	[tilespmem:$0x1FD60] =	vst v63  }
0x5a: {  	s23 =	sadd.s32 $0xE00, s0  }
0x5b: {  	[spmem:s23] =	stream.linear.scatter [tilespmem:s29], [sflag:$0x1], $0x380, $0x38;
	[tilespmem:$0x1FD60] =	vst v63  }
0x5c: {  	s25 =	sadd.s32 $0x1180, s0  }
0x5d: {  	[spmem:s25] =	stream.linear.scatter [tilespmem:s29], [sflag:$0x1], $0x380, $0x38;
	[tilespmem:$0x1FD60] =	vst v63  }
0x5e: {  	s26 =	sadd.s32 $0x1500, s0  }
0x5f: {  	[spmem:s26] =	stream.linear.scatter [tilespmem:s29], [sflag:$0x1], $0x380, $0x38;
	[tilespmem:$0x1FD60] =	vst v63  }
0x60: {  	[dreg:$0x11] =	wrdreg s7;
	s0 =	sadd.s32 $0x1880, s0  }
0x61: {  	[spmem:s0] =	stream.linear.scatter [tilespmem:s29], [sflag:$0x1], $0x380, $0x38;
	[tilespmem:$0x1FD60] =	vst v63  }
0x62: {  	_ =	swait.ge [sflag:s30], $0x380  }
0x63: {  	[sflag:s30] =	ssyncset.done $0x0  }
0x64: {  	[sflag:s30] =	ssyncadd.s32 $0xFFFFFC80  }
0x65: {  	_ =	swait.ge [sflag:s30], $0x380  }
0x66: {  	[sflag:s30] =	ssyncset.done $0x0  }
0x67: {  	[sflag:s30] =	ssyncadd.s32 $0xFFFFFC80  }
0x68: {  	_ =	swait.ge [sflag:s30], $0x380  }
0x69: {  	[sflag:s30] =	ssyncset.done $0x0  }
0x6a: {  	[sflag:s30] =	ssyncadd.s32 $0xFFFFFC80  }
0x6b: {  	_ =	swait.ge [sflag:s30], $0x380  }
0x6c: {  	[sflag:s30] =	ssyncset.done $0x0  }
0x6d: {  	[sflag:s30] =	ssyncadd.s32 $0xFFFFFC80  }
0x6e: {  	_ =	swait.ge [sflag:s30], $0x380  }
0x6f: {  	[sflag:s30] =	ssyncset.done $0x0  }
0x70: {  	[sflag:s30] =	ssyncadd.s32 $0xFFFFFC80  }
0x71: {  	_ =	swait.ge [sflag:s30], $0x380  }
0x72: {  	[sflag:s30] =	ssyncset.done $0x0  }
0x73: {  	[sflag:s30] =	ssyncadd.s32 $0xFFFFFC80  }
0x74: {  	_ =	swait.ge [sflag:s30], $0x380  }
0x75: {  	[sflag:s30] =	ssyncset.done $0x0  }
0x76: {  	[sflag:s30] =	ssyncadd.s32 $0xFFFFFC80  }
0x77: {  	_ =	swait.ge [sflag:s30], $0x380  }
0x78: {  	s7 =	simm.s32 $0x1C00;
	s1 =	simm.s32 $0xE000;
	[sflag:s30] =	ssyncset.done $0x0  }
.LBB2_2:
0x79: {  	s13 =	sadd.s32 s7, s24  }
0x7a: {  	[sflag:s30] =	ssyncadd.s32 $0xFFFFFC80;
	s7 =	smov.u32 s1;
	s0 =	sadd.s32 $0x7000, s1  }
0x7b: {  	[spmem:s13] =	stream.linear.scatter [tilespmem:s29], [sflag:$0x1], $0x380, $0x38;
	[tilespmem:$0x1FD60] =	vst v63  }
0x7c: {  	p1 =	sne.s32 s1, $0x5B000;
	s1 =	sadd.s32 $0x380, s13  }
0x7d: {  	[spmem:s1] =	stream.linear.scatter [tilespmem:s29], [sflag:$0x1], $0x380, $0x38;
	[tilespmem:$0x1FD60] =	vst v63  }
0x7e: {  	s1 =	sadd.s32 $0x700, s13  }
0x7f: {  	[spmem:s1] =	stream.linear.scatter [tilespmem:s29], [sflag:$0x1], $0x380, $0x38;
	[tilespmem:$0x1FD60] =	vst v63  }
0x80: {  	s1 =	sadd.s32 $0xA80, s13  }
0x81: {  	[spmem:s1] =	stream.linear.scatter [tilespmem:s29], [sflag:$0x1], $0x380, $0x38;
	[tilespmem:$0x1FD60] =	vst v63  }
0x82: {  	s1 =	sadd.s32 $0xE00, s13  }
0x83: {  	[spmem:s1] =	stream.linear.scatter [tilespmem:s29], [sflag:$0x1], $0x380, $0x38;
	[tilespmem:$0x1FD60] =	vst v63  }
0x84: {  	s1 =	sadd.s32 $0x1180, s13  }
0x85: {  	[spmem:s1] =	stream.linear.scatter [tilespmem:s29], [sflag:$0x1], $0x380, $0x38;
	[tilespmem:$0x1FD60] =	vst v63  }
0x86: {  	s1 =	sadd.s32 $0x1500, s13  }
0x87: {  	[spmem:s1] =	stream.linear.scatter [tilespmem:s29], [sflag:$0x1], $0x380, $0x38;
	[tilespmem:$0x1FD60] =	vst v63  }
0x88: {  	s1 =	sadd.s32 $0x1880, s13  }
0x89: {  	[spmem:s1] =	stream.linear.scatter [tilespmem:s29], [sflag:$0x1], $0x380, $0x38;
	[tilespmem:$0x1FD60] =	vst v63  }
0x8a: {  	_ =	swait.ge [sflag:s30], $0x380  }
0x8b: {  	[sflag:s30] =	ssyncset.done $0x0  }
0x8c: {  	[sflag:s30] =	ssyncadd.s32 $0xFFFFFC80  }
0x8d: {  	_ =	swait.ge [sflag:s30], $0x380  }
0x8e: {  	[sflag:s30] =	ssyncset.done $0x0  }
0x8f: {  	[sflag:s30] =	ssyncadd.s32 $0xFFFFFC80  }
0x90: {  	_ =	swait.ge [sflag:s30], $0x380  }
0x91: {  	[sflag:s30] =	ssyncset.done $0x0  }
0x92: {  	[sflag:s30] =	ssyncadd.s32 $0xFFFFFC80  }
0x93: {  	_ =	swait.ge [sflag:s30], $0x380  }
0x94: {  	[sflag:s30] =	ssyncset.done $0x0  }
0x95: {  	[sflag:s30] =	ssyncadd.s32 $0xFFFFFC80  }
0x96: {  	_ =	swait.ge [sflag:s30], $0x380  }
0x97: {  	[sflag:s30] =	ssyncset.done $0x0  }
0x98: {  	[sflag:s30] =	ssyncadd.s32 $0xFFFFFC80  }
0x99: {  	_ =	swait.ge [sflag:s30], $0x380  }
0x9a: {  	[sflag:s30] =	ssyncset.done $0x0  }
0x9b: {  	[sflag:s30] =	ssyncadd.s32 $0xFFFFFC80  }
.Ltmp0:
0x9c: {  	_ =	swait.ge [sflag:s30], $0x380;
	(pc) =	sbr.rel @p1 .LBB2_2-.Ltmp0, $4  }
0x9d: {  	[sflag:s30] =	ssyncset.done $0x0  }
0x9e: {  	[sflag:s30] =	ssyncadd.s32 $0xFFFFFC80  }
0x9f: {  	_ =	swait.ge [sflag:s30], $0x380  }
0xa0: {  	s7 =	sshra.s32 s7, $0x2;
	s1 =	smov.u32 s0;
	[sflag:s30] =	ssyncset.done $0x0  }
0xa1: {  	s0 =	sadd.s32 s7, s24;
	[sflag:s30] =	ssyncadd.s32 $0xFFFFFC80  }
0xa2: {  	[spmem:s0] =	stream.linear.scatter [tilespmem:s29], [sflag:$0x1], $0x380, $0x38;
	[tilespmem:$0x1FD60] =	vst v63  }
0xa3: {  	s1 =	sadd.s32 $0x380, s0  }
0xa4: {  	[spmem:s1] =	stream.linear.scatter [tilespmem:s29], [sflag:$0x1], $0x380, $0x38;
	[tilespmem:$0x1FD60] =	vst v63  }
0xa5: {  	s18 =	sadd.s32 $0x700, s0  }
0xa6: {  	[spmem:s18] =	stream.linear.scatter [tilespmem:s29], [sflag:$0x1], $0x380, $0x38;
	[tilespmem:$0x1FD60] =	vst v63  }
0xa7: {  	s21 =	sadd.s32 $0xA80, s0  }
0xa8: {  	[spmem:s21] =	stream.linear.scatter [tilespmem:s29], [sflag:$0x1], $0x380, $0x38;
	[tilespmem:$0x1FD60] =	vst v63  }
0xa9: {  	s23 =	sadd.s32 $0xE00, s0  }
0xaa: {  	[spmem:s23] =	stream.linear.scatter [tilespmem:s29], [sflag:$0x1], $0x380, $0x38;
	[tilespmem:$0x1FD60] =	vst v63  }
0xab: {  	s25 =	sadd.s32 $0x1180, s0  }
0xac: {  	[spmem:s25] =	stream.linear.scatter [tilespmem:s29], [sflag:$0x1], $0x380, $0x38;
	[tilespmem:$0x1FD60] =	vst v63  }
0xad: {  	s26 =	sadd.s32 $0x1500, s0  }
0xae: {  	[spmem:s26] =	stream.linear.scatter [tilespmem:s29], [sflag:$0x1], $0x380, $0x38;
	[tilespmem:$0x1FD60] =	vst v63  }
0xaf: {  	s0 =	sadd.s32 $0x1880, s0  }
0xb0: {  	[spmem:s0] =	stream.linear.scatter [tilespmem:s29], [sflag:$0x1], $0x380, $0x38;
	[tilespmem:$0x1FD60] =	vst v63  }
0xb1: {  	_ =	swait.ge [sflag:s30], $0x380  }
0xb2: {  	[sflag:s30] =	ssyncset.done $0x0  }
0xb3: {  	[sflag:s30] =	ssyncadd.s32 $0xFFFFFC80  }
0xb4: {  	_ =	swait.ge [sflag:s30], $0x380  }
0xb5: {  	[sflag:s30] =	ssyncset.done $0x0  }
0xb6: {  	[sflag:s30] =	ssyncadd.s32 $0xFFFFFC80  }
0xb7: {  	_ =	swait.ge [sflag:s30], $0x380  }
0xb8: {  	[sflag:s30] =	ssyncset.done $0x0  }
0xb9: {  	[sflag:s30] =	ssyncadd.s32 $0xFFFFFC80  }
0xba: {  	_ =	swait.ge [sflag:s30], $0x380  }
0xbb: {  	[sflag:s30] =	ssyncset.done $0x0  }
0xbc: {  	[sflag:s30] =	ssyncadd.s32 $0xFFFFFC80  }
0xbd: {  	_ =	swait.ge [sflag:s30], $0x380  }
0xbe: {  	[sflag:s30] =	ssyncset.done $0x0  }
0xbf: {  	[sflag:s30] =	ssyncadd.s32 $0xFFFFFC80  }
0xc0: {  	_ =	swait.ge [sflag:s30], $0x380  }
0xc1: {  	[sflag:s30] =	ssyncset.done $0x0  }
0xc2: {  	[sflag:s30] =	ssyncadd.s32 $0xFFFFFC80  }
0xc3: {  	_ =	swait.ge [sflag:s30], $0x380  }
0xc4: {  	[sflag:s30] =	ssyncset.done $0x0  }
0xc5: {  	[sflag:s30] =	ssyncadd.s32 $0xFFFFFC80  }
0xc6: {  	_ =	swait.ge [sflag:s30], $0x380  }
0xc7: {  	[sflag:s30] =	ssyncset.done $0x0  }
0xc8: {  	s0 =	simm.s32 $0x0;
	s7 =	rddreg [dreg:$0x5];
	[sflag:s30] =	ssyncadd.s32 $0xFFFFFC80  }
0xc9: {  	[tilespmem:s0], [sflag:$0x9] =	stream.linear.gather [hbm4b:s7+s0], $0x200, $0x38;
	[tilespmem:$0x1FD60] =	vst v63  }
0xca: {  	_ =	swait.ge [sflag:s31], $0x200  }
0xcb: {  	[sflag:s31] =	ssyncset.done $0x0  }
0xcc: {  	s14 =	simm.s32 $0x800;
	s13 =	rddreg [dreg:$0x6];
	[sflag:s31] =	ssyncadd.s32 $0xFFFFFE00  }
0xcd: {  	[tilespmem:s14], [sflag:$0x9] =	stream.linear.gather [hbm4b:s13+s0], $0x200, $0x38;
	[tilespmem:$0x1FD60] =	vst v63  }
0xce: {  	_ =	swait.ge [sflag:s31], $0x200  }
0xcf: {  	[sflag:s31] =	ssyncset.done $0x0  }
0xd0: {  	s16 =	simm.s32 $0x200;
	s15 =	rddreg [dreg:$0x7];
	[sflag:s31] =	ssyncadd.s32 $0xFFFFFE00  }
0xd1: {  	[tilespmem:s16], [sflag:$0x2] =	stream.linear.gather [hbm4b:s15+s0], $0x200, $0x38;
	[tilespmem:$0x1FD60] =	vst v63  }
0xd2: {  	s18 =	simm.s32 $0xA00;
	s17 =	rddreg [dreg:$0x8]  }
0xd3: {  	[tilespmem:s18], [sflag:$0x2] =	stream.linear.gather [hbm4b:s17+s0], $0x200, $0x38;
	[tilespmem:$0x1FD60] =	vst v63  }
0xd4: {  	[bflag:$0x0] =	sbarrier.arrive $0xFFFF  }
0xd5: {  	s23 =	simm.s32 $0x80;
	s13 =	simm.s32 $0x1000;
	s21 =	rddreg [dreg:$0xa]  }
0xd6: {  	[tilespmem:s13], [sflag:$0x3] =	stream.indirect.gather [hbm4b:s21+s23], $0x20, s0, s23, $0xb8;
	[tilespmem:$0x1FD60] =	vst v63  }
.Ltmp1:
0xd7: {  	_ = 	snop;
	(pc) =	sbr.rel .LBB2_4-.Ltmp1, $4  }
0xd8: {  	s25 =	simm.s32 $0x2000  }
0xd9: {  	[tilespmem:s25], [sflag:$0x4] =	stream.indirect.gather [hbm4b:s21+s23], $0x20, s23, s23, $0xb8;
	[tilespmem:$0x1FD60] =	vst v63  }
0xda: {  	s26 =	simm.s32 $0x100;
	s7 =	simm.s32 $0x600;
	s14 =	simm.s32 $0x3000  }
0xdb: {  	[tilespmem:s14], [sflag:$0x5] =	stream.indirect.gather [hbm4b:s21+s23], $0x20, s26, s23, $0xb8;
	[tilespmem:$0x1FD60] =	vst v63  }
.LBB2_10:
0xdc: {  	s21 =	simm.s32 @p0 $0x80  }
0xdd: {  	[tilespmem:s1], [sflag:$0x5] =	stream.indirect.gather @p0 [hbm4b:s4+s21], $0x20, s18, s21, $0xb8;
	[tilespmem:$0x1FD60] =	vst v63  }
0xde: {  	s23 =	rddreg [dreg:$0x0];
	s21 =	simm.s32 @!p0 $0x80  }
0xdf: {  	[tilespmem:s1], [sflag:$0x5] =	stream.indirect.gather @!p0 [hbm4b:s23+s21], $0x20, s18, s21, $0xb8;
	[tilespmem:$0x1FD60] =	vst v63  }
.LBB2_11:
0xe0: {  	s1 =	sshrl.u32 s17, $0x12  }
0xe1: {  	s1 =	smul.u32 $0x6, s1;
	_ =	sdelay $0x1  }
0xe2: {  	s14 =	sand.u32 $0x3, s14;
	s18 =	sshll.u32 @p1 s13, $0x7;
	s1 =	ssub.s32 s0, s1  }
0xe3: {  	s16 =	sand.u32 @!p1 $0xFFFF, s16;
	s17 =	sshll.u32 @p1 s14, $0x9;
	s1 =	sand.u32 $0xFFFF, s1  }
0xe4: {  	p2 =	sne.s32 @!p1 s16, $0x0;
	s17 =	sor.u32 @p1 s18, s17;
	s21 =	sshll.u32 @p1 s1, $0xC  }
0xe5: {  	s17 =	sor.u32 @p1 $0x800, s17;
	s18 =	sadd.s32 @p1 $0x1000, s21;
	s21 =	simm.s32 @p1 $0x80  }
0xe6: {  	[spmem:s2] =	stream.indirect.scatter.add.f32 @p1 [tilespmem:s18], [sflag:$0x7], $0x20, s17, s21, $0xb8;
	[tilespmem:$0x1FD60] =	vst v63  }
0xe7: {  	p1 =	por p2, p1  }
0xe8: {  	s16 =	sshll.u32 @!p1 s14, $0x9;
	s17 =	sshll.u32 @!p1 s13, $0x7  }
0xe9: {  	s18 =	sshll.u32 @!p1 s1, $0xC;
	s16 =	sor.u32 @!p1 s17, s16  }
0xea: {  	s17 =	sadd.s32 @!p1 $0x1000, s18;
	s18 =	simm.s32 @!p1 $0x80;
	s16 =	sor.u32 @!p1 $0x800, s16  }
0xeb: {  	[spmem:s2] =	stream.indirect.scatter.add.f32 @!p1 [tilespmem:s17], [sflag:$0x6], $0x20, s16, s18, $0xb8;
	[tilespmem:$0x1FD60] =	vst v63  }
0xec: {  	p1 =	slt.u32 s15, $0x2  }
0xed: {  	s14 =	sshll.u32 @!p1 s14, $0x9;
	s13 =	sshll.u32 @!p1 s13, $0x7  }
0xee: {  	s0 =	sadd.s32 $0x1, s0;
	s1 =	sshll.u32 @!p1 s1, $0xC;
	s13 =	sor.u32 @!p1 s13, s14  }
0xef: {  	s1 =	sadd.s32 @!p1 $0x1000, s1;
	s14 =	simm.s32 @!p1 $0x80;
	s13 =	sor.u32 @!p1 $0x800, s13  }
0xf0: {  	[spmem:s2] =	stream.indirect.scatter.add.f32 @!p1 [tilespmem:s1], [sflag:$0x8], $0x20, s13, s14, $0xb8;
	[tilespmem:$0x1FD60] =	vst v63  }
0xf1: {  	p1 =	sne.s32 s0, $0x188  }
.Ltmp2:
0xf2: {  	_ = 	snop;
	(pc) =	sbr.rel @!p1 .LBB2_12-.Ltmp2, $2  }
0xf3: {  	_ =	sdelay $0x2  }
0xf4: {  	s7 =	sadd.s32 $0x200, s7  }
.LBB2_4:
0xf5: {  	s13 =	sand.u32 $0x3, s0  }
0xf6: {  	p1 =	sne.s32 s13, $0x0  }
0xf7: {  	p2 =	sgt.u32 @!p1 s0, $0x183  }
0xf8: {  	p3 =	por p2, p1  }
0xf9: {  	s1 =	simm.s32 @!p3 $0x2;
	p4 =	sgt.u32 @!p3 s0, $0x17F  }
0xfa: {  	p2 =	por @!p1 p4, p2;
	_ =	swait.ge @!p3 [sflag:s1], $0x200  }
0xfb: {  	s14 =	sshrl.u32 s0, $0x2;
	[sflag:s1] =	ssyncset.done @!p3 $0x0;
	p1 =	por p2, p1  }
0xfc: {  	[sflag:s1] =	ssyncadd.s32 @!p3 $0xFFFFFE00;
	s15 =	sshll.u32 @!p1 s14, $0x9  }
0xfd: {  	_ =	swait.ge @!p3 [sflag:s1], $0x200;
	s15 =	sadd.s32 @!p1 $0x400, s15  }
0xfe: {  	s17 =	smul.u32 $0xAAAB, s0;
	[sflag:s1] =	ssyncset.done @!p3 $0x0;
	s16 =	sadd.s32 @!p1 s22, s15  }
0xff: {  	[sflag:s1] =	ssyncadd.s32 @!p3 $0xFFFFFE00;
	s1 =	sand.u32 @!p1 $0x600, s15;
	s15 =	sshrl.u32 @!p1 s16, $0x3  }
0x100: {  	s26 =	sshrl.u32 s17, $0x11;
	s18 =	simm.s32 @!p1 $0x0;
	s16 =	sadd.s32 @!p1 s5, s15  }
0x101: {  	[tilespmem:s1], [sflag:$0x2] =	stream.linear.gather @!p1 [hbm4b:s16+s18], $0x200, $0x38;
	[tilespmem:$0x1FD60] =	vst v63  }
0x102: {  	s15 =	sadd.s32 @!p1 s6, s15;
	s1 =	sor.u32 @!p1 $0x800, s1;
	s16 =	smul.u32 $0x3, s26  }
0x103: {  	[tilespmem:s1], [sflag:$0x2] =	stream.linear.gather @!p1 [hbm4b:s15+s18], $0x200, $0x38;
	[tilespmem:$0x1FD60] =	vst v63  }
0x104: {  	s16 =	ssub.s32 s0, s16  }
0x105: {  	s15 =	sand.u32 $0xFFFF, s16  }
0x106: {  	p3 =	slt.u32 s0, $0x3;
	s1 =	simm.s32 $0x4;
	p1 =	seq.s32 s15, $0x1  }
.Ltmp3:
0x107: {  	p2 =	seq.s32 s15, $0x0;
	s1 =	simm.s32 @!p1 $0x5;
	(pc) =	sbr.rel @p3 .LBB2_6-.Ltmp3, $4  }
0x108: {  	s1 =	simm.s32 @p2 $0x3  }
0x109: {  	_ =	swait.ge [sflag:s1], $0x1000  }
0x10a: {  	[sflag:s1] =	ssyncset.done $0x0  }
0x10b: {  	[sflag:s1] =	ssyncadd.s32 $0xFFFFF000  }
0x10c: {  	p3 =	seq.s32 @!p2 s15, $0x2  }
0x10d: {  	p3 =	por !p3, p2  }
0x10e: {  	s1 =	simm.s32 @!p3 $0x8  }
0x10f: {  	s1 =	simm.s32 @p3 $0x7  }
0x110: {  	s1 =	simm.s32 @p2 $0x6;
	p2 =	sgt.u32 s0, $0x184  }
.Ltmp4:
0x111: {  	_ = 	snop;
	(pc) =	sbr.rel @p2 .LBB2_11-.Ltmp4, $4  }
0x112: {  	_ = 	snop  }
0x113: {  	_ =	swait.ge [sflag:s1], $0x1000  }
0x114: {  	[sflag:s1] =	ssyncset.done $0x0  }
0x115: {  	[sflag:s1] =	ssyncadd.s32 $0xFFFFF000  }
.LBB2_6:
0x116: {  	s1 =	sadd.s32 $0x3, s0  }
0x117: {  	s18 =	smul.u32 $0xAAAB, s1;
	_ =	sdelay $0x1  }
0x118: {  	s21 =	sshrl.u32 s18, $0x12  }
0x119: {  	s18 =	sshrl.u32 s18, $0x11;
	s21 =	smul.u32 $0x6, s21  }
0x11a: {  	s18 =	smul.u32 $0x3, s18;
	_ =	sdelay $0x1  }
0x11b: {  	s21 =	ssub.s32 s1, s21;
	s1 =	ssub.s32 s1, s18  }
0x11c: {  	s23 =	sand.u32 $0xFFFF, s21;
	s21 =	sand.u32 $0xFFFF, s1  }
0x11d: {  	p2 =	seq.s32 s21, $0x2  }
.Ltmp5:
0x11e: {  	_ = 	snop;
	(pc) =	sbr.rel @p2 .LBB2_10-.Ltmp5, $3  }
0x11f: {  	_ =	sdelay $0x1  }
0x120: {  	s26 =	sand.u32 $0x1E00, s7;
	s25 =	sshll.u32 s23, $0xC  }
0x121: {  	s18 =	sshrl.u32 s26, $0x2;
	s1 =	sadd.s32 $0x1000, s25  }
0x122: {  	p2 =	seq.s32 s21, $0x1  }
.Ltmp6:
0x123: {  	_ = 	snop;
	(pc) =	sbr.rel @!p2 .LBB2_8-.Ltmp6, $1  }
0x124: {  	_ =	sdelay $0x3  }
.Ltmp7:
0x125: {  	(pc) =	sbr.rel .LBB2_11-.Ltmp7, $4  }
0x126: {  	s21 =	simm.s32 @p0 $0x80  }
0x127: {  	[tilespmem:s1], [sflag:$0x4] =	stream.indirect.gather @p0 [hbm4b:s4+s21], $0x20, s18, s21, $0xb8;
	[tilespmem:$0x1FD60] =	vst v63  }
0x128: {  	s23 =	rddreg [dreg:$0x0];
	s21 =	simm.s32 @!p0 $0x80  }
0x129: {  	[tilespmem:s1], [sflag:$0x4] =	stream.indirect.gather @!p0 [hbm4b:s23+s21], $0x20, s18, s21, $0xb8;
	[tilespmem:$0x1FD60] =	vst v63  }
.LBB2_8:
.Ltmp8:
0x12a: {  	(pc) =	sbr.rel .LBB2_11-.Ltmp8, $4  }
0x12b: {  	s21 =	simm.s32 @p0 $0x80  }
0x12c: {  	[tilespmem:s1], [sflag:$0x3] =	stream.indirect.gather @p0 [hbm4b:s4+s21], $0x20, s18, s21, $0xb8;
	[tilespmem:$0x1FD60] =	vst v63  }
0x12d: {  	s23 =	rddreg [dreg:$0x0];
	s21 =	simm.s32 @!p0 $0x80  }
0x12e: {  	[tilespmem:s1], [sflag:$0x3] =	stream.indirect.gather @!p0 [hbm4b:s23+s21], $0x20, s18, s21, $0xb8;
	[tilespmem:$0x1FD60] =	vst v63  }
.LBB2_12:
0x12f: {  	s0 =	simm.s32 $0x6  }
0x130: {  	_ =	swait.ge [sflag:s0], $0x1000  }
0x131: {  	[sflag:s0] =	ssyncset.done $0x0  }
0x132: {  	s23 =	simm.s32 $0x7;
	[sflag:s0] =	ssyncadd.s32 $0xFFFFF000  }
0x133: {  	_ =	swait.ge [sflag:s23], $0x1000  }
0x134: {  	[sflag:s23] =	ssyncset.done $0x0  }
0x135: {  	s25 =	simm.s32 $0x8;
	[sflag:s23] =	ssyncadd.s32 $0xFFFFF000  }
0x136: {  	_ =	swait.ge [sflag:s25], $0x1000  }
0x137: {  	[sflag:s25] =	ssyncset.done $0x0  }
0x138: {  	[sflag:s25] =	ssyncadd.s32 $0xFFFFF000  }
0x139: {  	[bflag:$0x0] =	sbarrier.arrive $0xFFFF  }
0x13a: {  	s15 =	simm.s32 $0x0;
	s1 =	simm.s32 $0x7540;
	s26 =	rddreg [dreg:$0x9]  }
0x13b: {  	[tilespmem:s1], [sflag:$0x9] =	stream.linear.gather [hbm4b:s26+s15], $0x20, $0x38;
	[tilespmem:$0x1FD60] =	vst v63  }
.Ltmp9:
0x13c: {  	_ =	swait.ge [sflag:s31], $0x20;
	(pc) =	sbr.rel .LBB2_13-.Ltmp9, $4  }
0x13d: {  	[sflag:s31] =	ssyncset.done $0x0  }
0x13e: {  	[sflag:s31] =	ssyncadd.s32 $0xFFFFFFE0  }
0x13f: {  	v1 =	vld [tilespmem:$0x7540]  }
0x140: {  	p1 =	por $0x0, $0x0;
	s16 =	simm.s32 $0x0;
	v2 =	vld [tilespmem:$0x7550]  }
.LBB2_18:
0x141: {  	s0 =	sshll.u32 s17, $0x2  }
0x142: {  	s0 =	sadd.s32 s19, s0  }
0x143: {  	[hbm4b:s0+s3] =	stream.linear.scatter [tilespmem:s21], [sflag:$0x4], $0xE00, $0x38;
	[tilespmem:$0x1FD60] =	vst v63  }
.LBB2_20:
0x144: {  	_ =	swait.ge [sflag:s30], $0x380  }
0x145: {  	[sflag:s30] =	ssyncset.done $0x0  }
0x146: {  	[sflag:s30] =	ssyncadd.s32 $0xFFFFFC80  }
0x147: {  	_ =	swait.ge [sflag:s30], $0x380  }
0x148: {  	[sflag:s30] =	ssyncset.done $0x0  }
0x149: {  	[sflag:s30] =	ssyncadd.s32 $0xFFFFFC80  }
0x14a: {  	_ =	swait.ge [sflag:s30], $0x380  }
0x14b: {  	[sflag:s30] =	ssyncset.done $0x0  }
0x14c: {  	[sflag:s30] =	ssyncadd.s32 $0xFFFFFC80  }
0x14d: {  	_ =	swait.ge [sflag:s30], $0x380  }
0x14e: {  	[sflag:s30] =	ssyncset.done $0x0  }
0x14f: {  	[sflag:s30] =	ssyncadd.s32 $0xFFFFFC80  }
.LBB2_21:
0x150: {  	[spmem:s7] =	stream.linear.scatter [tilespmem:s29], [sflag:$0x1], $0x380, $0x38;
	[tilespmem:$0x1FD60] =	vst v63  }
0x151: {  	s16 =	sadd.s32 $0x1, s16  }
0x152: {  	s0 =	sadd.s32 $0x380, s7;
	p2 =	sne.s32 s16, $0x1C  }
0x153: {  	[spmem:s0] =	stream.linear.scatter [tilespmem:s29], [sflag:$0x1], $0x380, $0x38;
	[tilespmem:$0x1FD60] =	vst v63  }
.Ltmp10:
0x154: {  	_ = 	snop;
	(pc) =	sbr.rel @!p2 .LBB2_22-.Ltmp10, $4  }
0x155: {  	s25 =	sadd.s32 $0x700, s7  }
0x156: {  	[spmem:s25] =	stream.linear.scatter [tilespmem:s29], [sflag:$0x1], $0x380, $0x38;
	[tilespmem:$0x1FD60] =	vst v63  }
0x157: {  	s26 =	sadd.s32 $0xA80, s7;
	p1 =	por !p1, !p1  }
0x158: {  	[spmem:s26] =	stream.linear.scatter [tilespmem:s29], [sflag:$0x1], $0x380, $0x38;
	[tilespmem:$0x1FD60] =	vst v63  }
.LBB2_13:
0x159: {  	p2 =	slt.u32 s16, $0x2  }
0x15a: {  	s0 =	sand.u32 @!p2 $0x1, s16  }
0x15b: {  	s1 =	smul.u32 $0x70, s16;
	p3 =	seq.s32 @!p2 s0, $0x1  }
0x15c: {  	s7 =	simm.s32 @!p2 $0x4;
	p3 =	por !p3, p2  }
0x15d: {  	s17 =	sadd.s32 s12, s1;
	s7 =	simm.s32 @p3 $0x3  }
0x15e: {  	s0 =	sand.u32 $0x1, s16;
	s1 =	sshll.u32 s17, $0x7;
	_ =	swait.ge @!p2 [sflag:s7], $0xE00  }
0x15f: {  	s13 =	sshll.u32 s0, $0xC;
	s1 =	sshra.s32 s1, $0x2;
	[sflag:s7] =	ssyncset.done @!p2 $0x0  }
0x160: {  	s21 =	sadd.s32 $0x1000, s13;
	[sflag:s7] =	ssyncadd.s32 @!p2 $0xFFFFF200;
	s7 =	sadd.s32 s1, s2  }
0x161: {  	[tilespmem:s21], [sflag:$0x9] =	stream.linear.gather [spmem:s7], $0xE00, $0x38;
	[tilespmem:$0x1FD60] =	vst v63  }
0x162: {  	_ =	swait.ge [sflag:s31], $0xE00  }
0x163: {  	s25 =	sshrl.u32 s17, $0x3;
	[sflag:s31] =	ssyncset.done $0x0  }
0x164: {  	s26 =	sadd.s32 s8, s25;
	[sflag:s31] =	ssyncadd.s32 $0xFFFFF200  }
0x165: {  	[tilespmem:s28], [sflag:$0x9] =	stream.linear.gather [hbm4b:s26+s15], $0x70, $0x38;
	[tilespmem:$0x1FD60] =	vst v63  }
0x166: {  	_ =	swait.ge [sflag:s31], $0x70  }
0x167: {  	[sflag:s31] =	ssyncset.done $0x0  }
0x168: {  	s1 =	sadd.s32 s9, s25;
	[sflag:s31] =	ssyncadd.s32 $0xFFFFFF90  }
0x169: {  	[tilespmem:s20], [sflag:$0x9] =	stream.linear.gather [hbm4b:s1+s15], $0x70, $0x38;
	[tilespmem:$0x1FD60] =	vst v63  }
0x16a: {  	_ =	swait.ge [sflag:s31], $0x70  }
0x16b: {  	[sflag:s31] =	ssyncset.done $0x0  }
0x16c: {  	s25 =	simm.s32 $0x0;
	[sflag:s31] =	ssyncadd.s32 $0xFFFFFF90  }
0x16d: {  	v3 =	vld [tilespmem:s25+$0x73F0];
	_ =	sdelay $0x2  }
0x16e: {  	v4 =	vld [tilespmem:s25+$0x7380];
	_ =	sdelay $0x1  }
0x16f: {  	v3 =	vmax.f32 v3, $1.000000000e+00  }
0x170: {  	v5 =	vmul.f32 $5.000000000e-01, v3;
	v3 =	vshra.s32 v3, $0x1  }
0x171: {  	v3 =	vsub.s32 $0x5F3759DF, v3  }
0x172: {  	v4 =	vmax.f32 v4, $1.000000000e+00;
	v6 =	vmul.f32 v3, v5  }
0x173: {  	v7 =	vshra.s32 v4, $0x1;
	v4 =	vmul.f32 $5.000000000e-01, v4  }
0x174: {  	s26 =	simm.s32 $0x10;
	v7 =	vsub.s32 $0x5F3759DF, v7;
	v6 =	vmul.f32 v3, v6  }
0x175: {  	v9 =	vld [tilespmem:s26+$0x73F0];
	v8 =	vmul.f32 v7, v4  }
0x176: {  	v10 =	vld [tilespmem:s26+$0x7380];
	v6 =	vsub.f32 $1.500000000e+00, v6  }
0x177: {  	v8 =	vmul.f32 v7, v8  }
0x178: {  	v3 =	vmul.f32 v3, v6  }
0x179: {  	v6 =	vsub.f32 $1.500000000e+00, v8  }
0x17a: {  	v8 =	vmul.f32 v3, v5  }
0x17b: {  	v6 =	vmul.f32 v7, v6;
	v7 =	vmax.f32 v9, $1.000000000e+00;
	v9 =	vmax.f32 v10, $1.000000000e+00  }
0x17c: {  	v10 =	vmul.f32 $5.000000000e-01, v7;
	v7 =	vshra.s32 v7, $0x1;
	v8 =	vmul.f32 v8, v3  }
0x17d: {  	v11 =	vshra.s32 v9, $0x1;
	v9 =	vmul.f32 $5.000000000e-01, v9;
	v7 =	vsub.s32 $0x5F3759DF, v7  }
0x17e: {  	v11 =	vsub.s32 $0x5F3759DF, v11;
	v12 =	vmul.f32 v7, v10;
	v8 =	vsub.f32 $1.500000000e+00, v8  }
0x17f: {  	s13 =	simm.s32 $0x20;
	v13 =	vmul.f32 v6, v4;
	v14 =	vmul.f32 v11, v9  }
0x180: {  	v15 =	vld [tilespmem:s13+$0x7380];
	v12 =	vmul.f32 v7, v12;
	v3 =	vmul.f32 v8, v3  }
0x181: {  	v14 =	vmul.f32 v11, v14;
	v8 =	vmul.f32 v13, v6;
	v13 =	vld [tilespmem:s13+$0x73F0]  }
0x182: {  	v12 =	vsub.f32 $1.500000000e+00, v12;
	v5 =	vmul.f32 v3, v5  }
0x183: {  	v14 =	vsub.f32 $1.500000000e+00, v14;
	v8 =	vsub.f32 $1.500000000e+00, v8  }
0x184: {  	v7 =	vmul.f32 v7, v12;
	v12 =	vmul.f32 v5, v3  }
0x185: {  	v5 =	vmul.f32 v8, v6;
	v8 =	vmul.f32 v11, v14  }
0x186: {  	v14 =	vmax.f32 v15, $1.000000000e+00;
	v11 =	vmax.f32 v13, $1.000000000e+00;
	v13 =	vmul.f32 v7, v10  }
0x187: {  	v16 =	vshra.s32 v14, $0x1;
	v12 =	vsub.f32 $1.500000000e+00, v12;
	v6 =	vmul.f32 $5.000000000e-01, v11  }
0x188: {  	v15 =	vmul.f32 v8, v9;
	v11 =	vshra.s32 v11, $0x1;
	v13 =	vmul.f32 v13, v7  }
0x189: {  	v11 =	vsub.s32 $0x5F3759DF, v11;
	v12 =	vmul.f32 v12, v3;
	v3 =	vmul.f32 $5.000000000e-01, v14  }
0x18a: {  	v14 =	vsub.s32 $0x5F3759DF, v16;
	v16 =	vmul.f32 v11, v6;
	v13 =	vsub.f32 $1.500000000e+00, v13  }
0x18b: {  	v15 =	vmul.f32 v15, v8;
	v17 =	vmul.f32 v14, v3  }
0x18c: {  	s18 =	simm.s32 $0x30;
	[tilespmem:s25+$0x74D0] =	vst v12;
	v12 =	vmul.f32 v11, v16;
	v13 =	vmul.f32 v13, v7  }
0x18d: {  	v4 =	vmul.f32 v5, v4;
	v15 =	vsub.f32 $1.500000000e+00, v15;
	v16 =	vld [tilespmem:s18+$0x73F0];
	v7 =	vmul.f32 v14, v17  }
0x18e: {  	v17 =	vld [tilespmem:s18+$0x7380];
	v12 =	vsub.f32 $1.500000000e+00, v12;
	v10 =	vmul.f32 v13, v10  }
0x18f: {  	v18 =	vmul.f32 v4, v5;
	v4 =	vmul.f32 v15, v8;
	v7 =	vsub.f32 $1.500000000e+00, v7  }
0x190: {  	v15 =	vmul.f32 v11, v12;
	v8 =	vmul.f32 v10, v13  }
0x191: {  	v7 =	vmul.f32 v14, v7;
	v14 =	vmul.f32 v4, v9  }
0x192: {  	v10 =	vmax.f32 v16, $1.000000000e+00;
	v11 =	vmul.f32 v15, v6;
	v8 =	vsub.f32 $1.500000000e+00, v8  }
0x193: {  	v12 =	vmax.f32 v17, $1.000000000e+00;
	v9 =	vmul.f32 $5.000000000e-01, v10;
	v10 =	vshra.s32 v10, $0x1  }
0x194: {  	v16 =	vmul.f32 v7, v3;
	v11 =	vmul.f32 v11, v15;
	v19 =	vshra.s32 v12, $0x1  }
0x195: {  	v17 =	vmul.f32 v8, v13;
	v8 =	vmul.f32 $5.000000000e-01, v12;
	v13 =	vsub.s32 $0x5F3759DF, v10  }
0x196: {  	s1 =	simm.s32 $0x1;
	v12 =	vsub.s32 $0x5F3759DF, v19;
	v10 =	vmul.f32 v13, v9;
	v19 =	vsub.f32 $1.500000000e+00, v11  }
0x197: {  	s1 =	simm.s32 @!p1 $0x0;
	v21 =	vmul.f32 v16, v7;
	v20 =	vmul.f32 v12, v8  }
0x198: {  	s14 =	simm.s32 $0x40;
	s1 =	sshll.u32 s1, $0xC;
	v11 =	vsub.f32 $1.500000000e+00, v18;
	[tilespmem:s26+$0x74D0] =	vst v17;
	v18 =	vmul.f32 v13, v10;
	v10 =	vmul.f32 v19, v15  }
0x199: {  	s23 =	sadd.s32 $0x1100, s1;
	s1 =	simm.s32 $0x140;
	v14 =	vmul.f32 v14, v4;
	v16 =	vld [tilespmem:s14+$0x73F0];
	v15 =	vsub.f32 $1.500000000e+00, v21;
	v17 =	vmul.f32 v12, v20  }
.LBB2_14:
0x19a: {  	p2 =	sne.s32 s1, $0x180;
	v19 =	vld [tilespmem:s14+$0x7380];
	v18 =	vsub.f32 $1.500000000e+00, v18;
	v20 =	vmul.f32 v10, v6;
	v21 =	vmul.f32 v11, v5;
	v5 =	vmovc v4;
	v6 =	vmovc v9  }
0x19b: {  	v9 =	vsub.f32 $1.500000000e+00, v17;
	v4 =	vmul.f32 v15, v7;
	v11 =	vsub.f32 $1.500000000e+00, v14  }
0x19c: {  	v14 =	vmul.f32 v13, v18;
	v13 =	vmul.f32 v20, v10;
	[tilespmem:s25+$0x7460] =	vst v21;
	s25 =	smov.u32 s26;
	s26 =	smov.u32 s13;
	s13 =	smov.u32 s18  }
0x19d: {  	s18 =	smov.u32 s14;
	v7 =	vmul.f32 v12, v9;
	v20 =	vmul.f32 v4, v3;
	v3 =	vmov v8  }
0x19e: {  	v8 =	vmax.f32 v16, $1.000000000e+00;
	v12 =	vmul.f32 v14, v6;
	v13 =	vsub.f32 $1.500000000e+00, v13  }
0x19f: {  	v15 =	vmax.f32 v19, $1.000000000e+00;
	v9 =	vmul.f32 $5.000000000e-01, v8;
	v16 =	vmul.f32 v7, v3  }
0x1a0: {  	v17 =	vshra.s32 v8, $0x1;
	v18 =	vmul.f32 v12, v14;
	v10 =	vmul.f32 v13, v10  }
.Ltmp11:
0x1a1: {  	v12 =	vshra.s32 v15, $0x1;
	v8 =	vmul.f32 $5.000000000e-01, v15;
	v13 =	vsub.s32 $0x5F3759DF, v17;
	(pc) =	sbr.rel @p2 .LBB2_14-.Ltmp11, $4  }
0x1a2: {  	v12 =	vsub.s32 $0x5F3759DF, v12;
	v15 =	vmul.f32 v13, v9;
	v17 =	vsub.f32 $1.500000000e+00, v18;
	[tilespmem:s26+$0x74D0] =	vst v10  }
0x1a3: {  	v21 =	vmul.f32 v16, v7;
	v19 =	vmul.f32 v12, v8  }
0x1a4: {  	s14 =	sshra.s32 s1, $0x2;
	v18 =	vmul.f32 v13, v15;
	v10 =	vmul.f32 v17, v14  }
0x1a5: {  	s1 =	sadd.s32 $0x40, s1;
	v15 =	vsub.f32 $1.500000000e+00, v21;
	v17 =	vmul.f32 v12, v19;
	v14 =	vmul.f32 v20, v4;
	v16 =	vld [tilespmem:s14+$0x73F0]  }
0x1a6: {  	_ = 	snop  }
0x1a7: {  	v19 =	vld [tilespmem:s14+$0x7380];
	_ =	sdelay $0x2  }
0x1a8: {  	v16 =	vmax.f32 v16, $1.000000000e+00  }
0x1a9: {  	v20 =	vmul.f32 $5.000000000e-01, v16;
	v16 =	vshra.s32 v16, $0x1  }
0x1aa: {  	v19 =	vmax.f32 v19, $1.000000000e+00;
	v16 =	vsub.s32 $0x5F3759DF, v16  }
0x1ab: {  	v21 =	vshra.s32 v19, $0x1;
	v19 =	vmul.f32 $5.000000000e-01, v19;
	v22 =	vmul.f32 v16, v20  }
0x1ac: {  	v18 =	vsub.f32 $1.500000000e+00, v18;
	v21 =	vsub.s32 $0x5F3759DF, v21  }
0x1ad: {  	v23 =	vmul.f32 v21, v19;
	v22 =	vmul.f32 v16, v22  }
0x1ae: {  	v13 =	vmul.f32 v13, v18  }
0x1af: {  	v5 =	vmul.f32 v11, v5;
	v44 =	vmul.f32 v21, v23;
	v22 =	vsub.f32 $1.500000000e+00, v22  }
0x1b0: {  	v6 =	vmul.f32 v10, v6;
	v45 =	vsub.f32 $1.500000000e+00, v17;
	v46 =	vmul.f32 v13, v9  }
0x1b1: {  	v7 =	vmul.f32 v15, v7;
	v18 =	vsub.f32 $1.500000000e+00, v44;
	v16 =	vmul.f32 v16, v22  }
0x1b2: {  	v11 =	vmul.f32 v12, v45;
	v47 =	vmul.f32 v46, v13  }
0x1b3: {  	v48 =	vmul.f32 v21, v18;
	v49 =	vmul.f32 v16, v20  }
0x1b4: {  	v6 =	vmul.f32 v6, v10;
	v50 =	vmul.f32 v11, v8;
	v12 =	vsub.f32 $1.500000000e+00, v47  }
0x1b5: {  	v51 =	vmul.f32 v48, v19;
	v18 =	vmul.f32 v49, v16  }
0x1b6: {  	v52 =	vmul.f32 v50, v11;
	v12 =	vmul.f32 v12, v13  }
0x1b7: {  	v6 =	vsub.f32 $1.500000000e+00, v6;
	v54 =	vmul.f32 v51, v48;
	v53 =	vsub.f32 $1.500000000e+00, v18  }
0x1b8: {  	v3 =	vmul.f32 v7, v3;
	v55 =	vsub.f32 $1.500000000e+00, v52;
	v56 =	vmul.f32 v12, v9  }
0x1b9: {  	v6 =	vmul.f32 v6, v10;
	v58 =	vsub.f32 $1.500000000e+00, v54;
	v57 =	vmul.f32 v53, v16  }
0x1ba: {  	v10 =	vmul.f32 v55, v11;
	v9 =	vmul.f32 v56, v12  }
0x1bb: {  	v15 =	vmul.f32 v58, v48;
	v59 =	vmul.f32 v57, v20  }
0x1bc: {  	v14 =	vsub.f32 $1.500000000e+00, v14;
	v3 =	vmul.f32 v3, v7;
	v60 =	vmul.f32 v10, v8  }
0x1bd: {  	v9 =	vsub.f32 $1.500000000e+00, v9;
	v61 =	vmul.f32 v15, v19;
	v11 =	vmul.f32 v59, v57  }
0x1be: {  	[tilespmem:s25+$0x7460] =	vst v5;
	v4 =	vmul.f32 v14, v4;
	v3 =	vsub.f32 $1.500000000e+00, v3;
	v5 =	vmul.f32 v60, v10  }
0x1bf: {  	[tilespmem:s13+$0x74D0] =	vst v6;
	v6 =	vmul.f32 v9, v12;
	v63 =	vmul.f32 v61, v15;
	v62 =	vsub.f32 $1.500000000e+00, v11  }
0x1c0: {  	[tilespmem:s26+$0x7460] =	vst v4;
	v3 =	vmul.f32 v3, v7;
	v4 =	vsub.f32 $1.500000000e+00, v5  }
0x1c1: {  	[tilespmem:s18+$0x74D0] =	vst v6;
	v6 =	vsub.f32 $1.500000000e+00, v63;
	v5 =	vmul.f32 v62, v57  }
0x1c2: {  	[tilespmem:s13+$0x7460] =	vst v3;
	v3 =	vmul.f32 v4, v10  }
0x1c3: {  	v4 =	vmul.f32 v6, v15;
	[tilespmem:s14+$0x74D0] =	vst v5  }
0x1c4: {  	[tilespmem:s18+$0x7460] =	vst v3  }
0x1c5: {  	[tilespmem:s14+$0x7460] =	vst v4  }
0x1c6: {  	s1 =	simm.s32 $0x0;
	s25 =	smov.u32 s23;
	s26 =	simm.s32 $0x40;
	v5 =	vld [tilespmem:s23+$0x50]  }
.LBB2_16:
0x1c7: {  	p2 =	sne.s32 s26, $0x180;
	v3 =	vld [tilespmem:s1+$0x74D0]  }
0x1c8: {  	v7 =	vld [tilespmem:s23+$0x80]  }
0x1c9: {  	v8 =	vld [tilespmem:s23+$0x70]  }
0x1ca: {  	v9 =	vld [tilespmem:s23+$0x60]  }
0x1cb: {  	v10 =	vld [tilespmem:s23+$0x40]  }
0x1cc: {  	v4 =	vld [tilespmem:s1+$0x7460];
	v11 =	vbroadcast v3, $0xB;
	v6 =	vbroadcast v3, $0xC  }
0x1cd: {  	v12 =	vbroadcast v3, $0x9;
	v13 =	vbroadcast v3, $0xA  }
0x1ce: {  	v8 =	vmul.f32 v8, v11;
	v7 =	vmul.f32 v7, v6  }
0x1cf: {  	v14 =	vmul.f32 v5, v13;
	v5 =	vmul.f32 v9, v11  }
0x1d0: {  	v9 =	vld [tilespmem:s23+$0x30];
	v10 =	vmul.f32 v10, v13;
	v8 =	vadd.f32 v8, v2;
	v7 =	vadd.f32 v7, v1  }
0x1d1: {  	v11 =	vld [tilespmem:s23+$0x20];
	v13 =	vadd.f32 v5, v1;
	v15 =	vbroadcast v4, $0xB;
	v5 =	vbroadcast v4, $0xC  }
0x1d2: {  	v14 =	vadd.f32 v14, v2;
	v8 =	vmax.f32 v8, $0.0e+00;
	v7 =	vmax.f32 v7, $0.0e+00  }
0x1d3: {  	v16 =	vld [tilespmem:s23+$0x0];
	v13 =	vmax.f32 v13, $0.0e+00;
	v8 =	vmul.f32 v8, v15;
	v7 =	vmul.f32 v7, v5  }
0x1d4: {  	v18 =	vbroadcast v4, $0xA;
	v14 =	vmax.f32 v14, $0.0e+00;
	v17 =	vld [tilespmem:s23+$0x10];
	v13 =	vmul.f32 v13, v15  }
0x1d5: {  	v10 =	vadd.f32 v10, v1;
	v15 =	vbroadcast v4, $0x9;
	v9 =	vmul.f32 v9, v12;
	[tilespmem:s23+$0x80] =	vst v7  }
0x1d6: {  	v7 =	vmul.f32 v11, v12;
	v11 =	vmul.f32 v14, v18;
	[tilespmem:s23+$0x70] =	vst v8  }
0x1d7: {  	v10 =	vmax.f32 v10, $0.0e+00;
	v12 =	vbroadcast v3, $0x8;
	v8 =	vld [tilespmem:s23+$0xFFFFFFF0];
	v9 =	vadd.f32 v9, v2;
	[tilespmem:s23+$0x60] =	vst v13  }
0x1d8: {  	v10 =	vmul.f32 v10, v18;
	v14 =	vbroadcast v4, $0x8;
	v13 =	vld [tilespmem:s23+$0xFFFFFFE0];
	v7 =	vadd.f32 v7, v1;
	[tilespmem:s23+$0x50] =	vst v11  }
0x1d9: {  	v11 =	vmul.f32 v16, v12;
	v12 =	vmul.f32 v17, v12;
	v9 =	vmax.f32 v9, $0.0e+00  }
0x1da: {  	v16 =	vbroadcast v3, $0x7;
	v7 =	vmax.f32 v7, $0.0e+00;
	v9 =	vmul.f32 v9, v15;
	[tilespmem:s23+$0x40] =	vst v10  }
0x1db: {  	v11 =	vadd.f32 v11, v1;
	v10 =	vld [tilespmem:s23+$0xFFFFFFA0];
	v12 =	vadd.f32 v12, v2;
	v7 =	vmul.f32 v7, v15  }
0x1dc: {  	v17 =	vbroadcast v4, $0x7;
	v15 =	vld [tilespmem:s23+$0xFFFFFFD0];
	v8 =	vmul.f32 v8, v16;
	[tilespmem:s23+$0x30] =	vst v9  }
0x1dd: {  	v11 =	vmax.f32 v11, $0.0e+00;
	v9 =	vld [tilespmem:s23+$0xFFFFFFC0];
	v13 =	vmul.f32 v13, v16;
	v12 =	vmax.f32 v12, $0.0e+00;
	[tilespmem:s23+$0x20] =	vst v7  }
0x1de: {  	v11 =	vmul.f32 v11, v14;
	v7 =	vld [tilespmem:s23+$0xFFFFFFB0];
	v8 =	vadd.f32 v8, v2;
	v12 =	vmul.f32 v12, v14  }
0x1df: {  	v16 =	vbroadcast v4, $0x6;
	v14 =	vbroadcast v3, $0x6;
	v13 =	vadd.f32 v13, v1  }
0x1e0: {  	v19 =	vbroadcast v4, $0x5;
	v18 =	vbroadcast v3, $0x5;
	v8 =	vmax.f32 v8, $0.0e+00;
	[tilespmem:s23+$0x10] =	vst v12  }
0x1e1: {  	v12 =	vld [tilespmem:s23+$0xFFFFFF90];
	v15 =	vmul.f32 v15, v14;
	v13 =	vmax.f32 v13, $0.0e+00;
	v8 =	vmul.f32 v8, v17;
	[tilespmem:s23+$0x0] =	vst v11  }
0x1e2: {  	v9 =	vmul.f32 v9, v14;
	v11 =	vmul.f32 v13, v17  }
0x1e3: {  	v10 =	vmul.f32 v10, v18;
	v7 =	vmul.f32 v7, v18;
	v13 =	vadd.f32 v15, v2;
	[tilespmem:s23+$0xFFFFFFF0] =	vst v8  }
0x1e4: {  	v14 =	vbroadcast v3, $0x4;
	v15 =	vbroadcast v4, $0x4;
	v8 =	vld [tilespmem:s23+$0xFFFFFF80];
	v9 =	vadd.f32 v9, v1;
	[tilespmem:s23+$0xFFFFFFE0] =	vst v11  }
0x1e5: {  	v10 =	vadd.f32 v10, v1;
	v11 =	vld [tilespmem:s23+$0xFFFFFF50];
	v7 =	vadd.f32 v7, v2;
	v13 =	vmax.f32 v13, $0.0e+00  }
0x1e6: {  	v17 =	vld [tilespmem:s23+$0xFFFFFF70];
	v12 =	vmul.f32 v12, v14;
	v9 =	vmax.f32 v9, $0.0e+00;
	v13 =	vmul.f32 v13, v16  }
0x1e7: {  	v10 =	vmax.f32 v10, $0.0e+00;
	v18 =	vld [tilespmem:s23+$0xFFFFFF60];
	v7 =	vmax.f32 v7, $0.0e+00;
	v9 =	vmul.f32 v9, v16  }
0x1e8: {  	v10 =	vmul.f32 v10, v19;
	v12 =	vadd.f32 v12, v2;
	v7 =	vmul.f32 v7, v19;
	[tilespmem:s23+$0xFFFFFFD0] =	vst v13  }
0x1e9: {  	v13 =	vbroadcast v3, $0x3;
	v8 =	vmul.f32 v8, v14;
	[tilespmem:s23+$0xFFFFFFC0] =	vst v9  }
0x1ea: {  	v16 =	vbroadcast v4, $0x3;
	v14 =	vbroadcast v3, $0x2;
	v9 =	vld [tilespmem:s23+$0xFFFFFF40];
	v12 =	vmax.f32 v12, $0.0e+00;
	[tilespmem:s23+$0xFFFFFFB0] =	vst v7  }
0x1eb: {  	v7 =	vmul.f32 v17, v13;
	v8 =	vadd.f32 v8, v1;
	v12 =	vmul.f32 v12, v15;
	[tilespmem:s23+$0xFFFFFFA0] =	vst v10  }
0x1ec: {  	v10 =	vmul.f32 v11, v14;
	v11 =	vmul.f32 v18, v13  }
0x1ed: {  	v17 =	vbroadcast v4, $0x2;
	v13 =	vld [tilespmem:s23+$0xFFFFFF30];
	v7 =	vadd.f32 v7, v2;
	v8 =	vmax.f32 v8, $0.0e+00;
	[tilespmem:s23+$0xFFFFFF90] =	vst v12  }
0x1ee: {  	v10 =	vadd.f32 v10, v2;
	v12 =	vld [tilespmem:s23+$0xFFFFFF20];
	v11 =	vadd.f32 v11, v1;
	v8 =	vmul.f32 v8, v15  }
0x1ef: {  	v18 =	vbroadcast v3, $0x1;
	v15 =	vld [tilespmem:s23+$0xFFFFFF10];
	v9 =	vmul.f32 v9, v14;
	v7 =	vmax.f32 v7, $0.0e+00  }
0x1f0: {  	v10 =	vmax.f32 v10, $0.0e+00;
	v11 =	vmax.f32 v11, $0.0e+00;
	v7 =	vmul.f32 v7, v16;
	[tilespmem:s23+$0xFFFFFF80] =	vst v8;
	v8 =	vld [tilespmem:s23+$0x90]  }
0x1f1: {  	v10 =	vmul.f32 v10, v17;
	v9 =	vadd.f32 v9, v1;
	v11 =	vmul.f32 v11, v16  }
0x1f2: {  	v14 =	vbroadcast v4, $0x1;
	v13 =	vmul.f32 v13, v18;
	[tilespmem:s23+$0xFFFFFF70] =	vst v7  }
0x1f3: {  	v7 =	vbroadcast v3, $0x0;
	v12 =	vmul.f32 v12, v18;
	v9 =	vmax.f32 v9, $0.0e+00;
	[tilespmem:s23+$0xFFFFFF60] =	vst v11;
	v11 =	vld [tilespmem:s23+$0xA0]  }
0x1f4: {  	v16 =	vbroadcast v4, $0x0;
	v13 =	vadd.f32 v13, v2;
	v9 =	vmul.f32 v9, v17;
	[tilespmem:s23+$0xFFFFFF50] =	vst v10;
	v10 =	vld [tilespmem:s23+$0xB0]  }
0x1f5: {  	v15 =	vmul.f32 v15, v7;
	v12 =	vadd.f32 v12, v1;
	v6 =	vmul.f32 v8, v6  }
0x1f6: {  	v8 =	vmax.f32 v13, $0.0e+00;
	[tilespmem:s23+$0xFFFFFF40] =	vst v9;
	v9 =	vbroadcast v3, $0xD;
	v13 =	vbroadcast v4, $0xD;
	v17 =	vld [tilespmem:s23+$0xC0]  }
0x1f7: {  	v15 =	vadd.f32 v15, v2;
	v12 =	vmax.f32 v12, $0.0e+00;
	v8 =	vmul.f32 v8, v14;
	v18 =	vld [tilespmem:s23+$0xD0]  }
0x1f8: {  	v6 =	vadd.f32 v6, v2;
	v12 =	vmul.f32 v12, v14;
	v11 =	vmul.f32 v11, v9  }
0x1f9: {  	v14 =	vmax.f32 v15, $0.0e+00;
	[tilespmem:s23+$0xFFFFFF30] =	vst v8;
	v8 =	vmul.f32 v10, v9;
	v9 =	vbroadcast v3, $0xE  }
0x1fa: {  	v14 =	vmul.f32 v14, v16;
	v6 =	vmax.f32 v6, $0.0e+00;
	v10 =	vld [tilespmem:s23+$0xFFFFFF00];
	[tilespmem:s23+$0xFFFFFF20] =	vst v12;
	v11 =	vadd.f32 v11, v1  }
0x1fb: {  	v5 =	vmul.f32 v6, v5;
	v6 =	vadd.f32 v8, v2;
	v8 =	vmul.f32 v17, v9;
	v12 =	vld [tilespmem:s23+$0xE0]  }
0x1fc: {  	[tilespmem:s23+$0xFFFFFF10] =	vst v14;
	v11 =	vmax.f32 v11, $0.0e+00;
	v14 =	vbroadcast v4, $0xE;
	v9 =	vmul.f32 v18, v9;
	v15 =	vld [tilespmem:s23+$0xF0]  }
0x1fd: {  	[tilespmem:s23+$0x90] =	vst v5;
	v5 =	vmul.f32 v11, v13;
	v6 =	vmax.f32 v6, $0.0e+00;
	v8 =	vadd.f32 v8, v1  }
0x1fe: {  	v3 =	vbroadcast v3, $0xF;
	v6 =	vmul.f32 v6, v13;
	v9 =	vadd.f32 v9, v2  }
0x1ff: {  	v4 =	vbroadcast v4, $0xF;
	v7 =	vmul.f32 v10, v7;
	[tilespmem:s23+$0xA0] =	vst v5;
	v5 =	vmax.f32 v8, $0.0e+00  }
0x200: {  	[tilespmem:s23+$0xB0] =	vst v6;
	v5 =	vmul.f32 v5, v14;
	v6 =	vmax.f32 v9, $0.0e+00;
	v8 =	vmul.f32 v12, v3  }
0x201: {  	v7 =	vadd.f32 v7, v1;
	v6 =	vmul.f32 v6, v14;
	v3 =	vmul.f32 v15, v3  }
0x202: {  	[tilespmem:s23+$0xC0] =	vst v5;
	v5 =	vadd.f32 v8, v1  }
0x203: {  	v7 =	vmax.f32 v7, $0.0e+00;
	[tilespmem:s23+$0xD0] =	vst v6;
	v3 =	vadd.f32 v3, v2  }
.Ltmp12:
0x204: {  	v6 =	vmul.f32 v7, v16;
	v5 =	vmax.f32 v5, $0.0e+00;
	(pc) =	sbr.rel @p2 .LBB2_16-.Ltmp12, $4  }
0x205: {  	v5 =	vmul.f32 v5, v4;
	v3 =	vmax.f32 v3, $0.0e+00  }
0x206: {  	[tilespmem:s23+$0xFFFFFF00] =	vst v6;
	v3 =	vmul.f32 v3, v4  }
0x207: {  	s23 =	sadd.s32 $0x200, s23;
	[tilespmem:s25+$0xE0] =	vst v5  }
0x208: {  	s1 =	sshra.s32 s26, $0x2;
	s26 =	sadd.s32 $0x40, s26;
	v5 =	vld [tilespmem:s23+$0x50];
	[tilespmem:s25+$0xF0] =	vst v3;
	s25 =	smov.u32 s23  }
0x209: {  	v4 =	vld [tilespmem:s1+$0x74D0];
	_ =	sdelay $0x1  }
0x20a: {  	v3 =	vld [tilespmem:s1+$0x7460];
	_ =	sdelay $0x2  }
0x20b: {  	v11 =	vbroadcast v4, $0xB;
	v6 =	vbroadcast v4, $0xC  }
0x20c: {  	v12 =	vbroadcast v4, $0x9;
	v13 =	vbroadcast v4, $0xA  }
0x20d: {  	v15 =	vbroadcast v3, $0xB;
	v18 =	vbroadcast v3, $0xA  }
0x20e: {  	v45 =	vbroadcast v3, $0x9;
	v19 =	vbroadcast v4, $0x8  }
0x20f: {  	v7 =	vld [tilespmem:s23+$0x80];
	v21 =	vbroadcast v3, $0x8;
	v48 =	vbroadcast v4, $0x7  }
0x210: {  	v8 =	vld [tilespmem:s23+$0x70];
	v50 =	vbroadcast v3, $0x7;
	v52 =	vbroadcast v4, $0x6  }
0x211: {  	v9 =	vld [tilespmem:s23+$0x60];
	v24 =	vbroadcast v3, $0x6;
	v25 =	vbroadcast v4, $0x5  }
0x212: {  	v10 =	vld [tilespmem:s23+$0x40];
	v26 =	vbroadcast v3, $0x5;
	v56 =	vbroadcast v4, $0x4  }
0x213: {  	v42 =	vld [tilespmem:s23+$0x30];
	v57 =	vbroadcast v3, $0x4;
	v63 =	vbroadcast v4, $0x3  }
0x214: {  	v43 =	vld [tilespmem:s23+$0x20];
	v27 =	vbroadcast v3, $0x3;
	v29 =	vbroadcast v3, $0x2  }
0x215: {  	v16 =	vld [tilespmem:s23+$0x0];
	v31 =	vbroadcast v4, $0x1;
	v34 =	vbroadcast v3, $0x1  }
0x216: {  	v17 =	vld [tilespmem:s23+$0x10];
	v35 =	vbroadcast v4, $0x0;
	v38 =	vbroadcast v3, $0x0  }
0x217: {  	v23 =	vld [tilespmem:s23+$0xFFFFFFA0];
	v8 =	vmul.f32 v8, v11;
	v7 =	vmul.f32 v7, v6  }
0x218: {  	v32 =	vld [tilespmem:s23+$0xFFFFFF10];
	v14 =	vmul.f32 v5, v13;
	v41 =	vmul.f32 v9, v11  }
0x219: {  	v33 =	vld [tilespmem:s23+$0x90];
	v10 =	vmul.f32 v10, v13;
	v5 =	vbroadcast v3, $0xC  }
0x21a: {  	v9 =	vmul.f32 v42, v12;
	v11 =	vmul.f32 v43, v12  }
0x21b: {  	v16 =	vmul.f32 v16, v19;
	v17 =	vmul.f32 v17, v19  }
0x21c: {  	v54 =	vmul.f32 v23, v25;
	v8 =	vadd.f32 v8, v2;
	v7 =	vadd.f32 v7, v1  }
0x21d: {  	v12 =	vmul.f32 v32, v35;
	v44 =	vadd.f32 v41, v1;
	v14 =	vadd.f32 v14, v2  }
0x21e: {  	v6 =	vmul.f32 v33, v6;
	v10 =	vadd.f32 v10, v1;
	v9 =	vadd.f32 v9, v2  }
0x21f: {  	v47 =	vld [tilespmem:s23+$0xFFFFFFF0];
	v42 =	vbroadcast v4, $0xD;
	v11 =	vadd.f32 v11, v1;
	v16 =	vadd.f32 v16, v1  }
0x220: {  	v20 =	vld [tilespmem:s23+$0xFFFFFFE0];
	v43 =	vbroadcast v3, $0xD;
	v17 =	vadd.f32 v17, v2;
	v19 =	vadd.f32 v54, v1  }
0x221: {  	v49 =	vld [tilespmem:s23+$0xFFFFFFD0];
	v8 =	vmax.f32 v8, $0.0e+00;
	v7 =	vmax.f32 v7, $0.0e+00;
	v13 =	vmax.f32 v44, $0.0e+00  }
0x222: {  	v22 =	vld [tilespmem:s23+$0xFFFFFFC0];
	v14 =	vmax.f32 v14, $0.0e+00;
	v10 =	vmax.f32 v10, $0.0e+00;
	v8 =	vmul.f32 v8, v15  }
0x223: {  	v51 =	vld [tilespmem:s23+$0xFFFFFFB0];
	v9 =	vmax.f32 v9, $0.0e+00;
	v7 =	vmul.f32 v7, v5;
	v13 =	vmul.f32 v13, v15  }
0x224: {  	v53 =	vld [tilespmem:s23+$0xFFFFFF90];
	v11 =	vmax.f32 v11, $0.0e+00;
	v46 =	vmul.f32 v14, v18;
	v10 =	vmul.f32 v10, v18  }
0x225: {  	v36 =	vld [tilespmem:s23+$0xA0];
	v16 =	vmax.f32 v16, $0.0e+00;
	v9 =	vmul.f32 v9, v45;
	v11 =	vmul.f32 v11, v45  }
0x226: {  	v39 =	vld [tilespmem:s23+$0xB0];
	v17 =	vmax.f32 v17, $0.0e+00;
	v14 =	vmul.f32 v47, v48;
	v18 =	vmul.f32 v20, v48  }
0x227: {  	v12 =	vadd.f32 v12, v2;
	v16 =	vmul.f32 v16, v21;
	v17 =	vmul.f32 v17, v21  }
0x228: {  	v6 =	vadd.f32 v6, v2;
	v15 =	vmul.f32 v49, v52;
	v21 =	vmul.f32 v22, v52  }
0x229: {  	v55 =	vld [tilespmem:s23+$0xFFFFFF80];
	v19 =	vmax.f32 v19, $0.0e+00;
	v20 =	vmul.f32 v51, v25;
	v22 =	vmul.f32 v53, v56  }
0x22a: {  	v59 =	vld [tilespmem:s23+$0xFFFFFF70];
	v12 =	vmax.f32 v12, $0.0e+00;
	v19 =	vmul.f32 v19, v26;
	v47 =	vmul.f32 v36, v42;
	[tilespmem:s23+$0x80] =	vst v7  }
0x22b: {  	v61 =	vld [tilespmem:s23+$0xFFFFFF60];
	v6 =	vmax.f32 v6, $0.0e+00;
	v48 =	vmul.f32 v39, v42;
	v49 =	vbroadcast v4, $0xE;
	[tilespmem:s23+$0x70] =	vst v8  }
0x22c: {  	v12 =	vmul.f32 v12, v38;
	v5 =	vmul.f32 v6, v5;
	[tilespmem:s23+$0x60] =	vst v13  }
0x22d: {  	v53 =	vbroadcast v3, $0xE;
	v14 =	vadd.f32 v14, v2;
	v18 =	vadd.f32 v18, v1;
	[tilespmem:s23+$0x50] =	vst v46  }
0x22e: {  	v3 =	vbroadcast v3, $0xF;
	v15 =	vadd.f32 v15, v2;
	v21 =	vadd.f32 v21, v1;
	[tilespmem:s23+$0x40] =	vst v10  }
0x22f: {  	v20 =	vadd.f32 v20, v2;
	v62 =	vadd.f32 v22, v2;
	[tilespmem:s23+$0x30] =	vst v9;
	v7 =	vmul.f32 v55, v56  }
0x230: {  	v13 =	vmul.f32 v59, v63;
	[tilespmem:s23+$0x0] =	vst v16;
	v9 =	vmul.f32 v61, v63;
	v16 =	vadd.f32 v47, v1  }
0x231: {  	[tilespmem:s23+$0x20] =	vst v11;
	v51 =	vadd.f32 v48, v2;
	v14 =	vmax.f32 v14, $0.0e+00;
	v18 =	vmax.f32 v18, $0.0e+00  }
0x232: {  	v58 =	vld [tilespmem:s23+$0xFFFFFF50];
	[tilespmem:s23+$0x10] =	vst v17;
	v15 =	vmax.f32 v15, $0.0e+00;
	v21 =	vmax.f32 v21, $0.0e+00;
	v20 =	vmax.f32 v20, $0.0e+00  }
0x233: {  	v28 =	vld [tilespmem:s23+$0xFFFFFF30];
	[tilespmem:s23+$0xFFFFFFA0] =	vst v19;
	v10 =	vmax.f32 v62, $0.0e+00;
	v7 =	vadd.f32 v7, v1;
	v14 =	vmul.f32 v14, v50  }
0x234: {  	v30 =	vld [tilespmem:s23+$0xFFFFFF20];
	[tilespmem:s23+$0xFFFFFF10] =	vst v12;
	v13 =	vadd.f32 v13, v2;
	v18 =	vmul.f32 v18, v50;
	v15 =	vmul.f32 v15, v24  }
0x235: {  	v44 =	vld [tilespmem:s23+$0xC0];
	[tilespmem:s23+$0x90] =	vst v5;
	v9 =	vadd.f32 v9, v1;
	v60 =	vmul.f32 v21, v24;
	v20 =	vmul.f32 v20, v26  }
0x236: {  	v46 =	vld [tilespmem:s23+$0xD0];
	v16 =	vmax.f32 v16, $0.0e+00;
	v26 =	vbroadcast v4, $0x2;
	v10 =	vmul.f32 v10, v57;
	[tilespmem:s23+$0xFFFFFFF0] =	vst v14  }
0x237: {  	v6 =	vmax.f32 v51, $0.0e+00;
	v24 =	vld [tilespmem:s23+$0xFFFFFF40];
	v55 =	vmul.f32 v16, v43;
	v4 =	vbroadcast v4, $0xF;
	[tilespmem:s23+$0xFFFFFFE0] =	vst v18  }
0x238: {  	v50 =	vld [tilespmem:s23+$0xFFFFFF00];
	v6 =	vmul.f32 v6, v43;
	v7 =	vmax.f32 v7, $0.0e+00;
	v8 =	vmul.f32 v58, v26;
	[tilespmem:s23+$0xFFFFFFD0] =	vst v15  }
0x239: {  	v13 =	vmax.f32 v13, $0.0e+00;
	v7 =	vmul.f32 v7, v57;
	[tilespmem:s23+$0xFFFFFFC0] =	vst v60;
	v14 =	vmul.f32 v28, v31  }
0x23a: {  	v9 =	vmax.f32 v9, $0.0e+00;
	v13 =	vmul.f32 v13, v27;
	[tilespmem:s23+$0xFFFFFFB0] =	vst v20;
	v15 =	vmul.f32 v30, v31  }
0x23b: {  	v9 =	vmul.f32 v9, v27;
	[tilespmem:s23+$0xFFFFFF90] =	vst v10;
	v8 =	vadd.f32 v8, v2;
	v14 =	vadd.f32 v14, v2  }
0x23c: {  	v52 =	vld [tilespmem:s23+$0xE0];
	[tilespmem:s23+$0xFFFFFF70] =	vst v13;
	v40 =	vadd.f32 v15, v1;
	v15 =	vmul.f32 v44, v49;
	v13 =	vmul.f32 v46, v49  }
0x23d: {  	v54 =	vld [tilespmem:s23+$0xF0];
	[tilespmem:s23+$0xA0] =	vst v55;
	v11 =	vmul.f32 v24, v26;
	v56 =	vmul.f32 v50, v35  }
0x23e: {  	[tilespmem:s23+$0xB0] =	vst v6;
	v8 =	vmax.f32 v8, $0.0e+00;
	v41 =	vmax.f32 v14, $0.0e+00;
	v15 =	vadd.f32 v15, v1  }
0x23f: {  	[tilespmem:s23+$0xFFFFFF60] =	vst v9;
	v57 =	vadd.f32 v13, v2;
	v11 =	vadd.f32 v11, v1;
	v9 =	vmul.f32 v41, v34  }
0x240: {  	[tilespmem:s23+$0xFFFFFF80] =	vst v7;
	v8 =	vmul.f32 v8, v29;
	v59 =	vadd.f32 v56, v1;
	v58 =	vmax.f32 v15, $0.0e+00  }
0x241: {  	v37 =	vmax.f32 v11, $0.0e+00;
	[tilespmem:s23+$0xFFFFFF30] =	vst v9;
	v9 =	vmul.f32 v52, v4;
	v60 =	vmul.f32 v58, v53  }
0x242: {  	[tilespmem:s23+$0xFFFFFF50] =	vst v8;
	v4 =	vmul.f32 v54, v4;
	v8 =	vmax.f32 v57, $0.0e+00;
	v7 =	vmul.f32 v37, v29  }
0x243: {  	v5 =	vmax.f32 v59, $0.0e+00;
	v61 =	vmul.f32 v8, v53;
	v9 =	vadd.f32 v9, v1;
	[tilespmem:s23+$0xC0] =	vst v60  }
0x244: {  	v45 =	vmax.f32 v40, $0.0e+00;
	v5 =	vmul.f32 v5, v38;
	v4 =	vadd.f32 v4, v2;
	[tilespmem:s23+$0xFFFFFF40] =	vst v7  }
0x245: {  	v7 =	vmul.f32 v45, v34;
	[tilespmem:s23+$0xD0] =	vst v61;
	v62 =	vmax.f32 v9, $0.0e+00  }
0x246: {  	[tilespmem:s23+$0xFFFFFF00] =	vst v5;
	v4 =	vmax.f32 v4, $0.0e+00;
	v63 =	vmul.f32 v62, v3  }
0x247: {  	p2 =	seq.s32 s0, $0x1;
	[tilespmem:s23+$0xFFFFFF20] =	vst v7;
	v3 =	vmul.f32 v4, v3  }
0x248: {  	s1 =	sshll.u32 @!p2 s17, $0x2;
	[tilespmem:s25+$0xE0] =	vst v63  }
0x249: {  	s13 =	simm.s32 @!p2 $0x0;
	p3 =	seq.s32 @!p2 s0, $0x0;
	s1 =	sadd.s32 @!p2 s19, s1;
	[tilespmem:s25+$0xF0] =	vst v3  }
0x24a: {  	[hbm4b:s1+s13] =	stream.linear.scatter @!p2 [tilespmem:s21], [sflag:$0x3], $0xE00, $0x38;
	[tilespmem:$0x1FD60] =	vst v63  }
0x24b: {  	p2 =	por p2, !p3  }
.Ltmp13:
0x24c: {  	_ = 	snop;
	(pc) =	sbr.rel @p2 .LBB2_18-.Ltmp13, $1  }
0x24d: {  	_ =	sdelay $0x3  }
0x24e: {  	p2 =	seq.s32 s16, $0x0  }
.Ltmp14:
0x24f: {  	_ = 	snop;
	(pc) =	sbr.rel @!p2 .LBB2_20-.Ltmp14, $4  }
.Ltmp15:
0x250: {  	_ = 	snop;
	(pc) =	sbr.rel @p2 .LBB2_21-.Ltmp15, $4  }
0x251: {  	_ = 	snop  }
0x252: {  	_ = 	snop  }
0x253: {  	_ = 	snop  }
0x254: {  	_ = 	snop  }
.LBB2_22:
0x255: {  	s0 =	simm.s32 $0x3  }
0x256: {  	_ =	swait.ge [sflag:s0], $0xE00  }
0x257: {  	[sflag:s0] =	ssyncset.done $0x0  }
0x258: {  	s13 =	simm.s32 $0x4;
	[sflag:s0] =	ssyncadd.s32 $0xFFFFF200  }
0x259: {  	_ =	swait.ge [sflag:s13], $0xE00  }
0x25a: {  	[sflag:s13] =	ssyncset.done $0x0  }
0x25b: {  	[sflag:s13] =	ssyncadd.s32 $0xFFFFF200  }
0x25c: {  	_ =	swait.ge [sflag:s30], $0x380  }
0x25d: {  	[sflag:s30] =	ssyncset.done $0x0  }
0x25e: {  	[sflag:s30] =	ssyncadd.s32 $0xFFFFFC80  }
0x25f: {  	_ =	swait.ge [sflag:s30], $0x380  }
0x260: {  	[sflag:s30] =	ssyncset.done $0x0  }
0x261: {  	[sflag:s30] =	ssyncadd.s32 $0xFFFFFC80  }
0x262: {  	_ =	swait.ge [sflag:s30], $0x380  }
0x263: {  	[sflag:s30] =	ssyncset.done $0x0  }
0x264: {  	[sflag:s30] =	ssyncadd.s32 $0xFFFFFC80  }
0x265: {  	_ =	swait.ge [sflag:s30], $0x380  }
0x266: {  	[sflag:s30] =	ssyncset.done $0x0  }
0x267: {  	s0 =	simm.s32 $0x0;
	s1 =	rddreg [dreg:$0x5];
	[sflag:s30] =	ssyncadd.s32 $0xFFFFFC80  }
0x268: {  	[tilespmem:s0], [sflag:$0x9] =	stream.linear.gather [hbm4b:s1+s0], $0x200, $0x38;
	[tilespmem:$0x1FD60] =	vst v63  }
0x269: {  	_ =	swait.ge [sflag:s31], $0x200  }
0x26a: {  	[sflag:s31] =	ssyncset.done $0x0  }
0x26b: {  	s7 =	simm.s32 $0x800;
	s14 =	rddreg [dreg:$0x6];
	[sflag:s31] =	ssyncadd.s32 $0xFFFFFE00  }
0x26c: {  	[tilespmem:s7], [sflag:$0x9] =	stream.linear.gather [hbm4b:s14+s0], $0x200, $0x38;
	[tilespmem:$0x1FD60] =	vst v63  }
0x26d: {  	_ =	swait.ge [sflag:s31], $0x200  }
0x26e: {  	[sflag:s31] =	ssyncset.done $0x0  }
0x26f: {  	s16 =	simm.s32 $0x200;
	s15 =	rddreg [dreg:$0x7];
	[sflag:s31] =	ssyncadd.s32 $0xFFFFFE00  }
0x270: {  	[tilespmem:s16], [sflag:$0x2] =	stream.linear.gather [hbm4b:s15+s0], $0x200, $0x38;
	[tilespmem:$0x1FD60] =	vst v63  }
0x271: {  	s18 =	simm.s32 $0xA00;
	s17 =	rddreg [dreg:$0x8]  }
0x272: {  	[tilespmem:s18], [sflag:$0x2] =	stream.linear.gather [hbm4b:s17+s0], $0x200, $0x38;
	[tilespmem:$0x1FD60] =	vst v63  }
0x273: {  	s21 =	simm.s32 $0x80;
	s23 =	simm.s32 $0x1000;
	[bflag:$0x0] =	sbarrier.arrive $0xFFFF  }
0x274: {  	[tilespmem:s23], [sflag:$0x3] =	stream.indirect.gather [hbm4b:s19+s21], $0x20, s0, s21, $0xb8;
	[tilespmem:$0x1FD60] =	vst v63  }
.Ltmp16:
0x275: {  	_ = 	snop;
	(pc) =	sbr.rel .LBB2_23-.Ltmp16, $4  }
0x276: {  	s25 =	simm.s32 $0x2000  }
0x277: {  	[tilespmem:s25], [sflag:$0x4] =	stream.indirect.gather [hbm4b:s19+s21], $0x20, s21, s21, $0xb8;
	[tilespmem:$0x1FD60] =	vst v63  }
0x278: {  	s26 =	simm.s32 $0x100;
	s13 =	simm.s32 $0x3000;
	s7 =	simm.s32 $0x600  }
0x279: {  	[tilespmem:s13], [sflag:$0x5] =	stream.indirect.gather [hbm4b:s19+s21], $0x20, s26, s21, $0xb8;
	[tilespmem:$0x1FD60] =	vst v63  }
.LBB2_28:
0x27a: {  	s21 =	simm.s32 @p0 $0x80  }
0x27b: {  	[tilespmem:s1], [sflag:$0x5] =	stream.indirect.gather @p0 [hbm4b:s11+s21], $0x20, s18, s21, $0xb8;
	[tilespmem:$0x1FD60] =	vst v63  }
0x27c: {  	s21 =	simm.s32 @!p0 $0x80  }
0x27d: {  	[tilespmem:s1], [sflag:$0x5] =	stream.indirect.gather @!p0 [hbm4b:s10+s21], $0x20, s18, s21, $0xb8;
	[tilespmem:$0x1FD60] =	vst v63  }
.LBB2_29:
0x27e: {  	s1 =	sshrl.u32 s17, $0x12  }
0x27f: {  	s1 =	smul.u32 $0x6, s1;
	_ =	sdelay $0x1  }
0x280: {  	s14 =	sand.u32 $0x3, s14;
	s18 =	sshll.u32 @p1 s13, $0x7;
	s1 =	ssub.s32 s0, s1  }
0x281: {  	s16 =	sand.u32 @!p1 $0xFFFF, s16;
	s17 =	sshll.u32 @p1 s14, $0x9;
	s1 =	sand.u32 $0xFFFF, s1  }
0x282: {  	p2 =	sne.s32 @!p1 s16, $0x0;
	s17 =	sor.u32 @p1 s18, s17;
	s21 =	sshll.u32 @p1 s1, $0xC  }
0x283: {  	s17 =	sor.u32 @p1 $0x800, s17;
	s18 =	sadd.s32 @p1 $0x1000, s21;
	s21 =	simm.s32 @p1 $0x80  }
0x284: {  	[spmem:s2] =	stream.indirect.scatter.add.f32 @p1 [tilespmem:s18], [sflag:$0x7], $0x20, s17, s21, $0xb8;
	[tilespmem:$0x1FD60] =	vst v63  }
0x285: {  	p1 =	por p2, p1  }
0x286: {  	s16 =	sshll.u32 @!p1 s14, $0x9;
	s17 =	sshll.u32 @!p1 s13, $0x7  }
0x287: {  	s18 =	sshll.u32 @!p1 s1, $0xC;
	s16 =	sor.u32 @!p1 s17, s16  }
0x288: {  	s17 =	sadd.s32 @!p1 $0x1000, s18;
	s18 =	simm.s32 @!p1 $0x80;
	s16 =	sor.u32 @!p1 $0x800, s16  }
0x289: {  	[spmem:s2] =	stream.indirect.scatter.add.f32 @!p1 [tilespmem:s17], [sflag:$0x6], $0x20, s16, s18, $0xb8;
	[tilespmem:$0x1FD60] =	vst v63  }
0x28a: {  	p1 =	slt.u32 s15, $0x2  }
0x28b: {  	s14 =	sshll.u32 @!p1 s14, $0x9;
	s13 =	sshll.u32 @!p1 s13, $0x7  }
0x28c: {  	s0 =	sadd.s32 $0x1, s0;
	s1 =	sshll.u32 @!p1 s1, $0xC;
	s13 =	sor.u32 @!p1 s13, s14  }
0x28d: {  	s1 =	sadd.s32 @!p1 $0x1000, s1;
	s14 =	simm.s32 @!p1 $0x80;
	s13 =	sor.u32 @!p1 $0x800, s13  }
0x28e: {  	[spmem:s2] =	stream.indirect.scatter.add.f32 @!p1 [tilespmem:s1], [sflag:$0x8], $0x20, s13, s14, $0xb8;
	[tilespmem:$0x1FD60] =	vst v63  }
0x28f: {  	p1 =	sne.s32 s0, $0x188  }
.Ltmp17:
0x290: {  	_ = 	snop;
	(pc) =	sbr.rel @!p1 .LBB2_30-.Ltmp17, $2  }
0x291: {  	_ =	sdelay $0x2  }
0x292: {  	s7 =	sadd.s32 $0x200, s7  }
.LBB2_23:
0x293: {  	s13 =	sand.u32 $0x3, s0  }
0x294: {  	p1 =	sne.s32 s13, $0x0  }
0x295: {  	p2 =	sgt.u32 @!p1 s0, $0x183  }
0x296: {  	p3 =	por p2, p1  }
0x297: {  	s1 =	simm.s32 @!p3 $0x2;
	p4 =	sgt.u32 @!p3 s0, $0x17F  }
0x298: {  	_ =	swait.ge @!p3 [sflag:s1], $0x200;
	p2 =	por @!p1 p4, p2  }
0x299: {  	s14 =	sshrl.u32 s0, $0x2;
	[sflag:s1] =	ssyncset.done @!p3 $0x0;
	p1 =	por p2, p1  }
0x29a: {  	[sflag:s1] =	ssyncadd.s32 @!p3 $0xFFFFFE00;
	s15 =	sshll.u32 @!p1 s14, $0x9  }
0x29b: {  	_ =	swait.ge @!p3 [sflag:s1], $0x200;
	s15 =	sadd.s32 @!p1 $0x400, s15  }
0x29c: {  	s17 =	smul.u32 $0xAAAB, s0;
	[sflag:s1] =	ssyncset.done @!p3 $0x0;
	s16 =	sadd.s32 @!p1 s22, s15  }
0x29d: {  	[sflag:s1] =	ssyncadd.s32 @!p3 $0xFFFFFE00;
	s1 =	sand.u32 @!p1 $0x600, s15;
	s15 =	sshrl.u32 @!p1 s16, $0x3  }
0x29e: {  	s26 =	sshrl.u32 s17, $0x11;
	s18 =	simm.s32 @!p1 $0x0;
	s16 =	sadd.s32 @!p1 s5, s15  }
0x29f: {  	[tilespmem:s1], [sflag:$0x2] =	stream.linear.gather @!p1 [hbm4b:s16+s18], $0x200, $0x38;
	[tilespmem:$0x1FD60] =	vst v63  }
0x2a0: {  	s15 =	sadd.s32 @!p1 s6, s15;
	s1 =	sor.u32 @!p1 $0x800, s1;
	s16 =	smul.u32 $0x3, s26  }
0x2a1: {  	[tilespmem:s1], [sflag:$0x2] =	stream.linear.gather @!p1 [hbm4b:s15+s18], $0x200, $0x38;
	[tilespmem:$0x1FD60] =	vst v63  }
0x2a2: {  	p2 =	slt.u32 s0, $0x3;
	s16 =	ssub.s32 s0, s16  }
0x2a3: {  	s1 =	sand.u32 @!p2 $0xFFFF, s16  }
0x2a4: {  	p3 =	seq.s32 @!p2 s1, $0x0  }
0x2a5: {  	s15 =	sand.u32 $0xFFFF, s16;
	p4 =	por p3, p2  }
0x2a6: {  	s18 =	simm.s32 $0x4;
	p1 =	seq.s32 s15, $0x1;
	p4 =	seq.s32 @!p4 s1, $0x2  }
0x2a7: {  	p5 =	seq.s32 s15, $0x0;
	s18 =	simm.s32 @!p1 $0x5;
	p6 =	por @!p2 p4, p3  }
0x2a8: {  	s18 =	simm.s32 @p5 $0x3;
	p4 =	por @!p2 !p4, p3;
	p5 =	por p6, p2  }
0x2a9: {  	p4 =	por !p4, p2;
	s1 =	simm.s32 @!p5 $0x7  }
0x2aa: {  	p3 =	por !p3, p2;
	s1 =	simm.s32 @p4 $0x8  }
0x2ab: {  	s1 =	simm.s32 @!p3 $0x6;
	p3 =	sgt.u32 @!p2 s0, $0x184  }
0x2ac: {  	_ =	swait.ge [sflag:s18], $0x1000;
	p3 =	por p2, !p3  }
.Ltmp18:
0x2ad: {  	[sflag:s18] =	ssyncset.done $0x0;
	(pc) =	sbr.rel @!p3 .LBB2_29-.Ltmp18, $4  }
0x2ae: {  	[sflag:s18] =	ssyncadd.s32 $0xFFFFF000  }
0x2af: {  	_ =	swait.ge @!p2 [sflag:s1], $0x1000  }
0x2b0: {  	[sflag:s1] =	ssyncset.done @!p2 $0x0  }
0x2b1: {  	[sflag:s1] =	ssyncadd.s32 @!p2 $0xFFFFF000  }
0x2b2: {  	s1 =	sadd.s32 $0x3, s0  }
0x2b3: {  	s18 =	smul.u32 $0xAAAB, s1;
	_ =	sdelay $0x1  }
0x2b4: {  	s21 =	sshrl.u32 s18, $0x12  }
0x2b5: {  	s18 =	sshrl.u32 s18, $0x11;
	s21 =	smul.u32 $0x6, s21  }
0x2b6: {  	s18 =	smul.u32 $0x3, s18;
	_ =	sdelay $0x1  }
0x2b7: {  	s21 =	ssub.s32 s1, s21;
	s1 =	ssub.s32 s1, s18  }
0x2b8: {  	s23 =	sand.u32 $0xFFFF, s21;
	s21 =	sand.u32 $0xFFFF, s1  }
0x2b9: {  	p2 =	seq.s32 s21, $0x2  }
.Ltmp19:
0x2ba: {  	_ = 	snop;
	(pc) =	sbr.rel @p2 .LBB2_28-.Ltmp19, $3  }
0x2bb: {  	_ =	sdelay $0x1  }
0x2bc: {  	s26 =	sand.u32 $0x1E00, s7;
	s25 =	sshll.u32 s23, $0xC  }
0x2bd: {  	s18 =	sshrl.u32 s26, $0x2;
	s1 =	sadd.s32 $0x1000, s25  }
0x2be: {  	p2 =	seq.s32 s21, $0x1  }
.Ltmp20:
0x2bf: {  	_ = 	snop;
	(pc) =	sbr.rel @!p2 .LBB2_26-.Ltmp20, $1  }
0x2c0: {  	_ =	sdelay $0x3  }
.Ltmp21:
0x2c1: {  	(pc) =	sbr.rel .LBB2_29-.Ltmp21, $4  }
0x2c2: {  	s21 =	simm.s32 @p0 $0x80  }
0x2c3: {  	[tilespmem:s1], [sflag:$0x4] =	stream.indirect.gather @p0 [hbm4b:s11+s21], $0x20, s18, s21, $0xb8;
	[tilespmem:$0x1FD60] =	vst v63  }
0x2c4: {  	s21 =	simm.s32 @!p0 $0x80  }
0x2c5: {  	[tilespmem:s1], [sflag:$0x4] =	stream.indirect.gather @!p0 [hbm4b:s10+s21], $0x20, s18, s21, $0xb8;
	[tilespmem:$0x1FD60] =	vst v63  }
.LBB2_26:
.Ltmp22:
0x2c6: {  	(pc) =	sbr.rel .LBB2_29-.Ltmp22, $4  }
0x2c7: {  	s21 =	simm.s32 @p0 $0x80  }
0x2c8: {  	[tilespmem:s1], [sflag:$0x3] =	stream.indirect.gather @p0 [hbm4b:s11+s21], $0x20, s18, s21, $0xb8;
	[tilespmem:$0x1FD60] =	vst v63  }
0x2c9: {  	s21 =	simm.s32 @!p0 $0x80  }
0x2ca: {  	[tilespmem:s1], [sflag:$0x3] =	stream.indirect.gather @!p0 [hbm4b:s10+s21], $0x20, s18, s21, $0xb8;
	[tilespmem:$0x1FD60] =	vst v63  }
.LBB2_30:
0x2cb: {  	s0 =	simm.s32 $0x6  }
0x2cc: {  	_ =	swait.ge [sflag:s0], $0x1000  }
0x2cd: {  	[sflag:s0] =	ssyncset.done $0x0  }
0x2ce: {  	s17 =	simm.s32 $0x7;
	[sflag:s0] =	ssyncadd.s32 $0xFFFFF000  }
0x2cf: {  	_ =	swait.ge [sflag:s17], $0x1000  }
0x2d0: {  	[sflag:s17] =	ssyncset.done $0x0  }
0x2d1: {  	s18 =	simm.s32 $0x8;
	[sflag:s17] =	ssyncadd.s32 $0xFFFFF000  }
0x2d2: {  	_ =	swait.ge [sflag:s18], $0x1000  }
0x2d3: {  	[sflag:s18] =	ssyncset.done $0x0  }
0x2d4: {  	[sflag:s18] =	ssyncadd.s32 $0xFFFFF000  }
0x2d5: {  	s1 =	simm.s32 $0x1000;
	[bflag:$0x0] =	sbarrier.arrive $0xFFFF  }
0x2d6: {  	[tilespmem:s1], [sflag:$0x9] =	stream.linear.gather [spmem:s24], $0xE00, $0x38;
	[tilespmem:$0x1FD60] =	vst v63  }
0x2d7: {  	_ =	swait.ge [sflag:s31], $0xE00  }
0x2d8: {  	[sflag:s31] =	ssyncset.done $0x0  }
0x2d9: {  	s21 =	rddreg [dreg:$0xb];
	[sflag:s31] =	ssyncadd.s32 $0xFFFFF200  }
0x2da: {  	[hbm4b:s21+s3] =	stream.linear.scatter [tilespmem:s1], [sflag:$0x3], $0xE00, $0x38;
	[tilespmem:$0x1FD60] =	vst v63  }
0x2db: {  	s25 =	simm.s32 $0x2000;
	s23 =	rddreg [dreg:$0xe]  }
0x2dc: {  	[tilespmem:s25], [sflag:$0x9] =	stream.linear.gather [spmem:s23], $0xE00, $0x38;
	[tilespmem:$0x1FD60] =	vst v63  }
0x2dd: {  	_ =	swait.ge [sflag:s31], $0xE00  }
0x2de: {  	s26 =	rddreg [dreg:$0xc]  }
0x2df: {  	[sflag:s31] =	ssyncset.done $0x0;
	s1 =	rddreg [dreg:$0x10]  }
0x2e0: {  	s0 =	simm.s32 $0x2;
	s7 =	rddreg [dreg:$0xf];
	[sflag:s31] =	ssyncadd.s32 $0xFFFFF200  }
0x2e1: {  	[hbm4b:s26+s3] =	stream.linear.scatter [tilespmem:s25], [sflag:$0x4], $0xE00, $0x38;
	[tilespmem:$0x1FD60] =	vst v63  }
.LBB2_31:
0x2e2: {  	s14 =	sand.u32 $0x1, s0  }
0x2e3: {  	s13 =	simm.s32 $0x4;
	p1 =	seq.s32 s14, $0x1  }
0x2e4: {  	s13 =	simm.s32 @!p1 $0x3  }
0x2e5: {  	_ =	swait.ge [sflag:s13], $0xE00  }
0x2e6: {  	s15 =	sshll.u32 s14, $0xC;
	[sflag:s13] =	ssyncset.done $0x0  }
0x2e7: {  	[sflag:s13] =	ssyncadd.s32 $0xFFFFF200;
	s13 =	sadd.s32 $0x1000, s15  }
0x2e8: {  	[tilespmem:s13], [sflag:$0x9] =	stream.linear.gather [spmem:s1], $0xE00, $0x38;
	[tilespmem:$0x1FD60] =	vst v63  }
0x2e9: {  	_ =	swait.ge [sflag:s31], $0xE00  }
0x2ea: {  	[sflag:s31] =	ssyncset.done $0x0  }
0x2eb: {  	p2 =	seq.s32 @!p1 s14, $0x0;
	s15 =	simm.s32 @!p1 $0x0;
	[sflag:s31] =	ssyncadd.s32 $0xFFFFF200  }
0x2ec: {  	[hbm4b:s7+s15] =	stream.linear.scatter @!p1 [tilespmem:s13], [sflag:$0x3], $0xE00, $0x38;
	[tilespmem:$0x1FD60] =	vst v63  }
0x2ed: {  	s0 =	sadd.s32 $0x1, s0;
	p1 =	por p1, !p2  }
0x2ee: {  	[hbm4b:s7+s3] =	stream.linear.scatter @p1 [tilespmem:s13], [sflag:$0x4], $0xE00, $0x38;
	[tilespmem:$0x1FD60] =	vst v63  }
0x2ef: {  	p1 =	sne.s32 s0, $0x1C  }
.Ltmp23:
0x2f0: {  	_ = 	snop;
	(pc) =	sbr.rel @p1 .LBB2_31-.Ltmp23, $2  }
0x2f1: {  	_ =	sdelay $0x2  }
0x2f2: {  	s1 =	sadd.s32 $0xE00, s1;
	s7 =	sadd.s32 $0x1C0, s7  }
0x2f3: {  	s0 =	simm.s32 $0x3  }
0x2f4: {  	_ =	swait.ge [sflag:s0], $0xE00  }
0x2f5: {  	[sflag:s0] =	ssyncset.done $0x0  }
0x2f6: {  	s1 =	simm.s32 $0x4;
	[sflag:s0] =	ssyncadd.s32 $0xFFFFF200  }
0x2f7: {  	_ =	swait.ge [sflag:s1], $0xE00  }
0x2f8: {  	s7 =	rddreg [dreg:$0x11]  }
0x2f9: {  	s26 =	rddreg [dreg:$0xd];
	s7 =	sadd.s32 $0x1, s7  }
0x2fa: {  	p1 =	sne.s32 s7, s26  }
.Ltmp24:
0x2fb: {  	_ = 	snop;
	(pc) =	sbr.rel @p1 .LBB2_1-.Ltmp24, $3  }
0x2fc: {  	_ =	sdelay $0x1  }
0x2fd: {  	[sflag:s1] =	ssyncset.done $0x0  }
0x2fe: {  	[sflag:s1] =	ssyncadd.s32 $0xFFFFF200  }
0x2ff: {  	_ =	sfence.sel $0x180000  }
0x300: {  	[bflag:$0x0] =	sbarrier.arrive $0xFFFF  }
0x301: {  	_ =	strace $0x9000004A  }
0x302: {  	s0 =	stileid.u32;
	[bflag:$0x2] =	sbarrier.arrive $0xFFFF  }
0x303: {  	p0 =	sne.s32 s0, $0x0;
	s0 =	rddreg [dreg:$0x4]  }
0x304: {  	s0 =	sadd.s32 @!p0 $0x100000, s0  }
0x305: {  	[sflag:s0] =	ssyncadd.tile.s32 @!p0 $0x1;
	_ =	shalt  }
.Lfunc_end2:
_tile_overlayer_lowered:
.L_overlay_start_2:
0x306: {  	(tag) =	ssettag $0x2  }
0x307: {  	s0 =	rddreg [dreg:$0x0];
	s2 =	stileid.u32  }
0x308: {  	s1 =	rddreg [dreg:$0x1];
	p0 =	sne.s32 s2, $0x0  }
0x309: {  	s3 =	rddreg [dreg:$0x2];
	[bflag:$0x3] =	sbarrier.arrive $0xFFFF;
	s2 =	simm.s32 @!p0 $0x1C09  }
0x30a: {  	[timem:s3], [sflag:s2] =	dma.local @!p0 [hbm:s0], s1  }
0x30b: {  	s0 =	simm.s32 @!p0 $0x9  }
0x30c: {  	_ =	swait.ge @!p0 [sflag:s0], s1  }
0x30d: {  	s1 =	ssub.s32 @!p0 $0x0, s1;
	[sflag:s0] =	ssyncset.done @!p0 $0x0  }
0x30e: {  	[sflag:s0] =	ssyncadd.s32 @!p0 s1  }
0x30f: {  	[bflag:$0x3] =	sbarrier.arrive $0xFFFF  }
0x310: {  	_ =	shalt  }

</sc_bundles>
